<compile_context>
chip_gen: v7x
topology: tpu7x:2x2x1
jax: 0.10.2.dev20260603
libtpu: 0.0.44.dev20260713+nightly
codegen_flags: <defaults>
</compile_context>

<pallas_src>
import functools

import numpy as np
import jax
import jax.numpy as jnp
from jax import lax
from jax.experimental import pallas as pl
from jax.experimental.pallas import tpu as pltpu
from jax.experimental.pallas import tpu_sc as plsc

_B, _N = 4096, 8192
_NC, _NS = 2, 16
_NW = _NC * _NS
_L = 16

_SLAB_ROWS = 8
_NSLABS = _B // _SLAB_ROWS
_SLABS_PER_W = _NSLABS // _NW
_CH = 2048
_NCHUNK = _N // _CH
_CHW = _CH // 2

_perms_cache = None

_U32 = np.uint32


def _rotl(x, d):
    return (x << _U32(d)) | (x >> _U32(32 - d))


def _threefry2x32(k1, k2, x1, x2):
    rot0 = (13, 15, 26, 6)
    rot1 = (17, 29, 16, 24)
    ks0, ks1 = _U32(k1), _U32(k2)
    ks2 = ks0 ^ ks1 ^ _U32(0x1BD11BDA)
    v = [(x1 + ks0).astype(_U32), (x2 + ks1).astype(_U32)]

    def rounds(rots):
        for r in rots:
            v[0] = (v[0] + v[1]).astype(_U32)
            v[1] = v[0] ^ _rotl(v[1], r)

    rounds(rot0); v[0] = (v[0] + ks1).astype(_U32); v[1] = (v[1] + ks2 + _U32(1)).astype(_U32)
    rounds(rot1); v[0] = (v[0] + ks2).astype(_U32); v[1] = (v[1] + ks0 + _U32(2)).astype(_U32)
    rounds(rot0); v[0] = (v[0] + ks0).astype(_U32); v[1] = (v[1] + ks1 + _U32(3)).astype(_U32)
    rounds(rot1); v[0] = (v[0] + ks1).astype(_U32); v[1] = (v[1] + ks2 + _U32(4)).astype(_U32)
    rounds(rot0); v[0] = (v[0] + ks2).astype(_U32); v[1] = (v[1] + ks0 + _U32(5)).astype(_U32)
    return v[0], v[1]


def _perms() -> np.ndarray:
    global _perms_cache
    if _perms_cache is not None:
        return _perms_cache
    seed = 42
    b1, b2 = _threefry2x32(_U32(seed >> 32), _U32(seed & 0xFFFFFFFF),
                           np.zeros(_B, dtype=_U32), np.arange(_B, dtype=_U32))
    keys = np.stack([b1, b2], axis=1)

    perm = np.broadcast_to(np.arange(_N, dtype=np.int32), (_B, _N)).copy()
    num_rounds = int(np.ceil(3 * np.log(max(1, _N)) / np.log(np.iinfo(np.uint32).max)))
    z2 = np.broadcast_to(np.zeros(2, dtype=_U32), (_B, 2))
    i2 = np.broadcast_to(np.arange(2, dtype=_U32), (_B, 2))
    zN = np.broadcast_to(np.zeros(_N, dtype=_U32), (_B, _N))
    iN = np.broadcast_to(np.arange(_N, dtype=_U32), (_B, _N))
    for _ in range(num_rounds):
        s1, s2 = _threefry2x32(keys[:, 0, None], keys[:, 1, None], z2, i2)
        keys = np.stack([s1[:, 0], s2[:, 0]], axis=1)
        r1, r2 = _threefry2x32(s1[:, 1, None], s2[:, 1, None], zN, iN)
        order = np.argsort(r1 ^ r2, axis=1, kind="stable")
        perm = np.take_along_axis(perm, order, axis=1)
    _perms_cache = perm
    return _perms_cache


_packed_cache = None


def _packed_idx() -> np.ndarray:
    global _packed_cache
    if _packed_cache is None:
        perm = _perms()
        W = np.arange(_N // 2, dtype=np.int64)
        G = W >> 4
        i = W & 15
        lo = perm[:, 32 * G + i].astype(np.int64)
        hi = perm[:, 32 * G + 16 + i].astype(np.int64)
        _packed_cache = (lo | (hi << 16)).astype(np.int32)
    return _packed_cache


def _sc_body(g_hbm, idx_hbm, o_hbm, g_buf, i_buf0, i_buf1, o_buf0, o_buf1,
             g_sem, i_sems, o_sems):
    wid = lax.axis_index("s") * _NC + lax.axis_index("c")
    slab0 = wid * _SLABS_PER_W
    g3 = g_hbm.reshape(_NSLABS, _SLAB_ROWS, _N)
    p3 = idx_hbm.reshape(_NSLABS, _SLAB_ROWS, _N // 2)
    o3 = o_hbm.reshape(_NSLABS, _SLAB_ROWS, _N)
    i_bufs = (i_buf0, i_buf1)
    o_bufs = (o_buf0, o_buf1)

    def issue_g(s):
        pltpu.async_copy(g3.at[slab0 + s], g_buf, g_sem)

    def wait_g():
        pltpu.make_async_copy(g3.at[0], g_buf, g_sem).wait()

    def issue_idx(t, slot):
        pltpu.async_copy(
            p3.at[slab0 + t // _NCHUNK, :, pl.ds((t % _NCHUNK) * _CHW, _CHW)],
            i_bufs[slot], i_sems.at[slot])

    def wait_idx(slot):
        pltpu.make_async_copy(p3.at[0, :, pl.ds(0, _CHW)], i_bufs[slot],
                              i_sems.at[slot]).wait()

    def wait_out(slot):
        pltpu.make_async_copy(o_bufs[slot], o3.at[0, :, pl.ds(0, _CH)],
                              o_sems.at[slot]).wait()

    issue_g(0)
    issue_idx(0, 0)
    issue_idx(1, 1)

    @pl.loop(0, _SLABS_PER_W)
    def _slab(s):
        wait_g()
        for k in range(_NCHUNK):
            slot = k % 2
            t = s * _NCHUNK + k
            wait_idx(slot)

            @pl.when(t >= 2)
            def _():
                wait_out(slot)

            ibuf = i_bufs[slot]
            obuf = o_bufs[slot]

            rvs = [jnp.full((_L,), r, jnp.int32) for r in range(_SLAB_ROWS)]

            @plsc.parallel_loop(0, _CHW, step=_L)
            def _gather(cw):
                for r in range(_SLAB_ROWS):
                    w = ibuf[r, pl.ds(cw, _L)]
                    a = jnp.bitwise_and(w, jnp.int32(0xFFFF))
                    b = lax.shift_right_logical(w, jnp.int32(16))
                    obuf[r, pl.ds(2 * cw, _L)] = plsc.load_gather(g_buf, [rvs[r], a])
                    obuf[r, pl.ds(2 * cw + _L, _L)] = plsc.load_gather(g_buf, [rvs[r], b])

            @pl.when(t + 2 < _SLABS_PER_W * _NCHUNK)
            def _():
                issue_idx(t + 2, slot)

            pltpu.async_copy(
                obuf,
                o3.at[slab0 + s, :, pl.ds(k * _CH, _CH)],
                o_sems.at[slot])

        @pl.when(s + 1 < _SLABS_PER_W)
        def _():
            issue_g(s + 1)

    for slot in range(2):
        wait_out(slot)


@jax.jit
def _permute(g, idx):
    mesh = plsc.VectorSubcoreMesh(
        core_axis_name="c", subcore_axis_name="s",
        num_cores=_NC, num_subcores=_NS,
    )
    fn = pl.kernel(
        _sc_body,
        out_type=jax.ShapeDtypeStruct((_B, _N), jnp.float32),
        mesh=mesh,
        scratch_types=[
            pltpu.VMEM((_SLAB_ROWS, _N), jnp.float32),
            pltpu.VMEM((_SLAB_ROWS, _CHW), jnp.int32),
            pltpu.VMEM((_SLAB_ROWS, _CHW), jnp.int32),
            pltpu.VMEM((_SLAB_ROWS, _CH), jnp.float32),
            pltpu.VMEM((_SLAB_ROWS, _CH), jnp.float32),
            pltpu.SemaphoreType.DMA,
            pltpu.SemaphoreType.DMA((2,)),
            pltpu.SemaphoreType.DMA((2,)),
        ],
        compiler_params=pltpu.CompilerParams(
            use_tc_tiling_on_sc=True, needs_layout_passes=False),
    )
    return fn(g, idx)


def kernel(g):
    return _permute(g, jnp.asarray(_packed_idx()))

# --- scband reference (transcript-rebuilt; emitter-appended) ---
"""Pipeline reference for scband-permute-columns-45483703664695 (READ-ONLY COPY).

The authoritative reference and input builder live on the scoring server;
editing this copy changes nothing except your own understanding.
"""

import jax, jax.numpy as jnp
import numpy as np


def setup_inputs(seed: int = 0) -> dict:
    key = jax.random.key(seed)
    g = jax.random.normal(key, (4096, 8192), dtype=jnp.float32)
    return {"g": g}


def reference(g):
    # Faithful translation of PermuteColumns.forward:
    # one independent random permutation of the columns per row,
    # applied via gather along dim 1.
    B, N = g.shape
    key = jax.random.key(42)
    keys = jax.random.split(key, B)
    perms = jax.vmap(lambda k: jax.random.permutation(k, N))(keys)  # int32 [B, N]
    return jnp.take_along_axis(g, perms, axis=1)

if __name__ == "__main__":
    import jax
    _d = setup_inputs()
    print(jax.jit(kernel)(*tuple(_d.values())))

</pallas_src>

<mosaic_0001>
#map = affine_map<(d0, d1) -> (0, 0)>
module attributes {stable_mosaic.version = 14 : i64} {
  func.func @_sc_body(%arg0: i32, %arg1: i32, %arg2: memref<4096x8192xf32, #tpu.memory_space<hbm>>, %arg3: memref<4096x4096xi32, #tpu.memory_space<hbm>>, %arg4: memref<4096x8192xf32, #tpu.memory_space<hbm>>, %arg5: memref<8x8192xf32, #tpu.memory_space<vmem>>, %arg6: memref<8x1024xi32, #tpu.memory_space<vmem>>, %arg7: memref<8x1024xi32, #tpu.memory_space<vmem>>, %arg8: memref<8x2048xf32, #tpu.memory_space<vmem>>, %arg9: memref<8x2048xf32, #tpu.memory_space<vmem>>, %arg10: memref<!tpu.dma_semaphore, #tpu.memory_space<semaphore_mem>>, %arg11: memref<2x!tpu.dma_semaphore, #tpu.memory_space<semaphore_mem>>, %arg12: memref<2x!tpu.dma_semaphore, #tpu.memory_space<semaphore_mem>>) attributes {dimension_semantics = [#tpu.dimension_semantics<core_parallel>, #tpu.dimension_semantics<subcore_parallel>], iteration_bounds = array<i64: 2, 16>, scalar_prefetch = 0 : i64, scratch_operands = 8 : i64, tpu.core_type = #tpu.core_type<sc_vector_subcore>, window_params = [{transform_indices = #map}, {transform_indices = #map}, {transform_indices = #map}]} {
    %mul3A = arith.constant 2 : i32
    %mul3A_0 = arith.muli %arg1, %mul3A : i32
    %add3A = arith.addi %mul3A_0, %arg0 : i32
    %mul3A_1 = arith.constant 16 : i32
    %mul3A_2 = arith.muli %add3A, %mul3A_1 : i32
    %add3A_3 = arith.constant 0 : i32
    %add3A_4 = arith.addi %mul3A_2, %add3A_3 : i32
    %dma_start3A = tpu.memref_reshape %arg2 : memref<4096x8192xf32, #tpu.memory_space<hbm>> -> memref<512x8x8192xf32, #tpu.memory_space<hbm>>
    %dma_start3A_5 = arith.constant 0 : i32
    %dma_start3A_6 = arith.constant 0 : i32
    %dma_start3A_7 = tpu.memref_slice %dma_start3A[%add3A_4, %dma_start3A_5, %dma_start3A_6] : memref<512x8x8192xf32, #tpu.memory_space<hbm>> -> memref<1x8x8192xf32, #tpu.memory_space<hbm>>
    %dma_start3A_8 = tpu.memref_squeeze %dma_start3A_7 : memref<1x8x8192xf32, #tpu.memory_space<hbm>> -> memref<8x8192xf32, #tpu.memory_space<hbm>>
    %dma_start3A_9 = tpu.memref_reshape %arg2 : memref<4096x8192xf32, #tpu.memory_space<hbm>> -> memref<512x8x8192xf32, #tpu.memory_space<hbm>>
    %dma_start3A_10 = arith.constant 0 : i32
    %dma_start3A_11 = arith.constant 0 : i32
    %dma_start3A_12 = tpu.memref_slice %dma_start3A_9[%add3A_4, %dma_start3A_10, %dma_start3A_11] : memref<512x8x8192xf32, #tpu.memory_space<hbm>> -> memref<1x8x8192xf32, #tpu.memory_space<hbm>>
    %dma_start3A_13 = tpu.memref_squeeze %dma_start3A_12 : memref<1x8x8192xf32, #tpu.memory_space<hbm>> -> memref<8x8192xf32, #tpu.memory_space<hbm>>
    tpu.enqueue_dma source(%dma_start3A_13 : memref<8x8192xf32, #tpu.memory_space<hbm>>) target(%arg5 : memref<8x8192xf32, #tpu.memory_space<vmem>>) target_semaphore(%arg10 : memref<!tpu.dma_semaphore, #tpu.memory_space<semaphore_mem>>)
    %add3A_14 = arith.constant 0 : i32
    %add3A_15 = arith.addi %mul3A_2, %add3A_14 : i32
    %dma_start3A_16 = arith.constant 0 : i32
    %dma_start3A_17 = tpu.memref_reshape %arg3 : memref<4096x4096xi32, #tpu.memory_space<hbm>> -> memref<512x8x4096xi32, #tpu.memory_space<hbm>>
    %dma_start3A_18 = arith.constant 0 : i32
    %dma_start3A_19 = arith.constant 0 : i32
    %dma_start3A_20 = tpu.memref_slice %dma_start3A_17[%add3A_15, %dma_start3A_18, %dma_start3A_19] : memref<512x8x4096xi32, #tpu.memory_space<hbm>> -> memref<1x8x1024xi32, #tpu.memory_space<hbm>>
    %dma_start3A_21 = tpu.memref_squeeze %dma_start3A_20 : memref<1x8x1024xi32, #tpu.memory_space<hbm>> -> memref<8x1024xi32, #tpu.memory_space<hbm>>
    %dma_start3A_22 = tpu.memref_slice %arg11[%dma_start3A_16] : memref<2x!tpu.dma_semaphore, #tpu.memory_space<semaphore_mem>> -> memref<1x!tpu.dma_semaphore, #tpu.memory_space<semaphore_mem>>
    %dma_start3A_23 = tpu.memref_squeeze %dma_start3A_22 : memref<1x!tpu.dma_semaphore, #tpu.memory_space<semaphore_mem>> -> memref<!tpu.dma_semaphore, #tpu.memory_space<semaphore_mem>>
    %dma_start3A_24 = tpu.memref_reshape %arg3 : memref<4096x4096xi32, #tpu.memory_space<hbm>> -> memref<512x8x4096xi32, #tpu.memory_space<hbm>>
    %dma_start3A_25 = arith.constant 0 : i32
    %dma_start3A_26 = arith.constant 0 : i32
    %dma_start3A_27 = tpu.memref_slice %dma_start3A_24[%add3A_15, %dma_start3A_25, %dma_start3A_26] : memref<512x8x4096xi32, #tpu.memory_space<hbm>> -> memref<1x8x1024xi32, #tpu.memory_space<hbm>>
    %dma_start3A_28 = tpu.memref_squeeze %dma_start3A_27 : memref<1x8x1024xi32, #tpu.memory_space<hbm>> -> memref<8x1024xi32, #tpu.memory_space<hbm>>
    tpu.enqueue_dma source(%dma_start3A_28 : memref<8x1024xi32, #tpu.memory_space<hbm>>) target(%arg6 : memref<8x1024xi32, #tpu.memory_space<vmem>>) target_semaphore(%dma_start3A_23 : memref<!tpu.dma_semaphore, #tpu.memory_space<semaphore_mem>>)
    %add3A_29 = arith.constant 0 : i32
    %add3A_30 = arith.addi %mul3A_2, %add3A_29 : i32
    %dma_start3A_31 = arith.constant 1 : i32
    %dma_start3A_32 = tpu.memref_reshape %arg3 : memref<4096x4096xi32, #tpu.memory_space<hbm>> -> memref<512x8x4096xi32, #tpu.memory_space<hbm>>
    %dma_start3A_33 = arith.constant 0 : i32
    %dma_start3A_34 = arith.constant 1024 : i32
    %dma_start3A_35 = tpu.memref_slice %dma_start3A_32[%add3A_30, %dma_start3A_33, %dma_start3A_34] : memref<512x8x4096xi32, #tpu.memory_space<hbm>> -> memref<1x8x1024xi32, #tpu.memory_space<hbm>>
    %dma_start3A_36 = tpu.memref_squeeze %dma_start3A_35 : memref<1x8x1024xi32, #tpu.memory_space<hbm>> -> memref<8x1024xi32, #tpu.memory_space<hbm>>
    %dma_start3A_37 = tpu.memref_slice %arg11[%dma_start3A_31] : memref<2x!tpu.dma_semaphore, #tpu.memory_space<semaphore_mem>> -> memref<1x!tpu.dma_semaphore, #tpu.memory_space<semaphore_mem>>
    %dma_start3A_38 = tpu.memref_squeeze %dma_start3A_37 : memref<1x!tpu.dma_semaphore, #tpu.memory_space<semaphore_mem>> -> memref<!tpu.dma_semaphore, #tpu.memory_space<semaphore_mem>>
    %dma_start3A_39 = tpu.memref_reshape %arg3 : memref<4096x4096xi32, #tpu.memory_space<hbm>> -> memref<512x8x4096xi32, #tpu.memory_space<hbm>>
    %dma_start3A_40 = arith.constant 0 : i32
    %dma_start3A_41 = arith.constant 1024 : i32
    %dma_start3A_42 = tpu.memref_slice %dma_start3A_39[%add3A_30, %dma_start3A_40, %dma_start3A_41] : memref<512x8x4096xi32, #tpu.memory_space<hbm>> -> memref<1x8x1024xi32, #tpu.memory_space<hbm>>
    %dma_start3A_43 = tpu.memref_squeeze %dma_start3A_42 : memref<1x8x1024xi32, #tpu.memory_space<hbm>> -> memref<8x1024xi32, #tpu.memory_space<hbm>>
    tpu.enqueue_dma source(%dma_start3A_43 : memref<8x1024xi32, #tpu.memory_space<hbm>>) target(%arg7 : memref<8x1024xi32, #tpu.memory_space<vmem>>) target_semaphore(%dma_start3A_38 : memref<!tpu.dma_semaphore, #tpu.memory_space<semaphore_mem>>)
    %scan3A = arith.constant 0 : i32
    %scan3A_44 = arith.constant 16 : i32
    %scan3A_45 = arith.addi %scan3A, %scan3A_44 : i32
    %scan3A_46 = arith.constant 1 : i32
    scf.for %scan3A_75 = %scan3A to %scan3A_45 step %scan3A_46  : i32 {
      %mul3A_76 = arith.constant 1 : i32
      %mul3A_77 = arith.muli %scan3A_75, %mul3A_76 : i32
      %add3A_78 = arith.constant 0 : i32
      %add3A_79 = arith.addi %add3A_78, %mul3A_77 : i32
      %dma_wait3A_80 = arith.constant 0 : i32
      %dma_wait3A_81 = tpu.memref_reshape %arg2 : memref<4096x8192xf32, #tpu.memory_space<hbm>> -> memref<512x8x8192xf32, #tpu.memory_space<hbm>>
      %dma_wait3A_82 = arith.constant 0 : i32
      %dma_wait3A_83 = arith.constant 0 : i32
      %dma_wait3A_84 = tpu.memref_slice %dma_wait3A_81[%dma_wait3A_80, %dma_wait3A_82, %dma_wait3A_83] : memref<512x8x8192xf32, #tpu.memory_space<hbm>> -> memref<1x8x8192xf32, #tpu.memory_space<hbm>>
      %dma_wait3A_85 = tpu.memref_squeeze %dma_wait3A_84 : memref<1x8x8192xf32, #tpu.memory_space<hbm>> -> memref<8x8192xf32, #tpu.memory_space<hbm>>
      %dma_wait3A_86 = tpu.memref_reshape %arg2 : memref<4096x8192xf32, #tpu.memory_space<hbm>> -> memref<512x8x8192xf32, #tpu.memory_space<hbm>>
      %dma_wait3A_87 = arith.constant 0 : i32
      %dma_wait3A_88 = arith.constant 0 : i32
      %dma_wait3A_89 = tpu.memref_slice %dma_wait3A_86[%dma_wait3A_80, %dma_wait3A_87, %dma_wait3A_88] : memref<512x8x8192xf32, #tpu.memory_space<hbm>> -> memref<1x8x8192xf32, #tpu.memory_space<hbm>>
      %dma_wait3A_90 = tpu.memref_squeeze %dma_wait3A_89 : memref<1x8x8192xf32, #tpu.memory_space<hbm>> -> memref<8x8192xf32, #tpu.memory_space<hbm>>
      tpu.wait_dma2 semaphore(%arg10 : memref<!tpu.dma_semaphore, #tpu.memory_space<semaphore_mem>>) src(%dma_wait3A_90 : memref<8x8192xf32, #tpu.memory_space<hbm>>) dst(%arg5 : memref<8x8192xf32, #tpu.memory_space<vmem>>)
      %mul3A_91 = arith.constant 4 : i32
      %mul3A_92 = arith.muli %add3A_79, %mul3A_91 : i32
      %add3A_93 = arith.constant 0 : i32
      %add3A_94 = arith.addi %mul3A_92, %add3A_93 : i32
      %dma_wait3A_95 = arith.constant 0 : i32
      %dma_wait3A_96 = arith.constant 0 : i32
      %dma_wait3A_97 = tpu.memref_reshape %arg3 : memref<4096x4096xi32, #tpu.memory_space<hbm>> -> memref<512x8x4096xi32, #tpu.memory_space<hbm>>
      %dma_wait3A_98 = arith.constant 0 : i32
      %dma_wait3A_99 = arith.constant 0 : i32
      %dma_wait3A_100 = tpu.memref_slice %dma_wait3A_97[%dma_wait3A_95, %dma_wait3A_98, %dma_wait3A_99] : memref<512x8x4096xi32, #tpu.memory_space<hbm>> -> memref<1x8x1024xi32, #tpu.memory_space<hbm>>
      %dma_wait3A_101 = tpu.memref_squeeze %dma_wait3A_100 : memref<1x8x1024xi32, #tpu.memory_space<hbm>> -> memref<8x1024xi32, #tpu.memory_space<hbm>>
      %dma_wait3A_102 = tpu.memref_slice %arg11[%dma_wait3A_96] : memref<2x!tpu.dma_semaphore, #tpu.memory_space<semaphore_mem>> -> memref<1x!tpu.dma_semaphore, #tpu.memory_space<semaphore_mem>>
      %dma_wait3A_103 = tpu.memref_squeeze %dma_wait3A_102 : memref<1x!tpu.dma_semaphore, #tpu.memory_space<semaphore_mem>> -> memref<!tpu.dma_semaphore, #tpu.memory_space<semaphore_mem>>
      %dma_wait3A_104 = tpu.memref_reshape %arg3 : memref<4096x4096xi32, #tpu.memory_space<hbm>> -> memref<512x8x4096xi32, #tpu.memory_space<hbm>>
      %dma_wait3A_105 = arith.constant 0 : i32
      %dma_wait3A_106 = arith.constant 0 : i32
      %dma_wait3A_107 = tpu.memref_slice %dma_wait3A_104[%dma_wait3A_95, %dma_wait3A_105, %dma_wait3A_106] : memref<512x8x4096xi32, #tpu.memory_space<hbm>> -> memref<1x8x1024xi32, #tpu.memory_space<hbm>>
      %dma_wait3A_108 = tpu.memref_squeeze %dma_wait3A_107 : memref<1x8x1024xi32, #tpu.memory_space<hbm>> -> memref<8x1024xi32, #tpu.memory_space<hbm>>
      tpu.wait_dma2 semaphore(%dma_wait3A_103 : memref<!tpu.dma_semaphore, #tpu.memory_space<semaphore_mem>>) src(%dma_wait3A_108 : memref<8x1024xi32, #tpu.memory_space<hbm>>) dst(%arg6 : memref<8x1024xi32, #tpu.memory_space<vmem>>)
      %ge3A = arith.constant 2 : i32
      %ge3A_109 = arith.cmpi sge, %add3A_94, %ge3A : i32
      %convert_element_type3A = arith.extui %ge3A_109 : i1 to i32
      %cond3A = arith.constant 0 : i32
      %cond3A_110 = arith.cmpi ne, %convert_element_type3A, %cond3A : i32
      scf.if %cond3A_110 {
        %dma_wait3A_344 = arith.constant 0 : i32
        %dma_wait3A_345 = arith.constant 0 : i32
        %dma_wait3A_346 = tpu.memref_reshape %arg4 : memref<4096x8192xf32, #tpu.memory_space<hbm>> -> memref<512x8x8192xf32, #tpu.memory_space<hbm>>
        %dma_wait3A_347 = arith.constant 0 : i32
        %dma_wait3A_348 = arith.constant 0 : i32
        %dma_wait3A_349 = tpu.memref_slice %dma_wait3A_346[%dma_wait3A_344, %dma_wait3A_347, %dma_wait3A_348] : memref<512x8x8192xf32, #tpu.memory_space<hbm>> -> memref<1x8x2048xf32, #tpu.memory_space<hbm>>
        %dma_wait3A_350 = tpu.memref_squeeze %dma_wait3A_349 : memref<1x8x2048xf32, #tpu.memory_space<hbm>> -> memref<8x2048xf32, #tpu.memory_space<hbm>>
        %dma_wait3A_351 = tpu.memref_slice %arg12[%dma_wait3A_345] : memref<2x!tpu.dma_semaphore, #tpu.memory_space<semaphore_mem>> -> memref<1x!tpu.dma_semaphore, #tpu.memory_space<semaphore_mem>>
        %dma_wait3A_352 = tpu.memref_squeeze %dma_wait3A_351 : memref<1x!tpu.dma_semaphore, #tpu.memory_space<semaphore_mem>> -> memref<!tpu.dma_semaphore, #tpu.memory_space<semaphore_mem>>
        %dma_wait3A_353 = tpu.memref_reshape %arg4 : memref<4096x8192xf32, #tpu.memory_space<hbm>> -> memref<512x8x8192xf32, #tpu.memory_space<hbm>>
        %dma_wait3A_354 = arith.constant 0 : i32
        %dma_wait3A_355 = arith.constant 0 : i32
        %dma_wait3A_356 = tpu.memref_slice %dma_wait3A_353[%dma_wait3A_344, %dma_wait3A_354, %dma_wait3A_355] : memref<512x8x8192xf32, #tpu.memory_space<hbm>> -> memref<1x8x2048xf32, #tpu.memory_space<hbm>>
        %dma_wait3A_357 = tpu.memref_squeeze %dma_wait3A_356 : memref<1x8x2048xf32, #tpu.memory_space<hbm>> -> memref<8x2048xf32, #tpu.memory_space<hbm>>
        tpu.wait_dma2 semaphore(%dma_wait3A_352 : memref<!tpu.dma_semaphore, #tpu.memory_space<semaphore_mem>>) src(%arg8 : memref<8x2048xf32, #tpu.memory_space<vmem>>) dst(%dma_wait3A_357 : memref<8x2048xf32, #tpu.memory_space<hbm>>)
      } else {
      }
      %broadcast_in_dim3A = arith.constant 0 : i32
      %broadcast_in_dim3A_111 = vector.broadcast %broadcast_in_dim3A : i32 to vector<16xi32>
      %broadcast_in_dim3A_112 = arith.constant 1 : i32
      %broadcast_in_dim3A_113 = vector.broadcast %broadcast_in_dim3A_112 : i32 to vector<16xi32>
      %broadcast_in_dim3A_114 = arith.constant 2 : i32
      %broadcast_in_dim3A_115 = vector.broadcast %broadcast_in_dim3A_114 : i32 to vector<16xi32>
      %broadcast_in_dim3A_116 = arith.constant 3 : i32
      %broadcast_in_dim3A_117 = vector.broadcast %broadcast_in_dim3A_116 : i32 to vector<16xi32>
      %broadcast_in_dim3A_118 = arith.constant 4 : i32
      %broadcast_in_dim3A_119 = vector.broadcast %broadcast_in_dim3A_118 : i32 to vector<16xi32>
      %broadcast_in_dim3A_120 = arith.constant 5 : i32
      %broadcast_in_dim3A_121 = vector.broadcast %broadcast_in_dim3A_120 : i32 to vector<16xi32>
      %broadcast_in_dim3A_122 = arith.constant 6 : i32
      %broadcast_in_dim3A_123 = vector.broadcast %broadcast_in_dim3A_122 : i32 to vector<16xi32>
      %broadcast_in_dim3A_124 = arith.constant 7 : i32
      %broadcast_in_dim3A_125 = vector.broadcast %broadcast_in_dim3A_124 : i32 to vector<16xi32>
      %parallel_loop3A = arith.constant 0 : i32
      %parallel_loop3A_126 = arith.constant 1024 : i32
      %parallel_loop3A_127 = arith.constant 16 : i32
      scf.for %parallel_loop3A_344 = %parallel_loop3A to %parallel_loop3A_126 step %parallel_loop3A_127  : i32 {
        %parallel_loop3A_345 = arith.constant 0 : i32
        %parallel_loop3A_346 = arith.index_cast %parallel_loop3A_345 : i32 to index
        %parallel_loop3A_347 = arith.index_cast %parallel_loop3A_344 : i32 to index
        %parallel_loop3A_348 = tpu.vector_load %arg6[%parallel_loop3A_346, %parallel_loop3A_347] {strides = array<i32>} : memref<8x1024xi32, #tpu.memory_space<vmem>>, vector<16xi32>,
        %parallel_loop3A_349 = arith.constant 65535 : i32
        %parallel_loop3A_350 = vector.broadcast %parallel_loop3A_349 : i32 to vector<16xi32>
        %parallel_loop3A_351 = arith.andi %parallel_loop3A_348, %parallel_loop3A_350 : vector<16xi32>
        %parallel_loop3A_352 = arith.constant 16 : i32
        %parallel_loop3A_353 = vector.broadcast %parallel_loop3A_352 : i32 to vector<16xi32>
        %parallel_loop3A_354 = arith.shrui %parallel_loop3A_348, %parallel_loop3A_353 : vector<16xi32>
        %parallel_loop3A_355 = tpu.vector_load_idx %arg5[%broadcast_in_dim3A_111, %parallel_loop3A_351] : memref<8x8192xf32, #tpu.memory_space<vmem>>[vector<16xi32>, vector<16xi32>], vector<16xf32>,
        %parallel_loop3A_356 = arith.constant 2 : i32
        %parallel_loop3A_357 = arith.muli %parallel_loop3A_356, %parallel_loop3A_344 : i32
        %parallel_loop3A_358 = arith.constant 0 : i32
        %parallel_loop3A_359 = arith.index_cast %parallel_loop3A_358 : i32 to index
        %parallel_loop3A_360 = arith.index_cast %parallel_loop3A_357 : i32 to index
        %parallel_loop3A_361 = tpu.vector_load %arg8[%parallel_loop3A_359, %parallel_loop3A_360] {strides = array<i32>} : memref<8x2048xf32, #tpu.memory_space<vmem>>, vector<16xf32>,
        tpu.vector_store %arg8[%parallel_loop3A_359, %parallel_loop3A_360], %parallel_loop3A_355 {strides = array<i32>} : memref<8x2048xf32, #tpu.memory_space<vmem>>, vector<16xf32>,
        %parallel_loop3A_362 = tpu.vector_load_idx %arg5[%broadcast_in_dim3A_111, %parallel_loop3A_354] : memref<8x8192xf32, #tpu.memory_space<vmem>>[vector<16xi32>, vector<16xi32>], vector<16xf32>,
        %parallel_loop3A_363 = arith.constant 2 : i32
        %parallel_loop3A_364 = arith.muli %parallel_loop3A_363, %parallel_loop3A_344 : i32
        %parallel_loop3A_365 = arith.constant 16 : i32
        %parallel_loop3A_366 = arith.addi %parallel_loop3A_364, %parallel_loop3A_365 : i32
        %parallel_loop3A_367 = arith.constant 0 : i32
        %parallel_loop3A_368 = arith.index_cast %parallel_loop3A_367 : i32 to index
        %parallel_loop3A_369 = arith.index_cast %parallel_loop3A_366 : i32 to index
        %parallel_loop3A_370 = tpu.vector_load %arg8[%parallel_loop3A_368, %parallel_loop3A_369] {strides = array<i32>} : memref<8x2048xf32, #tpu.memory_space<vmem>>, vector<16xf32>,
        tpu.vector_store %arg8[%parallel_loop3A_368, %parallel_loop3A_369], %parallel_loop3A_362 {strides = array<i32>} : memref<8x2048xf32, #tpu.memory_space<vmem>>, vector<16xf32>,
        %parallel_loop3A_371 = arith.constant 1 : i32
        %parallel_loop3A_372 = arith.index_cast %parallel_loop3A_371 : i32 to index
        %parallel_loop3A_373 = arith.index_cast %parallel_loop3A_344 : i32 to index
        %parallel_loop3A_374 = tpu.vector_load %arg6[%parallel_loop3A_372, %parallel_loop3A_373] {strides = array<i32>} : memref<8x1024xi32, #tpu.memory_space<vmem>>, vector<16xi32>,
        %parallel_loop3A_375 = arith.constant 65535 : i32
        %parallel_loop3A_376 = vector.broadcast %parallel_loop3A_375 : i32 to vector<16xi32>
        %parallel_loop3A_377 = arith.andi %parallel_loop3A_374, %parallel_loop3A_376 : vector<16xi32>
        %parallel_loop3A_378 = arith.constant 16 : i32
        %parallel_loop3A_379 = vector.broadcast %parallel_loop3A_378 : i32 to vector<16xi32>
        %parallel_loop3A_380 = arith.shrui %parallel_loop3A_374, %parallel_loop3A_379 : vector<16xi32>
        %parallel_loop3A_381 = tpu.vector_load_idx %arg5[%broadcast_in_dim3A_113, %parallel_loop3A_377] : memref<8x8192xf32, #tpu.memory_space<vmem>>[vector<16xi32>, vector<16xi32>], vector<16xf32>,
        %parallel_loop3A_382 = arith.constant 2 : i32
        %parallel_loop3A_383 = arith.muli %parallel_loop3A_382, %parallel_loop3A_344 : i32
        %parallel_loop3A_384 = arith.constant 1 : i32
        %parallel_loop3A_385 = arith.index_cast %parallel_loop3A_384 : i32 to index
        %parallel_loop3A_386 = arith.index_cast %parallel_loop3A_383 : i32 to index
        %parallel_loop3A_387 = tpu.vector_load %arg8[%parallel_loop3A_385, %parallel_loop3A_386] {strides = array<i32>} : memref<8x2048xf32, #tpu.memory_space<vmem>>, vector<16xf32>,
        tpu.vector_store %arg8[%parallel_loop3A_385, %parallel_loop3A_386], %parallel_loop3A_381 {strides = array<i32>} : memref<8x2048xf32, #tpu.memory_space<vmem>>, vector<16xf32>,
        %parallel_loop3A_388 = tpu.vector_load_idx %arg5[%broadcast_in_dim3A_113, %parallel_loop3A_380] : memref<8x8192xf32, #tpu.memory_space<vmem>>[vector<16xi32>, vector<16xi32>], vector<16xf32>,
        %parallel_loop3A_389 = arith.constant 2 : i32
        %parallel_loop3A_390 = arith.muli %parallel_loop3A_389, %parallel_loop3A_344 : i32
        %parallel_loop3A_391 = arith.constant 16 : i32
        %parallel_loop3A_392 = arith.addi %parallel_loop3A_390, %parallel_loop3A_391 : i32
        %parallel_loop3A_393 = arith.constant 1 : i32
        %parallel_loop3A_394 = arith.index_cast %parallel_loop3A_393 : i32 to index
        %parallel_loop3A_395 = arith.index_cast %parallel_loop3A_392 : i32 to index
        %parallel_loop3A_396 = tpu.vector_load %arg8[%parallel_loop3A_394, %parallel_loop3A_395] {strides = array<i32>} : memref<8x2048xf32, #tpu.memory_space<vmem>>, vector<16xf32>,
        tpu.vector_store %arg8[%parallel_loop3A_394, %parallel_loop3A_395], %parallel_loop3A_388 {strides = array<i32>} : memref<8x2048xf32, #tpu.memory_space<vmem>>, vector<16xf32>,
        %parallel_loop3A_397 = arith.constant 2 : i32
        %parallel_loop3A_398 = arith.index_cast %parallel_loop3A_397 : i32 to index
        %parallel_loop3A_399 = arith.index_cast %parallel_loop3A_344 : i32 to index
        %parallel_loop3A_400 = tpu.vector_load %arg6[%parallel_loop3A_398, %parallel_loop3A_399] {strides = array<i32>} : memref<8x1024xi32, #tpu.memory_space<vmem>>, vector<16xi32>,
        %parallel_loop3A_401 = arith.constant 65535 : i32
        %parallel_loop3A_402 = vector.broadcast %parallel_loop3A_401 : i32 to vector<16xi32>
        %parallel_loop3A_403 = arith.andi %parallel_loop3A_400, %parallel_loop3A_402 : vector<16xi32>
        %parallel_loop3A_404 = arith.constant 16 : i32
        %parallel_loop3A_405 = vector.broadcast %parallel_loop3A_404 : i32 to vector<16xi32>
        %parallel_loop3A_406 = arith.shrui %parallel_loop3A_400, %parallel_loop3A_405 : vector<16xi32>
        %parallel_loop3A_407 = tpu.vector_load_idx %arg5[%broadcast_in_dim3A_115, %parallel_loop3A_403] : memref<8x8192xf32, #tpu.memory_space<vmem>>[vector<16xi32>, vector<16xi32>], vector<16xf32>,
        %parallel_loop3A_408 = arith.constant 2 : i32
        %parallel_loop3A_409 = arith.muli %parallel_loop3A_408, %parallel_loop3A_344 : i32
        %parallel_loop3A_410 = arith.constant 2 : i32
        %parallel_loop3A_411 = arith.index_cast %parallel_loop3A_410 : i32 to index
        %parallel_loop3A_412 = arith.index_cast %parallel_loop3A_409 : i32 to index
        %parallel_loop3A_413 = tpu.vector_load %arg8[%parallel_loop3A_411, %parallel_loop3A_412] {strides = array<i32>} : memref<8x2048xf32, #tpu.memory_space<vmem>>, vector<16xf32>,
        tpu.vector_store %arg8[%parallel_loop3A_411, %parallel_loop3A_412], %parallel_loop3A_407 {strides = array<i32>} : memref<8x2048xf32, #tpu.memory_space<vmem>>, vector<16xf32>,
        %parallel_loop3A_414 = tpu.vector_load_idx %arg5[%broadcast_in_dim3A_115, %parallel_loop3A_406] : memref<8x8192xf32, #tpu.memory_space<vmem>>[vector<16xi32>, vector<16xi32>], vector<16xf32>,
        %parallel_loop3A_415 = arith.constant 2 : i32
        %parallel_loop3A_416 = arith.muli %parallel_loop3A_415, %parallel_loop3A_344 : i32
        %parallel_loop3A_417 = arith.constant 16 : i32
        %parallel_loop3A_418 = arith.addi %parallel_loop3A_416, %parallel_loop3A_417 : i32
        %parallel_loop3A_419 = arith.constant 2 : i32
        %parallel_loop3A_420 = arith.index_cast %parallel_loop3A_419 : i32 to index
        %parallel_loop3A_421 = arith.index_cast %parallel_loop3A_418 : i32 to index
        %parallel_loop3A_422 = tpu.vector_load %arg8[%parallel_loop3A_420, %parallel_loop3A_421] {strides = array<i32>} : memref<8x2048xf32, #tpu.memory_space<vmem>>, vector<16xf32>,
        tpu.vector_store %arg8[%parallel_loop3A_420, %parallel_loop3A_421], %parallel_loop3A_414 {strides = array<i32>} : memref<8x2048xf32, #tpu.memory_space<vmem>>, vector<16xf32>,
        %parallel_loop3A_423 = arith.constant 3 : i32
        %parallel_loop3A_424 = arith.index_cast %parallel_loop3A_423 : i32 to index
        %parallel_loop3A_425 = arith.index_cast %parallel_loop3A_344 : i32 to index
        %parallel_loop3A_426 = tpu.vector_load %arg6[%parallel_loop3A_424, %parallel_loop3A_425] {strides = array<i32>} : memref<8x1024xi32, #tpu.memory_space<vmem>>, vector<16xi32>,
        %parallel_loop3A_427 = arith.constant 65535 : i32
        %parallel_loop3A_428 = vector.broadcast %parallel_loop3A_427 : i32 to vector<16xi32>
        %parallel_loop3A_429 = arith.andi %parallel_loop3A_426, %parallel_loop3A_428 : vector<16xi32>
        %parallel_loop3A_430 = arith.constant 16 : i32
        %parallel_loop3A_431 = vector.broadcast %parallel_loop3A_430 : i32 to vector<16xi32>
        %parallel_loop3A_432 = arith.shrui %parallel_loop3A_426, %parallel_loop3A_431 : vector<16xi32>
        %parallel_loop3A_433 = tpu.vector_load_idx %arg5[%broadcast_in_dim3A_117, %parallel_loop3A_429] : memref<8x8192xf32, #tpu.memory_space<vmem>>[vector<16xi32>, vector<16xi32>], vector<16xf32>,
        %parallel_loop3A_434 = arith.constant 2 : i32
        %parallel_loop3A_435 = arith.muli %parallel_loop3A_434, %parallel_loop3A_344 : i32
        %parallel_loop3A_436 = arith.constant 3 : i32
        %parallel_loop3A_437 = arith.index_cast %parallel_loop3A_436 : i32 to index
        %parallel_loop3A_438 = arith.index_cast %parallel_loop3A_435 : i32 to index
        %parallel_loop3A_439 = tpu.vector_load %arg8[%parallel_loop3A_437, %parallel_loop3A_438] {strides = array<i32>} : memref<8x2048xf32, #tpu.memory_space<vmem>>, vector<16xf32>,
        tpu.vector_store %arg8[%parallel_loop3A_437, %parallel_loop3A_438], %parallel_loop3A_433 {strides = array<i32>} : memref<8x2048xf32, #tpu.memory_space<vmem>>, vector<16xf32>,
        %parallel_loop3A_440 = tpu.vector_load_idx %arg5[%broadcast_in_dim3A_117, %parallel_loop3A_432] : memref<8x8192xf32, #tpu.memory_space<vmem>>[vector<16xi32>, vector<16xi32>], vector<16xf32>,
        %parallel_loop3A_441 = arith.constant 2 : i32
        %parallel_loop3A_442 = arith.muli %parallel_loop3A_441, %parallel_loop3A_344 : i32
        %parallel_loop3A_443 = arith.constant 16 : i32
        %parallel_loop3A_444 = arith.addi %parallel_loop3A_442, %parallel_loop3A_443 : i32
        %parallel_loop3A_445 = arith.constant 3 : i32
        %parallel_loop3A_446 = arith.index_cast %parallel_loop3A_445 : i32 to index
        %parallel_loop3A_447 = arith.index_cast %parallel_loop3A_444 : i32 to index
        %parallel_loop3A_448 = tpu.vector_load %arg8[%parallel_loop3A_446, %parallel_loop3A_447] {strides = array<i32>} : memref<8x2048xf32, #tpu.memory_space<vmem>>, vector<16xf32>,
        tpu.vector_store %arg8[%parallel_loop3A_446, %parallel_loop3A_447], %parallel_loop3A_440 {strides = array<i32>} : memref<8x2048xf32, #tpu.memory_space<vmem>>, vector<16xf32>,
        %parallel_loop3A_449 = arith.constant 4 : i32
        %parallel_loop3A_450 = arith.index_cast %parallel_loop3A_449 : i32 to index
        %parallel_loop3A_451 = arith.index_cast %parallel_loop3A_344 : i32 to index
        %parallel_loop3A_452 = tpu.vector_load %arg6[%parallel_loop3A_450, %parallel_loop3A_451] {strides = array<i32>} : memref<8x1024xi32, #tpu.memory_space<vmem>>, vector<16xi32>,
        %parallel_loop3A_453 = arith.constant 65535 : i32
        %parallel_loop3A_454 = vector.broadcast %parallel_loop3A_453 : i32 to vector<16xi32>
        %parallel_loop3A_455 = arith.andi %parallel_loop3A_452, %parallel_loop3A_454 : vector<16xi32>
        %parallel_loop3A_456 = arith.constant 16 : i32
        %parallel_loop3A_457 = vector.broadcast %parallel_loop3A_456 : i32 to vector<16xi32>
        %parallel_loop3A_458 = arith.shrui %parallel_loop3A_452, %parallel_loop3A_457 : vector<16xi32>
        %parallel_loop3A_459 = tpu.vector_load_idx %arg5[%broadcast_in_dim3A_119, %parallel_loop3A_455] : memref<8x8192xf32, #tpu.memory_space<vmem>>[vector<16xi32>, vector<16xi32>], vector<16xf32>,
        %parallel_loop3A_460 = arith.constant 2 : i32
        %parallel_loop3A_461 = arith.muli %parallel_loop3A_460, %parallel_loop3A_344 : i32
        %parallel_loop3A_462 = arith.constant 4 : i32
        %parallel_loop3A_463 = arith.index_cast %parallel_loop3A_462 : i32 to index
        %parallel_loop3A_464 = arith.index_cast %parallel_loop3A_461 : i32 to index
        %parallel_loop3A_465 = tpu.vector_load %arg8[%parallel_loop3A_463, %parallel_loop3A_464] {strides = array<i32>} : memref<8x2048xf32, #tpu.memory_space<vmem>>, vector<16xf32>,
        tpu.vector_store %arg8[%parallel_loop3A_463, %parallel_loop3A_464], %parallel_loop3A_459 {strides = array<i32>} : memref<8x2048xf32, #tpu.memory_space<vmem>>, vector<16xf32>,
        %parallel_loop3A_466 = tpu.vector_load_idx %arg5[%broadcast_in_dim3A_119, %parallel_loop3A_458] : memref<8x8192xf32, #tpu.memory_space<vmem>>[vector<16xi32>, vector<16xi32>], vector<16xf32>,
        %parallel_loop3A_467 = arith.constant 2 : i32
        %parallel_loop3A_468 = arith.muli %parallel_loop3A_467, %parallel_loop3A_344 : i32
        %parallel_loop3A_469 = arith.constant 16 : i32
        %parallel_loop3A_470 = arith.addi %parallel_loop3A_468, %parallel_loop3A_469 : i32
        %parallel_loop3A_471 = arith.constant 4 : i32
        %parallel_loop3A_472 = arith.index_cast %parallel_loop3A_471 : i32 to index
        %parallel_loop3A_473 = arith.index_cast %parallel_loop3A_470 : i32 to index
        %parallel_loop3A_474 = tpu.vector_load %arg8[%parallel_loop3A_472, %parallel_loop3A_473] {strides = array<i32>} : memref<8x2048xf32, #tpu.memory_space<vmem>>, vector<16xf32>,
        tpu.vector_store %arg8[%parallel_loop3A_472, %parallel_loop3A_473], %parallel_loop3A_466 {strides = array<i32>} : memref<8x2048xf32, #tpu.memory_space<vmem>>, vector<16xf32>,
        %parallel_loop3A_475 = arith.constant 5 : i32
        %parallel_loop3A_476 = arith.index_cast %parallel_loop3A_475 : i32 to index
        %parallel_loop3A_477 = arith.index_cast %parallel_loop3A_344 : i32 to index
        %parallel_loop3A_478 = tpu.vector_load %arg6[%parallel_loop3A_476, %parallel_loop3A_477] {strides = array<i32>} : memref<8x1024xi32, #tpu.memory_space<vmem>>, vector<16xi32>,
        %parallel_loop3A_479 = arith.constant 65535 : i32
        %parallel_loop3A_480 = vector.broadcast %parallel_loop3A_479 : i32 to vector<16xi32>
        %parallel_loop3A_481 = arith.andi %parallel_loop3A_478, %parallel_loop3A_480 : vector<16xi32>
        %parallel_loop3A_482 = arith.constant 16 : i32
        %parallel_loop3A_483 = vector.broadcast %parallel_loop3A_482 : i32 to vector<16xi32>
        %parallel_loop3A_484 = arith.shrui %parallel_loop3A_478, %parallel_loop3A_483 : vector<16xi32>
        %parallel_loop3A_485 = tpu.vector_load_idx %arg5[%broadcast_in_dim3A_121, %parallel_loop3A_481] : memref<8x8192xf32, #tpu.memory_space<vmem>>[vector<16xi32>, vector<16xi32>], vector<16xf32>,
        %parallel_loop3A_486 = arith.constant 2 : i32
        %parallel_loop3A_487 = arith.muli %parallel_loop3A_486, %parallel_loop3A_344 : i32
        %parallel_loop3A_488 = arith.constant 5 : i32
        %parallel_loop3A_489 = arith.index_cast %parallel_loop3A_488 : i32 to index
        %parallel_loop3A_490 = arith.index_cast %parallel_loop3A_487 : i32 to index
        %parallel_loop3A_491 = tpu.vector_load %arg8[%parallel_loop3A_489, %parallel_loop3A_490] {strides = array<i32>} : memref<8x2048xf32, #tpu.memory_space<vmem>>, vector<16xf32>,
        tpu.vector_store %arg8[%parallel_loop3A_489, %parallel_loop3A_490], %parallel_loop3A_485 {strides = array<i32>} : memref<8x2048xf32, #tpu.memory_space<vmem>>, vector<16xf32>,
        %parallel_loop3A_492 = tpu.vector_load_idx %arg5[%broadcast_in_dim3A_121, %parallel_loop3A_484] : memref<8x8192xf32, #tpu.memory_space<vmem>>[vector<16xi32>, vector<16xi32>], vector<16xf32>,
        %parallel_loop3A_493 = arith.constant 2 : i32
        %parallel_loop3A_494 = arith.muli %parallel_loop3A_493, %parallel_loop3A_344 : i32
        %parallel_loop3A_495 = arith.constant 16 : i32
        %parallel_loop3A_496 = arith.addi %parallel_loop3A_494, %parallel_loop3A_495 : i32
        %parallel_loop3A_497 = arith.constant 5 : i32
        %parallel_loop3A_498 = arith.index_cast %parallel_loop3A_497 : i32 to index
        %parallel_loop3A_499 = arith.index_cast %parallel_loop3A_496 : i32 to index
        %parallel_loop3A_500 = tpu.vector_load %arg8[%parallel_loop3A_498, %parallel_loop3A_499] {strides = array<i32>} : memref<8x2048xf32, #tpu.memory_space<vmem>>, vector<16xf32>,
        tpu.vector_store %arg8[%parallel_loop3A_498, %parallel_loop3A_499], %parallel_loop3A_492 {strides = array<i32>} : memref<8x2048xf32, #tpu.memory_space<vmem>>, vector<16xf32>,
        %parallel_loop3A_501 = arith.constant 6 : i32
        %parallel_loop3A_502 = arith.index_cast %parallel_loop3A_501 : i32 to index
        %parallel_loop3A_503 = arith.index_cast %parallel_loop3A_344 : i32 to index
        %parallel_loop3A_504 = tpu.vector_load %arg6[%parallel_loop3A_502, %parallel_loop3A_503] {strides = array<i32>} : memref<8x1024xi32, #tpu.memory_space<vmem>>, vector<16xi32>,
        %parallel_loop3A_505 = arith.constant 65535 : i32
        %parallel_loop3A_506 = vector.broadcast %parallel_loop3A_505 : i32 to vector<16xi32>
        %parallel_loop3A_507 = arith.andi %parallel_loop3A_504, %parallel_loop3A_506 : vector<16xi32>
        %parallel_loop3A_508 = arith.constant 16 : i32
        %parallel_loop3A_509 = vector.broadcast %parallel_loop3A_508 : i32 to vector<16xi32>
        %parallel_loop3A_510 = arith.shrui %parallel_loop3A_504, %parallel_loop3A_509 : vector<16xi32>
        %parallel_loop3A_511 = tpu.vector_load_idx %arg5[%broadcast_in_dim3A_123, %parallel_loop3A_507] : memref<8x8192xf32, #tpu.memory_space<vmem>>[vector<16xi32>, vector<16xi32>], vector<16xf32>,
        %parallel_loop3A_512 = arith.constant 2 : i32
        %parallel_loop3A_513 = arith.muli %parallel_loop3A_512, %parallel_loop3A_344 : i32
        %parallel_loop3A_514 = arith.constant 6 : i32
        %parallel_loop3A_515 = arith.index_cast %parallel_loop3A_514 : i32 to index
        %parallel_loop3A_516 = arith.index_cast %parallel_loop3A_513 : i32 to index
        %parallel_loop3A_517 = tpu.vector_load %arg8[%parallel_loop3A_515, %parallel_loop3A_516] {strides = array<i32>} : memref<8x2048xf32, #tpu.memory_space<vmem>>, vector<16xf32>,
        tpu.vector_store %arg8[%parallel_loop3A_515, %parallel_loop3A_516], %parallel_loop3A_511 {strides = array<i32>} : memref<8x2048xf32, #tpu.memory_space<vmem>>, vector<16xf32>,
        %parallel_loop3A_518 = tpu.vector_load_idx %arg5[%broadcast_in_dim3A_123, %parallel_loop3A_510] : memref<8x8192xf32, #tpu.memory_space<vmem>>[vector<16xi32>, vector<16xi32>], vector<16xf32>,
        %parallel_loop3A_519 = arith.constant 2 : i32
        %parallel_loop3A_520 = arith.muli %parallel_loop3A_519, %parallel_loop3A_344 : i32
        %parallel_loop3A_521 = arith.constant 16 : i32
        %parallel_loop3A_522 = arith.addi %parallel_loop3A_520, %parallel_loop3A_521 : i32
        %parallel_loop3A_523 = arith.constant 6 : i32
        %parallel_loop3A_524 = arith.index_cast %parallel_loop3A_523 : i32 to index
        %parallel_loop3A_525 = arith.index_cast %parallel_loop3A_522 : i32 to index
        %parallel_loop3A_526 = tpu.vector_load %arg8[%parallel_loop3A_524, %parallel_loop3A_525] {strides = array<i32>} : memref<8x2048xf32, #tpu.memory_space<vmem>>, vector<16xf32>,
        tpu.vector_store %arg8[%parallel_loop3A_524, %parallel_loop3A_525], %parallel_loop3A_518 {strides = array<i32>} : memref<8x2048xf32, #tpu.memory_space<vmem>>, vector<16xf32>,
        %parallel_loop3A_527 = arith.constant 7 : i32
        %parallel_loop3A_528 = arith.index_cast %parallel_loop3A_527 : i32 to index
        %parallel_loop3A_529 = arith.index_cast %parallel_loop3A_344 : i32 to index
        %parallel_loop3A_530 = tpu.vector_load %arg6[%parallel_loop3A_528, %parallel_loop3A_529] {strides = array<i32>} : memref<8x1024xi32, #tpu.memory_space<vmem>>, vector<16xi32>,
        %parallel_loop3A_531 = arith.constant 65535 : i32
        %parallel_loop3A_532 = vector.broadcast %parallel_loop3A_531 : i32 to vector<16xi32>
        %parallel_loop3A_533 = arith.andi %parallel_loop3A_530, %parallel_loop3A_532 : vector<16xi32>
        %parallel_loop3A_534 = arith.constant 16 : i32
        %parallel_loop3A_535 = vector.broadcast %parallel_loop3A_534 : i32 to vector<16xi32>
        %parallel_loop3A_536 = arith.shrui %parallel_loop3A_530, %parallel_loop3A_535 : vector<16xi32>
        %parallel_loop3A_537 = tpu.vector_load_idx %arg5[%broadcast_in_dim3A_125, %parallel_loop3A_533] : memref<8x8192xf32, #tpu.memory_space<vmem>>[vector<16xi32>, vector<16xi32>], vector<16xf32>,
        %parallel_loop3A_538 = arith.constant 2 : i32
        %parallel_loop3A_539 = arith.muli %parallel_loop3A_538, %parallel_loop3A_344 : i32
        %parallel_loop3A_540 = arith.constant 7 : i32
        %parallel_loop3A_541 = arith.index_cast %parallel_loop3A_540 : i32 to index
        %parallel_loop3A_542 = arith.index_cast %parallel_loop3A_539 : i32 to index
        %parallel_loop3A_543 = tpu.vector_load %arg8[%parallel_loop3A_541, %parallel_loop3A_542] {strides = array<i32>} : memref<8x2048xf32, #tpu.memory_space<vmem>>, vector<16xf32>,
        tpu.vector_store %arg8[%parallel_loop3A_541, %parallel_loop3A_542], %parallel_loop3A_537 {strides = array<i32>} : memref<8x2048xf32, #tpu.memory_space<vmem>>, vector<16xf32>,
        %parallel_loop3A_544 = tpu.vector_load_idx %arg5[%broadcast_in_dim3A_125, %parallel_loop3A_536] : memref<8x8192xf32, #tpu.memory_space<vmem>>[vector<16xi32>, vector<16xi32>], vector<16xf32>,
        %parallel_loop3A_545 = arith.constant 2 : i32
        %parallel_loop3A_546 = arith.muli %parallel_loop3A_545, %parallel_loop3A_344 : i32
        %parallel_loop3A_547 = arith.constant 16 : i32
        %parallel_loop3A_548 = arith.addi %parallel_loop3A_546, %parallel_loop3A_547 : i32
        %parallel_loop3A_549 = arith.constant 7 : i32
        %parallel_loop3A_550 = arith.index_cast %parallel_loop3A_549 : i32 to index
        %parallel_loop3A_551 = arith.index_cast %parallel_loop3A_548 : i32 to index
        %parallel_loop3A_552 = tpu.vector_load %arg8[%parallel_loop3A_550, %parallel_loop3A_551] {strides = array<i32>} : memref<8x2048xf32, #tpu.memory_space<vmem>>, vector<16xf32>,
        tpu.vector_store %arg8[%parallel_loop3A_550, %parallel_loop3A_551], %parallel_loop3A_544 {strides = array<i32>} : memref<8x2048xf32, #tpu.memory_space<vmem>>, vector<16xf32>,
      } {sc.loop_unroll_factor = 1 : i64, sc.parallel_access}
      %add3A_128 = arith.constant 2 : i32
      %add3A_129 = arith.addi %add3A_94, %add3A_128 : i32
      %lt3A = arith.constant 64 : i32
      %lt3A_130 = arith.cmpi slt, %add3A_129, %lt3A : i32
      %convert_element_type3A_131 = arith.extui %lt3A_130 : i1 to i32
      %cond3A_132 = arith.constant 0 : i32
      %cond3A_133 = arith.cmpi ne, %convert_element_type3A_131, %cond3A_132 : i32
      scf.if %cond3A_133 {
        %add3A_344 = arith.constant 2 : i32
        %add3A_345 = arith.addi %add3A_94, %add3A_344 : i32
        %jit3A = arith.constant 4 : i32
        %div3A = arith.divsi %add3A_345, %jit3A : i32
        %sign3A = arith.constant 0 : i32
        %sign3A_346 = arith.cmpi sgt, %add3A_345, %sign3A : i32
        %sign3A_347 = arith.extui %sign3A_346 : i1 to i32
        %sign3A_348 = arith.constant 0 : i32
        %sign3A_349 = arith.cmpi slt, %add3A_345, %sign3A_348 : i32
        %sign3A_350 = arith.extui %sign3A_349 : i1 to i32
        %sign3A_351 = arith.subi %sign3A_347, %sign3A_350 : i32
        %sign3A_352 = arith.constant 0 : i32
        %sign3A_353 = arith.cmpi sgt, %jit3A, %sign3A_352 : i32
        %sign3A_354 = arith.extui %sign3A_353 : i1 to i32
        %sign3A_355 = arith.constant 0 : i32
        %sign3A_356 = arith.cmpi slt, %jit3A, %sign3A_355 : i32
        %sign3A_357 = arith.extui %sign3A_356 : i1 to i32
        %sign3A_358 = arith.subi %sign3A_354, %sign3A_357 : i32
        %ne3A = arith.cmpi ne, %sign3A_351, %sign3A_358 : i32
        %rem3A = arith.remsi %add3A_345, %jit3A : i32
        %ne3A_359 = arith.constant 0 : i32
        %ne3A_360 = arith.cmpi ne, %rem3A, %ne3A_359 : i32
        %and3A = arith.andi %ne3A, %ne3A_360 : i1
        %sub3A = arith.constant 1 : i32
        %sub3A_361 = arith.subi %div3A, %sub3A : i32
        %select_n3A = arith.select %and3A, %sub3A_361, %div3A : i32
        %add3A_362 = arith.addi %mul3A_2, %select_n3A : i32
        %jit3A_363 = arith.constant 4 : i32
        %eq3A = arith.constant 0 : i32
        %eq3A_364 = arith.cmpi eq, %jit3A_363, %eq3A : i32
        %jit3A_365 = arith.constant 1 : i32
        %select_n3A_366 = arith.select %eq3A_364, %jit3A_365, %jit3A_363 : i32
        %rem3A_367 = arith.remsi %add3A_345, %select_n3A_366 : i32
        %ne3A_368 = arith.constant 0 : i32
        %ne3A_369 = arith.cmpi ne, %rem3A_367, %ne3A_368 : i32
        %lt3A_370 = arith.constant 0 : i32
        %lt3A_371 = arith.cmpi slt, %rem3A_367, %lt3A_370 : i32
        %lt3A_372 = arith.constant 0 : i32
        %lt3A_373 = arith.cmpi slt, %select_n3A_366, %lt3A_372 : i32
        %ne3A_374 = arith.xori %lt3A_371, %lt3A_373 : i1
        %and3A_375 = arith.andi %ne3A_374, %ne3A_369 : i1
        %add3A_376 = arith.addi %rem3A_367, %select_n3A_366 : i32
        %select_n3A_377 = arith.select %and3A_375, %add3A_376, %rem3A_367 : i32
        %mul3A_378 = arith.constant 1024 : i32
        %mul3A_379 = arith.muli %select_n3A_377, %mul3A_378 : i32
        %dma_start3A_380 = arith.constant 0 : i32
        %dma_start3A_381 = tpu.memref_reshape %arg3 : memref<4096x4096xi32, #tpu.memory_space<hbm>> -> memref<512x8x4096xi32, #tpu.memory_space<hbm>>
        %dma_start3A_382 = arith.constant 0 : i32
        %dma_start3A_383 = tpu.memref_slice %dma_start3A_381[%add3A_362, %dma_start3A_382, %mul3A_379] : memref<512x8x4096xi32, #tpu.memory_space<hbm>> -> memref<1x8x1024xi32, #tpu.memory_space<hbm>>
        %dma_start3A_384 = tpu.memref_squeeze %dma_start3A_383 : memref<1x8x1024xi32, #tpu.memory_space<hbm>> -> memref<8x1024xi32, #tpu.memory_space<hbm>>
        %dma_start3A_385 = tpu.memref_slice %arg11[%dma_start3A_380] : memref<2x!tpu.dma_semaphore, #tpu.memory_space<semaphore_mem>> -> memref<1x!tpu.dma_semaphore, #tpu.memory_space<semaphore_mem>>
        %dma_start3A_386 = tpu.memref_squeeze %dma_start3A_385 : memref<1x!tpu.dma_semaphore, #tpu.memory_space<semaphore_mem>> -> memref<!tpu.dma_semaphore, #tpu.memory_space<semaphore_mem>>
        %dma_start3A_387 = tpu.memref_reshape %arg3 : memref<4096x4096xi32, #tpu.memory_space<hbm>> -> memref<512x8x4096xi32, #tpu.memory_space<hbm>>
        %dma_start3A_388 = arith.constant 0 : i32
        %dma_start3A_389 = tpu.memref_slice %dma_start3A_387[%add3A_362, %dma_start3A_388, %mul3A_379] : memref<512x8x4096xi32, #tpu.memory_space<hbm>> -> memref<1x8x1024xi32, #tpu.memory_space<hbm>>
        %dma_start3A_390 = tpu.memref_squeeze %dma_start3A_389 : memref<1x8x1024xi32, #tpu.memory_space<hbm>> -> memref<8x1024xi32, #tpu.memory_space<hbm>>
        tpu.enqueue_dma source(%dma_start3A_390 : memref<8x1024xi32, #tpu.memory_space<hbm>>) target(%arg6 : memref<8x1024xi32, #tpu.memory_space<vmem>>) target_semaphore(%dma_start3A_386 : memref<!tpu.dma_semaphore, #tpu.memory_space<semaphore_mem>>)
      } else {
      }
      %add3A_134 = arith.addi %mul3A_2, %add3A_79 : i32
      %dma_start3A_135 = arith.constant 0 : i32
      %dma_start3A_136 = tpu.memref_reshape %arg4 : memref<4096x8192xf32, #tpu.memory_space<hbm>> -> memref<512x8x8192xf32, #tpu.memory_space<hbm>>
      %dma_start3A_137 = arith.constant 0 : i32
      %dma_start3A_138 = arith.constant 0 : i32
      %dma_start3A_139 = tpu.memref_slice %dma_start3A_136[%add3A_134, %dma_start3A_137, %dma_start3A_138] : memref<512x8x8192xf32, #tpu.memory_space<hbm>> -> memref<1x8x2048xf32, #tpu.memory_space<hbm>>
      %dma_start3A_140 = tpu.memref_squeeze %dma_start3A_139 : memref<1x8x2048xf32, #tpu.memory_space<hbm>> -> memref<8x2048xf32, #tpu.memory_space<hbm>>
      %dma_start3A_141 = tpu.memref_slice %arg12[%dma_start3A_135] : memref<2x!tpu.dma_semaphore, #tpu.memory_space<semaphore_mem>> -> memref<1x!tpu.dma_semaphore, #tpu.memory_space<semaphore_mem>>
      %dma_start3A_142 = tpu.memref_squeeze %dma_start3A_141 : memref<1x!tpu.dma_semaphore, #tpu.memory_space<semaphore_mem>> -> memref<!tpu.dma_semaphore, #tpu.memory_space<semaphore_mem>>
      %dma_start3A_143 = tpu.memref_reshape %arg4 : memref<4096x8192xf32, #tpu.memory_space<hbm>> -> memref<512x8x8192xf32, #tpu.memory_space<hbm>>
      %dma_start3A_144 = arith.constant 0 : i32
      %dma_start3A_145 = arith.constant 0 : i32
      %dma_start3A_146 = tpu.memref_slice %dma_start3A_143[%add3A_134, %dma_start3A_144, %dma_start3A_145] : memref<512x8x8192xf32, #tpu.memory_space<hbm>> -> memref<1x8x2048xf32, #tpu.memory_space<hbm>>
      %dma_start3A_147 = tpu.memref_squeeze %dma_start3A_146 : memref<1x8x2048xf32, #tpu.memory_space<hbm>> -> memref<8x2048xf32, #tpu.memory_space<hbm>>
      tpu.enqueue_dma source(%arg8 : memref<8x2048xf32, #tpu.memory_space<vmem>>) target(%dma_start3A_147 : memref<8x2048xf32, #tpu.memory_space<hbm>>) target_semaphore(%dma_start3A_142 : memref<!tpu.dma_semaphore, #tpu.memory_space<semaphore_mem>>)
      %mul3A_148 = arith.constant 4 : i32
      %mul3A_149 = arith.muli %add3A_79, %mul3A_148 : i32
      %add3A_150 = arith.constant 1 : i32
      %add3A_151 = arith.addi %mul3A_149, %add3A_150 : i32
      %dma_wait3A_152 = arith.constant 0 : i32
      %dma_wait3A_153 = arith.constant 1 : i32
      %dma_wait3A_154 = tpu.memref_reshape %arg3 : memref<4096x4096xi32, #tpu.memory_space<hbm>> -> memref<512x8x4096xi32, #tpu.memory_space<hbm>>
      %dma_wait3A_155 = arith.constant 0 : i32
      %dma_wait3A_156 = arith.constant 0 : i32
      %dma_wait3A_157 = tpu.memref_slice %dma_wait3A_154[%dma_wait3A_152, %dma_wait3A_155, %dma_wait3A_156] : memref<512x8x4096xi32, #tpu.memory_space<hbm>> -> memref<1x8x1024xi32, #tpu.memory_space<hbm>>
      %dma_wait3A_158 = tpu.memref_squeeze %dma_wait3A_157 : memref<1x8x1024xi32, #tpu.memory_space<hbm>> -> memref<8x1024xi32, #tpu.memory_space<hbm>>
      %dma_wait3A_159 = tpu.memref_slice %arg11[%dma_wait3A_153] : memref<2x!tpu.dma_semaphore, #tpu.memory_space<semaphore_mem>> -> memref<1x!tpu.dma_semaphore, #tpu.memory_space<semaphore_mem>>
      %dma_wait3A_160 = tpu.memref_squeeze %dma_wait3A_159 : memref<1x!tpu.dma_semaphore, #tpu.memory_space<semaphore_mem>> -> memref<!tpu.dma_semaphore, #tpu.memory_space<semaphore_mem>>
      %dma_wait3A_161 = tpu.memref_reshape %arg3 : memref<4096x4096xi32, #tpu.memory_space<hbm>> -> memref<512x8x4096xi32, #tpu.memory_space<hbm>>
      %dma_wait3A_162 = arith.constant 0 : i32
      %dma_wait3A_163 = arith.constant 0 : i32
      %dma_wait3A_164 = tpu.memref_slice %dma_wait3A_161[%dma_wait3A_152, %dma_wait3A_162, %dma_wait3A_163] : memref<512x8x4096xi32, #tpu.memory_space<hbm>> -> memref<1x8x1024xi32, #tpu.memory_space<hbm>>
      %dma_wait3A_165 = tpu.memref_squeeze %dma_wait3A_164 : memref<1x8x1024xi32, #tpu.memory_space<hbm>> -> memref<8x1024xi32, #tpu.memory_space<hbm>>
      tpu.wait_dma2 semaphore(%dma_wait3A_160 : memref<!tpu.dma_semaphore, #tpu.memory_space<semaphore_mem>>) src(%dma_wait3A_165 : memref<8x1024xi32, #tpu.memory_space<hbm>>) dst(%arg7 : memref<8x1024xi32, #tpu.memory_space<vmem>>)
      %ge3A_166 = arith.constant 2 : i32
      %ge3A_167 = arith.cmpi sge, %add3A_151, %ge3A_166 : i32
      %convert_element_type3A_168 = arith.extui %ge3A_167 : i1 to i32
      %cond3A_169 = arith.constant 0 : i32
      %cond3A_170 = arith.cmpi ne, %convert_element_type3A_168, %cond3A_169 : i32
      scf.if %cond3A_170 {
        %dma_wait3A_344 = arith.constant 0 : i32
        %dma_wait3A_345 = arith.constant 1 : i32
        %dma_wait3A_346 = tpu.memref_reshape %arg4 : memref<4096x8192xf32, #tpu.memory_space<hbm>> -> memref<512x8x8192xf32, #tpu.memory_space<hbm>>
        %dma_wait3A_347 = arith.constant 0 : i32
        %dma_wait3A_348 = arith.constant 0 : i32
        %dma_wait3A_349 = tpu.memref_slice %dma_wait3A_346[%dma_wait3A_344, %dma_wait3A_347, %dma_wait3A_348] : memref<512x8x8192xf32, #tpu.memory_space<hbm>> -> memref<1x8x2048xf32, #tpu.memory_space<hbm>>
        %dma_wait3A_350 = tpu.memref_squeeze %dma_wait3A_349 : memref<1x8x2048xf32, #tpu.memory_space<hbm>> -> memref<8x2048xf32, #tpu.memory_space<hbm>>
        %dma_wait3A_351 = tpu.memref_slice %arg12[%dma_wait3A_345] : memref<2x!tpu.dma_semaphore, #tpu.memory_space<semaphore_mem>> -> memref<1x!tpu.dma_semaphore, #tpu.memory_space<semaphore_mem>>
        %dma_wait3A_352 = tpu.memref_squeeze %dma_wait3A_351 : memref<1x!tpu.dma_semaphore, #tpu.memory_space<semaphore_mem>> -> memref<!tpu.dma_semaphore, #tpu.memory_space<semaphore_mem>>
        %dma_wait3A_353 = tpu.memref_reshape %arg4 : memref<4096x8192xf32, #tpu.memory_space<hbm>> -> memref<512x8x8192xf32, #tpu.memory_space<hbm>>
        %dma_wait3A_354 = arith.constant 0 : i32
        %dma_wait3A_355 = arith.constant 0 : i32
        %dma_wait3A_356 = tpu.memref_slice %dma_wait3A_353[%dma_wait3A_344, %dma_wait3A_354, %dma_wait3A_355] : memref<512x8x8192xf32, #tpu.memory_space<hbm>> -> memref<1x8x2048xf32, #tpu.memory_space<hbm>>
        %dma_wait3A_357 = tpu.memref_squeeze %dma_wait3A_356 : memref<1x8x2048xf32, #tpu.memory_space<hbm>> -> memref<8x2048xf32, #tpu.memory_space<hbm>>
        tpu.wait_dma2 semaphore(%dma_wait3A_352 : memref<!tpu.dma_semaphore, #tpu.memory_space<semaphore_mem>>) src(%arg9 : memref<8x2048xf32, #tpu.memory_space<vmem>>) dst(%dma_wait3A_357 : memref<8x2048xf32, #tpu.memory_space<hbm>>)
      } else {
      }
      %broadcast_in_dim3A_171 = arith.constant 0 : i32
      %broadcast_in_dim3A_172 = vector.broadcast %broadcast_in_dim3A_171 : i32 to vector<16xi32>
      %broadcast_in_dim3A_173 = arith.constant 1 : i32
      %broadcast_in_dim3A_174 = vector.broadcast %broadcast_in_dim3A_173 : i32 to vector<16xi32>
      %broadcast_in_dim3A_175 = arith.constant 2 : i32
      %broadcast_in_dim3A_176 = vector.broadcast %broadcast_in_dim3A_175 : i32 to vector<16xi32>
      %broadcast_in_dim3A_177 = arith.constant 3 : i32
      %broadcast_in_dim3A_178 = vector.broadcast %broadcast_in_dim3A_177 : i32 to vector<16xi32>
      %broadcast_in_dim3A_179 = arith.constant 4 : i32
      %broadcast_in_dim3A_180 = vector.broadcast %broadcast_in_dim3A_179 : i32 to vector<16xi32>
      %broadcast_in_dim3A_181 = arith.constant 5 : i32
      %broadcast_in_dim3A_182 = vector.broadcast %broadcast_in_dim3A_181 : i32 to vector<16xi32>
      %broadcast_in_dim3A_183 = arith.constant 6 : i32
      %broadcast_in_dim3A_184 = vector.broadcast %broadcast_in_dim3A_183 : i32 to vector<16xi32>
      %broadcast_in_dim3A_185 = arith.constant 7 : i32
      %broadcast_in_dim3A_186 = vector.broadcast %broadcast_in_dim3A_185 : i32 to vector<16xi32>
      %parallel_loop3A_187 = arith.constant 0 : i32
      %parallel_loop3A_188 = arith.constant 1024 : i32
      %parallel_loop3A_189 = arith.constant 16 : i32
      scf.for %parallel_loop3A_344 = %parallel_loop3A_187 to %parallel_loop3A_188 step %parallel_loop3A_189  : i32 {
        %parallel_loop3A_345 = arith.constant 0 : i32
        %parallel_loop3A_346 = arith.index_cast %parallel_loop3A_345 : i32 to index
        %parallel_loop3A_347 = arith.index_cast %parallel_loop3A_344 : i32 to index
        %parallel_loop3A_348 = tpu.vector_load %arg7[%parallel_loop3A_346, %parallel_loop3A_347] {strides = array<i32>} : memref<8x1024xi32, #tpu.memory_space<vmem>>, vector<16xi32>,
        %parallel_loop3A_349 = arith.constant 65535 : i32
        %parallel_loop3A_350 = vector.broadcast %parallel_loop3A_349 : i32 to vector<16xi32>
        %parallel_loop3A_351 = arith.andi %parallel_loop3A_348, %parallel_loop3A_350 : vector<16xi32>
        %parallel_loop3A_352 = arith.constant 16 : i32
        %parallel_loop3A_353 = vector.broadcast %parallel_loop3A_352 : i32 to vector<16xi32>
        %parallel_loop3A_354 = arith.shrui %parallel_loop3A_348, %parallel_loop3A_353 : vector<16xi32>
        %parallel_loop3A_355 = tpu.vector_load_idx %arg5[%broadcast_in_dim3A_172, %parallel_loop3A_351] : memref<8x8192xf32, #tpu.memory_space<vmem>>[vector<16xi32>, vector<16xi32>], vector<16xf32>,
        %parallel_loop3A_356 = arith.constant 2 : i32
        %parallel_loop3A_357 = arith.muli %parallel_loop3A_356, %parallel_loop3A_344 : i32
        %parallel_loop3A_358 = arith.constant 0 : i32
        %parallel_loop3A_359 = arith.index_cast %parallel_loop3A_358 : i32 to index
        %parallel_loop3A_360 = arith.index_cast %parallel_loop3A_357 : i32 to index
        %parallel_loop3A_361 = tpu.vector_load %arg9[%parallel_loop3A_359, %parallel_loop3A_360] {strides = array<i32>} : memref<8x2048xf32, #tpu.memory_space<vmem>>, vector<16xf32>,
        tpu.vector_store %arg9[%parallel_loop3A_359, %parallel_loop3A_360], %parallel_loop3A_355 {strides = array<i32>} : memref<8x2048xf32, #tpu.memory_space<vmem>>, vector<16xf32>,
        %parallel_loop3A_362 = tpu.vector_load_idx %arg5[%broadcast_in_dim3A_172, %parallel_loop3A_354] : memref<8x8192xf32, #tpu.memory_space<vmem>>[vector<16xi32>, vector<16xi32>], vector<16xf32>,
        %parallel_loop3A_363 = arith.constant 2 : i32
        %parallel_loop3A_364 = arith.muli %parallel_loop3A_363, %parallel_loop3A_344 : i32
        %parallel_loop3A_365 = arith.constant 16 : i32
        %parallel_loop3A_366 = arith.addi %parallel_loop3A_364, %parallel_loop3A_365 : i32
        %parallel_loop3A_367 = arith.constant 0 : i32
        %parallel_loop3A_368 = arith.index_cast %parallel_loop3A_367 : i32 to index
        %parallel_loop3A_369 = arith.index_cast %parallel_loop3A_366 : i32 to index
        %parallel_loop3A_370 = tpu.vector_load %arg9[%parallel_loop3A_368, %parallel_loop3A_369] {strides = array<i32>} : memref<8x2048xf32, #tpu.memory_space<vmem>>, vector<16xf32>,
        tpu.vector_store %arg9[%parallel_loop3A_368, %parallel_loop3A_369], %parallel_loop3A_362 {strides = array<i32>} : memref<8x2048xf32, #tpu.memory_space<vmem>>, vector<16xf32>,
        %parallel_loop3A_371 = arith.constant 1 : i32
        %parallel_loop3A_372 = arith.index_cast %parallel_loop3A_371 : i32 to index
        %parallel_loop3A_373 = arith.index_cast %parallel_loop3A_344 : i32 to index
        %parallel_loop3A_374 = tpu.vector_load %arg7[%parallel_loop3A_372, %parallel_loop3A_373] {strides = array<i32>} : memref<8x1024xi32, #tpu.memory_space<vmem>>, vector<16xi32>,
        %parallel_loop3A_375 = arith.constant 65535 : i32
        %parallel_loop3A_376 = vector.broadcast %parallel_loop3A_375 : i32 to vector<16xi32>
        %parallel_loop3A_377 = arith.andi %parallel_loop3A_374, %parallel_loop3A_376 : vector<16xi32>
        %parallel_loop3A_378 = arith.constant 16 : i32
        %parallel_loop3A_379 = vector.broadcast %parallel_loop3A_378 : i32 to vector<16xi32>
        %parallel_loop3A_380 = arith.shrui %parallel_loop3A_374, %parallel_loop3A_379 : vector<16xi32>
        %parallel_loop3A_381 = tpu.vector_load_idx %arg5[%broadcast_in_dim3A_174, %parallel_loop3A_377] : memref<8x8192xf32, #tpu.memory_space<vmem>>[vector<16xi32>, vector<16xi32>], vector<16xf32>,
        %parallel_loop3A_382 = arith.constant 2 : i32
        %parallel_loop3A_383 = arith.muli %parallel_loop3A_382, %parallel_loop3A_344 : i32
        %parallel_loop3A_384 = arith.constant 1 : i32
        %parallel_loop3A_385 = arith.index_cast %parallel_loop3A_384 : i32 to index
        %parallel_loop3A_386 = arith.index_cast %parallel_loop3A_383 : i32 to index
        %parallel_loop3A_387 = tpu.vector_load %arg9[%parallel_loop3A_385, %parallel_loop3A_386] {strides = array<i32>} : memref<8x2048xf32, #tpu.memory_space<vmem>>, vector<16xf32>,
        tpu.vector_store %arg9[%parallel_loop3A_385, %parallel_loop3A_386], %parallel_loop3A_381 {strides = array<i32>} : memref<8x2048xf32, #tpu.memory_space<vmem>>, vector<16xf32>,
        %parallel_loop3A_388 = tpu.vector_load_idx %arg5[%broadcast_in_dim3A_174, %parallel_loop3A_380] : memref<8x8192xf32, #tpu.memory_space<vmem>>[vector<16xi32>, vector<16xi32>], vector<16xf32>,
        %parallel_loop3A_389 = arith.constant 2 : i32
        %parallel_loop3A_390 = arith.muli %parallel_loop3A_389, %parallel_loop3A_344 : i32
        %parallel_loop3A_391 = arith.constant 16 : i32
        %parallel_loop3A_392 = arith.addi %parallel_loop3A_390, %parallel_loop3A_391 : i32
        %parallel_loop3A_393 = arith.constant 1 : i32
        %parallel_loop3A_394 = arith.index_cast %parallel_loop3A_393 : i32 to index
        %parallel_loop3A_395 = arith.index_cast %parallel_loop3A_392 : i32 to index
        %parallel_loop3A_396 = tpu.vector_load %arg9[%parallel_loop3A_394, %parallel_loop3A_395] {strides = array<i32>} : memref<8x2048xf32, #tpu.memory_space<vmem>>, vector<16xf32>,
        tpu.vector_store %arg9[%parallel_loop3A_394, %parallel_loop3A_395], %parallel_loop3A_388 {strides = array<i32>} : memref<8x2048xf32, #tpu.memory_space<vmem>>, vector<16xf32>,
        %parallel_loop3A_397 = arith.constant 2 : i32
        %parallel_loop3A_398 = arith.index_cast %parallel_loop3A_397 : i32 to index
        %parallel_loop3A_399 = arith.index_cast %parallel_loop3A_344 : i32 to index
        %parallel_loop3A_400 = tpu.vector_load %arg7[%parallel_loop3A_398, %parallel_loop3A_399] {strides = array<i32>} : memref<8x1024xi32, #tpu.memory_space<vmem>>, vector<16xi32>,
        %parallel_loop3A_401 = arith.constant 65535 : i32
        %parallel_loop3A_402 = vector.broadcast %parallel_loop3A_401 : i32 to vector<16xi32>
        %parallel_loop3A_403 = arith.andi %parallel_loop3A_400, %parallel_loop3A_402 : vector<16xi32>
        %parallel_loop3A_404 = arith.constant 16 : i32
        %parallel_loop3A_405 = vector.broadcast %parallel_loop3A_404 : i32 to vector<16xi32>
        %parallel_loop3A_406 = arith.shrui %parallel_loop3A_400, %parallel_loop3A_405 : vector<16xi32>
        %parallel_loop3A_407 = tpu.vector_load_idx %arg5[%broadcast_in_dim3A_176, %parallel_loop3A_403] : memref<8x8192xf32, #tpu.memory_space<vmem>>[vector<16xi32>, vector<16xi32>], vector<16xf32>,
        %parallel_loop3A_408 = arith.constant 2 : i32
        %parallel_loop3A_409 = arith.muli %parallel_loop3A_408, %parallel_loop3A_344 : i32
        %parallel_loop3A_410 = arith.constant 2 : i32
        %parallel_loop3A_411 = arith.index_cast %parallel_loop3A_410 : i32 to index
        %parallel_loop3A_412 = arith.index_cast %parallel_loop3A_409 : i32 to index
        %parallel_loop3A_413 = tpu.vector_load %arg9[%parallel_loop3A_411, %parallel_loop3A_412] {strides = array<i32>} : memref<8x2048xf32, #tpu.memory_space<vmem>>, vector<16xf32>,
        tpu.vector_store %arg9[%parallel_loop3A_411, %parallel_loop3A_412], %parallel_loop3A_407 {strides = array<i32>} : memref<8x2048xf32, #tpu.memory_space<vmem>>, vector<16xf32>,
        %parallel_loop3A_414 = tpu.vector_load_idx %arg5[%broadcast_in_dim3A_176, %parallel_loop3A_406] : memref<8x8192xf32, #tpu.memory_space<vmem>>[vector<16xi32>, vector<16xi32>], vector<16xf32>,
        %parallel_loop3A_415 = arith.constant 2 : i32
        %parallel_loop3A_416 = arith.muli %parallel_loop3A_415, %parallel_loop3A_344 : i32
        %parallel_loop3A_417 = arith.constant 16 : i32
        %parallel_loop3A_418 = arith.addi %parallel_loop3A_416, %parallel_loop3A_417 : i32
        %parallel_loop3A_419 = arith.constant 2 : i32
        %parallel_loop3A_420 = arith.index_cast %parallel_loop3A_419 : i32 to index
        %parallel_loop3A_421 = arith.index_cast %parallel_loop3A_418 : i32 to index
        %parallel_loop3A_422 = tpu.vector_load %arg9[%parallel_loop3A_420, %parallel_loop3A_421] {strides = array<i32>} : memref<8x2048xf32, #tpu.memory_space<vmem>>, vector<16xf32>,
        tpu.vector_store %arg9[%parallel_loop3A_420, %parallel_loop3A_421], %parallel_loop3A_414 {strides = array<i32>} : memref<8x2048xf32, #tpu.memory_space<vmem>>, vector<16xf32>,
        %parallel_loop3A_423 = arith.constant 3 : i32
        %parallel_loop3A_424 = arith.index_cast %parallel_loop3A_423 : i32 to index
        %parallel_loop3A_425 = arith.index_cast %parallel_loop3A_344 : i32 to index
        %parallel_loop3A_426 = tpu.vector_load %arg7[%parallel_loop3A_424, %parallel_loop3A_425] {strides = array<i32>} : memref<8x1024xi32, #tpu.memory_space<vmem>>, vector<16xi32>,
        %parallel_loop3A_427 = arith.constant 65535 : i32
        %parallel_loop3A_428 = vector.broadcast %parallel_loop3A_427 : i32 to vector<16xi32>
        %parallel_loop3A_429 = arith.andi %parallel_loop3A_426, %parallel_loop3A_428 : vector<16xi32>
        %parallel_loop3A_430 = arith.constant 16 : i32
        %parallel_loop3A_431 = vector.broadcast %parallel_loop3A_430 : i32 to vector<16xi32>
        %parallel_loop3A_432 = arith.shrui %parallel_loop3A_426, %parallel_loop3A_431 : vector<16xi32>
        %parallel_loop3A_433 = tpu.vector_load_idx %arg5[%broadcast_in_dim3A_178, %parallel_loop3A_429] : memref<8x8192xf32, #tpu.memory_space<vmem>>[vector<16xi32>, vector<16xi32>], vector<16xf32>,
        %parallel_loop3A_434 = arith.constant 2 : i32
        %parallel_loop3A_435 = arith.muli %parallel_loop3A_434, %parallel_loop3A_344 : i32
        %parallel_loop3A_436 = arith.constant 3 : i32
        %parallel_loop3A_437 = arith.index_cast %parallel_loop3A_436 : i32 to index
        %parallel_loop3A_438 = arith.index_cast %parallel_loop3A_435 : i32 to index
        %parallel_loop3A_439 = tpu.vector_load %arg9[%parallel_loop3A_437, %parallel_loop3A_438] {strides = array<i32>} : memref<8x2048xf32, #tpu.memory_space<vmem>>, vector<16xf32>,
        tpu.vector_store %arg9[%parallel_loop3A_437, %parallel_loop3A_438], %parallel_loop3A_433 {strides = array<i32>} : memref<8x2048xf32, #tpu.memory_space<vmem>>, vector<16xf32>,
        %parallel_loop3A_440 = tpu.vector_load_idx %arg5[%broadcast_in_dim3A_178, %parallel_loop3A_432] : memref<8x8192xf32, #tpu.memory_space<vmem>>[vector<16xi32>, vector<16xi32>], vector<16xf32>,
        %parallel_loop3A_441 = arith.constant 2 : i32
        %parallel_loop3A_442 = arith.muli %parallel_loop3A_441, %parallel_loop3A_344 : i32
        %parallel_loop3A_443 = arith.constant 16 : i32
        %parallel_loop3A_444 = arith.addi %parallel_loop3A_442, %parallel_loop3A_443 : i32
        %parallel_loop3A_445 = arith.constant 3 : i32
        %parallel_loop3A_446 = arith.index_cast %parallel_loop3A_445 : i32 to index
        %parallel_loop3A_447 = arith.index_cast %parallel_loop3A_444 : i32 to index
        %parallel_loop3A_448 = tpu.vector_load %arg9[%parallel_loop3A_446, %parallel_loop3A_447] {strides = array<i32>} : memref<8x2048xf32, #tpu.memory_space<vmem>>, vector<16xf32>,
        tpu.vector_store %arg9[%parallel_loop3A_446, %parallel_loop3A_447], %parallel_loop3A_440 {strides = array<i32>} : memref<8x2048xf32, #tpu.memory_space<vmem>>, vector<16xf32>,
        %parallel_loop3A_449 = arith.constant 4 : i32
        %parallel_loop3A_450 = arith.index_cast %parallel_loop3A_449 : i32 to index
        %parallel_loop3A_451 = arith.index_cast %parallel_loop3A_344 : i32 to index
        %parallel_loop3A_452 = tpu.vector_load %arg7[%parallel_loop3A_450, %parallel_loop3A_451] {strides = array<i32>} : memref<8x1024xi32, #tpu.memory_space<vmem>>, vector<16xi32>,
        %parallel_loop3A_453 = arith.constant 65535 : i32
        %parallel_loop3A_454 = vector.broadcast %parallel_loop3A_453 : i32 to vector<16xi32>
        %parallel_loop3A_455 = arith.andi %parallel_loop3A_452, %parallel_loop3A_454 : vector<16xi32>
        %parallel_loop3A_456 = arith.constant 16 : i32
        %parallel_loop3A_457 = vector.broadcast %parallel_loop3A_456 : i32 to vector<16xi32>
        %parallel_loop3A_458 = arith.shrui %parallel_loop3A_452, %parallel_loop3A_457 : vector<16xi32>
        %parallel_loop3A_459 = tpu.vector_load_idx %arg5[%broadcast_in_dim3A_180, %parallel_loop3A_455] : memref<8x8192xf32, #tpu.memory_space<vmem>>[vector<16xi32>, vector<16xi32>], vector<16xf32>,
        %parallel_loop3A_460 = arith.constant 2 : i32
        %parallel_loop3A_461 = arith.muli %parallel_loop3A_460, %parallel_loop3A_344 : i32
        %parallel_loop3A_462 = arith.constant 4 : i32
        %parallel_loop3A_463 = arith.index_cast %parallel_loop3A_462 : i32 to index
        %parallel_loop3A_464 = arith.index_cast %parallel_loop3A_461 : i32 to index
        %parallel_loop3A_465 = tpu.vector_load %arg9[%parallel_loop3A_463, %parallel_loop3A_464] {strides = array<i32>} : memref<8x2048xf32, #tpu.memory_space<vmem>>, vector<16xf32>,
        tpu.vector_store %arg9[%parallel_loop3A_463, %parallel_loop3A_464], %parallel_loop3A_459 {strides = array<i32>} : memref<8x2048xf32, #tpu.memory_space<vmem>>, vector<16xf32>,
        %parallel_loop3A_466 = tpu.vector_load_idx %arg5[%broadcast_in_dim3A_180, %parallel_loop3A_458] : memref<8x8192xf32, #tpu.memory_space<vmem>>[vector<16xi32>, vector<16xi32>], vector<16xf32>,
        %parallel_loop3A_467 = arith.constant 2 : i32
        %parallel_loop3A_468 = arith.muli %parallel_loop3A_467, %parallel_loop3A_344 : i32
        %parallel_loop3A_469 = arith.constant 16 : i32
        %parallel_loop3A_470 = arith.addi %parallel_loop3A_468, %parallel_loop3A_469 : i32
        %parallel_loop3A_471 = arith.constant 4 : i32
        %parallel_loop3A_472 = arith.index_cast %parallel_loop3A_471 : i32 to index
        %parallel_loop3A_473 = arith.index_cast %parallel_loop3A_470 : i32 to index
        %parallel_loop3A_474 = tpu.vector_load %arg9[%parallel_loop3A_472, %parallel_loop3A_473] {strides = array<i32>} : memref<8x2048xf32, #tpu.memory_space<vmem>>, vector<16xf32>,
        tpu.vector_store %arg9[%parallel_loop3A_472, %parallel_loop3A_473], %parallel_loop3A_466 {strides = array<i32>} : memref<8x2048xf32, #tpu.memory_space<vmem>>, vector<16xf32>,
        %parallel_loop3A_475 = arith.constant 5 : i32
        %parallel_loop3A_476 = arith.index_cast %parallel_loop3A_475 : i32 to index
        %parallel_loop3A_477 = arith.index_cast %parallel_loop3A_344 : i32 to index
        %parallel_loop3A_478 = tpu.vector_load %arg7[%parallel_loop3A_476, %parallel_loop3A_477] {strides = array<i32>} : memref<8x1024xi32, #tpu.memory_space<vmem>>, vector<16xi32>,
        %parallel_loop3A_479 = arith.constant 65535 : i32
        %parallel_loop3A_480 = vector.broadcast %parallel_loop3A_479 : i32 to vector<16xi32>
        %parallel_loop3A_481 = arith.andi %parallel_loop3A_478, %parallel_loop3A_480 : vector<16xi32>
        %parallel_loop3A_482 = arith.constant 16 : i32
        %parallel_loop3A_483 = vector.broadcast %parallel_loop3A_482 : i32 to vector<16xi32>
        %parallel_loop3A_484 = arith.shrui %parallel_loop3A_478, %parallel_loop3A_483 : vector<16xi32>
        %parallel_loop3A_485 = tpu.vector_load_idx %arg5[%broadcast_in_dim3A_182, %parallel_loop3A_481] : memref<8x8192xf32, #tpu.memory_space<vmem>>[vector<16xi32>, vector<16xi32>], vector<16xf32>,
        %parallel_loop3A_486 = arith.constant 2 : i32
        %parallel_loop3A_487 = arith.muli %parallel_loop3A_486, %parallel_loop3A_344 : i32
        %parallel_loop3A_488 = arith.constant 5 : i32
        %parallel_loop3A_489 = arith.index_cast %parallel_loop3A_488 : i32 to index
        %parallel_loop3A_490 = arith.index_cast %parallel_loop3A_487 : i32 to index
        %parallel_loop3A_491 = tpu.vector_load %arg9[%parallel_loop3A_489, %parallel_loop3A_490] {strides = array<i32>} : memref<8x2048xf32, #tpu.memory_space<vmem>>, vector<16xf32>,
        tpu.vector_store %arg9[%parallel_loop3A_489, %parallel_loop3A_490], %parallel_loop3A_485 {strides = array<i32>} : memref<8x2048xf32, #tpu.memory_space<vmem>>, vector<16xf32>,
        %parallel_loop3A_492 = tpu.vector_load_idx %arg5[%broadcast_in_dim3A_182, %parallel_loop3A_484] : memref<8x8192xf32, #tpu.memory_space<vmem>>[vector<16xi32>, vector<16xi32>], vector<16xf32>,
        %parallel_loop3A_493 = arith.constant 2 : i32
        %parallel_loop3A_494 = arith.muli %parallel_loop3A_493, %parallel_loop3A_344 : i32
        %parallel_loop3A_495 = arith.constant 16 : i32
        %parallel_loop3A_496 = arith.addi %parallel_loop3A_494, %parallel_loop3A_495 : i32
        %parallel_loop3A_497 = arith.constant 5 : i32
        %parallel_loop3A_498 = arith.index_cast %parallel_loop3A_497 : i32 to index
        %parallel_loop3A_499 = arith.index_cast %parallel_loop3A_496 : i32 to index
        %parallel_loop3A_500 = tpu.vector_load %arg9[%parallel_loop3A_498, %parallel_loop3A_499] {strides = array<i32>} : memref<8x2048xf32, #tpu.memory_space<vmem>>, vector<16xf32>,
        tpu.vector_store %arg9[%parallel_loop3A_498, %parallel_loop3A_499], %parallel_loop3A_492 {strides = array<i32>} : memref<8x2048xf32, #tpu.memory_space<vmem>>, vector<16xf32>,
        %parallel_loop3A_501 = arith.constant 6 : i32
        %parallel_loop3A_502 = arith.index_cast %parallel_loop3A_501 : i32 to index
        %parallel_loop3A_503 = arith.index_cast %parallel_loop3A_344 : i32 to index
        %parallel_loop3A_504 = tpu.vector_load %arg7[%parallel_loop3A_502, %parallel_loop3A_503] {strides = array<i32>} : memref<8x1024xi32, #tpu.memory_space<vmem>>, vector<16xi32>,
        %parallel_loop3A_505 = arith.constant 65535 : i32
        %parallel_loop3A_506 = vector.broadcast %parallel_loop3A_505 : i32 to vector<16xi32>
        %parallel_loop3A_507 = arith.andi %parallel_loop3A_504, %parallel_loop3A_506 : vector<16xi32>
        %parallel_loop3A_508 = arith.constant 16 : i32
        %parallel_loop3A_509 = vector.broadcast %parallel_loop3A_508 : i32 to vector<16xi32>
        %parallel_loop3A_510 = arith.shrui %parallel_loop3A_504, %parallel_loop3A_509 : vector<16xi32>
        %parallel_loop3A_511 = tpu.vector_load_idx %arg5[%broadcast_in_dim3A_184, %parallel_loop3A_507] : memref<8x8192xf32, #tpu.memory_space<vmem>>[vector<16xi32>, vector<16xi32>], vector<16xf32>,
        %parallel_loop3A_512 = arith.constant 2 : i32
        %parallel_loop3A_513 = arith.muli %parallel_loop3A_512, %parallel_loop3A_344 : i32
        %parallel_loop3A_514 = arith.constant 6 : i32
        %parallel_loop3A_515 = arith.index_cast %parallel_loop3A_514 : i32 to index
        %parallel_loop3A_516 = arith.index_cast %parallel_loop3A_513 : i32 to index
        %parallel_loop3A_517 = tpu.vector_load %arg9[%parallel_loop3A_515, %parallel_loop3A_516] {strides = array<i32>} : memref<8x2048xf32, #tpu.memory_space<vmem>>, vector<16xf32>,
        tpu.vector_store %arg9[%parallel_loop3A_515, %parallel_loop3A_516], %parallel_loop3A_511 {strides = array<i32>} : memref<8x2048xf32, #tpu.memory_space<vmem>>, vector<16xf32>,
        %parallel_loop3A_518 = tpu.vector_load_idx %arg5[%broadcast_in_dim3A_184, %parallel_loop3A_510] : memref<8x8192xf32, #tpu.memory_space<vmem>>[vector<16xi32>, vector<16xi32>], vector<16xf32>,
        %parallel_loop3A_519 = arith.constant 2 : i32
        %parallel_loop3A_520 = arith.muli %parallel_loop3A_519, %parallel_loop3A_344 : i32
        %parallel_loop3A_521 = arith.constant 16 : i32
        %parallel_loop3A_522 = arith.addi %parallel_loop3A_520, %parallel_loop3A_521 : i32
        %parallel_loop3A_523 = arith.constant 6 : i32
        %parallel_loop3A_524 = arith.index_cast %parallel_loop3A_523 : i32 to index
        %parallel_loop3A_525 = arith.index_cast %parallel_loop3A_522 : i32 to index
        %parallel_loop3A_526 = tpu.vector_load %arg9[%parallel_loop3A_524, %parallel_loop3A_525] {strides = array<i32>} : memref<8x2048xf32, #tpu.memory_space<vmem>>, vector<16xf32>,
        tpu.vector_store %arg9[%parallel_loop3A_524, %parallel_loop3A_525], %parallel_loop3A_518 {strides = array<i32>} : memref<8x2048xf32, #tpu.memory_space<vmem>>, vector<16xf32>,
        %parallel_loop3A_527 = arith.constant 7 : i32
        %parallel_loop3A_528 = arith.index_cast %parallel_loop3A_527 : i32 to index
        %parallel_loop3A_529 = arith.index_cast %parallel_loop3A_344 : i32 to index
        %parallel_loop3A_530 = tpu.vector_load %arg7[%parallel_loop3A_528, %parallel_loop3A_529] {strides = array<i32>} : memref<8x1024xi32, #tpu.memory_space<vmem>>, vector<16xi32>,
        %parallel_loop3A_531 = arith.constant 65535 : i32
        %parallel_loop3A_532 = vector.broadcast %parallel_loop3A_531 : i32 to vector<16xi32>
        %parallel_loop3A_533 = arith.andi %parallel_loop3A_530, %parallel_loop3A_532 : vector<16xi32>
        %parallel_loop3A_534 = arith.constant 16 : i32
        %parallel_loop3A_535 = vector.broadcast %parallel_loop3A_534 : i32 to vector<16xi32>
        %parallel_loop3A_536 = arith.shrui %parallel_loop3A_530, %parallel_loop3A_535 : vector<16xi32>
        %parallel_loop3A_537 = tpu.vector_load_idx %arg5[%broadcast_in_dim3A_186, %parallel_loop3A_533] : memref<8x8192xf32, #tpu.memory_space<vmem>>[vector<16xi32>, vector<16xi32>], vector<16xf32>,
        %parallel_loop3A_538 = arith.constant 2 : i32
        %parallel_loop3A_539 = arith.muli %parallel_loop3A_538, %parallel_loop3A_344 : i32
        %parallel_loop3A_540 = arith.constant 7 : i32
        %parallel_loop3A_541 = arith.index_cast %parallel_loop3A_540 : i32 to index
        %parallel_loop3A_542 = arith.index_cast %parallel_loop3A_539 : i32 to index
        %parallel_loop3A_543 = tpu.vector_load %arg9[%parallel_loop3A_541, %parallel_loop3A_542] {strides = array<i32>} : memref<8x2048xf32, #tpu.memory_space<vmem>>, vector<16xf32>,
        tpu.vector_store %arg9[%parallel_loop3A_541, %parallel_loop3A_542], %parallel_loop3A_537 {strides = array<i32>} : memref<8x2048xf32, #tpu.memory_space<vmem>>, vector<16xf32>,
        %parallel_loop3A_544 = tpu.vector_load_idx %arg5[%broadcast_in_dim3A_186, %parallel_loop3A_536] : memref<8x8192xf32, #tpu.memory_space<vmem>>[vector<16xi32>, vector<16xi32>], vector<16xf32>,
        %parallel_loop3A_545 = arith.constant 2 : i32
        %parallel_loop3A_546 = arith.muli %parallel_loop3A_545, %parallel_loop3A_344 : i32
        %parallel_loop3A_547 = arith.constant 16 : i32
        %parallel_loop3A_548 = arith.addi %parallel_loop3A_546, %parallel_loop3A_547 : i32
        %parallel_loop3A_549 = arith.constant 7 : i32
        %parallel_loop3A_550 = arith.index_cast %parallel_loop3A_549 : i32 to index
        %parallel_loop3A_551 = arith.index_cast %parallel_loop3A_548 : i32 to index
        %parallel_loop3A_552 = tpu.vector_load %arg9[%parallel_loop3A_550, %parallel_loop3A_551] {strides = array<i32>} : memref<8x2048xf32, #tpu.memory_space<vmem>>, vector<16xf32>,
        tpu.vector_store %arg9[%parallel_loop3A_550, %parallel_loop3A_551], %parallel_loop3A_544 {strides = array<i32>} : memref<8x2048xf32, #tpu.memory_space<vmem>>, vector<16xf32>,
      } {sc.loop_unroll_factor = 1 : i64, sc.parallel_access}
      %add3A_190 = arith.constant 2 : i32
      %add3A_191 = arith.addi %add3A_151, %add3A_190 : i32
      %lt3A_192 = arith.constant 64 : i32
      %lt3A_193 = arith.cmpi slt, %add3A_191, %lt3A_192 : i32
      %convert_element_type3A_194 = arith.extui %lt3A_193 : i1 to i32
      %cond3A_195 = arith.constant 0 : i32
      %cond3A_196 = arith.cmpi ne, %convert_element_type3A_194, %cond3A_195 : i32
      scf.if %cond3A_196 {
        %add3A_344 = arith.constant 2 : i32
        %add3A_345 = arith.addi %add3A_151, %add3A_344 : i32
        %jit3A = arith.constant 4 : i32
        %div3A = arith.divsi %add3A_345, %jit3A : i32
        %sign3A = arith.constant 0 : i32
        %sign3A_346 = arith.cmpi sgt, %add3A_345, %sign3A : i32
        %sign3A_347 = arith.extui %sign3A_346 : i1 to i32
        %sign3A_348 = arith.constant 0 : i32
        %sign3A_349 = arith.cmpi slt, %add3A_345, %sign3A_348 : i32
        %sign3A_350 = arith.extui %sign3A_349 : i1 to i32
        %sign3A_351 = arith.subi %sign3A_347, %sign3A_350 : i32
        %sign3A_352 = arith.constant 0 : i32
        %sign3A_353 = arith.cmpi sgt, %jit3A, %sign3A_352 : i32
        %sign3A_354 = arith.extui %sign3A_353 : i1 to i32
        %sign3A_355 = arith.constant 0 : i32
        %sign3A_356 = arith.cmpi slt, %jit3A, %sign3A_355 : i32
        %sign3A_357 = arith.extui %sign3A_356 : i1 to i32
        %sign3A_358 = arith.subi %sign3A_354, %sign3A_357 : i32
        %ne3A = arith.cmpi ne, %sign3A_351, %sign3A_358 : i32
        %rem3A = arith.remsi %add3A_345, %jit3A : i32
        %ne3A_359 = arith.constant 0 : i32
        %ne3A_360 = arith.cmpi ne, %rem3A, %ne3A_359 : i32
        %and3A = arith.andi %ne3A, %ne3A_360 : i1
        %sub3A = arith.constant 1 : i32
        %sub3A_361 = arith.subi %div3A, %sub3A : i32
        %select_n3A = arith.select %and3A, %sub3A_361, %div3A : i32
        %add3A_362 = arith.addi %mul3A_2, %select_n3A : i32
        %jit3A_363 = arith.constant 4 : i32
        %eq3A = arith.constant 0 : i32
        %eq3A_364 = arith.cmpi eq, %jit3A_363, %eq3A : i32
        %jit3A_365 = arith.constant 1 : i32
        %select_n3A_366 = arith.select %eq3A_364, %jit3A_365, %jit3A_363 : i32
        %rem3A_367 = arith.remsi %add3A_345, %select_n3A_366 : i32
        %ne3A_368 = arith.constant 0 : i32
        %ne3A_369 = arith.cmpi ne, %rem3A_367, %ne3A_368 : i32
        %lt3A_370 = arith.constant 0 : i32
        %lt3A_371 = arith.cmpi slt, %rem3A_367, %lt3A_370 : i32
        %lt3A_372 = arith.constant 0 : i32
        %lt3A_373 = arith.cmpi slt, %select_n3A_366, %lt3A_372 : i32
        %ne3A_374 = arith.xori %lt3A_371, %lt3A_373 : i1
        %and3A_375 = arith.andi %ne3A_374, %ne3A_369 : i1
        %add3A_376 = arith.addi %rem3A_367, %select_n3A_366 : i32
        %select_n3A_377 = arith.select %and3A_375, %add3A_376, %rem3A_367 : i32
        %mul3A_378 = arith.constant 1024 : i32
        %mul3A_379 = arith.muli %select_n3A_377, %mul3A_378 : i32
        %dma_start3A_380 = arith.constant 1 : i32
        %dma_start3A_381 = tpu.memref_reshape %arg3 : memref<4096x4096xi32, #tpu.memory_space<hbm>> -> memref<512x8x4096xi32, #tpu.memory_space<hbm>>
        %dma_start3A_382 = arith.constant 0 : i32
        %dma_start3A_383 = tpu.memref_slice %dma_start3A_381[%add3A_362, %dma_start3A_382, %mul3A_379] : memref<512x8x4096xi32, #tpu.memory_space<hbm>> -> memref<1x8x1024xi32, #tpu.memory_space<hbm>>
        %dma_start3A_384 = tpu.memref_squeeze %dma_start3A_383 : memref<1x8x1024xi32, #tpu.memory_space<hbm>> -> memref<8x1024xi32, #tpu.memory_space<hbm>>
        %dma_start3A_385 = tpu.memref_slice %arg11[%dma_start3A_380] : memref<2x!tpu.dma_semaphore, #tpu.memory_space<semaphore_mem>> -> memref<1x!tpu.dma_semaphore, #tpu.memory_space<semaphore_mem>>
        %dma_start3A_386 = tpu.memref_squeeze %dma_start3A_385 : memref<1x!tpu.dma_semaphore, #tpu.memory_space<semaphore_mem>> -> memref<!tpu.dma_semaphore, #tpu.memory_space<semaphore_mem>>
        %dma_start3A_387 = tpu.memref_reshape %arg3 : memref<4096x4096xi32, #tpu.memory_space<hbm>> -> memref<512x8x4096xi32, #tpu.memory_space<hbm>>
        %dma_start3A_388 = arith.constant 0 : i32
        %dma_start3A_389 = tpu.memref_slice %dma_start3A_387[%add3A_362, %dma_start3A_388, %mul3A_379] : memref<512x8x4096xi32, #tpu.memory_space<hbm>> -> memref<1x8x1024xi32, #tpu.memory_space<hbm>>
        %dma_start3A_390 = tpu.memref_squeeze %dma_start3A_389 : memref<1x8x1024xi32, #tpu.memory_space<hbm>> -> memref<8x1024xi32, #tpu.memory_space<hbm>>
        tpu.enqueue_dma source(%dma_start3A_390 : memref<8x1024xi32, #tpu.memory_space<hbm>>) target(%arg7 : memref<8x1024xi32, #tpu.memory_space<vmem>>) target_semaphore(%dma_start3A_386 : memref<!tpu.dma_semaphore, #tpu.memory_space<semaphore_mem>>)
      } else {
      }
      %add3A_197 = arith.addi %mul3A_2, %add3A_79 : i32
      %dma_start3A_198 = arith.constant 1 : i32
      %dma_start3A_199 = tpu.memref_reshape %arg4 : memref<4096x8192xf32, #tpu.memory_space<hbm>> -> memref<512x8x8192xf32, #tpu.memory_space<hbm>>
      %dma_start3A_200 = arith.constant 0 : i32
      %dma_start3A_201 = arith.constant 2048 : i32
      %dma_start3A_202 = tpu.memref_slice %dma_start3A_199[%add3A_197, %dma_start3A_200, %dma_start3A_201] : memref<512x8x8192xf32, #tpu.memory_space<hbm>> -> memref<1x8x2048xf32, #tpu.memory_space<hbm>>
      %dma_start3A_203 = tpu.memref_squeeze %dma_start3A_202 : memref<1x8x2048xf32, #tpu.memory_space<hbm>> -> memref<8x2048xf32, #tpu.memory_space<hbm>>
      %dma_start3A_204 = tpu.memref_slice %arg12[%dma_start3A_198] : memref<2x!tpu.dma_semaphore, #tpu.memory_space<semaphore_mem>> -> memref<1x!tpu.dma_semaphore, #tpu.memory_space<semaphore_mem>>
      %dma_start3A_205 = tpu.memref_squeeze %dma_start3A_204 : memref<1x!tpu.dma_semaphore, #tpu.memory_space<semaphore_mem>> -> memref<!tpu.dma_semaphore, #tpu.memory_space<semaphore_mem>>
      %dma_start3A_206 = tpu.memref_reshape %arg4 : memref<4096x8192xf32, #tpu.memory_space<hbm>> -> memref<512x8x8192xf32, #tpu.memory_space<hbm>>
      %dma_start3A_207 = arith.constant 0 : i32
      %dma_start3A_208 = arith.constant 2048 : i32
      %dma_start3A_209 = tpu.memref_slice %dma_start3A_206[%add3A_197, %dma_start3A_207, %dma_start3A_208] : memref<512x8x8192xf32, #tpu.memory_space<hbm>> -> memref<1x8x2048xf32, #tpu.memory_space<hbm>>
      %dma_start3A_210 = tpu.memref_squeeze %dma_start3A_209 : memref<1x8x2048xf32, #tpu.memory_space<hbm>> -> memref<8x2048xf32, #tpu.memory_space<hbm>>
      tpu.enqueue_dma source(%arg9 : memref<8x2048xf32, #tpu.memory_space<vmem>>) target(%dma_start3A_210 : memref<8x2048xf32, #tpu.memory_space<hbm>>) target_semaphore(%dma_start3A_205 : memref<!tpu.dma_semaphore, #tpu.memory_space<semaphore_mem>>)
      %mul3A_211 = arith.constant 4 : i32
      %mul3A_212 = arith.muli %add3A_79, %mul3A_211 : i32
      %add3A_213 = arith.constant 2 : i32
      %add3A_214 = arith.addi %mul3A_212, %add3A_213 : i32
      %dma_wait3A_215 = arith.constant 0 : i32
      %dma_wait3A_216 = arith.constant 0 : i32
      %dma_wait3A_217 = tpu.memref_reshape %arg3 : memref<4096x4096xi32, #tpu.memory_space<hbm>> -> memref<512x8x4096xi32, #tpu.memory_space<hbm>>
      %dma_wait3A_218 = arith.constant 0 : i32
      %dma_wait3A_219 = arith.constant 0 : i32
      %dma_wait3A_220 = tpu.memref_slice %dma_wait3A_217[%dma_wait3A_215, %dma_wait3A_218, %dma_wait3A_219] : memref<512x8x4096xi32, #tpu.memory_space<hbm>> -> memref<1x8x1024xi32, #tpu.memory_space<hbm>>
      %dma_wait3A_221 = tpu.memref_squeeze %dma_wait3A_220 : memref<1x8x1024xi32, #tpu.memory_space<hbm>> -> memref<8x1024xi32, #tpu.memory_space<hbm>>
      %dma_wait3A_222 = tpu.memref_slice %arg11[%dma_wait3A_216] : memref<2x!tpu.dma_semaphore, #tpu.memory_space<semaphore_mem>> -> memref<1x!tpu.dma_semaphore, #tpu.memory_space<semaphore_mem>>
      %dma_wait3A_223 = tpu.memref_squeeze %dma_wait3A_222 : memref<1x!tpu.dma_semaphore, #tpu.memory_space<semaphore_mem>> -> memref<!tpu.dma_semaphore, #tpu.memory_space<semaphore_mem>>
      %dma_wait3A_224 = tpu.memref_reshape %arg3 : memref<4096x4096xi32, #tpu.memory_space<hbm>> -> memref<512x8x4096xi32, #tpu.memory_space<hbm>>
      %dma_wait3A_225 = arith.constant 0 : i32
      %dma_wait3A_226 = arith.constant 0 : i32
      %dma_wait3A_227 = tpu.memref_slice %dma_wait3A_224[%dma_wait3A_215, %dma_wait3A_225, %dma_wait3A_226] : memref<512x8x4096xi32, #tpu.memory_space<hbm>> -> memref<1x8x1024xi32, #tpu.memory_space<hbm>>
      %dma_wait3A_228 = tpu.memref_squeeze %dma_wait3A_227 : memref<1x8x1024xi32, #tpu.memory_space<hbm>> -> memref<8x1024xi32, #tpu.memory_space<hbm>>
      tpu.wait_dma2 semaphore(%dma_wait3A_223 : memref<!tpu.dma_semaphore, #tpu.memory_space<semaphore_mem>>) src(%dma_wait3A_228 : memref<8x1024xi32, #tpu.memory_space<hbm>>) dst(%arg6 : memref<8x1024xi32, #tpu.memory_space<vmem>>)
      %ge3A_229 = arith.constant 2 : i32
      %ge3A_230 = arith.cmpi sge, %add3A_214, %ge3A_229 : i32
      %convert_element_type3A_231 = arith.extui %ge3A_230 : i1 to i32
      %cond3A_232 = arith.constant 0 : i32
      %cond3A_233 = arith.cmpi ne, %convert_element_type3A_231, %cond3A_232 : i32
      scf.if %cond3A_233 {
        %dma_wait3A_344 = arith.constant 0 : i32
        %dma_wait3A_345 = arith.constant 0 : i32
        %dma_wait3A_346 = tpu.memref_reshape %arg4 : memref<4096x8192xf32, #tpu.memory_space<hbm>> -> memref<512x8x8192xf32, #tpu.memory_space<hbm>>
        %dma_wait3A_347 = arith.constant 0 : i32
        %dma_wait3A_348 = arith.constant 0 : i32
        %dma_wait3A_349 = tpu.memref_slice %dma_wait3A_346[%dma_wait3A_344, %dma_wait3A_347, %dma_wait3A_348] : memref<512x8x8192xf32, #tpu.memory_space<hbm>> -> memref<1x8x2048xf32, #tpu.memory_space<hbm>>
        %dma_wait3A_350 = tpu.memref_squeeze %dma_wait3A_349 : memref<1x8x2048xf32, #tpu.memory_space<hbm>> -> memref<8x2048xf32, #tpu.memory_space<hbm>>
        %dma_wait3A_351 = tpu.memref_slice %arg12[%dma_wait3A_345] : memref<2x!tpu.dma_semaphore, #tpu.memory_space<semaphore_mem>> -> memref<1x!tpu.dma_semaphore, #tpu.memory_space<semaphore_mem>>
        %dma_wait3A_352 = tpu.memref_squeeze %dma_wait3A_351 : memref<1x!tpu.dma_semaphore, #tpu.memory_space<semaphore_mem>> -> memref<!tpu.dma_semaphore, #tpu.memory_space<semaphore_mem>>
        %dma_wait3A_353 = tpu.memref_reshape %arg4 : memref<4096x8192xf32, #tpu.memory_space<hbm>> -> memref<512x8x8192xf32, #tpu.memory_space<hbm>>
        %dma_wait3A_354 = arith.constant 0 : i32
        %dma_wait3A_355 = arith.constant 0 : i32
        %dma_wait3A_356 = tpu.memref_slice %dma_wait3A_353[%dma_wait3A_344, %dma_wait3A_354, %dma_wait3A_355] : memref<512x8x8192xf32, #tpu.memory_space<hbm>> -> memref<1x8x2048xf32, #tpu.memory_space<hbm>>
        %dma_wait3A_357 = tpu.memref_squeeze %dma_wait3A_356 : memref<1x8x2048xf32, #tpu.memory_space<hbm>> -> memref<8x2048xf32, #tpu.memory_space<hbm>>
        tpu.wait_dma2 semaphore(%dma_wait3A_352 : memref<!tpu.dma_semaphore, #tpu.memory_space<semaphore_mem>>) src(%arg8 : memref<8x2048xf32, #tpu.memory_space<vmem>>) dst(%dma_wait3A_357 : memref<8x2048xf32, #tpu.memory_space<hbm>>)
      } else {
      }
      %broadcast_in_dim3A_234 = arith.constant 0 : i32
      %broadcast_in_dim3A_235 = vector.broadcast %broadcast_in_dim3A_234 : i32 to vector<16xi32>
      %broadcast_in_dim3A_236 = arith.constant 1 : i32
      %broadcast_in_dim3A_237 = vector.broadcast %broadcast_in_dim3A_236 : i32 to vector<16xi32>
      %broadcast_in_dim3A_238 = arith.constant 2 : i32
      %broadcast_in_dim3A_239 = vector.broadcast %broadcast_in_dim3A_238 : i32 to vector<16xi32>
      %broadcast_in_dim3A_240 = arith.constant 3 : i32
      %broadcast_in_dim3A_241 = vector.broadcast %broadcast_in_dim3A_240 : i32 to vector<16xi32>
      %broadcast_in_dim3A_242 = arith.constant 4 : i32
      %broadcast_in_dim3A_243 = vector.broadcast %broadcast_in_dim3A_242 : i32 to vector<16xi32>
      %broadcast_in_dim3A_244 = arith.constant 5 : i32
      %broadcast_in_dim3A_245 = vector.broadcast %broadcast_in_dim3A_244 : i32 to vector<16xi32>
      %broadcast_in_dim3A_246 = arith.constant 6 : i32
      %broadcast_in_dim3A_247 = vector.broadcast %broadcast_in_dim3A_246 : i32 to vector<16xi32>
      %broadcast_in_dim3A_248 = arith.constant 7 : i32
      %broadcast_in_dim3A_249 = vector.broadcast %broadcast_in_dim3A_248 : i32 to vector<16xi32>
      %parallel_loop3A_250 = arith.constant 0 : i32
      %parallel_loop3A_251 = arith.constant 1024 : i32
      %parallel_loop3A_252 = arith.constant 16 : i32
      scf.for %parallel_loop3A_344 = %parallel_loop3A_250 to %parallel_loop3A_251 step %parallel_loop3A_252  : i32 {
        %parallel_loop3A_345 = arith.constant 0 : i32
        %parallel_loop3A_346 = arith.index_cast %parallel_loop3A_345 : i32 to index
        %parallel_loop3A_347 = arith.index_cast %parallel_loop3A_344 : i32 to index
        %parallel_loop3A_348 = tpu.vector_load %arg6[%parallel_loop3A_346, %parallel_loop3A_347] {strides = array<i32>} : memref<8x1024xi32, #tpu.memory_space<vmem>>, vector<16xi32>,
        %parallel_loop3A_349 = arith.constant 65535 : i32
        %parallel_loop3A_350 = vector.broadcast %parallel_loop3A_349 : i32 to vector<16xi32>
        %parallel_loop3A_351 = arith.andi %parallel_loop3A_348, %parallel_loop3A_350 : vector<16xi32>
        %parallel_loop3A_352 = arith.constant 16 : i32
        %parallel_loop3A_353 = vector.broadcast %parallel_loop3A_352 : i32 to vector<16xi32>
        %parallel_loop3A_354 = arith.shrui %parallel_loop3A_348, %parallel_loop3A_353 : vector<16xi32>
        %parallel_loop3A_355 = tpu.vector_load_idx %arg5[%broadcast_in_dim3A_235, %parallel_loop3A_351] : memref<8x8192xf32, #tpu.memory_space<vmem>>[vector<16xi32>, vector<16xi32>], vector<16xf32>,
        %parallel_loop3A_356 = arith.constant 2 : i32
        %parallel_loop3A_357 = arith.muli %parallel_loop3A_356, %parallel_loop3A_344 : i32
        %parallel_loop3A_358 = arith.constant 0 : i32
        %parallel_loop3A_359 = arith.index_cast %parallel_loop3A_358 : i32 to index
        %parallel_loop3A_360 = arith.index_cast %parallel_loop3A_357 : i32 to index
        %parallel_loop3A_361 = tpu.vector_load %arg8[%parallel_loop3A_359, %parallel_loop3A_360] {strides = array<i32>} : memref<8x2048xf32, #tpu.memory_space<vmem>>, vector<16xf32>,
        tpu.vector_store %arg8[%parallel_loop3A_359, %parallel_loop3A_360], %parallel_loop3A_355 {strides = array<i32>} : memref<8x2048xf32, #tpu.memory_space<vmem>>, vector<16xf32>,
        %parallel_loop3A_362 = tpu.vector_load_idx %arg5[%broadcast_in_dim3A_235, %parallel_loop3A_354] : memref<8x8192xf32, #tpu.memory_space<vmem>>[vector<16xi32>, vector<16xi32>], vector<16xf32>,
        %parallel_loop3A_363 = arith.constant 2 : i32
        %parallel_loop3A_364 = arith.muli %parallel_loop3A_363, %parallel_loop3A_344 : i32
        %parallel_loop3A_365 = arith.constant 16 : i32
        %parallel_loop3A_366 = arith.addi %parallel_loop3A_364, %parallel_loop3A_365 : i32
        %parallel_loop3A_367 = arith.constant 0 : i32
        %parallel_loop3A_368 = arith.index_cast %parallel_loop3A_367 : i32 to index
        %parallel_loop3A_369 = arith.index_cast %parallel_loop3A_366 : i32 to index
        %parallel_loop3A_370 = tpu.vector_load %arg8[%parallel_loop3A_368, %parallel_loop3A_369] {strides = array<i32>} : memref<8x2048xf32, #tpu.memory_space<vmem>>, vector<16xf32>,
        tpu.vector_store %arg8[%parallel_loop3A_368, %parallel_loop3A_369], %parallel_loop3A_362 {strides = array<i32>} : memref<8x2048xf32, #tpu.memory_space<vmem>>, vector<16xf32>,
        %parallel_loop3A_371 = arith.constant 1 : i32
        %parallel_loop3A_372 = arith.index_cast %parallel_loop3A_371 : i32 to index
        %parallel_loop3A_373 = arith.index_cast %parallel_loop3A_344 : i32 to index
        %parallel_loop3A_374 = tpu.vector_load %arg6[%parallel_loop3A_372, %parallel_loop3A_373] {strides = array<i32>} : memref<8x1024xi32, #tpu.memory_space<vmem>>, vector<16xi32>,
        %parallel_loop3A_375 = arith.constant 65535 : i32
        %parallel_loop3A_376 = vector.broadcast %parallel_loop3A_375 : i32 to vector<16xi32>
        %parallel_loop3A_377 = arith.andi %parallel_loop3A_374, %parallel_loop3A_376 : vector<16xi32>
        %parallel_loop3A_378 = arith.constant 16 : i32
        %parallel_loop3A_379 = vector.broadcast %parallel_loop3A_378 : i32 to vector<16xi32>
        %parallel_loop3A_380 = arith.shrui %parallel_loop3A_374, %parallel_loop3A_379 : vector<16xi32>
        %parallel_loop3A_381 = tpu.vector_load_idx %arg5[%broadcast_in_dim3A_237, %parallel_loop3A_377] : memref<8x8192xf32, #tpu.memory_space<vmem>>[vector<16xi32>, vector<16xi32>], vector<16xf32>,
        %parallel_loop3A_382 = arith.constant 2 : i32
        %parallel_loop3A_383 = arith.muli %parallel_loop3A_382, %parallel_loop3A_344 : i32
        %parallel_loop3A_384 = arith.constant 1 : i32
        %parallel_loop3A_385 = arith.index_cast %parallel_loop3A_384 : i32 to index
        %parallel_loop3A_386 = arith.index_cast %parallel_loop3A_383 : i32 to index
        %parallel_loop3A_387 = tpu.vector_load %arg8[%parallel_loop3A_385, %parallel_loop3A_386] {strides = array<i32>} : memref<8x2048xf32, #tpu.memory_space<vmem>>, vector<16xf32>,
        tpu.vector_store %arg8[%parallel_loop3A_385, %parallel_loop3A_386], %parallel_loop3A_381 {strides = array<i32>} : memref<8x2048xf32, #tpu.memory_space<vmem>>, vector<16xf32>,
        %parallel_loop3A_388 = tpu.vector_load_idx %arg5[%broadcast_in_dim3A_237, %parallel_loop3A_380] : memref<8x8192xf32, #tpu.memory_space<vmem>>[vector<16xi32>, vector<16xi32>], vector<16xf32>,
        %parallel_loop3A_389 = arith.constant 2 : i32
        %parallel_loop3A_390 = arith.muli %parallel_loop3A_389, %parallel_loop3A_344 : i32
        %parallel_loop3A_391 = arith.constant 16 : i32
        %parallel_loop3A_392 = arith.addi %parallel_loop3A_390, %parallel_loop3A_391 : i32
        %parallel_loop3A_393 = arith.constant 1 : i32
        %parallel_loop3A_394 = arith.index_cast %parallel_loop3A_393 : i32 to index
        %parallel_loop3A_395 = arith.index_cast %parallel_loop3A_392 : i32 to index
        %parallel_loop3A_396 = tpu.vector_load %arg8[%parallel_loop3A_394, %parallel_loop3A_395] {strides = array<i32>} : memref<8x2048xf32, #tpu.memory_space<vmem>>, vector<16xf32>,
        tpu.vector_store %arg8[%parallel_loop3A_394, %parallel_loop3A_395], %parallel_loop3A_388 {strides = array<i32>} : memref<8x2048xf32, #tpu.memory_space<vmem>>, vector<16xf32>,
        %parallel_loop3A_397 = arith.constant 2 : i32
        %parallel_loop3A_398 = arith.index_cast %parallel_loop3A_397 : i32 to index
        %parallel_loop3A_399 = arith.index_cast %parallel_loop3A_344 : i32 to index
        %parallel_loop3A_400 = tpu.vector_load %arg6[%parallel_loop3A_398, %parallel_loop3A_399] {strides = array<i32>} : memref<8x1024xi32, #tpu.memory_space<vmem>>, vector<16xi32>,
        %parallel_loop3A_401 = arith.constant 65535 : i32
        %parallel_loop3A_402 = vector.broadcast %parallel_loop3A_401 : i32 to vector<16xi32>
        %parallel_loop3A_403 = arith.andi %parallel_loop3A_400, %parallel_loop3A_402 : vector<16xi32>
        %parallel_loop3A_404 = arith.constant 16 : i32
        %parallel_loop3A_405 = vector.broadcast %parallel_loop3A_404 : i32 to vector<16xi32>
        %parallel_loop3A_406 = arith.shrui %parallel_loop3A_400, %parallel_loop3A_405 : vector<16xi32>
        %parallel_loop3A_407 = tpu.vector_load_idx %arg5[%broadcast_in_dim3A_239, %parallel_loop3A_403] : memref<8x8192xf32, #tpu.memory_space<vmem>>[vector<16xi32>, vector<16xi32>], vector<16xf32>,
        %parallel_loop3A_408 = arith.constant 2 : i32
        %parallel_loop3A_409 = arith.muli %parallel_loop3A_408, %parallel_loop3A_344 : i32
        %parallel_loop3A_410 = arith.constant 2 : i32
        %parallel_loop3A_411 = arith.index_cast %parallel_loop3A_410 : i32 to index
        %parallel_loop3A_412 = arith.index_cast %parallel_loop3A_409 : i32 to index
        %parallel_loop3A_413 = tpu.vector_load %arg8[%parallel_loop3A_411, %parallel_loop3A_412] {strides = array<i32>} : memref<8x2048xf32, #tpu.memory_space<vmem>>, vector<16xf32>,
        tpu.vector_store %arg8[%parallel_loop3A_411, %parallel_loop3A_412], %parallel_loop3A_407 {strides = array<i32>} : memref<8x2048xf32, #tpu.memory_space<vmem>>, vector<16xf32>,
        %parallel_loop3A_414 = tpu.vector_load_idx %arg5[%broadcast_in_dim3A_239, %parallel_loop3A_406] : memref<8x8192xf32, #tpu.memory_space<vmem>>[vector<16xi32>, vector<16xi32>], vector<16xf32>,
        %parallel_loop3A_415 = arith.constant 2 : i32
        %parallel_loop3A_416 = arith.muli %parallel_loop3A_415, %parallel_loop3A_344 : i32
        %parallel_loop3A_417 = arith.constant 16 : i32
        %parallel_loop3A_418 = arith.addi %parallel_loop3A_416, %parallel_loop3A_417 : i32
        %parallel_loop3A_419 = arith.constant 2 : i32
        %parallel_loop3A_420 = arith.index_cast %parallel_loop3A_419 : i32 to index
        %parallel_loop3A_421 = arith.index_cast %parallel_loop3A_418 : i32 to index
        %parallel_loop3A_422 = tpu.vector_load %arg8[%parallel_loop3A_420, %parallel_loop3A_421] {strides = array<i32>} : memref<8x2048xf32, #tpu.memory_space<vmem>>, vector<16xf32>,
        tpu.vector_store %arg8[%parallel_loop3A_420, %parallel_loop3A_421], %parallel_loop3A_414 {strides = array<i32>} : memref<8x2048xf32, #tpu.memory_space<vmem>>, vector<16xf32>,
        %parallel_loop3A_423 = arith.constant 3 : i32
        %parallel_loop3A_424 = arith.index_cast %parallel_loop3A_423 : i32 to index
        %parallel_loop3A_425 = arith.index_cast %parallel_loop3A_344 : i32 to index
        %parallel_loop3A_426 = tpu.vector_load %arg6[%parallel_loop3A_424, %parallel_loop3A_425] {strides = array<i32>} : memref<8x1024xi32, #tpu.memory_space<vmem>>, vector<16xi32>,
        %parallel_loop3A_427 = arith.constant 65535 : i32
        %parallel_loop3A_428 = vector.broadcast %parallel_loop3A_427 : i32 to vector<16xi32>
        %parallel_loop3A_429 = arith.andi %parallel_loop3A_426, %parallel_loop3A_428 : vector<16xi32>
        %parallel_loop3A_430 = arith.constant 16 : i32
        %parallel_loop3A_431 = vector.broadcast %parallel_loop3A_430 : i32 to vector<16xi32>
        %parallel_loop3A_432 = arith.shrui %parallel_loop3A_426, %parallel_loop3A_431 : vector<16xi32>
        %parallel_loop3A_433 = tpu.vector_load_idx %arg5[%broadcast_in_dim3A_241, %parallel_loop3A_429] : memref<8x8192xf32, #tpu.memory_space<vmem>>[vector<16xi32>, vector<16xi32>], vector<16xf32>,
        %parallel_loop3A_434 = arith.constant 2 : i32
        %parallel_loop3A_435 = arith.muli %parallel_loop3A_434, %parallel_loop3A_344 : i32
        %parallel_loop3A_436 = arith.constant 3 : i32
        %parallel_loop3A_437 = arith.index_cast %parallel_loop3A_436 : i32 to index
        %parallel_loop3A_438 = arith.index_cast %parallel_loop3A_435 : i32 to index
        %parallel_loop3A_439 = tpu.vector_load %arg8[%parallel_loop3A_437, %parallel_loop3A_438] {strides = array<i32>} : memref<8x2048xf32, #tpu.memory_space<vmem>>, vector<16xf32>,
        tpu.vector_store %arg8[%parallel_loop3A_437, %parallel_loop3A_438], %parallel_loop3A_433 {strides = array<i32>} : memref<8x2048xf32, #tpu.memory_space<vmem>>, vector<16xf32>,
        %parallel_loop3A_440 = tpu.vector_load_idx %arg5[%broadcast_in_dim3A_241, %parallel_loop3A_432] : memref<8x8192xf32, #tpu.memory_space<vmem>>[vector<16xi32>, vector<16xi32>], vector<16xf32>,
        %parallel_loop3A_441 = arith.constant 2 : i32
        %parallel_loop3A_442 = arith.muli %parallel_loop3A_441, %parallel_loop3A_344 : i32
        %parallel_loop3A_443 = arith.constant 16 : i32
        %parallel_loop3A_444 = arith.addi %parallel_loop3A_442, %parallel_loop3A_443 : i32
        %parallel_loop3A_445 = arith.constant 3 : i32
        %parallel_loop3A_446 = arith.index_cast %parallel_loop3A_445 : i32 to index
        %parallel_loop3A_447 = arith.index_cast %parallel_loop3A_444 : i32 to index
        %parallel_loop3A_448 = tpu.vector_load %arg8[%parallel_loop3A_446, %parallel_loop3A_447] {strides = array<i32>} : memref<8x2048xf32, #tpu.memory_space<vmem>>, vector<16xf32>,
        tpu.vector_store %arg8[%parallel_loop3A_446, %parallel_loop3A_447], %parallel_loop3A_440 {strides = array<i32>} : memref<8x2048xf32, #tpu.memory_space<vmem>>, vector<16xf32>,
        %parallel_loop3A_449 = arith.constant 4 : i32
        %parallel_loop3A_450 = arith.index_cast %parallel_loop3A_449 : i32 to index
        %parallel_loop3A_451 = arith.index_cast %parallel_loop3A_344 : i32 to index
        %parallel_loop3A_452 = tpu.vector_load %arg6[%parallel_loop3A_450, %parallel_loop3A_451] {strides = array<i32>} : memref<8x1024xi32, #tpu.memory_space<vmem>>, vector<16xi32>,
        %parallel_loop3A_453 = arith.constant 65535 : i32
        %parallel_loop3A_454 = vector.broadcast %parallel_loop3A_453 : i32 to vector<16xi32>
        %parallel_loop3A_455 = arith.andi %parallel_loop3A_452, %parallel_loop3A_454 : vector<16xi32>
        %parallel_loop3A_456 = arith.constant 16 : i32
        %parallel_loop3A_457 = vector.broadcast %parallel_loop3A_456 : i32 to vector<16xi32>
        %parallel_loop3A_458 = arith.shrui %parallel_loop3A_452, %parallel_loop3A_457 : vector<16xi32>
        %parallel_loop3A_459 = tpu.vector_load_idx %arg5[%broadcast_in_dim3A_243, %parallel_loop3A_455] : memref<8x8192xf32, #tpu.memory_space<vmem>>[vector<16xi32>, vector<16xi32>], vector<16xf32>,
        %parallel_loop3A_460 = arith.constant 2 : i32
        %parallel_loop3A_461 = arith.muli %parallel_loop3A_460, %parallel_loop3A_344 : i32
        %parallel_loop3A_462 = arith.constant 4 : i32
        %parallel_loop3A_463 = arith.index_cast %parallel_loop3A_462 : i32 to index
        %parallel_loop3A_464 = arith.index_cast %parallel_loop3A_461 : i32 to index
        %parallel_loop3A_465 = tpu.vector_load %arg8[%parallel_loop3A_463, %parallel_loop3A_464] {strides = array<i32>} : memref<8x2048xf32, #tpu.memory_space<vmem>>, vector<16xf32>,
        tpu.vector_store %arg8[%parallel_loop3A_463, %parallel_loop3A_464], %parallel_loop3A_459 {strides = array<i32>} : memref<8x2048xf32, #tpu.memory_space<vmem>>, vector<16xf32>,
        %parallel_loop3A_466 = tpu.vector_load_idx %arg5[%broadcast_in_dim3A_243, %parallel_loop3A_458] : memref<8x8192xf32, #tpu.memory_space<vmem>>[vector<16xi32>, vector<16xi32>], vector<16xf32>,
        %parallel_loop3A_467 = arith.constant 2 : i32
        %parallel_loop3A_468 = arith.muli %parallel_loop3A_467, %parallel_loop3A_344 : i32
        %parallel_loop3A_469 = arith.constant 16 : i32
        %parallel_loop3A_470 = arith.addi %parallel_loop3A_468, %parallel_loop3A_469 : i32
        %parallel_loop3A_471 = arith.constant 4 : i32
        %parallel_loop3A_472 = arith.index_cast %parallel_loop3A_471 : i32 to index
        %parallel_loop3A_473 = arith.index_cast %parallel_loop3A_470 : i32 to index
        %parallel_loop3A_474 = tpu.vector_load %arg8[%parallel_loop3A_472, %parallel_loop3A_473] {strides = array<i32>} : memref<8x2048xf32, #tpu.memory_space<vmem>>, vector<16xf32>,
        tpu.vector_store %arg8[%parallel_loop3A_472, %parallel_loop3A_473], %parallel_loop3A_466 {strides = array<i32>} : memref<8x2048xf32, #tpu.memory_space<vmem>>, vector<16xf32>,
        %parallel_loop3A_475 = arith.constant 5 : i32
        %parallel_loop3A_476 = arith.index_cast %parallel_loop3A_475 : i32 to index
        %parallel_loop3A_477 = arith.index_cast %parallel_loop3A_344 : i32 to index
        %parallel_loop3A_478 = tpu.vector_load %arg6[%parallel_loop3A_476, %parallel_loop3A_477] {strides = array<i32>} : memref<8x1024xi32, #tpu.memory_space<vmem>>, vector<16xi32>,
        %parallel_loop3A_479 = arith.constant 65535 : i32
        %parallel_loop3A_480 = vector.broadcast %parallel_loop3A_479 : i32 to vector<16xi32>
        %parallel_loop3A_481 = arith.andi %parallel_loop3A_478, %parallel_loop3A_480 : vector<16xi32>
        %parallel_loop3A_482 = arith.constant 16 : i32
        %parallel_loop3A_483 = vector.broadcast %parallel_loop3A_482 : i32 to vector<16xi32>
        %parallel_loop3A_484 = arith.shrui %parallel_loop3A_478, %parallel_loop3A_483 : vector<16xi32>
        %parallel_loop3A_485 = tpu.vector_load_idx %arg5[%broadcast_in_dim3A_245, %parallel_loop3A_481] : memref<8x8192xf32, #tpu.memory_space<vmem>>[vector<16xi32>, vector<16xi32>], vector<16xf32>,
        %parallel_loop3A_486 = arith.constant 2 : i32
        %parallel_loop3A_487 = arith.muli %parallel_loop3A_486, %parallel_loop3A_344 : i32
        %parallel_loop3A_488 = arith.constant 5 : i32
        %parallel_loop3A_489 = arith.index_cast %parallel_loop3A_488 : i32 to index
        %parallel_loop3A_490 = arith.index_cast %parallel_loop3A_487 : i32 to index
        %parallel_loop3A_491 = tpu.vector_load %arg8[%parallel_loop3A_489, %parallel_loop3A_490] {strides = array<i32>} : memref<8x2048xf32, #tpu.memory_space<vmem>>, vector<16xf32>,
        tpu.vector_store %arg8[%parallel_loop3A_489, %parallel_loop3A_490], %parallel_loop3A_485 {strides = array<i32>} : memref<8x2048xf32, #tpu.memory_space<vmem>>, vector<16xf32>,
        %parallel_loop3A_492 = tpu.vector_load_idx %arg5[%broadcast_in_dim3A_245, %parallel_loop3A_484] : memref<8x8192xf32, #tpu.memory_space<vmem>>[vector<16xi32>, vector<16xi32>], vector<16xf32>,
        %parallel_loop3A_493 = arith.constant 2 : i32
        %parallel_loop3A_494 = arith.muli %parallel_loop3A_493, %parallel_loop3A_344 : i32
        %parallel_loop3A_495 = arith.constant 16 : i32
        %parallel_loop3A_496 = arith.addi %parallel_loop3A_494, %parallel_loop3A_495 : i32
        %parallel_loop3A_497 = arith.constant 5 : i32
        %parallel_loop3A_498 = arith.index_cast %parallel_loop3A_497 : i32 to index
        %parallel_loop3A_499 = arith.index_cast %parallel_loop3A_496 : i32 to index
        %parallel_loop3A_500 = tpu.vector_load %arg8[%parallel_loop3A_498, %parallel_loop3A_499] {strides = array<i32>} : memref<8x2048xf32, #tpu.memory_space<vmem>>, vector<16xf32>,
        tpu.vector_store %arg8[%parallel_loop3A_498, %parallel_loop3A_499], %parallel_loop3A_492 {strides = array<i32>} : memref<8x2048xf32, #tpu.memory_space<vmem>>, vector<16xf32>,
        %parallel_loop3A_501 = arith.constant 6 : i32
        %parallel_loop3A_502 = arith.index_cast %parallel_loop3A_501 : i32 to index
        %parallel_loop3A_503 = arith.index_cast %parallel_loop3A_344 : i32 to index
        %parallel_loop3A_504 = tpu.vector_load %arg6[%parallel_loop3A_502, %parallel_loop3A_503] {strides = array<i32>} : memref<8x1024xi32, #tpu.memory_space<vmem>>, vector<16xi32>,
        %parallel_loop3A_505 = arith.constant 65535 : i32
        %parallel_loop3A_506 = vector.broadcast %parallel_loop3A_505 : i32 to vector<16xi32>
        %parallel_loop3A_507 = arith.andi %parallel_loop3A_504, %parallel_loop3A_506 : vector<16xi32>
        %parallel_loop3A_508 = arith.constant 16 : i32
        %parallel_loop3A_509 = vector.broadcast %parallel_loop3A_508 : i32 to vector<16xi32>
        %parallel_loop3A_510 = arith.shrui %parallel_loop3A_504, %parallel_loop3A_509 : vector<16xi32>
        %parallel_loop3A_511 = tpu.vector_load_idx %arg5[%broadcast_in_dim3A_247, %parallel_loop3A_507] : memref<8x8192xf32, #tpu.memory_space<vmem>>[vector<16xi32>, vector<16xi32>], vector<16xf32>,
        %parallel_loop3A_512 = arith.constant 2 : i32
        %parallel_loop3A_513 = arith.muli %parallel_loop3A_512, %parallel_loop3A_344 : i32
        %parallel_loop3A_514 = arith.constant 6 : i32
        %parallel_loop3A_515 = arith.index_cast %parallel_loop3A_514 : i32 to index
        %parallel_loop3A_516 = arith.index_cast %parallel_loop3A_513 : i32 to index
        %parallel_loop3A_517 = tpu.vector_load %arg8[%parallel_loop3A_515, %parallel_loop3A_516] {strides = array<i32>} : memref<8x2048xf32, #tpu.memory_space<vmem>>, vector<16xf32>,
        tpu.vector_store %arg8[%parallel_loop3A_515, %parallel_loop3A_516], %parallel_loop3A_511 {strides = array<i32>} : memref<8x2048xf32, #tpu.memory_space<vmem>>, vector<16xf32>,
        %parallel_loop3A_518 = tpu.vector_load_idx %arg5[%broadcast_in_dim3A_247, %parallel_loop3A_510] : memref<8x8192xf32, #tpu.memory_space<vmem>>[vector<16xi32>, vector<16xi32>], vector<16xf32>,
        %parallel_loop3A_519 = arith.constant 2 : i32
        %parallel_loop3A_520 = arith.muli %parallel_loop3A_519, %parallel_loop3A_344 : i32
        %parallel_loop3A_521 = arith.constant 16 : i32
        %parallel_loop3A_522 = arith.addi %parallel_loop3A_520, %parallel_loop3A_521 : i32
        %parallel_loop3A_523 = arith.constant 6 : i32
        %parallel_loop3A_524 = arith.index_cast %parallel_loop3A_523 : i32 to index
        %parallel_loop3A_525 = arith.index_cast %parallel_loop3A_522 : i32 to index
        %parallel_loop3A_526 = tpu.vector_load %arg8[%parallel_loop3A_524, %parallel_loop3A_525] {strides = array<i32>} : memref<8x2048xf32, #tpu.memory_space<vmem>>, vector<16xf32>,
        tpu.vector_store %arg8[%parallel_loop3A_524, %parallel_loop3A_525], %parallel_loop3A_518 {strides = array<i32>} : memref<8x2048xf32, #tpu.memory_space<vmem>>, vector<16xf32>,
        %parallel_loop3A_527 = arith.constant 7 : i32
        %parallel_loop3A_528 = arith.index_cast %parallel_loop3A_527 : i32 to index
        %parallel_loop3A_529 = arith.index_cast %parallel_loop3A_344 : i32 to index
        %parallel_loop3A_530 = tpu.vector_load %arg6[%parallel_loop3A_528, %parallel_loop3A_529] {strides = array<i32>} : memref<8x1024xi32, #tpu.memory_space<vmem>>, vector<16xi32>,
        %parallel_loop3A_531 = arith.constant 65535 : i32
        %parallel_loop3A_532 = vector.broadcast %parallel_loop3A_531 : i32 to vector<16xi32>
        %parallel_loop3A_533 = arith.andi %parallel_loop3A_530, %parallel_loop3A_532 : vector<16xi32>
        %parallel_loop3A_534 = arith.constant 16 : i32
        %parallel_loop3A_535 = vector.broadcast %parallel_loop3A_534 : i32 to vector<16xi32>
        %parallel_loop3A_536 = arith.shrui %parallel_loop3A_530, %parallel_loop3A_535 : vector<16xi32>
        %parallel_loop3A_537 = tpu.vector_load_idx %arg5[%broadcast_in_dim3A_249, %parallel_loop3A_533] : memref<8x8192xf32, #tpu.memory_space<vmem>>[vector<16xi32>, vector<16xi32>], vector<16xf32>,
        %parallel_loop3A_538 = arith.constant 2 : i32
        %parallel_loop3A_539 = arith.muli %parallel_loop3A_538, %parallel_loop3A_344 : i32
        %parallel_loop3A_540 = arith.constant 7 : i32
        %parallel_loop3A_541 = arith.index_cast %parallel_loop3A_540 : i32 to index
        %parallel_loop3A_542 = arith.index_cast %parallel_loop3A_539 : i32 to index
        %parallel_loop3A_543 = tpu.vector_load %arg8[%parallel_loop3A_541, %parallel_loop3A_542] {strides = array<i32>} : memref<8x2048xf32, #tpu.memory_space<vmem>>, vector<16xf32>,
        tpu.vector_store %arg8[%parallel_loop3A_541, %parallel_loop3A_542], %parallel_loop3A_537 {strides = array<i32>} : memref<8x2048xf32, #tpu.memory_space<vmem>>, vector<16xf32>,
        %parallel_loop3A_544 = tpu.vector_load_idx %arg5[%broadcast_in_dim3A_249, %parallel_loop3A_536] : memref<8x8192xf32, #tpu.memory_space<vmem>>[vector<16xi32>, vector<16xi32>], vector<16xf32>,
        %parallel_loop3A_545 = arith.constant 2 : i32
        %parallel_loop3A_546 = arith.muli %parallel_loop3A_545, %parallel_loop3A_344 : i32
        %parallel_loop3A_547 = arith.constant 16 : i32
        %parallel_loop3A_548 = arith.addi %parallel_loop3A_546, %parallel_loop3A_547 : i32
        %parallel_loop3A_549 = arith.constant 7 : i32
        %parallel_loop3A_550 = arith.index_cast %parallel_loop3A_549 : i32 to index
        %parallel_loop3A_551 = arith.index_cast %parallel_loop3A_548 : i32 to index
        %parallel_loop3A_552 = tpu.vector_load %arg8[%parallel_loop3A_550, %parallel_loop3A_551] {strides = array<i32>} : memref<8x2048xf32, #tpu.memory_space<vmem>>, vector<16xf32>,
        tpu.vector_store %arg8[%parallel_loop3A_550, %parallel_loop3A_551], %parallel_loop3A_544 {strides = array<i32>} : memref<8x2048xf32, #tpu.memory_space<vmem>>, vector<16xf32>,
      } {sc.loop_unroll_factor = 1 : i64, sc.parallel_access}
      %add3A_253 = arith.constant 2 : i32
      %add3A_254 = arith.addi %add3A_214, %add3A_253 : i32
      %lt3A_255 = arith.constant 64 : i32
      %lt3A_256 = arith.cmpi slt, %add3A_254, %lt3A_255 : i32
      %convert_element_type3A_257 = arith.extui %lt3A_256 : i1 to i32
      %cond3A_258 = arith.constant 0 : i32
      %cond3A_259 = arith.cmpi ne, %convert_element_type3A_257, %cond3A_258 : i32
      scf.if %cond3A_259 {
        %add3A_344 = arith.constant 2 : i32
        %add3A_345 = arith.addi %add3A_214, %add3A_344 : i32
        %jit3A = arith.constant 4 : i32
        %div3A = arith.divsi %add3A_345, %jit3A : i32
        %sign3A = arith.constant 0 : i32
        %sign3A_346 = arith.cmpi sgt, %add3A_345, %sign3A : i32
        %sign3A_347 = arith.extui %sign3A_346 : i1 to i32
        %sign3A_348 = arith.constant 0 : i32
        %sign3A_349 = arith.cmpi slt, %add3A_345, %sign3A_348 : i32
        %sign3A_350 = arith.extui %sign3A_349 : i1 to i32
        %sign3A_351 = arith.subi %sign3A_347, %sign3A_350 : i32
        %sign3A_352 = arith.constant 0 : i32
        %sign3A_353 = arith.cmpi sgt, %jit3A, %sign3A_352 : i32
        %sign3A_354 = arith.extui %sign3A_353 : i1 to i32
        %sign3A_355 = arith.constant 0 : i32
        %sign3A_356 = arith.cmpi slt, %jit3A, %sign3A_355 : i32
        %sign3A_357 = arith.extui %sign3A_356 : i1 to i32
        %sign3A_358 = arith.subi %sign3A_354, %sign3A_357 : i32
        %ne3A = arith.cmpi ne, %sign3A_351, %sign3A_358 : i32
        %rem3A = arith.remsi %add3A_345, %jit3A : i32
        %ne3A_359 = arith.constant 0 : i32
        %ne3A_360 = arith.cmpi ne, %rem3A, %ne3A_359 : i32
        %and3A = arith.andi %ne3A, %ne3A_360 : i1
        %sub3A = arith.constant 1 : i32
        %sub3A_361 = arith.subi %div3A, %sub3A : i32
        %select_n3A = arith.select %and3A, %sub3A_361, %div3A : i32
        %add3A_362 = arith.addi %mul3A_2, %select_n3A : i32
        %jit3A_363 = arith.constant 4 : i32
        %eq3A = arith.constant 0 : i32
        %eq3A_364 = arith.cmpi eq, %jit3A_363, %eq3A : i32
        %jit3A_365 = arith.constant 1 : i32
        %select_n3A_366 = arith.select %eq3A_364, %jit3A_365, %jit3A_363 : i32
        %rem3A_367 = arith.remsi %add3A_345, %select_n3A_366 : i32
        %ne3A_368 = arith.constant 0 : i32
        %ne3A_369 = arith.cmpi ne, %rem3A_367, %ne3A_368 : i32
        %lt3A_370 = arith.constant 0 : i32
        %lt3A_371 = arith.cmpi slt, %rem3A_367, %lt3A_370 : i32
        %lt3A_372 = arith.constant 0 : i32
        %lt3A_373 = arith.cmpi slt, %select_n3A_366, %lt3A_372 : i32
        %ne3A_374 = arith.xori %lt3A_371, %lt3A_373 : i1
        %and3A_375 = arith.andi %ne3A_374, %ne3A_369 : i1
        %add3A_376 = arith.addi %rem3A_367, %select_n3A_366 : i32
        %select_n3A_377 = arith.select %and3A_375, %add3A_376, %rem3A_367 : i32
        %mul3A_378 = arith.constant 1024 : i32
        %mul3A_379 = arith.muli %select_n3A_377, %mul3A_378 : i32
        %dma_start3A_380 = arith.constant 0 : i32
        %dma_start3A_381 = tpu.memref_reshape %arg3 : memref<4096x4096xi32, #tpu.memory_space<hbm>> -> memref<512x8x4096xi32, #tpu.memory_space<hbm>>
        %dma_start3A_382 = arith.constant 0 : i32
        %dma_start3A_383 = tpu.memref_slice %dma_start3A_381[%add3A_362, %dma_start3A_382, %mul3A_379] : memref<512x8x4096xi32, #tpu.memory_space<hbm>> -> memref<1x8x1024xi32, #tpu.memory_space<hbm>>
        %dma_start3A_384 = tpu.memref_squeeze %dma_start3A_383 : memref<1x8x1024xi32, #tpu.memory_space<hbm>> -> memref<8x1024xi32, #tpu.memory_space<hbm>>
        %dma_start3A_385 = tpu.memref_slice %arg11[%dma_start3A_380] : memref<2x!tpu.dma_semaphore, #tpu.memory_space<semaphore_mem>> -> memref<1x!tpu.dma_semaphore, #tpu.memory_space<semaphore_mem>>
        %dma_start3A_386 = tpu.memref_squeeze %dma_start3A_385 : memref<1x!tpu.dma_semaphore, #tpu.memory_space<semaphore_mem>> -> memref<!tpu.dma_semaphore, #tpu.memory_space<semaphore_mem>>
        %dma_start3A_387 = tpu.memref_reshape %arg3 : memref<4096x4096xi32, #tpu.memory_space<hbm>> -> memref<512x8x4096xi32, #tpu.memory_space<hbm>>
        %dma_start3A_388 = arith.constant 0 : i32
        %dma_start3A_389 = tpu.memref_slice %dma_start3A_387[%add3A_362, %dma_start3A_388, %mul3A_379] : memref<512x8x4096xi32, #tpu.memory_space<hbm>> -> memref<1x8x1024xi32, #tpu.memory_space<hbm>>
        %dma_start3A_390 = tpu.memref_squeeze %dma_start3A_389 : memref<1x8x1024xi32, #tpu.memory_space<hbm>> -> memref<8x1024xi32, #tpu.memory_space<hbm>>
        tpu.enqueue_dma source(%dma_start3A_390 : memref<8x1024xi32, #tpu.memory_space<hbm>>) target(%arg6 : memref<8x1024xi32, #tpu.memory_space<vmem>>) target_semaphore(%dma_start3A_386 : memref<!tpu.dma_semaphore, #tpu.memory_space<semaphore_mem>>)
      } else {
      }
      %add3A_260 = arith.addi %mul3A_2, %add3A_79 : i32
      %dma_start3A_261 = arith.constant 0 : i32
      %dma_start3A_262 = tpu.memref_reshape %arg4 : memref<4096x8192xf32, #tpu.memory_space<hbm>> -> memref<512x8x8192xf32, #tpu.memory_space<hbm>>
      %dma_start3A_263 = arith.constant 0 : i32
      %dma_start3A_264 = arith.constant 4096 : i32
      %dma_start3A_265 = tpu.memref_slice %dma_start3A_262[%add3A_260, %dma_start3A_263, %dma_start3A_264] : memref<512x8x8192xf32, #tpu.memory_space<hbm>> -> memref<1x8x2048xf32, #tpu.memory_space<hbm>>
      %dma_start3A_266 = tpu.memref_squeeze %dma_start3A_265 : memref<1x8x2048xf32, #tpu.memory_space<hbm>> -> memref<8x2048xf32, #tpu.memory_space<hbm>>
      %dma_start3A_267 = tpu.memref_slice %arg12[%dma_start3A_261] : memref<2x!tpu.dma_semaphore, #tpu.memory_space<semaphore_mem>> -> memref<1x!tpu.dma_semaphore, #tpu.memory_space<semaphore_mem>>
      %dma_start3A_268 = tpu.memref_squeeze %dma_start3A_267 : memref<1x!tpu.dma_semaphore, #tpu.memory_space<semaphore_mem>> -> memref<!tpu.dma_semaphore, #tpu.memory_space<semaphore_mem>>
      %dma_start3A_269 = tpu.memref_reshape %arg4 : memref<4096x8192xf32, #tpu.memory_space<hbm>> -> memref<512x8x8192xf32, #tpu.memory_space<hbm>>
      %dma_start3A_270 = arith.constant 0 : i32
      %dma_start3A_271 = arith.constant 4096 : i32
      %dma_start3A_272 = tpu.memref_slice %dma_start3A_269[%add3A_260, %dma_start3A_270, %dma_start3A_271] : memref<512x8x8192xf32, #tpu.memory_space<hbm>> -> memref<1x8x2048xf32, #tpu.memory_space<hbm>>
      %dma_start3A_273 = tpu.memref_squeeze %dma_start3A_272 : memref<1x8x2048xf32, #tpu.memory_space<hbm>> -> memref<8x2048xf32, #tpu.memory_space<hbm>>
      tpu.enqueue_dma source(%arg8 : memref<8x2048xf32, #tpu.memory_space<vmem>>) target(%dma_start3A_273 : memref<8x2048xf32, #tpu.memory_space<hbm>>) target_semaphore(%dma_start3A_268 : memref<!tpu.dma_semaphore, #tpu.memory_space<semaphore_mem>>)
      %mul3A_274 = arith.constant 4 : i32
      %mul3A_275 = arith.muli %add3A_79, %mul3A_274 : i32
      %add3A_276 = arith.constant 3 : i32
      %add3A_277 = arith.addi %mul3A_275, %add3A_276 : i32
      %dma_wait3A_278 = arith.constant 0 : i32
      %dma_wait3A_279 = arith.constant 1 : i32
      %dma_wait3A_280 = tpu.memref_reshape %arg3 : memref<4096x4096xi32, #tpu.memory_space<hbm>> -> memref<512x8x4096xi32, #tpu.memory_space<hbm>>
      %dma_wait3A_281 = arith.constant 0 : i32
      %dma_wait3A_282 = arith.constant 0 : i32
      %dma_wait3A_283 = tpu.memref_slice %dma_wait3A_280[%dma_wait3A_278, %dma_wait3A_281, %dma_wait3A_282] : memref<512x8x4096xi32, #tpu.memory_space<hbm>> -> memref<1x8x1024xi32, #tpu.memory_space<hbm>>
      %dma_wait3A_284 = tpu.memref_squeeze %dma_wait3A_283 : memref<1x8x1024xi32, #tpu.memory_space<hbm>> -> memref<8x1024xi32, #tpu.memory_space<hbm>>
      %dma_wait3A_285 = tpu.memref_slice %arg11[%dma_wait3A_279] : memref<2x!tpu.dma_semaphore, #tpu.memory_space<semaphore_mem>> -> memref<1x!tpu.dma_semaphore, #tpu.memory_space<semaphore_mem>>
      %dma_wait3A_286 = tpu.memref_squeeze %dma_wait3A_285 : memref<1x!tpu.dma_semaphore, #tpu.memory_space<semaphore_mem>> -> memref<!tpu.dma_semaphore, #tpu.memory_space<semaphore_mem>>
      %dma_wait3A_287 = tpu.memref_reshape %arg3 : memref<4096x4096xi32, #tpu.memory_space<hbm>> -> memref<512x8x4096xi32, #tpu.memory_space<hbm>>
      %dma_wait3A_288 = arith.constant 0 : i32
      %dma_wait3A_289 = arith.constant 0 : i32
      %dma_wait3A_290 = tpu.memref_slice %dma_wait3A_287[%dma_wait3A_278, %dma_wait3A_288, %dma_wait3A_289] : memref<512x8x4096xi32, #tpu.memory_space<hbm>> -> memref<1x8x1024xi32, #tpu.memory_space<hbm>>
      %dma_wait3A_291 = tpu.memref_squeeze %dma_wait3A_290 : memref<1x8x1024xi32, #tpu.memory_space<hbm>> -> memref<8x1024xi32, #tpu.memory_space<hbm>>
      tpu.wait_dma2 semaphore(%dma_wait3A_286 : memref<!tpu.dma_semaphore, #tpu.memory_space<semaphore_mem>>) src(%dma_wait3A_291 : memref<8x1024xi32, #tpu.memory_space<hbm>>) dst(%arg7 : memref<8x1024xi32, #tpu.memory_space<vmem>>)
      %ge3A_292 = arith.constant 2 : i32
      %ge3A_293 = arith.cmpi sge, %add3A_277, %ge3A_292 : i32
      %convert_element_type3A_294 = arith.extui %ge3A_293 : i1 to i32
      %cond3A_295 = arith.constant 0 : i32
      %cond3A_296 = arith.cmpi ne, %convert_element_type3A_294, %cond3A_295 : i32
      scf.if %cond3A_296 {
        %dma_wait3A_344 = arith.constant 0 : i32
        %dma_wait3A_345 = arith.constant 1 : i32
        %dma_wait3A_346 = tpu.memref_reshape %arg4 : memref<4096x8192xf32, #tpu.memory_space<hbm>> -> memref<512x8x8192xf32, #tpu.memory_space<hbm>>
        %dma_wait3A_347 = arith.constant 0 : i32
        %dma_wait3A_348 = arith.constant 0 : i32
        %dma_wait3A_349 = tpu.memref_slice %dma_wait3A_346[%dma_wait3A_344, %dma_wait3A_347, %dma_wait3A_348] : memref<512x8x8192xf32, #tpu.memory_space<hbm>> -> memref<1x8x2048xf32, #tpu.memory_space<hbm>>
        %dma_wait3A_350 = tpu.memref_squeeze %dma_wait3A_349 : memref<1x8x2048xf32, #tpu.memory_space<hbm>> -> memref<8x2048xf32, #tpu.memory_space<hbm>>
        %dma_wait3A_351 = tpu.memref_slice %arg12[%dma_wait3A_345] : memref<2x!tpu.dma_semaphore, #tpu.memory_space<semaphore_mem>> -> memref<1x!tpu.dma_semaphore, #tpu.memory_space<semaphore_mem>>
        %dma_wait3A_352 = tpu.memref_squeeze %dma_wait3A_351 : memref<1x!tpu.dma_semaphore, #tpu.memory_space<semaphore_mem>> -> memref<!tpu.dma_semaphore, #tpu.memory_space<semaphore_mem>>
        %dma_wait3A_353 = tpu.memref_reshape %arg4 : memref<4096x8192xf32, #tpu.memory_space<hbm>> -> memref<512x8x8192xf32, #tpu.memory_space<hbm>>
        %dma_wait3A_354 = arith.constant 0 : i32
        %dma_wait3A_355 = arith.constant 0 : i32
        %dma_wait3A_356 = tpu.memref_slice %dma_wait3A_353[%dma_wait3A_344, %dma_wait3A_354, %dma_wait3A_355] : memref<512x8x8192xf32, #tpu.memory_space<hbm>> -> memref<1x8x2048xf32, #tpu.memory_space<hbm>>
        %dma_wait3A_357 = tpu.memref_squeeze %dma_wait3A_356 : memref<1x8x2048xf32, #tpu.memory_space<hbm>> -> memref<8x2048xf32, #tpu.memory_space<hbm>>
        tpu.wait_dma2 semaphore(%dma_wait3A_352 : memref<!tpu.dma_semaphore, #tpu.memory_space<semaphore_mem>>) src(%arg9 : memref<8x2048xf32, #tpu.memory_space<vmem>>) dst(%dma_wait3A_357 : memref<8x2048xf32, #tpu.memory_space<hbm>>)
      } else {
      }
      %broadcast_in_dim3A_297 = arith.constant 0 : i32
      %broadcast_in_dim3A_298 = vector.broadcast %broadcast_in_dim3A_297 : i32 to vector<16xi32>
      %broadcast_in_dim3A_299 = arith.constant 1 : i32
      %broadcast_in_dim3A_300 = vector.broadcast %broadcast_in_dim3A_299 : i32 to vector<16xi32>
      %broadcast_in_dim3A_301 = arith.constant 2 : i32
      %broadcast_in_dim3A_302 = vector.broadcast %broadcast_in_dim3A_301 : i32 to vector<16xi32>
      %broadcast_in_dim3A_303 = arith.constant 3 : i32
      %broadcast_in_dim3A_304 = vector.broadcast %broadcast_in_dim3A_303 : i32 to vector<16xi32>
      %broadcast_in_dim3A_305 = arith.constant 4 : i32
      %broadcast_in_dim3A_306 = vector.broadcast %broadcast_in_dim3A_305 : i32 to vector<16xi32>
      %broadcast_in_dim3A_307 = arith.constant 5 : i32
      %broadcast_in_dim3A_308 = vector.broadcast %broadcast_in_dim3A_307 : i32 to vector<16xi32>
      %broadcast_in_dim3A_309 = arith.constant 6 : i32
      %broadcast_in_dim3A_310 = vector.broadcast %broadcast_in_dim3A_309 : i32 to vector<16xi32>
      %broadcast_in_dim3A_311 = arith.constant 7 : i32
      %broadcast_in_dim3A_312 = vector.broadcast %broadcast_in_dim3A_311 : i32 to vector<16xi32>
      %parallel_loop3A_313 = arith.constant 0 : i32
      %parallel_loop3A_314 = arith.constant 1024 : i32
      %parallel_loop3A_315 = arith.constant 16 : i32
      scf.for %parallel_loop3A_344 = %parallel_loop3A_313 to %parallel_loop3A_314 step %parallel_loop3A_315  : i32 {
        %parallel_loop3A_345 = arith.constant 0 : i32
        %parallel_loop3A_346 = arith.index_cast %parallel_loop3A_345 : i32 to index
        %parallel_loop3A_347 = arith.index_cast %parallel_loop3A_344 : i32 to index
        %parallel_loop3A_348 = tpu.vector_load %arg7[%parallel_loop3A_346, %parallel_loop3A_347] {strides = array<i32>} : memref<8x1024xi32, #tpu.memory_space<vmem>>, vector<16xi32>,
        %parallel_loop3A_349 = arith.constant 65535 : i32
        %parallel_loop3A_350 = vector.broadcast %parallel_loop3A_349 : i32 to vector<16xi32>
        %parallel_loop3A_351 = arith.andi %parallel_loop3A_348, %parallel_loop3A_350 : vector<16xi32>
        %parallel_loop3A_352 = arith.constant 16 : i32
        %parallel_loop3A_353 = vector.broadcast %parallel_loop3A_352 : i32 to vector<16xi32>
        %parallel_loop3A_354 = arith.shrui %parallel_loop3A_348, %parallel_loop3A_353 : vector<16xi32>
        %parallel_loop3A_355 = tpu.vector_load_idx %arg5[%broadcast_in_dim3A_298, %parallel_loop3A_351] : memref<8x8192xf32, #tpu.memory_space<vmem>>[vector<16xi32>, vector<16xi32>], vector<16xf32>,
        %parallel_loop3A_356 = arith.constant 2 : i32
        %parallel_loop3A_357 = arith.muli %parallel_loop3A_356, %parallel_loop3A_344 : i32
        %parallel_loop3A_358 = arith.constant 0 : i32
        %parallel_loop3A_359 = arith.index_cast %parallel_loop3A_358 : i32 to index
        %parallel_loop3A_360 = arith.index_cast %parallel_loop3A_357 : i32 to index
        %parallel_loop3A_361 = tpu.vector_load %arg9[%parallel_loop3A_359, %parallel_loop3A_360] {strides = array<i32>} : memref<8x2048xf32, #tpu.memory_space<vmem>>, vector<16xf32>,
        tpu.vector_store %arg9[%parallel_loop3A_359, %parallel_loop3A_360], %parallel_loop3A_355 {strides = array<i32>} : memref<8x2048xf32, #tpu.memory_space<vmem>>, vector<16xf32>,
        %parallel_loop3A_362 = tpu.vector_load_idx %arg5[%broadcast_in_dim3A_298, %parallel_loop3A_354] : memref<8x8192xf32, #tpu.memory_space<vmem>>[vector<16xi32>, vector<16xi32>], vector<16xf32>,
        %parallel_loop3A_363 = arith.constant 2 : i32
        %parallel_loop3A_364 = arith.muli %parallel_loop3A_363, %parallel_loop3A_344 : i32
        %parallel_loop3A_365 = arith.constant 16 : i32
        %parallel_loop3A_366 = arith.addi %parallel_loop3A_364, %parallel_loop3A_365 : i32
        %parallel_loop3A_367 = arith.constant 0 : i32
        %parallel_loop3A_368 = arith.index_cast %parallel_loop3A_367 : i32 to index
        %parallel_loop3A_369 = arith.index_cast %parallel_loop3A_366 : i32 to index
        %parallel_loop3A_370 = tpu.vector_load %arg9[%parallel_loop3A_368, %parallel_loop3A_369] {strides = array<i32>} : memref<8x2048xf32, #tpu.memory_space<vmem>>, vector<16xf32>,
        tpu.vector_store %arg9[%parallel_loop3A_368, %parallel_loop3A_369], %parallel_loop3A_362 {strides = array<i32>} : memref<8x2048xf32, #tpu.memory_space<vmem>>, vector<16xf32>,
        %parallel_loop3A_371 = arith.constant 1 : i32
        %parallel_loop3A_372 = arith.index_cast %parallel_loop3A_371 : i32 to index
        %parallel_loop3A_373 = arith.index_cast %parallel_loop3A_344 : i32 to index
        %parallel_loop3A_374 = tpu.vector_load %arg7[%parallel_loop3A_372, %parallel_loop3A_373] {strides = array<i32>} : memref<8x1024xi32, #tpu.memory_space<vmem>>, vector<16xi32>,
        %parallel_loop3A_375 = arith.constant 65535 : i32
        %parallel_loop3A_376 = vector.broadcast %parallel_loop3A_375 : i32 to vector<16xi32>
        %parallel_loop3A_377 = arith.andi %parallel_loop3A_374, %parallel_loop3A_376 : vector<16xi32>
        %parallel_loop3A_378 = arith.constant 16 : i32
        %parallel_loop3A_379 = vector.broadcast %parallel_loop3A_378 : i32 to vector<16xi32>
        %parallel_loop3A_380 = arith.shrui %parallel_loop3A_374, %parallel_loop3A_379 : vector<16xi32>
        %parallel_loop3A_381 = tpu.vector_load_idx %arg5[%broadcast_in_dim3A_300, %parallel_loop3A_377] : memref<8x8192xf32, #tpu.memory_space<vmem>>[vector<16xi32>, vector<16xi32>], vector<16xf32>,
        %parallel_loop3A_382 = arith.constant 2 : i32
        %parallel_loop3A_383 = arith.muli %parallel_loop3A_382, %parallel_loop3A_344 : i32
        %parallel_loop3A_384 = arith.constant 1 : i32
        %parallel_loop3A_385 = arith.index_cast %parallel_loop3A_384 : i32 to index
        %parallel_loop3A_386 = arith.index_cast %parallel_loop3A_383 : i32 to index
        %parallel_loop3A_387 = tpu.vector_load %arg9[%parallel_loop3A_385, %parallel_loop3A_386] {strides = array<i32>} : memref<8x2048xf32, #tpu.memory_space<vmem>>, vector<16xf32>,
        tpu.vector_store %arg9[%parallel_loop3A_385, %parallel_loop3A_386], %parallel_loop3A_381 {strides = array<i32>} : memref<8x2048xf32, #tpu.memory_space<vmem>>, vector<16xf32>,
        %parallel_loop3A_388 = tpu.vector_load_idx %arg5[%broadcast_in_dim3A_300, %parallel_loop3A_380] : memref<8x8192xf32, #tpu.memory_space<vmem>>[vector<16xi32>, vector<16xi32>], vector<16xf32>,
        %parallel_loop3A_389 = arith.constant 2 : i32
        %parallel_loop3A_390 = arith.muli %parallel_loop3A_389, %parallel_loop3A_344 : i32
        %parallel_loop3A_391 = arith.constant 16 : i32
        %parallel_loop3A_392 = arith.addi %parallel_loop3A_390, %parallel_loop3A_391 : i32
        %parallel_loop3A_393 = arith.constant 1 : i32
        %parallel_loop3A_394 = arith.index_cast %parallel_loop3A_393 : i32 to index
        %parallel_loop3A_395 = arith.index_cast %parallel_loop3A_392 : i32 to index
        %parallel_loop3A_396 = tpu.vector_load %arg9[%parallel_loop3A_394, %parallel_loop3A_395] {strides = array<i32>} : memref<8x2048xf32, #tpu.memory_space<vmem>>, vector<16xf32>,
        tpu.vector_store %arg9[%parallel_loop3A_394, %parallel_loop3A_395], %parallel_loop3A_388 {strides = array<i32>} : memref<8x2048xf32, #tpu.memory_space<vmem>>, vector<16xf32>,
        %parallel_loop3A_397 = arith.constant 2 : i32
        %parallel_loop3A_398 = arith.index_cast %parallel_loop3A_397 : i32 to index
        %parallel_loop3A_399 = arith.index_cast %parallel_loop3A_344 : i32 to index
        %parallel_loop3A_400 = tpu.vector_load %arg7[%parallel_loop3A_398, %parallel_loop3A_399] {strides = array<i32>} : memref<8x1024xi32, #tpu.memory_space<vmem>>, vector<16xi32>,
        %parallel_loop3A_401 = arith.constant 65535 : i32
        %parallel_loop3A_402 = vector.broadcast %parallel_loop3A_401 : i32 to vector<16xi32>
        %parallel_loop3A_403 = arith.andi %parallel_loop3A_400, %parallel_loop3A_402 : vector<16xi32>
        %parallel_loop3A_404 = arith.constant 16 : i32
        %parallel_loop3A_405 = vector.broadcast %parallel_loop3A_404 : i32 to vector<16xi32>
        %parallel_loop3A_406 = arith.shrui %parallel_loop3A_400, %parallel_loop3A_405 : vector<16xi32>
        %parallel_loop3A_407 = tpu.vector_load_idx %arg5[%broadcast_in_dim3A_302, %parallel_loop3A_403] : memref<8x8192xf32, #tpu.memory_space<vmem>>[vector<16xi32>, vector<16xi32>], vector<16xf32>,
        %parallel_loop3A_408 = arith.constant 2 : i32
        %parallel_loop3A_409 = arith.muli %parallel_loop3A_408, %parallel_loop3A_344 : i32
        %parallel_loop3A_410 = arith.constant 2 : i32
        %parallel_loop3A_411 = arith.index_cast %parallel_loop3A_410 : i32 to index
        %parallel_loop3A_412 = arith.index_cast %parallel_loop3A_409 : i32 to index
        %parallel_loop3A_413 = tpu.vector_load %arg9[%parallel_loop3A_411, %parallel_loop3A_412] {strides = array<i32>} : memref<8x2048xf32, #tpu.memory_space<vmem>>, vector<16xf32>,
        tpu.vector_store %arg9[%parallel_loop3A_411, %parallel_loop3A_412], %parallel_loop3A_407 {strides = array<i32>} : memref<8x2048xf32, #tpu.memory_space<vmem>>, vector<16xf32>,
        %parallel_loop3A_414 = tpu.vector_load_idx %arg5[%broadcast_in_dim3A_302, %parallel_loop3A_406] : memref<8x8192xf32, #tpu.memory_space<vmem>>[vector<16xi32>, vector<16xi32>], vector<16xf32>,
        %parallel_loop3A_415 = arith.constant 2 : i32
        %parallel_loop3A_416 = arith.muli %parallel_loop3A_415, %parallel_loop3A_344 : i32
        %parallel_loop3A_417 = arith.constant 16 : i32
        %parallel_loop3A_418 = arith.addi %parallel_loop3A_416, %parallel_loop3A_417 : i32
        %parallel_loop3A_419 = arith.constant 2 : i32
        %parallel_loop3A_420 = arith.index_cast %parallel_loop3A_419 : i32 to index
        %parallel_loop3A_421 = arith.index_cast %parallel_loop3A_418 : i32 to index
        %parallel_loop3A_422 = tpu.vector_load %arg9[%parallel_loop3A_420, %parallel_loop3A_421] {strides = array<i32>} : memref<8x2048xf32, #tpu.memory_space<vmem>>, vector<16xf32>,
        tpu.vector_store %arg9[%parallel_loop3A_420, %parallel_loop3A_421], %parallel_loop3A_414 {strides = array<i32>} : memref<8x2048xf32, #tpu.memory_space<vmem>>, vector<16xf32>,
        %parallel_loop3A_423 = arith.constant 3 : i32
        %parallel_loop3A_424 = arith.index_cast %parallel_loop3A_423 : i32 to index
        %parallel_loop3A_425 = arith.index_cast %parallel_loop3A_344 : i32 to index
        %parallel_loop3A_426 = tpu.vector_load %arg7[%parallel_loop3A_424, %parallel_loop3A_425] {strides = array<i32>} : memref<8x1024xi32, #tpu.memory_space<vmem>>, vector<16xi32>,
        %parallel_loop3A_427 = arith.constant 65535 : i32
        %parallel_loop3A_428 = vector.broadcast %parallel_loop3A_427 : i32 to vector<16xi32>
        %parallel_loop3A_429 = arith.andi %parallel_loop3A_426, %parallel_loop3A_428 : vector<16xi32>
        %parallel_loop3A_430 = arith.constant 16 : i32
        %parallel_loop3A_431 = vector.broadcast %parallel_loop3A_430 : i32 to vector<16xi32>
        %parallel_loop3A_432 = arith.shrui %parallel_loop3A_426, %parallel_loop3A_431 : vector<16xi32>
        %parallel_loop3A_433 = tpu.vector_load_idx %arg5[%broadcast_in_dim3A_304, %parallel_loop3A_429] : memref<8x8192xf32, #tpu.memory_space<vmem>>[vector<16xi32>, vector<16xi32>], vector<16xf32>,
        %parallel_loop3A_434 = arith.constant 2 : i32
        %parallel_loop3A_435 = arith.muli %parallel_loop3A_434, %parallel_loop3A_344 : i32
        %parallel_loop3A_436 = arith.constant 3 : i32
        %parallel_loop3A_437 = arith.index_cast %parallel_loop3A_436 : i32 to index
        %parallel_loop3A_438 = arith.index_cast %parallel_loop3A_435 : i32 to index
        %parallel_loop3A_439 = tpu.vector_load %arg9[%parallel_loop3A_437, %parallel_loop3A_438] {strides = array<i32>} : memref<8x2048xf32, #tpu.memory_space<vmem>>, vector<16xf32>,
        tpu.vector_store %arg9[%parallel_loop3A_437, %parallel_loop3A_438], %parallel_loop3A_433 {strides = array<i32>} : memref<8x2048xf32, #tpu.memory_space<vmem>>, vector<16xf32>,
        %parallel_loop3A_440 = tpu.vector_load_idx %arg5[%broadcast_in_dim3A_304, %parallel_loop3A_432] : memref<8x8192xf32, #tpu.memory_space<vmem>>[vector<16xi32>, vector<16xi32>], vector<16xf32>,
        %parallel_loop3A_441 = arith.constant 2 : i32
        %parallel_loop3A_442 = arith.muli %parallel_loop3A_441, %parallel_loop3A_344 : i32
        %parallel_loop3A_443 = arith.constant 16 : i32
        %parallel_loop3A_444 = arith.addi %parallel_loop3A_442, %parallel_loop3A_443 : i32
        %parallel_loop3A_445 = arith.constant 3 : i32
        %parallel_loop3A_446 = arith.index_cast %parallel_loop3A_445 : i32 to index
        %parallel_loop3A_447 = arith.index_cast %parallel_loop3A_444 : i32 to index
        %parallel_loop3A_448 = tpu.vector_load %arg9[%parallel_loop3A_446, %parallel_loop3A_447] {strides = array<i32>} : memref<8x2048xf32, #tpu.memory_space<vmem>>, vector<16xf32>,
        tpu.vector_store %arg9[%parallel_loop3A_446, %parallel_loop3A_447], %parallel_loop3A_440 {strides = array<i32>} : memref<8x2048xf32, #tpu.memory_space<vmem>>, vector<16xf32>,
        %parallel_loop3A_449 = arith.constant 4 : i32
        %parallel_loop3A_450 = arith.index_cast %parallel_loop3A_449 : i32 to index
        %parallel_loop3A_451 = arith.index_cast %parallel_loop3A_344 : i32 to index
        %parallel_loop3A_452 = tpu.vector_load %arg7[%parallel_loop3A_450, %parallel_loop3A_451] {strides = array<i32>} : memref<8x1024xi32, #tpu.memory_space<vmem>>, vector<16xi32>,
        %parallel_loop3A_453 = arith.constant 65535 : i32
        %parallel_loop3A_454 = vector.broadcast %parallel_loop3A_453 : i32 to vector<16xi32>
        %parallel_loop3A_455 = arith.andi %parallel_loop3A_452, %parallel_loop3A_454 : vector<16xi32>
        %parallel_loop3A_456 = arith.constant 16 : i32
        %parallel_loop3A_457 = vector.broadcast %parallel_loop3A_456 : i32 to vector<16xi32>
        %parallel_loop3A_458 = arith.shrui %parallel_loop3A_452, %parallel_loop3A_457 : vector<16xi32>
        %parallel_loop3A_459 = tpu.vector_load_idx %arg5[%broadcast_in_dim3A_306, %parallel_loop3A_455] : memref<8x8192xf32, #tpu.memory_space<vmem>>[vector<16xi32>, vector<16xi32>], vector<16xf32>,
        %parallel_loop3A_460 = arith.constant 2 : i32
        %parallel_loop3A_461 = arith.muli %parallel_loop3A_460, %parallel_loop3A_344 : i32
        %parallel_loop3A_462 = arith.constant 4 : i32
        %parallel_loop3A_463 = arith.index_cast %parallel_loop3A_462 : i32 to index
        %parallel_loop3A_464 = arith.index_cast %parallel_loop3A_461 : i32 to index
        %parallel_loop3A_465 = tpu.vector_load %arg9[%parallel_loop3A_463, %parallel_loop3A_464] {strides = array<i32>} : memref<8x2048xf32, #tpu.memory_space<vmem>>, vector<16xf32>,
        tpu.vector_store %arg9[%parallel_loop3A_463, %parallel_loop3A_464], %parallel_loop3A_459 {strides = array<i32>} : memref<8x2048xf32, #tpu.memory_space<vmem>>, vector<16xf32>,
        %parallel_loop3A_466 = tpu.vector_load_idx %arg5[%broadcast_in_dim3A_306, %parallel_loop3A_458] : memref<8x8192xf32, #tpu.memory_space<vmem>>[vector<16xi32>, vector<16xi32>], vector<16xf32>,
        %parallel_loop3A_467 = arith.constant 2 : i32
        %parallel_loop3A_468 = arith.muli %parallel_loop3A_467, %parallel_loop3A_344 : i32
        %parallel_loop3A_469 = arith.constant 16 : i32
        %parallel_loop3A_470 = arith.addi %parallel_loop3A_468, %parallel_loop3A_469 : i32
        %parallel_loop3A_471 = arith.constant 4 : i32
        %parallel_loop3A_472 = arith.index_cast %parallel_loop3A_471 : i32 to index
        %parallel_loop3A_473 = arith.index_cast %parallel_loop3A_470 : i32 to index
        %parallel_loop3A_474 = tpu.vector_load %arg9[%parallel_loop3A_472, %parallel_loop3A_473] {strides = array<i32>} : memref<8x2048xf32, #tpu.memory_space<vmem>>, vector<16xf32>,
        tpu.vector_store %arg9[%parallel_loop3A_472, %parallel_loop3A_473], %parallel_loop3A_466 {strides = array<i32>} : memref<8x2048xf32, #tpu.memory_space<vmem>>, vector<16xf32>,
        %parallel_loop3A_475 = arith.constant 5 : i32
        %parallel_loop3A_476 = arith.index_cast %parallel_loop3A_475 : i32 to index
        %parallel_loop3A_477 = arith.index_cast %parallel_loop3A_344 : i32 to index
        %parallel_loop3A_478 = tpu.vector_load %arg7[%parallel_loop3A_476, %parallel_loop3A_477] {strides = array<i32>} : memref<8x1024xi32, #tpu.memory_space<vmem>>, vector<16xi32>,
        %parallel_loop3A_479 = arith.constant 65535 : i32
        %parallel_loop3A_480 = vector.broadcast %parallel_loop3A_479 : i32 to vector<16xi32>
        %parallel_loop3A_481 = arith.andi %parallel_loop3A_478, %parallel_loop3A_480 : vector<16xi32>
        %parallel_loop3A_482 = arith.constant 16 : i32
        %parallel_loop3A_483 = vector.broadcast %parallel_loop3A_482 : i32 to vector<16xi32>
        %parallel_loop3A_484 = arith.shrui %parallel_loop3A_478, %parallel_loop3A_483 : vector<16xi32>
        %parallel_loop3A_485 = tpu.vector_load_idx %arg5[%broadcast_in_dim3A_308, %parallel_loop3A_481] : memref<8x8192xf32, #tpu.memory_space<vmem>>[vector<16xi32>, vector<16xi32>], vector<16xf32>,
        %parallel_loop3A_486 = arith.constant 2 : i32
        %parallel_loop3A_487 = arith.muli %parallel_loop3A_486, %parallel_loop3A_344 : i32
        %parallel_loop3A_488 = arith.constant 5 : i32
        %parallel_loop3A_489 = arith.index_cast %parallel_loop3A_488 : i32 to index
        %parallel_loop3A_490 = arith.index_cast %parallel_loop3A_487 : i32 to index
        %parallel_loop3A_491 = tpu.vector_load %arg9[%parallel_loop3A_489, %parallel_loop3A_490] {strides = array<i32>} : memref<8x2048xf32, #tpu.memory_space<vmem>>, vector<16xf32>,
        tpu.vector_store %arg9[%parallel_loop3A_489, %parallel_loop3A_490], %parallel_loop3A_485 {strides = array<i32>} : memref<8x2048xf32, #tpu.memory_space<vmem>>, vector<16xf32>,
        %parallel_loop3A_492 = tpu.vector_load_idx %arg5[%broadcast_in_dim3A_308, %parallel_loop3A_484] : memref<8x8192xf32, #tpu.memory_space<vmem>>[vector<16xi32>, vector<16xi32>], vector<16xf32>,
        %parallel_loop3A_493 = arith.constant 2 : i32
        %parallel_loop3A_494 = arith.muli %parallel_loop3A_493, %parallel_loop3A_344 : i32
        %parallel_loop3A_495 = arith.constant 16 : i32
        %parallel_loop3A_496 = arith.addi %parallel_loop3A_494, %parallel_loop3A_495 : i32
        %parallel_loop3A_497 = arith.constant 5 : i32
        %parallel_loop3A_498 = arith.index_cast %parallel_loop3A_497 : i32 to index
        %parallel_loop3A_499 = arith.index_cast %parallel_loop3A_496 : i32 to index
        %parallel_loop3A_500 = tpu.vector_load %arg9[%parallel_loop3A_498, %parallel_loop3A_499] {strides = array<i32>} : memref<8x2048xf32, #tpu.memory_space<vmem>>, vector<16xf32>,
        tpu.vector_store %arg9[%parallel_loop3A_498, %parallel_loop3A_499], %parallel_loop3A_492 {strides = array<i32>} : memref<8x2048xf32, #tpu.memory_space<vmem>>, vector<16xf32>,
        %parallel_loop3A_501 = arith.constant 6 : i32
        %parallel_loop3A_502 = arith.index_cast %parallel_loop3A_501 : i32 to index
        %parallel_loop3A_503 = arith.index_cast %parallel_loop3A_344 : i32 to index
        %parallel_loop3A_504 = tpu.vector_load %arg7[%parallel_loop3A_502, %parallel_loop3A_503] {strides = array<i32>} : memref<8x1024xi32, #tpu.memory_space<vmem>>, vector<16xi32>,
        %parallel_loop3A_505 = arith.constant 65535 : i32
        %parallel_loop3A_506 = vector.broadcast %parallel_loop3A_505 : i32 to vector<16xi32>
        %parallel_loop3A_507 = arith.andi %parallel_loop3A_504, %parallel_loop3A_506 : vector<16xi32>
        %parallel_loop3A_508 = arith.constant 16 : i32
        %parallel_loop3A_509 = vector.broadcast %parallel_loop3A_508 : i32 to vector<16xi32>
        %parallel_loop3A_510 = arith.shrui %parallel_loop3A_504, %parallel_loop3A_509 : vector<16xi32>
        %parallel_loop3A_511 = tpu.vector_load_idx %arg5[%broadcast_in_dim3A_310, %parallel_loop3A_507] : memref<8x8192xf32, #tpu.memory_space<vmem>>[vector<16xi32>, vector<16xi32>], vector<16xf32>,
        %parallel_loop3A_512 = arith.constant 2 : i32
        %parallel_loop3A_513 = arith.muli %parallel_loop3A_512, %parallel_loop3A_344 : i32
        %parallel_loop3A_514 = arith.constant 6 : i32
        %parallel_loop3A_515 = arith.index_cast %parallel_loop3A_514 : i32 to index
        %parallel_loop3A_516 = arith.index_cast %parallel_loop3A_513 : i32 to index
        %parallel_loop3A_517 = tpu.vector_load %arg9[%parallel_loop3A_515, %parallel_loop3A_516] {strides = array<i32>} : memref<8x2048xf32, #tpu.memory_space<vmem>>, vector<16xf32>,
        tpu.vector_store %arg9[%parallel_loop3A_515, %parallel_loop3A_516], %parallel_loop3A_511 {strides = array<i32>} : memref<8x2048xf32, #tpu.memory_space<vmem>>, vector<16xf32>,
        %parallel_loop3A_518 = tpu.vector_load_idx %arg5[%broadcast_in_dim3A_310, %parallel_loop3A_510] : memref<8x8192xf32, #tpu.memory_space<vmem>>[vector<16xi32>, vector<16xi32>], vector<16xf32>,
        %parallel_loop3A_519 = arith.constant 2 : i32
        %parallel_loop3A_520 = arith.muli %parallel_loop3A_519, %parallel_loop3A_344 : i32
        %parallel_loop3A_521 = arith.constant 16 : i32
        %parallel_loop3A_522 = arith.addi %parallel_loop3A_520, %parallel_loop3A_521 : i32
        %parallel_loop3A_523 = arith.constant 6 : i32
        %parallel_loop3A_524 = arith.index_cast %parallel_loop3A_523 : i32 to index
        %parallel_loop3A_525 = arith.index_cast %parallel_loop3A_522 : i32 to index
        %parallel_loop3A_526 = tpu.vector_load %arg9[%parallel_loop3A_524, %parallel_loop3A_525] {strides = array<i32>} : memref<8x2048xf32, #tpu.memory_space<vmem>>, vector<16xf32>,
        tpu.vector_store %arg9[%parallel_loop3A_524, %parallel_loop3A_525], %parallel_loop3A_518 {strides = array<i32>} : memref<8x2048xf32, #tpu.memory_space<vmem>>, vector<16xf32>,
        %parallel_loop3A_527 = arith.constant 7 : i32
        %parallel_loop3A_528 = arith.index_cast %parallel_loop3A_527 : i32 to index
        %parallel_loop3A_529 = arith.index_cast %parallel_loop3A_344 : i32 to index
        %parallel_loop3A_530 = tpu.vector_load %arg7[%parallel_loop3A_528, %parallel_loop3A_529] {strides = array<i32>} : memref<8x1024xi32, #tpu.memory_space<vmem>>, vector<16xi32>,
        %parallel_loop3A_531 = arith.constant 65535 : i32
        %parallel_loop3A_532 = vector.broadcast %parallel_loop3A_531 : i32 to vector<16xi32>
        %parallel_loop3A_533 = arith.andi %parallel_loop3A_530, %parallel_loop3A_532 : vector<16xi32>
        %parallel_loop3A_534 = arith.constant 16 : i32
        %parallel_loop3A_535 = vector.broadcast %parallel_loop3A_534 : i32 to vector<16xi32>
        %parallel_loop3A_536 = arith.shrui %parallel_loop3A_530, %parallel_loop3A_535 : vector<16xi32>
        %parallel_loop3A_537 = tpu.vector_load_idx %arg5[%broadcast_in_dim3A_312, %parallel_loop3A_533] : memref<8x8192xf32, #tpu.memory_space<vmem>>[vector<16xi32>, vector<16xi32>], vector<16xf32>,
        %parallel_loop3A_538 = arith.constant 2 : i32
        %parallel_loop3A_539 = arith.muli %parallel_loop3A_538, %parallel_loop3A_344 : i32
        %parallel_loop3A_540 = arith.constant 7 : i32
        %parallel_loop3A_541 = arith.index_cast %parallel_loop3A_540 : i32 to index
        %parallel_loop3A_542 = arith.index_cast %parallel_loop3A_539 : i32 to index
        %parallel_loop3A_543 = tpu.vector_load %arg9[%parallel_loop3A_541, %parallel_loop3A_542] {strides = array<i32>} : memref<8x2048xf32, #tpu.memory_space<vmem>>, vector<16xf32>,
        tpu.vector_store %arg9[%parallel_loop3A_541, %parallel_loop3A_542], %parallel_loop3A_537 {strides = array<i32>} : memref<8x2048xf32, #tpu.memory_space<vmem>>, vector<16xf32>,
        %parallel_loop3A_544 = tpu.vector_load_idx %arg5[%broadcast_in_dim3A_312, %parallel_loop3A_536] : memref<8x8192xf32, #tpu.memory_space<vmem>>[vector<16xi32>, vector<16xi32>], vector<16xf32>,
        %parallel_loop3A_545 = arith.constant 2 : i32
        %parallel_loop3A_546 = arith.muli %parallel_loop3A_545, %parallel_loop3A_344 : i32
        %parallel_loop3A_547 = arith.constant 16 : i32
        %parallel_loop3A_548 = arith.addi %parallel_loop3A_546, %parallel_loop3A_547 : i32
        %parallel_loop3A_549 = arith.constant 7 : i32
        %parallel_loop3A_550 = arith.index_cast %parallel_loop3A_549 : i32 to index
        %parallel_loop3A_551 = arith.index_cast %parallel_loop3A_548 : i32 to index
        %parallel_loop3A_552 = tpu.vector_load %arg9[%parallel_loop3A_550, %parallel_loop3A_551] {strides = array<i32>} : memref<8x2048xf32, #tpu.memory_space<vmem>>, vector<16xf32>,
        tpu.vector_store %arg9[%parallel_loop3A_550, %parallel_loop3A_551], %parallel_loop3A_544 {strides = array<i32>} : memref<8x2048xf32, #tpu.memory_space<vmem>>, vector<16xf32>,
      } {sc.loop_unroll_factor = 1 : i64, sc.parallel_access}
      %add3A_316 = arith.constant 2 : i32
      %add3A_317 = arith.addi %add3A_277, %add3A_316 : i32
      %lt3A_318 = arith.constant 64 : i32
      %lt3A_319 = arith.cmpi slt, %add3A_317, %lt3A_318 : i32
      %convert_element_type3A_320 = arith.extui %lt3A_319 : i1 to i32
      %cond3A_321 = arith.constant 0 : i32
      %cond3A_322 = arith.cmpi ne, %convert_element_type3A_320, %cond3A_321 : i32
      scf.if %cond3A_322 {
        %add3A_344 = arith.constant 2 : i32
        %add3A_345 = arith.addi %add3A_277, %add3A_344 : i32
        %jit3A = arith.constant 4 : i32
        %div3A = arith.divsi %add3A_345, %jit3A : i32
        %sign3A = arith.constant 0 : i32
        %sign3A_346 = arith.cmpi sgt, %add3A_345, %sign3A : i32
        %sign3A_347 = arith.extui %sign3A_346 : i1 to i32
        %sign3A_348 = arith.constant 0 : i32
        %sign3A_349 = arith.cmpi slt, %add3A_345, %sign3A_348 : i32
        %sign3A_350 = arith.extui %sign3A_349 : i1 to i32
        %sign3A_351 = arith.subi %sign3A_347, %sign3A_350 : i32
        %sign3A_352 = arith.constant 0 : i32
        %sign3A_353 = arith.cmpi sgt, %jit3A, %sign3A_352 : i32
        %sign3A_354 = arith.extui %sign3A_353 : i1 to i32
        %sign3A_355 = arith.constant 0 : i32
        %sign3A_356 = arith.cmpi slt, %jit3A, %sign3A_355 : i32
        %sign3A_357 = arith.extui %sign3A_356 : i1 to i32
        %sign3A_358 = arith.subi %sign3A_354, %sign3A_357 : i32
        %ne3A = arith.cmpi ne, %sign3A_351, %sign3A_358 : i32
        %rem3A = arith.remsi %add3A_345, %jit3A : i32
        %ne3A_359 = arith.constant 0 : i32
        %ne3A_360 = arith.cmpi ne, %rem3A, %ne3A_359 : i32
        %and3A = arith.andi %ne3A, %ne3A_360 : i1
        %sub3A = arith.constant 1 : i32
        %sub3A_361 = arith.subi %div3A, %sub3A : i32
        %select_n3A = arith.select %and3A, %sub3A_361, %div3A : i32
        %add3A_362 = arith.addi %mul3A_2, %select_n3A : i32
        %jit3A_363 = arith.constant 4 : i32
        %eq3A = arith.constant 0 : i32
        %eq3A_364 = arith.cmpi eq, %jit3A_363, %eq3A : i32
        %jit3A_365 = arith.constant 1 : i32
        %select_n3A_366 = arith.select %eq3A_364, %jit3A_365, %jit3A_363 : i32
        %rem3A_367 = arith.remsi %add3A_345, %select_n3A_366 : i32
        %ne3A_368 = arith.constant 0 : i32
        %ne3A_369 = arith.cmpi ne, %rem3A_367, %ne3A_368 : i32
        %lt3A_370 = arith.constant 0 : i32
        %lt3A_371 = arith.cmpi slt, %rem3A_367, %lt3A_370 : i32
        %lt3A_372 = arith.constant 0 : i32
        %lt3A_373 = arith.cmpi slt, %select_n3A_366, %lt3A_372 : i32
        %ne3A_374 = arith.xori %lt3A_371, %lt3A_373 : i1
        %and3A_375 = arith.andi %ne3A_374, %ne3A_369 : i1
        %add3A_376 = arith.addi %rem3A_367, %select_n3A_366 : i32
        %select_n3A_377 = arith.select %and3A_375, %add3A_376, %rem3A_367 : i32
        %mul3A_378 = arith.constant 1024 : i32
        %mul3A_379 = arith.muli %select_n3A_377, %mul3A_378 : i32
        %dma_start3A_380 = arith.constant 1 : i32
        %dma_start3A_381 = tpu.memref_reshape %arg3 : memref<4096x4096xi32, #tpu.memory_space<hbm>> -> memref<512x8x4096xi32, #tpu.memory_space<hbm>>
        %dma_start3A_382 = arith.constant 0 : i32
        %dma_start3A_383 = tpu.memref_slice %dma_start3A_381[%add3A_362, %dma_start3A_382, %mul3A_379] : memref<512x8x4096xi32, #tpu.memory_space<hbm>> -> memref<1x8x1024xi32, #tpu.memory_space<hbm>>
        %dma_start3A_384 = tpu.memref_squeeze %dma_start3A_383 : memref<1x8x1024xi32, #tpu.memory_space<hbm>> -> memref<8x1024xi32, #tpu.memory_space<hbm>>
        %dma_start3A_385 = tpu.memref_slice %arg11[%dma_start3A_380] : memref<2x!tpu.dma_semaphore, #tpu.memory_space<semaphore_mem>> -> memref<1x!tpu.dma_semaphore, #tpu.memory_space<semaphore_mem>>
        %dma_start3A_386 = tpu.memref_squeeze %dma_start3A_385 : memref<1x!tpu.dma_semaphore, #tpu.memory_space<semaphore_mem>> -> memref<!tpu.dma_semaphore, #tpu.memory_space<semaphore_mem>>
        %dma_start3A_387 = tpu.memref_reshape %arg3 : memref<4096x4096xi32, #tpu.memory_space<hbm>> -> memref<512x8x4096xi32, #tpu.memory_space<hbm>>
        %dma_start3A_388 = arith.constant 0 : i32
        %dma_start3A_389 = tpu.memref_slice %dma_start3A_387[%add3A_362, %dma_start3A_388, %mul3A_379] : memref<512x8x4096xi32, #tpu.memory_space<hbm>> -> memref<1x8x1024xi32, #tpu.memory_space<hbm>>
        %dma_start3A_390 = tpu.memref_squeeze %dma_start3A_389 : memref<1x8x1024xi32, #tpu.memory_space<hbm>> -> memref<8x1024xi32, #tpu.memory_space<hbm>>
        tpu.enqueue_dma source(%dma_start3A_390 : memref<8x1024xi32, #tpu.memory_space<hbm>>) target(%arg7 : memref<8x1024xi32, #tpu.memory_space<vmem>>) target_semaphore(%dma_start3A_386 : memref<!tpu.dma_semaphore, #tpu.memory_space<semaphore_mem>>)
      } else {
      }
      %add3A_323 = arith.addi %mul3A_2, %add3A_79 : i32
      %dma_start3A_324 = arith.constant 1 : i32
      %dma_start3A_325 = tpu.memref_reshape %arg4 : memref<4096x8192xf32, #tpu.memory_space<hbm>> -> memref<512x8x8192xf32, #tpu.memory_space<hbm>>
      %dma_start3A_326 = arith.constant 0 : i32
      %dma_start3A_327 = arith.constant 6144 : i32
      %dma_start3A_328 = tpu.memref_slice %dma_start3A_325[%add3A_323, %dma_start3A_326, %dma_start3A_327] : memref<512x8x8192xf32, #tpu.memory_space<hbm>> -> memref<1x8x2048xf32, #tpu.memory_space<hbm>>
      %dma_start3A_329 = tpu.memref_squeeze %dma_start3A_328 : memref<1x8x2048xf32, #tpu.memory_space<hbm>> -> memref<8x2048xf32, #tpu.memory_space<hbm>>
      %dma_start3A_330 = tpu.memref_slice %arg12[%dma_start3A_324] : memref<2x!tpu.dma_semaphore, #tpu.memory_space<semaphore_mem>> -> memref<1x!tpu.dma_semaphore, #tpu.memory_space<semaphore_mem>>
      %dma_start3A_331 = tpu.memref_squeeze %dma_start3A_330 : memref<1x!tpu.dma_semaphore, #tpu.memory_space<semaphore_mem>> -> memref<!tpu.dma_semaphore, #tpu.memory_space<semaphore_mem>>
      %dma_start3A_332 = tpu.memref_reshape %arg4 : memref<4096x8192xf32, #tpu.memory_space<hbm>> -> memref<512x8x8192xf32, #tpu.memory_space<hbm>>
      %dma_start3A_333 = arith.constant 0 : i32
      %dma_start3A_334 = arith.constant 6144 : i32
      %dma_start3A_335 = tpu.memref_slice %dma_start3A_332[%add3A_323, %dma_start3A_333, %dma_start3A_334] : memref<512x8x8192xf32, #tpu.memory_space<hbm>> -> memref<1x8x2048xf32, #tpu.memory_space<hbm>>
      %dma_start3A_336 = tpu.memref_squeeze %dma_start3A_335 : memref<1x8x2048xf32, #tpu.memory_space<hbm>> -> memref<8x2048xf32, #tpu.memory_space<hbm>>
      tpu.enqueue_dma source(%arg9 : memref<8x2048xf32, #tpu.memory_space<vmem>>) target(%dma_start3A_336 : memref<8x2048xf32, #tpu.memory_space<hbm>>) target_semaphore(%dma_start3A_331 : memref<!tpu.dma_semaphore, #tpu.memory_space<semaphore_mem>>)
      %add3A_337 = arith.constant 1 : i32
      %add3A_338 = arith.addi %add3A_79, %add3A_337 : i32
      %lt3A_339 = arith.constant 16 : i32
      %lt3A_340 = arith.cmpi slt, %add3A_338, %lt3A_339 : i32
      %convert_element_type3A_341 = arith.extui %lt3A_340 : i1 to i32
      %cond3A_342 = arith.constant 0 : i32
      %cond3A_343 = arith.cmpi ne, %convert_element_type3A_341, %cond3A_342 : i32
      scf.if %cond3A_343 {
        %add3A_344 = arith.constant 1 : i32
        %add3A_345 = arith.addi %add3A_79, %add3A_344 : i32
        %add3A_346 = arith.addi %mul3A_2, %add3A_345 : i32
        %dma_start3A_347 = tpu.memref_reshape %arg2 : memref<4096x8192xf32, #tpu.memory_space<hbm>> -> memref<512x8x8192xf32, #tpu.memory_space<hbm>>
        %dma_start3A_348 = arith.constant 0 : i32
        %dma_start3A_349 = arith.constant 0 : i32
        %dma_start3A_350 = tpu.memref_slice %dma_start3A_347[%add3A_346, %dma_start3A_348, %dma_start3A_349] : memref<512x8x8192xf32, #tpu.memory_space<hbm>> -> memref<1x8x8192xf32, #tpu.memory_space<hbm>>
        %dma_start3A_351 = tpu.memref_squeeze %dma_start3A_350 : memref<1x8x8192xf32, #tpu.memory_space<hbm>> -> memref<8x8192xf32, #tpu.memory_space<hbm>>
        %dma_start3A_352 = tpu.memref_reshape %arg2 : memref<4096x8192xf32, #tpu.memory_space<hbm>> -> memref<512x8x8192xf32, #tpu.memory_space<hbm>>
        %dma_start3A_353 = arith.constant 0 : i32
        %dma_start3A_354 = arith.constant 0 : i32
        %dma_start3A_355 = tpu.memref_slice %dma_start3A_352[%add3A_346, %dma_start3A_353, %dma_start3A_354] : memref<512x8x8192xf32, #tpu.memory_space<hbm>> -> memref<1x8x8192xf32, #tpu.memory_space<hbm>>
        %dma_start3A_356 = tpu.memref_squeeze %dma_start3A_355 : memref<1x8x8192xf32, #tpu.memory_space<hbm>> -> memref<8x8192xf32, #tpu.memory_space<hbm>>
        tpu.enqueue_dma source(%dma_start3A_356 : memref<8x8192xf32, #tpu.memory_space<hbm>>) target(%arg5 : memref<8x8192xf32, #tpu.memory_space<vmem>>) target_semaphore(%arg10 : memref<!tpu.dma_semaphore, #tpu.memory_space<semaphore_mem>>)
      } else {
      }
    }
    %scan3A_47 = arith.constant 16 : i32
    %dma_wait3A = arith.constant 0 : i32
    %dma_wait3A_48 = arith.constant 0 : i32
    %dma_wait3A_49 = tpu.memref_reshape %arg4 : memref<4096x8192xf32, #tpu.memory_space<hbm>> -> memref<512x8x8192xf32, #tpu.memory_space<hbm>>
    %dma_wait3A_50 = arith.constant 0 : i32
    %dma_wait3A_51 = arith.constant 0 : i32
    %dma_wait3A_52 = tpu.memref_slice %dma_wait3A_49[%dma_wait3A, %dma_wait3A_50, %dma_wait3A_51] : memref<512x8x8192xf32, #tpu.memory_space<hbm>> -> memref<1x8x2048xf32, #tpu.memory_space<hbm>>
    %dma_wait3A_53 = tpu.memref_squeeze %dma_wait3A_52 : memref<1x8x2048xf32, #tpu.memory_space<hbm>> -> memref<8x2048xf32, #tpu.memory_space<hbm>>
    %dma_wait3A_54 = tpu.memref_slice %arg12[%dma_wait3A_48] : memref<2x!tpu.dma_semaphore, #tpu.memory_space<semaphore_mem>> -> memref<1x!tpu.dma_semaphore, #tpu.memory_space<semaphore_mem>>
    %dma_wait3A_55 = tpu.memref_squeeze %dma_wait3A_54 : memref<1x!tpu.dma_semaphore, #tpu.memory_space<semaphore_mem>> -> memref<!tpu.dma_semaphore, #tpu.memory_space<semaphore_mem>>
    %dma_wait3A_56 = tpu.memref_reshape %arg4 : memref<4096x8192xf32, #tpu.memory_space<hbm>> -> memref<512x8x8192xf32, #tpu.memory_space<hbm>>
    %dma_wait3A_57 = arith.constant 0 : i32
    %dma_wait3A_58 = arith.constant 0 : i32
    %dma_wait3A_59 = tpu.memref_slice %dma_wait3A_56[%dma_wait3A, %dma_wait3A_57, %dma_wait3A_58] : memref<512x8x8192xf32, #tpu.memory_space<hbm>> -> memref<1x8x2048xf32, #tpu.memory_space<hbm>>
    %dma_wait3A_60 = tpu.memref_squeeze %dma_wait3A_59 : memref<1x8x2048xf32, #tpu.memory_space<hbm>> -> memref<8x2048xf32, #tpu.memory_space<hbm>>
    tpu.wait_dma2 semaphore(%dma_wait3A_55 : memref<!tpu.dma_semaphore, #tpu.memory_space<semaphore_mem>>) src(%arg8 : memref<8x2048xf32, #tpu.memory_space<vmem>>) dst(%dma_wait3A_60 : memref<8x2048xf32, #tpu.memory_space<hbm>>)
    %dma_wait3A_61 = arith.constant 0 : i32
    %dma_wait3A_62 = arith.constant 1 : i32
    %dma_wait3A_63 = tpu.memref_reshape %arg4 : memref<4096x8192xf32, #tpu.memory_space<hbm>> -> memref<512x8x8192xf32, #tpu.memory_space<hbm>>
    %dma_wait3A_64 = arith.constant 0 : i32
    %dma_wait3A_65 = arith.constant 0 : i32
    %dma_wait3A_66 = tpu.memref_slice %dma_wait3A_63[%dma_wait3A_61, %dma_wait3A_64, %dma_wait3A_65] : memref<512x8x8192xf32, #tpu.memory_space<hbm>> -> memref<1x8x2048xf32, #tpu.memory_space<hbm>>
    %dma_wait3A_67 = tpu.memref_squeeze %dma_wait3A_66 : memref<1x8x2048xf32, #tpu.memory_space<hbm>> -> memref<8x2048xf32, #tpu.memory_space<hbm>>
    %dma_wait3A_68 = tpu.memref_slice %arg12[%dma_wait3A_62] : memref<2x!tpu.dma_semaphore, #tpu.memory_space<semaphore_mem>> -> memref<1x!tpu.dma_semaphore, #tpu.memory_space<semaphore_mem>>
    %dma_wait3A_69 = tpu.memref_squeeze %dma_wait3A_68 : memref<1x!tpu.dma_semaphore, #tpu.memory_space<semaphore_mem>> -> memref<!tpu.dma_semaphore, #tpu.memory_space<semaphore_mem>>
    %dma_wait3A_70 = tpu.memref_reshape %arg4 : memref<4096x8192xf32, #tpu.memory_space<hbm>> -> memref<512x8x8192xf32, #tpu.memory_space<hbm>>
    %dma_wait3A_71 = arith.constant 0 : i32
    %dma_wait3A_72 = arith.constant 0 : i32
    %dma_wait3A_73 = tpu.memref_slice %dma_wait3A_70[%dma_wait3A_61, %dma_wait3A_71, %dma_wait3A_72] : memref<512x8x8192xf32, #tpu.memory_space<hbm>> -> memref<1x8x2048xf32, #tpu.memory_space<hbm>>
    %dma_wait3A_74 = tpu.memref_squeeze %dma_wait3A_73 : memref<1x8x2048xf32, #tpu.memory_space<hbm>> -> memref<8x2048xf32, #tpu.memory_space<hbm>>
    tpu.wait_dma2 semaphore(%dma_wait3A_69 : memref<!tpu.dma_semaphore, #tpu.memory_space<semaphore_mem>>) src(%arg9 : memref<8x2048xf32, #tpu.memory_space<vmem>>) dst(%dma_wait3A_74 : memref<8x2048xf32, #tpu.memory_space<hbm>>)
    return
  }
}

</mosaic_0001>

<sc_bundles>
// kernel: _permute.3.cloned.1.call-start
scs
__scs_entry_jumppad:
0x0: {  	(pc) =	sbr.rel $0x88, $3  }
0x1: {  	(tag) =	ssettag $0x0;
	lr =	simm.s32 $0x1  }
0x2: {  	[smem:$0x3F9F] =	sst lr;
	_ =	strace $0xD0000000  }
0x3: {  	_ = 	snop  }
0x4: {  	_ = 	snop  }
0x5: {  	_ = 	snop  }
0x6: {  	_ = 	snop  }
0x7: {  	_ = 	snop  }
__scs_overlays_trampoline_lowered:
0x8: {  	[smem:$0x3FAE] =	sst s0  }
0x9: {  	[smem:$0x3FAF] =	sst s1  }
0xa: {  	[smem:$0x3FB0] =	sst s2  }
0xb: {  	[smem:$0x3FB1] =	sst s3  }
0xc: {  	[smem:$0x3FB2] =	sst s4  }
0xd: {  	[smem:$0x3FB3] =	sst s5  }
0xe: {  	[smem:$0x3FB4] =	sst s6  }
0xf: {  	[smem:$0x3FB5] =	sst s7  }
0x10: {  	[smem:$0x3FB6] =	sst s8  }
0x11: {  	[smem:$0x3FB7] =	sst s9;
	s0 =	simm.s32 @!p0 $0x0  }
0x12: {  	s1 =	sld [smem:$0x3F9D];
	s0 =	simm.s32 @p0 $0x1  }
0x13: {  	[smem:$0x3FB8] =	sst s0;
	s0 =	simm.s32 @!p1 $0x0  }
0x14: {  	s2 =	sld [smem:$0x3F9C];
	s0 =	simm.s32 @p1 $0x1  }
0x15: {  	[smem:$0x3FB9] =	sst s0;
	s0 =	simm.s32 @!p2 $0x0  }
0x16: {  	s3 =	sld [smem:$0x3FDB];
	s0 =	simm.s32 @p2 $0x1  }
0x17: {  	s4 =	simm.s32 $0x1BF5;
	[smem:$0x3FBB] =	sst s0  }
0x18: {  	s0 =	sld [smem:$0x3F9E];
	_ =	swait.ge [sflag:s4], $0x0  }
0x19: {  	s7 =	sld [smem:$0x3F9F]  }
0x1a: {  	s8 =	sadd.s32 $0xFFFFE003, lr  }
0x1b: {  	s9 =	sadd.s32 $0xFFFFFEF7, lr;
	s5 =	simm.s32 $0xFFFFFFFF;
	p2 =	slt.u32 s8, $0xFFFFF086  }
0x1c: {  	p1 =	slt.u32 s9, $0xF7A;
	s5 =	simm.s32 @!p2 $0x0  }
0x1d: {  	s5 =	simm.s32 @p1 $0x1;
	p0 =	seq.s32 s7, s2  }
0x1e: {  	s7 =	smul.u32 @!p0 $0xF7A, s2;
	p2 =	seq.s32 @!p0 s5, $0x0  }
0x1f: {  	s9 =	smul.u32 $0xF7A, s1;
	s8 =	simm.s32 @!p0 $0x1BF5;
	p2 =	por !p2, p0  }
0x20: {  	[sflag:s8] =	ssyncset.s32 @!p0 $0xFFFFF086;
	s6 =	sadd.s32 @!p0 s3, s7;
	s7 =	simm.s32 @!p0 $0x108  }
0x21: {  	s3 =	sadd.s32 s3, s9;
	s6 =	sadd.s32 @!p0 $0x88, s6;
	s7 =	simm.s32 @p2 $0x1082  }
0x22: {  	[simem:s7], [sflag:s8] =	dma.local @!p0 [hbm:s6], $0xF7A  }
0x23: {  	s9 =	sor.u32 $0xD0000000, s2;
	s6 =	simm.s32 $0x108;
	_ =	swait.ge @!p0 [sflag:s8], $0x0  }
0x24: {  	s3 =	sadd.s32 $0x88, s3;
	s6 =	simm.s32 @!p1 $0x1082;
	[sflag:s4] =	ssyncset.s32 $0xFFFFF086  }
0x25: {  	[simem:s6], [sflag:s4] =	dma.local [hbm:s3], $0xF7A  }
0x26: {  	[smem:$0x3F9F] =	sst s1;
	(tag) =	ssettag s2;
	_ =	strace s9  }
0x27: {  	s1 =	sld [smem:$0x3FAF]  }
0x28: {  	s2 =	sld [smem:$0x3FB0]  }
0x29: {  	s4 =	sld [smem:$0x3FB2]  }
0x2a: {  	p0 =	seq.s32 s5, $0x0;
	s5 =	sld [smem:$0x3FB3]  }
0x2b: {  	s6 =	sld [smem:$0x3FB4]  }
0x2c: {  	s7 =	sld [smem:$0x3FB5]  }
0x2d: {  	s3 =	simm.s32 $0x108;
	s8 =	sld [smem:$0x3FB6]  }
0x2e: {  	s3 =	simm.s32 @!p0 $0x1082;
	s9 =	sld [smem:$0x3FB7]  }
0x2f: {  	lr =	sadd.s32 s0, s3;
	s0 =	sld [smem:$0x3FAE]  }
0x30: {  	s3 =	sld [smem:$0x3FB1]  }
0x31: {  	[smem:$0x3FBA] =	sst s10  }
0x32: {  	s10 =	sld [smem:$0x3FB8];
	_ =	sdelay $0x3  }
0x33: {  	p0 =	seq.s32 s10, $0x1;
	s10 =	sld [smem:$0x3FBA];
	_ =	sdelay $0x3  }
0x34: {  	[smem:$0x3FBA] =	sst s10  }
0x35: {  	s10 =	sld [smem:$0x3FB9];
	_ =	sdelay $0x3  }
0x36: {  	p1 =	seq.s32 s10, $0x1;
	s10 =	sld [smem:$0x3FBA];
	_ =	sdelay $0x3  }
0x37: {  	[smem:$0x3FBA] =	sst s10  }
0x38: {  	s10 =	sld [smem:$0x3FBB]  }
0x39: {  	_ = 	snop;
	(pc) =	sbr.ind lr, $3  }
0x3a: {  	_ = 	snop  }
0x3b: {  	_ = 	snop  }
0x3c: {  	p2 =	seq.s32 s10, $0x1;
	s10 =	sld [smem:$0x3FBA]  }
0x3d: {  	_ =	shalt  }
0x3e: {  	_ =	shalt  }
0x3f: {  	_ =	shalt  }
0x40: {  	_ =	shalt  }
0x41: {  	_ =	shalt  }
0x42: {  	_ =	shalt  }
0x43: {  	_ =	shalt  }
0x44: {  	_ =	shalt  }
0x45: {  	_ =	shalt  }
0x46: {  	_ =	shalt  }
0x47: {  	_ =	shalt  }
0x48: {  	_ =	shalt  }
0x49: {  	_ =	shalt  }
0x4a: {  	_ =	shalt  }
0x4b: {  	_ =	shalt  }
0x4c: {  	_ =	shalt  }
0x4d: {  	_ =	shalt  }
0x4e: {  	_ =	shalt  }
0x4f: {  	_ =	shalt  }
0x50: {  	_ =	shalt  }
0x51: {  	_ =	shalt  }
0x52: {  	_ =	shalt  }
0x53: {  	_ =	shalt  }
0x54: {  	_ =	shalt  }
0x55: {  	_ =	shalt  }
0x56: {  	_ =	shalt  }
0x57: {  	_ =	shalt  }
0x58: {  	_ =	shalt  }
0x59: {  	_ =	shalt  }
0x5a: {  	_ =	shalt  }
0x5b: {  	_ =	shalt  }
0x5c: {  	_ =	shalt  }
0x5d: {  	_ =	shalt  }
0x5e: {  	_ =	shalt  }
0x5f: {  	_ =	shalt  }
0x60: {  	_ =	shalt  }
0x61: {  	_ =	shalt  }
0x62: {  	_ =	shalt  }
0x63: {  	_ =	shalt  }
0x64: {  	_ =	shalt  }
0x65: {  	_ =	shalt  }
0x66: {  	_ =	shalt  }
0x67: {  	_ =	shalt  }
0x68: {  	_ =	shalt  }
0x69: {  	_ =	shalt  }
0x6a: {  	_ =	shalt  }
0x6b: {  	_ =	shalt  }
0x6c: {  	_ =	shalt  }
0x6d: {  	_ =	shalt  }
0x6e: {  	_ =	shalt  }
0x6f: {  	_ =	shalt  }
0x70: {  	_ =	shalt  }
0x71: {  	_ =	shalt  }
0x72: {  	_ =	shalt  }
0x73: {  	_ =	shalt  }
0x74: {  	_ =	shalt  }
0x75: {  	_ =	shalt  }
0x76: {  	_ =	shalt  }
0x77: {  	_ =	shalt  }
0x78: {  	_ =	shalt  }
0x79: {  	_ =	shalt  }
0x7a: {  	_ =	shalt  }
0x7b: {  	_ =	shalt  }
0x7c: {  	_ =	shalt  }
0x7d: {  	_ =	shalt  }
0x7e: {  	_ =	shalt  }
0x7f: {  	_ =	shalt  }
0x80: {  	_ =	shalt  }
0x81: {  	_ =	shalt  }
0x82: {  	_ =	shalt  }
0x83: {  	_ =	shalt  }
0x84: {  	_ =	shalt  }
0x85: {  	_ =	shalt  }
0x86: {  	_ =	shalt  }
0x87: {  	_ =	shalt  }
.Lfunc_end0:
.L_simem_size_0:
called_computation_lowered:
.L_overlay_start_0:
0x88: {  	s2 =	sld [smem:$0x3FD9]  }
0x89: {  	s3 =	sld [smem:$0x3FFE];
	_ =	sdelay $0x1  }
0x8a: {  	s1 =	srdreg.scid  }
0x8b: {  	s0 =	sand.u32 $0x1, s1  }
0x8c: {  	s18 =	sshll.u32 s0, $0xA;
	s2 =	sadd.s32 s3, s2  }
0x8d: {  	s2 =	sadd.s32 s2, s18  }
0x8e: {  	[smem:$0x3FC6] =	sst s2  }
0x8f: {  	_ = 	snop  }
0x90: {  	s2 =	sld [smem:$0x3FC9]  }
0x91: {  	s19 =	sld [smem:$0x3FC8]  }
0x92: {  	s4 =	sld [smem:$0x3FD0];
	(tm) =	ssettm $0x1  }
0x93: {  	s5 =	sld [smem:$0x3FFB];
	_ =	sdelay $0x3  }
0x94: {  	_ =	strace s5  }
0x95: {  	s5 =	sld [smem:$0x3FFC];
	_ =	sdelay $0x3  }
0x96: {  	_ =	strace s5  }
0x97: {  	s5 =	sld [smem:$0x3FFD];
	_ =	sdelay $0x3  }
0x98: {  	_ =	strace s5  }
0x99: {  	_ =	strace $0x8FFFFFFF  }
0x9a: {  	s20 =	sld [smem:$0x3FDB];
	_ =	sdelay $0x1  }
0x9b: {  	s6 =	simm.s32 $_scs_section_size  }
0x9c: {  	s7 =	simm.s32 $_size__tile_overlayer_lowered;
	s8 =	simm.s32 $_tile_overlayer_lowered  }
0x9d: {  	s23 =	simm.s32 $0x1BFF;
	s22 =	sshll.u32 s8, $0x1;
	s5 =	sadd.s32 s6, s20  }
0x9e: {  	s9 =	simm.s32 $0x0;
	s21 =	sshll.u32 s7, $0x1;
	s7 =	sadd.s32 s22, s5  }
0x9f: {  	[timem:s9], [sflag:s23] =	dma.local [hbm:s7], s21  }
0xa0: {  	_ =	swait.ge [sflag:s23], s21  }
0xa1: {  	s6 =	ssub.s32 $0x0, s21;
	[sflag:s23] =	ssyncset.done $0x0  }
0xa2: {  	[sflag:s23] =	ssyncadd.s32 s6;
	_ =	sdelay $0x1  }
0xa3: {  	s24 =	simm.s32 $0x1B8B  }
0xa4: {  	_ =	swait.ge [sflag:s24], $0x1  }
0xa5: {  	[sflag:s24] =	ssyncset.done $0x0  }
0xa6: {  	s25 =	simm.s32 $0x1B8E;
	[sflag:s24] =	ssyncadd.s32 $0xFFFFFFFF  }
0xa7: {  	s26 =	simm.s32 $execute0_lowered;
	[smem:$0x3FD2] =	sst s25  }
0xa8: {  	s6 =	sshll.u32 s26, $0x1;
	_ =	strace $0x80000046;
	[dreg:$0x1] =	wrdreg $0xFFFFFFFF  }
0xa9: {  	s28 =	simm.s32 $_size_execute0_lowered;
	s5 =	sadd.s32 s5, s6;
	[dreg:$0x0] =	wrdreg $0x0  }
0xaa: {  	s6 =	sshll.u32 s28, $0x1;
	[dreg:$0x2] =	wrdreg s5  }
0xab: {  	[dreg:$0x3] =	wrdreg s6  }
0xac: {  	[dreg:$0x4] =	wrdreg $0xC0  }
0xad: {  	_ =	task [dreg:s9], $0x5FFFF  }
0xae: {  	[dreg:$0x1] =	wrdreg $0xFFFFFFFF  }
0xaf: {  	[dreg:$0x0] =	wrdreg $0x60  }
0xb0: {  	[dreg:$0x2] =	wrdreg s2  }
0xb1: {  	[dreg:$0x3] =	wrdreg s19  }
0xb2: {  	[dreg:$0x4] =	wrdreg s4  }
0xb3: {  	[dreg:$0x5] =	wrdreg $0x9  }
0xb4: {  	_ =	task.clear_ibuf [dreg:s9], $0x6FFFF;
	_ =	strace $0x90000046  }
0xb5: {  	s29 =	simm.s32 $0x9;
	_ =	strace $0x80000048  }
0xb6: {  	_ =	swait.ge [sflag:s29], $0x1  }
0xb7: {  	[sflag:s29] =	ssyncadd.s32 $0xFFFFFFFF  }
0xb8: {  	_ =	strace $0x90000048  }
0xb9: {  	_ =	sfence  }
0xba: {  	s30 =	sld [smem:$0x0];
	_ =	sdelay $0x2  }
0xbb: {  	s31 =	sshll.u32 s1, $0xD;
	s1 =	sshrl.u32 s1, $0x2  }
0xbc: {  	s3 =	sand.u32 $0x4000, s31;
	s1 =	sadd.s32 s1, s30  }
0xbd: {  	s0 =	sor.u32 s3, s0;
	s1 =	sshll.u32 s1, $0x11  }
0xbe: {  	s0 =	sor.u32 s1, s0  }
0xbf: {  	s0 =	sadd.s32 $0x8F2B, s0  }
0xc0: {  	[sflag:s0] =	ssyncadd.remote.s32 $0x1  }
0xc1: {  	_ =	sfence.sel $0xFFFF  }
0xc2: {  	[dreg:$0x0] =	wrdreg $0xFFFFFFFF;
	(pc) =	sbr.abs _section_cstart, $3  }
0xc3: {  	[dreg:$0x1] =	wrdreg $0xFFFFFFFF  }
0xc4: {  	_ =	task.clear_ibuf [dreg:s9], $0x2FFFF;
	_ =	strace $0x9FFFFFFF  }
0xc5: {  	(tm) =	ssettm $0x7FFFFFFF  }
tec
execute0_lowered:
.L_overlay_start_1:
0x0: {  	(tag) =	ssettag $0x1  }
0x1: {  	s4 =	rddreg [dreg:$0x0]  }
0x2: {  	s6 =	rddreg [dreg:$0x1]  }
0x3: {  	s7 =	rddreg [dreg:$0x2]  }
0x4: {  	s1 =	simm.s32 $0x0;
	s0 =	srdreg.scid;
	s2 =	stileid.u32  }
0x5: {  	[smem:$0x7FF] =	sst s1;
	s0 =	sand.u32 $0x1, s0;
	s24 =	sadd.s32 $0x400, s6  }
0x6: {  	s25 =	sadd.s32 $0x800, s6;
	_ =	strace $0x80000047;
	[smem:$0x7F4] =	sst s24  }
0x7: {  	s2 =	sshll.u32 s2, $0x5;
	s26 =	sadd.s32 $0xC00, s6;
	[smem:$0x7F6] =	sst s25  }
0x8: {  	s28 =	sadd.s32 $0x800, s7;
	s30 =	sadd.s32 $0x1000, s7;
	[smem:$0x7F7] =	sst s26  }
0x9: {  	s20 =	ssub.s32 $0x2, s0;
	s0 =	sshll.u32 s0, $0x4;
	[smem:$0x7F8] =	sst s28  }
0xa: {  	s31 =	sadd.s32 $0x1800, s7;
	[smem:$0x7FB] =	sst s30;
	s8 =	sor.u32 s0, s2  }
0xb: {  	[smem:$0x7FC] =	sst s31;
	s3 =	sshrl.u32 s20, $0x1;
	s22 =	sshll.u32 s8, $0xD  }
0xc: {  	s2 =	sshll.u32 s8, $0xC;
	[smem:$0x7F9] =	sst s8;
	s29 =	sor.u32 $0x1, s8  }
.Ltmp0:
0xd: {  	s1 =	sadd.s32 s4, s22;
	[smem:$0x7FA] =	sst s29;
	(pc) =	sbr.rel .LBB2_1-.Ltmp0, $4  }
0xe: {  	s21 =	ssub.s32 s20, s3;
	s23 =	sadd.s32 s6, s2;
	[smem:$0x7F2] =	sst s1  }
0xf: {  	s0 =	smax.u32 s21, $0x1;
	[smem:$0x7F3] =	sst s23  }
0x10: {  	s1 =	sadd.s32 s2, s24;
	[smem:$0x7FD] =	sst s0  }
0x11: {  	s2 =	simm.s32 $0x0;
	[smem:$0x7F5] =	sst s1  }
.LBB2_12:
0x12: {  	s0 =	sld [smem:$0x7FC]  }
0x13: {  	s1 =	sld [smem:$0x7E1];
	_ =	sdelay $0x2  }
0x14: {  	s31 =	simm.s32 $0x18000;
	s0 =	sadd.s32 s1, s0  }
0x15: {  	[hbm4b:s0+s2] =	stream.linear.scatter [tilespmem:s31], [sflag:$0x5], $0x4000, $0x38;
	[tilespmem:$0x1C000] =	vst v63  }
.LBB2_13:
0x16: {  	s0 =	simm.s32 $0x4  }
0x17: {  	_ =	swait.ge [sflag:s0], $0x4000  }
0x18: {  	[sflag:s0] =	ssyncset.done $0x0  }
0x19: {  	s1 =	simm.s32 $0x5;
	[sflag:s0] =	ssyncadd.s32 $0xFFFFC000  }
0x1a: {  	_ =	swait.ge [sflag:s1], $0x4000  }
0x1b: {  	s2 =	sld [smem:$0x7F1]  }
0x1c: {  	s31 =	sld [smem:$0x7FD];
	_ =	sdelay $0x1  }
0x1d: {  	s2 =	sadd.s32 $0x1, s2  }
0x1e: {  	p0 =	sne.s32 s2, s31  }
.Ltmp1:
0x1f: {  	_ = 	snop;
	(pc) =	sbr.rel @!p0 .LBB2_14-.Ltmp1, $3  }
0x20: {  	_ =	sdelay $0x1  }
0x21: {  	[sflag:s1] =	ssyncset.done $0x0  }
0x22: {  	[sflag:s1] =	ssyncadd.s32 $0xFFFFC000  }
.LBB2_1:
0x23: {  	s0 =	sld [smem:$0x7F2];
	_ =	sdelay $0x1  }
0x24: {  	s28 =	simm.s32 $0x0;
	s29 =	sld [smem:$0x7F3]  }
0x25: {  	[tilespmem:s28], [sflag:$0x1] =	stream.linear.gather [hbm4b:s0+s28], $0x10000, $0x38;
	[tilespmem:$0x1C000] =	vst v63  }
0x26: {  	s1 =	simm.s32 $0x10000;
	s30 =	sld [smem:$0x7F5]  }
0x27: {  	[tilespmem:s1], [sflag:$0x2] =	stream.linear.gather [hbm4b:s29+s28], $0x2000, $0x38;
	[tilespmem:$0x1C000] =	vst v63  }
0x28: {  	[smem:$0x7F1] =	sst s2;
	s31 =	simm.s32 $0x12000;
	s2 =	simm.s32 $0x0  }
0x29: {  	[tilespmem:s31], [sflag:$0x3] =	stream.linear.gather [hbm4b:s30+s28], $0x2000, $0x38;
	[tilespmem:$0x1C000] =	vst v63  }
.LBB2_2:
0x2a: {  	s0 =	simm.s32 $0x1  }
0x2b: {  	_ =	swait.ge [sflag:s0], $0x10000  }
0x2c: {  	[sflag:s0] =	ssyncset.done $0x0  }
0x2d: {  	s10 =	simm.s32 $0x2;
	[sflag:s0] =	ssyncadd.s32 $0xFFFF0000  }
0x2e: {  	_ =	swait.ge [sflag:s10], $0x2000  }
0x2f: {  	p0 =	seq.s32 s2, $0x0;
	[sflag:s10] =	ssyncset.done $0x0  }
0x30: {  	s0 =	simm.s32 @!p0 $0x4;
	[smem:$0x7EA] =	sst s2;
	[sflag:s10] =	ssyncadd.s32 $0xFFFFE000  }
0x31: {  	s15 =	simm.s32 $0x0;
	s8 =	simm.s32 $0x0;
	_ =	swait.ge @!p0 [sflag:s0], $0x4000  }
0x32: {  	s1 =	sand.u32 $0x70, s8;
	s11 =	sand.u32 $0x1C00, s15;
	[sflag:s0] =	ssyncset.done @!p0 $0x0  }
0x33: {  	s1 =	sor.u32 s1, s11;
	[sflag:s0] =	ssyncadd.s32 @!p0 $0xFFFFC000  }
0x34: {  	v0 =	vld [tilespmem:s1+$0x10000];
	_ =	sdelay $0x4  }
0x35: {  	v1 =	vshll.u32 v0, $0x3  }
0x36: {  	v2 =	vand.u32 $0x7F, v0;
	v1 =	vand.u32 $0x7FC00, v1  }
0x37: {  	v1 =	vor.u32 v2, v1;
	_ =	sdelay $0x3  }
0x38: {  	s5 =	simm.s32 $0x0;
	v2 =	vshrl.u32 v0, $0x10;
	v0 =	vshrl.u32 v0, $0xD  }
0x39: {  	v2 =	vand.u32 $0x7F, v2;
	v0 =	vand.u32 $0x7FC00, v0;
	v1 =	vld.idx.msk [tilespmem:v1+s5+$0x0], $0xffff  }
0x3a: {  	v0 =	vor.u32 v2, v0;
	_ =	sdelay $0x1  }
0x3b: {  	s12 =	sand.u32 $0x60, s15;
	s13 =	sand.u32 $0x3C00, s15  }
0x3c: {  	s6 =	sor.u32 s12, s13  }
0x3d: {  	[tilespmem:s6+$0x14000] =	vst v1  }
0x3e: {  	v0 =	vld.idx.msk [tilespmem:v0+s5+$0x0], $0xffff;
	_ =	sdelay $0x4  }
0x3f: {  	[tilespmem:s6+$0x14010] =	vst v0  }
0x40: {  	v0 =	vld [tilespmem:s1+$0x10080];
	_ =	sdelay $0x1  }
0x41: {  	s14 =	simm.s32 $0x10;
	s24 =	simm.s32 $0x80  }
0x42: {  	s16 =	simm.s32 $0x10;
	s17 =	sand.u32 $0x70, s14;
	s18 =	sand.u32 $0x1C00, s24  }
0x43: {  	s7 =	sor.u32 s17, s18;
	[smem:$0x7EB] =	sst s16  }
0x44: {  	v1 =	vld [tilespmem:s7+$0x10000];
	v2 =	vshll.u32 v0, $0x3  }
0x45: {  	v3 =	vand.u32 $0x7F, v0;
	v2 =	vand.u32 $0x7FC00, v2  }
0x46: {  	v2 =	vor.u32 v2, v3  }
0x47: {  	v2 =	vor.u32 $0x80, v2;
	_ =	sdelay $0x1  }
0x48: {  	v5 =	vshrl.u32 v0, $0x10;
	v3 =	vshll.u32 v1, $0x3  }
0x49: {  	v0 =	vshrl.u32 v0, $0xD;
	v4 =	vand.u32 $0x7F, v1;
	v3 =	vand.u32 $0x7FC00, v3  }
0x4a: {  	v0 =	vand.u32 $0x7FC00, v0;
	v3 =	vor.u32 v4, v3;
	v4 =	vand.u32 $0x7F, v5  }
0x4b: {  	v0 =	vor.u32 v4, v0;
	v2 =	vld.idx.msk [tilespmem:v2+s5+$0x0], $0xffff  }
0x4c: {  	v0 =	vor.u32 $0x80, v0;
	_ =	sdelay $0x1  }
0x4d: {  	v4 =	vshrl.u32 v1, $0x10;
	v1 =	vshrl.u32 v1, $0xD  }
0x4e: {  	v4 =	vand.u32 $0x7F, v4;
	v1 =	vand.u32 $0x7FC00, v1;
	v3 =	vld.idx.msk [tilespmem:v3+s5+$0x0], $0xffff  }
0x4f: {  	v1 =	vor.u32 v4, v1;
	[tilespmem:s6+$0x14080] =	vst v2  }
0x50: {  	s26 =	simm.s32 $0x100;
	s19 =	simm.s32 $0x20;
	v0 =	vld.idx.msk [tilespmem:v0+s5+$0x0], $0xffff  }
0x51: {  	s20 =	sand.u32 $0x3C00, s26;
	s0 =	sand.u32 $0x60, s19  }
0x52: {  	s28 =	sor.u32 s0, s20  }
0x53: {  	[tilespmem:s28+$0x14000] =	vst v3  }
0x54: {  	v1 =	vld.idx.msk [tilespmem:v1+s5+$0x0], $0xffff  }
0x55: {  	s21 =	simm.s32 $0x20;
	[tilespmem:s6+$0x14090] =	vst v0  }
0x56: {  	s3 =	simm.s32 $0x100;
	s22 =	simm.s32 $0x20;
	s25 =	simm.s32 $0x100;
	v0 =	vld [tilespmem:s1+$0x10100]  }
0x57: {  	s23 =	sand.u32 $0x70, s21;
	s4 =	sand.u32 $0x1C00, s3;
	[dreg:$0x16] =	wrdreg s22  }
0x58: {  	s12 =	sor.u32 s23, s4;
	[dreg:$0x19] =	wrdreg s25  }
0x59: {  	v2 =	vld [tilespmem:s12+$0x10000];
	[tilespmem:s28+$0x14010] =	vst v1  }
0x5a: {  	v1 =	vld [tilespmem:s7+$0x10080]  }
0x5b: {  	v3 =	vshll.u32 v0, $0x3  }
0x5c: {  	v4 =	vand.u32 $0x7F, v0;
	v3 =	vand.u32 $0x7FC00, v3  }
0x5d: {  	v3 =	vor.u32 v3, v4  }
0x5e: {  	v4 =	vshll.u32 v2, $0x3;
	v3 =	vor.u32 $0x100, v3  }
0x5f: {  	v5 =	vand.u32 $0x7F, v2;
	v6 =	vshll.u32 v1, $0x3;
	v4 =	vand.u32 $0x7FC00, v4  }
0x60: {  	v6 =	vand.u32 $0x7FC00, v6;
	v4 =	vor.u32 v5, v4;
	v5 =	vand.u32 $0x7F, v1  }
0x61: {  	v5 =	vor.u32 v6, v5;
	v6 =	vshrl.u32 v0, $0x10;
	v0 =	vshrl.u32 v0, $0xD  }
0x62: {  	v6 =	vand.u32 $0x7F, v6;
	v0 =	vand.u32 $0x7FC00, v0  }
0x63: {  	v5 =	vor.u32 $0x80, v5;
	v0 =	vor.u32 v6, v0;
	v3 =	vld.idx.msk [tilespmem:v3+s5+$0x0], $0xffff  }
0x64: {  	v7 =	vshrl.u32 v2, $0x10;
	v2 =	vshrl.u32 v2, $0xD;
	v0 =	vor.u32 $0x100, v0  }
0x65: {  	v2 =	vand.u32 $0x7FC00, v2  }
0x66: {  	v6 =	vand.u32 $0x7F, v7;
	v7 =	vshrl.u32 v1, $0x10;
	v1 =	vshrl.u32 v1, $0xD;
	v4 =	vld.idx.msk [tilespmem:v4+s5+$0x0], $0xffff  }
0x67: {  	s31 =	simm.s32 $0x200;
	s9 =	simm.s32 $0x40;
	v2 =	vor.u32 v6, v2;
	v6 =	vand.u32 $0x7F, v7;
	v1 =	vand.u32 $0x7FC00, v1  }
0x68: {  	s11 =	simm.s32 $0x30;
	s13 =	simm.s32 $0x30;
	s10 =	sand.u32 $0x3C00, s31;
	v1 =	vor.u32 v6, v1;
	v5 =	vld.idx.msk [tilespmem:v5+s5+$0x0], $0xffff;
	[tilespmem:s6+$0x14100] =	vst v3  }
0x69: {  	s0 =	sand.u32 $0x60, s9;
	s16 =	simm.s32 $0x180;
	v1 =	vor.u32 $0x80, v1;
	v0 =	vld.idx.msk [tilespmem:v0+s5+$0x0], $0xffff;
	[dreg:$0x4] =	wrdreg s13  }
0x6a: {  	s9 =	simm.s32 $0x180;
	s4 =	sor.u32 s0, s10;
	[dreg:$0x7] =	wrdreg s16  }
0x6b: {  	s14 =	sand.u32 $0x70, s11;
	s17 =	sand.u32 $0x1C00, s9;
	[tilespmem:s4+$0x14000] =	vst v4  }
0x6c: {  	s3 =	sor.u32 s14, s17;
	v2 =	vld.idx.msk [tilespmem:v2+s5+$0x0], $0xffff  }
0x6d: {  	v3 =	vld [tilespmem:s3+$0x10000];
	[tilespmem:s28+$0x14080] =	vst v5  }
0x6e: {  	v1 =	vld.idx.msk [tilespmem:v1+s5+$0x0], $0xffff;
	_ =	sdelay $0x1  }
0x6f: {  	[tilespmem:s6+$0x14110] =	vst v0  }
0x70: {  	v0 =	vld [tilespmem:s1+$0x10180];
	[tilespmem:s4+$0x14010] =	vst v2  }
0x71: {  	v4 =	vshll.u32 v3, $0x3;
	v2 =	vld [tilespmem:s12+$0x10080]  }
0x72: {  	v5 =	vand.u32 $0x7F, v3;
	v4 =	vand.u32 $0x7FC00, v4;
	[tilespmem:s28+$0x14090] =	vst v1  }
0x73: {  	v1 =	vshrl.u32 v3, $0x10;
	v3 =	vshrl.u32 v3, $0xD;
	v4 =	vor.u32 v5, v4;
	v6 =	vld [tilespmem:s7+$0x10100]  }
0x74: {  	v1 =	vand.u32 $0x7F, v1;
	v3 =	vand.u32 $0x7FC00, v3  }
0x75: {  	v1 =	vor.u32 v1, v3;
	v5 =	vshll.u32 v0, $0x3  }
0x76: {  	v7 =	vand.u32 $0x7F, v0;
	v5 =	vand.u32 $0x7FC00, v5;
	v8 =	vshll.u32 v2, $0x3  }
0x77: {  	v5 =	vor.u32 v5, v7;
	v7 =	vand.u32 $0x7F, v2;
	v8 =	vand.u32 $0x7FC00, v8  }
0x78: {  	v4 =	vld.idx.msk [tilespmem:v4+s5+$0x0], $0xffff;
	v5 =	vor.u32 $0x180, v5;
	v3 =	vor.u32 v8, v7;
	v7 =	vshll.u32 v6, $0x3  }
0x79: {  	v8 =	vand.u32 $0x7F, v6;
	v7 =	vand.u32 $0x7FC00, v7;
	v3 =	vor.u32 $0x80, v3  }
0x7a: {  	s18 =	simm.s32 $0x300;
	s19 =	simm.s32 $0x60;
	v7 =	vor.u32 v7, v8;
	v8 =	vshrl.u32 v0, $0x10;
	v0 =	vshrl.u32 v0, $0xD  }
0x7b: {  	s21 =	sand.u32 $0x3C00, s18;
	s20 =	simm.s32 $0x300;
	s0 =	sand.u32 $0x60, s19;
	v7 =	vor.u32 $0x100, v7;
	v8 =	vand.u32 $0x7F, v8;
	v0 =	vand.u32 $0x7FC00, v0  }
0x7c: {  	s16 =	sor.u32 s0, s21;
	v9 =	vshrl.u32 v2, $0x10;
	v2 =	vshrl.u32 v2, $0xD;
	[dreg:$0x13] =	wrdreg s20;
	v0 =	vor.u32 v8, v0  }
0x7d: {  	v2 =	vand.u32 $0x7FC00, v2;
	[tilespmem:s16+$0x14000] =	vst v4;
	v5 =	vld.idx.msk [tilespmem:v5+s5+$0x0], $0xffff;
	v8 =	vand.u32 $0x7F, v9;
	v0 =	vor.u32 $0x180, v0  }
0x7e: {  	v1 =	vld.idx.msk [tilespmem:v1+s5+$0x0], $0xffff;
	v2 =	vor.u32 v8, v2;
	v8 =	vshrl.u32 v6, $0x10;
	v6 =	vshrl.u32 v6, $0xD  }
0x7f: {  	s25 =	simm.s32 $0x40;
	v3 =	vld.idx.msk [tilespmem:v3+s5+$0x0], $0xffff;
	v4 =	vand.u32 $0x7F, v8;
	v6 =	vand.u32 $0x7FC00, v6  }
0x80: {  	s11 =	simm.s32 $0x200;
	v4 =	vor.u32 v4, v6;
	v6 =	vld.idx.msk [tilespmem:v7+s5+$0x0], $0xffff;
	[dreg:$0xb] =	wrdreg s25  }
0x81: {  	v2 =	vor.u32 $0x80, v2;
	[dreg:$0x9] =	wrdreg s11  }
0x82: {  	s23 =	simm.s32 $0x200;
	s22 =	simm.s32 $0x40;
	[tilespmem:s6+$0x14180] =	vst v5  }
0x83: {  	s10 =	sand.u32 $0x70, s22;
	s13 =	sand.u32 $0x1C00, s23;
	v4 =	vor.u32 $0x100, v4;
	v0 =	vld.idx.msk [tilespmem:v0+s5+$0x0], $0xffff  }
0x84: {  	s19 =	sor.u32 s10, s13  }
0x85: {  	v5 =	vld [tilespmem:s19+$0x10000];
	[tilespmem:s4+$0x14080] =	vst v3  }
0x86: {  	[tilespmem:s16+$0x14010] =	vst v1;
	v1 =	vld.idx.msk [tilespmem:v2+s5+$0x0], $0xffff  }
0x87: {  	v2 =	vld [tilespmem:s3+$0x10080];
	[tilespmem:s28+$0x14100] =	vst v6  }
0x88: {  	v3 =	vld.idx.msk [tilespmem:v4+s5+$0x0], $0xffff;
	[tilespmem:s6+$0x14190] =	vst v0  }
0x89: {  	v6 =	vld [tilespmem:s1+$0x10200]  }
0x8a: {  	v4 =	vshll.u32 v5, $0x3;
	v7 =	vshrl.u32 v5, $0xD;
	v0 =	vshrl.u32 v5, $0x10  }
0x8b: {  	v4 =	vand.u32 $0x7FC00, v4;
	v0 =	vand.u32 $0x7F, v0;
	[tilespmem:s4+$0x14090] =	vst v1;
	v1 =	vand.u32 $0x7F, v5  }
0x8c: {  	v5 =	vld [tilespmem:s12+$0x10100];
	v1 =	vor.u32 v1, v4;
	v4 =	vand.u32 $0x7FC00, v7;
	v7 =	vshll.u32 v2, $0x3  }
0x8d: {  	v0 =	vor.u32 v0, v4;
	[tilespmem:s28+$0x14110] =	vst v3;
	v3 =	vand.u32 $0x7F, v2;
	v7 =	vand.u32 $0x7FC00, v7  }
0x8e: {  	v4 =	vshrl.u32 v2, $0x10;
	v8 =	vld [tilespmem:s7+$0x10180];
	v3 =	vor.u32 v7, v3;
	v9 =	vshll.u32 v6, $0x3  }
0x8f: {  	v7 =	vand.u32 $0x7F, v6;
	v3 =	vor.u32 $0x80, v3;
	v9 =	vand.u32 $0x7FC00, v9  }
0x90: {  	v2 =	vshrl.u32 v2, $0xD;
	v4 =	vand.u32 $0x7F, v4;
	v7 =	vor.u32 v9, v7  }
0x91: {  	v2 =	vand.u32 $0x7FC00, v2;
	v10 =	vshll.u32 v5, $0x3;
	v7 =	vor.u32 $0x200, v7  }
0x92: {  	s18 =	simm.s32 $0x50;
	s14 =	simm.s32 $0x50;
	s17 =	simm.s32 $0x80;
	v2 =	vor.u32 v4, v2;
	v9 =	vand.u32 $0x7F, v5;
	v1 =	vld.idx.msk [tilespmem:v1+s5+$0x0], $0xffff;
	v10 =	vand.u32 $0x7FC00, v10  }
0x93: {  	s22 =	simm.s32 $0x280;
	s0 =	sand.u32 $0x60, s17;
	s21 =	sand.u32 $0x70, s14;
	v2 =	vor.u32 $0x80, v2;
	v4 =	vor.u32 v10, v9;
	v9 =	vshll.u32 v8, $0x3  }
0x94: {  	s10 =	simm.s32 $0x280;
	s20 =	simm.s32 $0x400;
	v10 =	vand.u32 $0x7F, v8;
	v4 =	vor.u32 $0x100, v4;
	v9 =	vand.u32 $0x7FC00, v9;
	v3 =	vld.idx.msk [tilespmem:v3+s5+$0x0], $0xffff;
	[dreg:$0xf] =	wrdreg s18  }
0x95: {  	s23 =	sand.u32 $0x1C00, s10;
	s25 =	sand.u32 $0x3C00, s20;
	[dreg:$0x12] =	wrdreg s22;
	v9 =	vor.u32 v9, v10;
	v10 =	vshrl.u32 v6, $0x10;
	v6 =	vshrl.u32 v6, $0xD  }
0x96: {  	s30 =	sor.u32 s21, s23;
	s14 =	sor.u32 s0, s25;
	v9 =	vor.u32 $0x180, v9;
	v10 =	vand.u32 $0x7F, v10;
	v6 =	vand.u32 $0x7FC00, v6;
	v7 =	vld.idx.msk [tilespmem:v7+s5+$0x0], $0xffff  }
0x97: {  	v11 =	vshrl.u32 v5, $0x10;
	v5 =	vshrl.u32 v5, $0xD;
	[tilespmem:s14+$0x14000] =	vst v1;
	v6 =	vor.u32 v10, v6;
	v10 =	vld [tilespmem:s30+$0x10000]  }
0x98: {  	v11 =	vand.u32 $0x7F, v11;
	v5 =	vand.u32 $0x7FC00, v5;
	v0 =	vld.idx.msk [tilespmem:v0+s5+$0x0], $0xffff;
	v1 =	vor.u32 $0x200, v6  }
0x99: {  	v5 =	vor.u32 v11, v5;
	v6 =	vshrl.u32 v8, $0x10;
	v8 =	vshrl.u32 v8, $0xD;
	v4 =	vld.idx.msk [tilespmem:v4+s5+$0x0], $0xffff;
	[tilespmem:s16+$0x14080] =	vst v3  }
0x9a: {  	v5 =	vor.u32 $0x100, v5;
	v6 =	vand.u32 $0x7F, v6;
	v8 =	vand.u32 $0x7FC00, v8;
	v2 =	vld.idx.msk [tilespmem:v2+s5+$0x0], $0xffff  }
0x9b: {  	v6 =	vor.u32 v6, v8;
	v3 =	vld.idx.msk [tilespmem:v9+s5+$0x0], $0xffff  }
0x9c: {  	v6 =	vor.u32 $0x180, v6;
	[tilespmem:s6+$0x14200] =	vst v7  }
0x9d: {  	[tilespmem:s14+$0x14010] =	vst v0;
	v1 =	vld.idx.msk [tilespmem:v1+s5+$0x0], $0xffff  }
0x9e: {  	v0 =	vld [tilespmem:s19+$0x10080];
	[tilespmem:s4+$0x14100] =	vst v4  }
0x9f: {  	v4 =	vld.idx.msk [tilespmem:v5+s5+$0x0], $0xffff;
	[tilespmem:s16+$0x14090] =	vst v2  }
0xa0: {  	v7 =	vand.u32 $0x7F, v10;
	v5 =	vshll.u32 v10, $0x3;
	[tilespmem:s28+$0x14180] =	vst v3;
	v8 =	vld [tilespmem:s3+$0x10100]  }
0xa1: {  	v3 =	vshrl.u32 v10, $0x10;
	v5 =	vand.u32 $0x7FC00, v5;
	v2 =	vld.idx.msk [tilespmem:v6+s5+$0x0], $0xffff;
	v6 =	vshrl.u32 v10, $0xD  }
0xa2: {  	v3 =	vand.u32 $0x7F, v3;
	[tilespmem:s6+$0x14210] =	vst v1;
	v1 =	vor.u32 v7, v5;
	v5 =	vand.u32 $0x7FC00, v6  }
0xa3: {  	v7 =	vshrl.u32 v0, $0xD;
	v9 =	vshll.u32 v0, $0x3;
	v6 =	vld [tilespmem:s1+$0x10280];
	v3 =	vor.u32 v3, v5  }
0xa4: {  	v5 =	vshrl.u32 v0, $0x10;
	v0 =	vand.u32 $0x7F, v0;
	v9 =	vand.u32 $0x7FC00, v9  }
0xa5: {  	v7 =	vand.u32 $0x7FC00, v7;
	v5 =	vand.u32 $0x7F, v5;
	[tilespmem:s4+$0x14110] =	vst v4;
	v0 =	vor.u32 v9, v0  }
0xa6: {  	v5 =	vor.u32 v5, v7;
	v4 =	vshrl.u32 v8, $0x10;
	v7 =	vld [tilespmem:s12+$0x10180];
	v0 =	vor.u32 $0x80, v0;
	[tilespmem:s28+$0x14190] =	vst v2  }
0xa7: {  	s17 =	simm.s32 $0x300;
	s18 =	simm.s32 $0x60;
	v9 =	vshrl.u32 v8, $0xD;
	v11 =	vshll.u32 v8, $0x3;
	v2 =	vor.u32 $0x80, v5;
	v5 =	vld [tilespmem:s7+$0x10200]  }
0xa8: {  	s13 =	simm.s32 $0x60;
	s22 =	simm.s32 $0x300;
	v8 =	vand.u32 $0x7F, v8;
	v11 =	vand.u32 $0x7FC00, v11;
	v1 =	vld.idx.msk [tilespmem:v1+s5+$0x0], $0xffff;
	[dreg:$0x1d] =	wrdreg s18;
	v10 =	vshll.u32 v6, $0x3  }
0xa9: {  	s11 =	simm.s32 $0xA0;
	s25 =	simm.s32 $0x500;
	v8 =	vor.u32 v11, v8;
	[smem:$0x7EC] =	sst s22;
	v12 =	vand.u32 $0x7F, v6;
	v10 =	vand.u32 $0x7FC00, v10  }
0xaa: {  	s0 =	sand.u32 $0x60, s11;
	s11 =	simm.s32 $0x500;
	[smem:$0x7ED] =	sst s25;
	v8 =	vor.u32 $0x100, v8;
	v10 =	vor.u32 v10, v12  }
0xab: {  	s21 =	sand.u32 $0x70, s13;
	s23 =	sand.u32 $0x1C00, s17;
	s11 =	sand.u32 $0x3C00, s11;
	v4 =	vand.u32 $0x7F, v4;
	v9 =	vand.u32 $0x7FC00, v9;
	v0 =	vld.idx.msk [tilespmem:v0+s5+$0x0], $0xffff;
	v10 =	vor.u32 $0x280, v10  }
0xac: {  	s23 =	sor.u32 s21, s23;
	s0 =	sor.u32 s0, s11;
	v4 =	vor.u32 v4, v9;
	v11 =	vshll.u32 v5, $0x3  }
0xad: {  	s18 =	simm.s32 $0x380;
	v14 =	vld [tilespmem:s23+$0x10000];
	v12 =	vshll.u32 v7, $0x3;
	v13 =	vand.u32 $0x7F, v5;
	[tilespmem:s0+$0x14000] =	vst v1;
	v11 =	vand.u32 $0x7FC00, v11  }
0xae: {  	v4 =	vor.u32 $0x100, v4;
	v12 =	vand.u32 $0x7FC00, v12;
	v3 =	vld.idx.msk [tilespmem:v3+s5+$0x0], $0xffff;
	[smem:$0x7EE] =	sst s18;
	v1 =	vor.u32 v11, v13  }
0xaf: {  	v11 =	vshrl.u32 v6, $0x10;
	v6 =	vshrl.u32 v6, $0xD;
	v8 =	vld.idx.msk [tilespmem:v8+s5+$0x0], $0xffff;
	v13 =	vor.u32 $0x200, v1  }
0xb0: {  	s13 =	simm.s32 $0x380;
	s22 =	simm.s32 $0x70;
	v1 =	vand.u32 $0x7F, v11;
	v6 =	vand.u32 $0x7FC00, v6;
	v11 =	vand.u32 $0x7F, v7;
	[tilespmem:s14+$0x14080] =	vst v0;
	v10 =	vld.idx.msk [tilespmem:v10+s5+$0x0], $0xffff  }
0xb1: {  	s21 =	sand.u32 $0x1C00, s13;
	s17 =	sand.u32 $0x70, s22;
	v0 =	vshrl.u32 v5, $0x10;
	v5 =	vshrl.u32 v5, $0xD;
	v6 =	vor.u32 v1, v6;
	v2 =	vld.idx.msk [tilespmem:v2+s5+$0x0], $0xffff  }
0xb2: {  	s29 =	sor.u32 s17, s21;
	v9 =	vor.u32 v12, v11;
	v0 =	vand.u32 $0x7F, v0;
	v6 =	vor.u32 $0x280, v6  }
0xb3: {  	v1 =	vld [tilespmem:s29+$0x10000];
	v5 =	vand.u32 $0x7FC00, v5;
	v11 =	vshrl.u32 v7, $0x10;
	v9 =	vor.u32 $0x180, v9;
	[tilespmem:s0+$0x14010] =	vst v3  }
0xb4: {  	v0 =	vor.u32 v0, v5;
	v5 =	vand.u32 $0x7F, v11;
	v11 =	vld [tilespmem:s30+$0x10080];
	[tilespmem:s16+$0x14100] =	vst v8  }
0xb5: {  	v7 =	vshrl.u32 v7, $0xD;
	v8 =	vshll.u32 v14, $0x3;
	v3 =	vld.idx.msk [tilespmem:v13+s5+$0x0], $0xffff;
	[tilespmem:s6+$0x14280] =	vst v10  }
0xb6: {  	v0 =	vor.u32 $0x200, v0;
	v4 =	vld.idx.msk [tilespmem:v4+s5+$0x0], $0xffff;
	v8 =	vand.u32 $0x7FC00, v8;
	[tilespmem:s14+$0x14090] =	vst v2;
	v2 =	vand.u32 $0x7F, v14  }
0xb7: {  	v7 =	vand.u32 $0x7FC00, v7;
	v6 =	vld.idx.msk [tilespmem:v6+s5+$0x0], $0xffff;
	v2 =	vor.u32 v2, v8  }
0xb8: {  	v5 =	vor.u32 v5, v7;
	v9 =	vld.idx.msk [tilespmem:v9+s5+$0x0], $0xffff  }
0xb9: {  	v7 =	vshrl.u32 v14, $0x10;
	v5 =	vor.u32 $0x180, v5;
	v10 =	vshrl.u32 v14, $0xD;
	v12 =	vld [tilespmem:s19+$0x10100]  }
0xba: {  	v7 =	vand.u32 $0x7F, v7;
	v10 =	vand.u32 $0x7FC00, v10;
	[tilespmem:s28+$0x14200] =	vst v3  }
0xbb: {  	v8 =	vshll.u32 v11, $0x3;
	v3 =	vor.u32 v7, v10;
	[tilespmem:s16+$0x14110] =	vst v4;
	v0 =	vld.idx.msk [tilespmem:v0+s5+$0x0], $0xffff  }
0xbc: {  	v7 =	vshrl.u32 v11, $0x10;
	v10 =	vshrl.u32 v11, $0xD;
	v8 =	vand.u32 $0x7FC00, v8;
	[tilespmem:s6+$0x14290] =	vst v6;
	v2 =	vld.idx.msk [tilespmem:v2+s5+$0x0], $0xffff  }
0xbd: {  	v4 =	vshrl.u32 v1, $0x10;
	v7 =	vand.u32 $0x7F, v7;
	v6 =	vand.u32 $0x7F, v11;
	[tilespmem:s4+$0x14180] =	vst v9;
	v11 =	vld [tilespmem:s1+$0x10300]  }
0xbe: {  	v9 =	vand.u32 $0x7FC00, v10;
	v10 =	vshrl.u32 v12, $0xD;
	v5 =	vld.idx.msk [tilespmem:v5+s5+$0x0], $0xffff;
	v6 =	vor.u32 v8, v6  }
0xbf: {  	s9 =	simm.s32 $0xC0;
	s25 =	simm.s32 $0x600;
	v7 =	vor.u32 v7, v9;
	v8 =	vld [tilespmem:s3+$0x10180];
	v9 =	vshrl.u32 v12, $0x10;
	v6 =	vor.u32 $0x80, v6  }
0xc0: {  	s10 =	simm.s32 $0x600;
	s11 =	sand.u32 $0x3C00, s25;
	v13 =	vshll.u32 v12, $0x3;
	v10 =	vand.u32 $0x7FC00, v10;
	s1 =	sand.u32 $0x60, s9;
	v9 =	vand.u32 $0x7F, v9;
	[tilespmem:s28+$0x14210] =	vst v0  }
0xc1: {  	s13 =	sor.u32 s1, s11;
	v9 =	vor.u32 v9, v10;
	v0 =	vand.u32 $0x7F, v12;
	v12 =	vand.u32 $0x7FC00, v13;
	v10 =	vld [tilespmem:s7+$0x10280];
	[smem:$0x7EF] =	sst s10  }
0xc2: {  	v7 =	vor.u32 $0x80, v7;
	v0 =	vor.u32 v12, v0;
	v12 =	vshll.u32 v11, $0x3;
	[tilespmem:s13+$0x14000] =	vst v2  }
0xc3: {  	v13 =	vand.u32 $0x7F, v11;
	[tilespmem:s4+$0x14190] =	vst v5;
	v5 =	vor.u32 $0x100, v0;
	v12 =	vand.u32 $0x7FC00, v12;
	v3 =	vld.idx.msk [tilespmem:v3+s5+$0x0], $0xffff  }
0xc4: {  	v9 =	vor.u32 $0x100, v9;
	v14 =	vshrl.u32 v8, $0x10;
	v6 =	vld.idx.msk [tilespmem:v6+s5+$0x0], $0xffff;
	v0 =	vor.u32 v12, v13  }
0xc5: {  	v15 =	vshll.u32 v8, $0x3;
	v17 =	vshrl.u32 v11, $0x10;
	v12 =	vld [tilespmem:s12+$0x10200];
	v2 =	vor.u32 $0x300, v0  }
0xc6: {  	s2 =	simm.s32 $0x80;
	s18 =	simm.s32 $0x400;
	v13 =	vshrl.u32 v8, $0xD;
	v0 =	vand.u32 $0x7F, v8;
	v8 =	vand.u32 $0x7FC00, v15  }
0xc7: {  	s21 =	sand.u32 $0x70, s2;
	s25 =	sand.u32 $0x1C00, s18;
	v11 =	vshrl.u32 v11, $0xD;
	v15 =	vshll.u32 v10, $0x3;
	v0 =	vor.u32 v8, v0  }
0xc8: {  	s6 =	sor.u32 s21, s25;
	v8 =	vand.u32 $0x7F, v10;
	v15 =	vand.u32 $0x7FC00, v15;
	v16 =	vor.u32 $0x180, v0;
	[tilespmem:s13+$0x14010] =	vst v3;
	v3 =	vld.idx.msk [tilespmem:v5+s5+$0x0], $0xffff  }
0xc9: {  	v11 =	vand.u32 $0x7FC00, v11;
	v0 =	vld [tilespmem:s6+$0x10000];
	v8 =	vor.u32 v15, v8;
	v15 =	vand.u32 $0x7F, v17  }
0xca: {  	[tilespmem:s0+$0x14080] =	vst v6;
	v17 =	vshll.u32 v12, $0x3;
	v8 =	vor.u32 $0x280, v8;
	v11 =	vor.u32 v15, v11;
	v2 =	vld.idx.msk [tilespmem:v2+s5+$0x0], $0xffff  }
0xcb: {  	s10 =	sand.u32 $0x3, s15;
	v15 =	vand.u32 $0x7F, v12;
	v7 =	vld.idx.msk [tilespmem:v7+s5+$0x0], $0xffff;
	v17 =	vand.u32 $0x7FC00, v17;
	v5 =	vor.u32 $0x300, v11  }
0xcc: {  	s1 =	smov.u32 s6;
	v13 =	vand.u32 $0x7FC00, v13;
	s6 =	sshll.u32 s10, $0x5;
	v11 =	vand.u32 $0x7F, v14;
	v14 =	vor.u32 v17, v15;
	v15 =	vld [tilespmem:s23+$0x10080]  }
0xcd: {  	v4 =	vand.u32 $0x7F, v4;
	s6 =	sadd.s32 $0x0, s6;
	v6 =	vor.u32 v11, v13;
	v11 =	vor.u32 $0x200, v14;
	v14 =	vld.idx.msk [tilespmem:v16+s5+$0x0], $0xffff;
	[tilespmem:s14+$0x14100] =	vst v3  }
0xce: {  	s11 =	sor.u32 $0x300, s6;
	v13 =	vshrl.u32 v10, $0x10;
	v10 =	vshrl.u32 v10, $0xD;
	v6 =	vor.u32 $0x180, v6;
	v9 =	vld.idx.msk [tilespmem:v9+s5+$0x0], $0xffff  }
0xcf: {  	v13 =	vand.u32 $0x7F, v13;
	[tilespmem:s11+$0x14000] =	vst v2;
	v2 =	vld.idx.msk [tilespmem:v8+s5+$0x0], $0xffff;
	v8 =	vand.u32 $0x7FC00, v10;
	v10 =	vshrl.u32 v12, $0x10  }
0xd0: {  	v12 =	vshrl.u32 v12, $0xD;
	v3 =	vor.u32 v13, v8;
	v8 =	vand.u32 $0x7F, v10;
	v5 =	vld.idx.msk [tilespmem:v5+s5+$0x0], $0xffff  }
0xd1: {  	[tilespmem:s0+$0x14090] =	vst v7;
	v10 =	vand.u32 $0x7FC00, v12;
	v12 =	vshll.u32 v1, $0x3;
	v13 =	vshrl.u32 v1, $0xD  }
0xd2: {  	s17 =	smov.u32 s13;
	s13 =	sadd.s32 $0x10, s6;
	v1 =	vand.u32 $0x7F, v1;
	v3 =	vor.u32 $0x280, v3;
	v11 =	vld.idx.msk [tilespmem:v11+s5+$0x0], $0xffff;
	v7 =	vor.u32 v8, v10;
	[tilespmem:s16+$0x14180] =	vst v14  }
0xd3: {  	v8 =	vand.u32 $0x7FC00, v12;
	v10 =	vld [tilespmem:s30+$0x10100];
	v14 =	vshrl.u32 v15, $0xD;
	v12 =	vor.u32 $0x200, v7;
	[smem:$0x7F0] =	sst s13  }
0xd4: {  	s9 =	sor.u32 $0x300, s13;
	v7 =	vand.u32 $0x7FC00, v13;
	v8 =	vor.u32 v1, v8;
	v14 =	vand.u32 $0x7FC00, v14;
	[tilespmem:s14+$0x14110] =	vst v9  }
0xd5: {  	s8 =	sor.u32 s15, s8;
	v13 =	vor.u32 v4, v7;
	v4 =	vshrl.u32 v15, $0x10;
	v6 =	vld.idx.msk [tilespmem:v6+s5+$0x0], $0xffff;
	[tilespmem:s9+$0x14000] =	vst v5;
	v5 =	vshll.u32 v15, $0x3  }
0xd6: {  	s8 =	sor.u32 $0x380, s8;
	v7 =	vand.u32 $0x7F, v15;
	v4 =	vand.u32 $0x7F, v4;
	v15 =	vld [tilespmem:s19+$0x10180];
	v9 =	vand.u32 $0x7FC00, v5  }
0xd7: {  	[tilespmem:s28+$0x14280] =	vst v2;
	v4 =	vor.u32 v4, v14;
	v1 =	vld [tilespmem:s8+$0x10000];
	v5 =	vshrl.u32 v0, $0x10;
	v2 =	vor.u32 v9, v7  }
0xd8: {  	v3 =	vld.idx.msk [tilespmem:v3+s5+$0x0], $0xffff;
	[tilespmem:s4+$0x14200] =	vst v11;
	v7 =	vor.u32 $0x80, v4;
	v4 =	vshrl.u32 v10, $0x10;
	v9 =	vshrl.u32 v10, $0xD  }
0xd9: {  	v11 =	vld.idx.msk [tilespmem:v12+s5+$0x0], $0xffff;
	v12 =	vshll.u32 v10, $0x3;
	v4 =	vand.u32 $0x7F, v4;
	v9 =	vand.u32 $0x7FC00, v9  }
0xda: {  	v8 =	vld.idx.msk [tilespmem:v8+s5+$0x0], $0xffff;
	v10 =	vand.u32 $0x7F, v10;
	v12 =	vand.u32 $0x7FC00, v12;
	[tilespmem:s16+$0x14190] =	vst v6;
	v4 =	vor.u32 v4, v9  }
0xdb: {  	v14 =	vor.u32 $0x80, v2;
	v2 =	vor.u32 v12, v10;
	v6 =	vor.u32 $0x100, v4;
	v4 =	vld [tilespmem:s3+$0x10200]  }
0xdc: {  	s10 =	simm.s32 $0x700;
	s9 =	simm.s32 $0xE0;
	v10 =	vor.u32 $0x100, v2;
	v2 =	vshrl.u32 v15, $0x10;
	v9 =	vshrl.u32 v15, $0xD  }
0xdd: {  	s25 =	sand.u32 $0x3C00, s10;
	s21 =	sand.u32 $0x60, s9;
	[tilespmem:s28+$0x14290] =	vst v3;
	v3 =	vshll.u32 v15, $0x3;
	v12 =	vand.u32 $0x7F, v2;
	v9 =	vand.u32 $0x7FC00, v9  }
0xde: {  	s28 =	sor.u32 s21, s25;
	v2 =	vld [tilespmem:s7+$0x10300];
	[tilespmem:s4+$0x14210] =	vst v11;
	v11 =	vand.u32 $0x7F, v15;
	v3 =	vand.u32 $0x7FC00, v3;
	v12 =	vor.u32 v12, v9  }
0xdf: {  	v16 =	vshll.u32 v1, $0x3;
	[tilespmem:s28+$0x14000] =	vst v8;
	v8 =	vld [tilespmem:s12+$0x10280];
	v9 =	vor.u32 v3, v11;
	v3 =	vor.u32 $0x180, v12  }
0xe0: {  	s8 =	simm.s32 $0x80;
	s25 =	simm.s32 $0x400;
	v15 =	vld.idx.msk [tilespmem:v13+s5+$0x0], $0xffff;
	v12 =	vand.u32 $0x7F, v1;
	v13 =	vand.u32 $0x7FC00, v16;
	v11 =	vand.u32 $0x7F, v4  }
.LBB2_3:
0xe1: {  	s2 =	sadd.s32 $0x10, s2  }
0xe2: {  	s18 =	sadd.s32 $0x80, s18;
	s5 =	simm.s32 $0x0;
	s11 =	smov.u32 s19  }
0xe3: {  	v12 =	vor.u32 v13, v12;
	s7 =	smov.u32 s12;
	s19 =	smov.u32 s30;
	s30 =	smov.u32 s23;
	v14 =	vld.idx.msk [tilespmem:v14+s5+$0x0], $0xffff  }
0xe4: {  	v17 =	vshll.u32 v2, $0x3;
	s23 =	smov.u32 s29;
	s21 =	sand.u32 $0x70, s2;
	s13 =	sand.u32 $0x1C00, s18;
	v12 =	vor.u32 $0x380, v12  }
0xe5: {  	v13 =	vand.u32 $0x7F, v2;
	v17 =	vand.u32 $0x7FC00, v17;
	s12 =	sor.u32 s21, s13;
	s21 =	smov.u32 s8;
	s8 =	smov.u32 s1  }
0xe6: {  	v16 =	vshll.u32 v4, $0x3;
	v9 =	vor.u32 $0x180, v9;
	v13 =	vor.u32 v17, v13;
	v17 =	vld [tilespmem:s12+$0x10000];
	s1 =	smov.u32 s12;
	s12 =	smov.u32 s4;
	[tilespmem:s28+$0x14010] =	vst v15;
	s4 =	smov.u32 s16  }
0xe7: {  	v16 =	vand.u32 $0x7FC00, v16;
	v13 =	vor.u32 $0x300, v13;
	s16 =	smov.u32 s14;
	s14 =	smov.u32 s0;
	s0 =	smov.u32 s17;
	v18 =	vshll.u32 v8, $0x3;
	v10 =	vld.idx.msk [tilespmem:v10+s5+$0x0], $0xffff  }
0xe8: {  	v11 =	vor.u32 v16, v11;
	v19 =	vand.u32 $0x7F, v8;
	v16 =	vld [tilespmem:s23+$0x10080];
	v18 =	vand.u32 $0x7FC00, v18;
	[tilespmem:s0+$0x14080] =	vst v14  }
0xe9: {  	v11 =	vor.u32 $0x200, v11;
	v15 =	vor.u32 v18, v19;
	v12 =	vld.idx.msk [tilespmem:v12+s5+$0x0], $0xffff  }
0xea: {  	v15 =	vor.u32 $0x280, v15;
	v7 =	vld.idx.msk [tilespmem:v7+s5+$0x0], $0xffff  }
0xeb: {  	v9 =	vld.idx.msk [tilespmem:v9+s5+$0x0], $0xffff  }
0xec: {  	v61 =	vshrl.u32 v1, $0x10;
	v1 =	vshrl.u32 v1, $0xD;
	v13 =	vld.idx.msk [tilespmem:v13+s5+$0x0], $0xffff;
	[tilespmem:s14+$0x14100] =	vst v10  }
0xed: {  	v1 =	vand.u32 $0x7FC00, v1;
	v14 =	vand.u32 $0x7F, v61;
	v6 =	vld.idx.msk [tilespmem:v6+s5+$0x0], $0xffff  }
0xee: {  	s17 =	smov.u32 s28;
	s28 =	sor.u32 $0x380, s6;
	v1 =	vor.u32 v14, v1;
	v11 =	vld.idx.msk [tilespmem:v11+s5+$0x0], $0xffff  }
0xef: {  	v62 =	vshrl.u32 v2, $0x10;
	v2 =	vshrl.u32 v2, $0xD;
	v1 =	vor.u32 $0x380, v1;
	v10 =	vld.idx.msk [tilespmem:v15+s5+$0x0], $0xffff;
	[tilespmem:s28+$0x14000] =	vst v12;
	s28 =	smov.u32 s20;
	s20 =	sld [smem:$0x7ED]  }
0xf0: {  	s15 =	sadd.s32 $0x1, s15;
	v2 =	vand.u32 $0x7FC00, v2;
	v14 =	vand.u32 $0x7F, v62  }
0xf1: {  	s29 =	smov.u32 s31;
	s13 =	sand.u32 $0x3, s15;
	v63 =	vshrl.u32 v8, $0x10;
	v8 =	vshrl.u32 v8, $0xD;
	v2 =	vor.u32 v14, v2  }
0xf2: {  	s13 =	sshll.u32 s13, $0x5;
	v8 =	vand.u32 $0x7FC00, v8;
	v2 =	vor.u32 $0x300, v2;
	s31 =	smov.u32 s20;
	s20 =	sld [smem:$0x7EF]  }
0xf3: {  	s6 =	sadd.s32 s13, s26;
	s13 =	rddreg [dreg:$0x13];
	v14 =	vand.u32 $0x7F, v63;
	v15 =	vshrl.u32 v4, $0x10;
	v4 =	vshrl.u32 v4, $0xD;
	[tilespmem:s0+$0x14090] =	vst v7  }
0xf4: {  	s26 =	smov.u32 s13;
	s13 =	sor.u32 $0x300, s6;
	v8 =	vor.u32 v14, v8;
	v14 =	vand.u32 $0x7F, v15;
	v4 =	vand.u32 $0x7FC00, v4;
	v1 =	vld.idx.msk [tilespmem:v1+s5+$0x0], $0xffff  }
0xf5: {  	v8 =	vor.u32 $0x280, v8;
	v4 =	vor.u32 v14, v4;
	v14 =	vld [tilespmem:s30+$0x10100];
	[tilespmem:s13+$0x14000] =	vst v13;
	s13 =	smov.u32 s20;
	s20 =	smov.u32 s10  }
0xf6: {  	[tilespmem:s16+$0x14180] =	vst v9;
	[smem:$0x7EF] =	sst s20  }
0xf7: {  	v4 =	vor.u32 $0x200, v4;
	v2 =	vld.idx.msk [tilespmem:v2+s5+$0x0], $0xffff;
	s20 =	sld [smem:$0x7F0]  }
0xf8: {  	v3 =	vld.idx.msk [tilespmem:v3+s5+$0x0], $0xffff;
	[tilespmem:s14+$0x14110] =	vst v6  }
0xf9: {  	v12 =	vshll.u32 v0, $0x3;
	[tilespmem:s12+$0x14280] =	vst v10  }
0xfa: {  	v15 =	vshrl.u32 v0, $0xD;
	v7 =	vand.u32 $0x7F, v0;
	v12 =	vand.u32 $0x7FC00, v12;
	v8 =	vld.idx.msk [tilespmem:v8+s5+$0x0], $0xffff;
	[smem:$0x7ED] =	sst s13;
	s13 =	sor.u32 $0x380, s20;
	s20 =	sadd.s32 $0x10, s6  }
0xfb: {  	v7 =	vor.u32 v7, v12;
	v12 =	vand.u32 $0x7FC00, v15;
	v15 =	vld [tilespmem:s19+$0x10180];
	[tilespmem:s4+$0x14200] =	vst v11;
	[smem:$0x7F0] =	sst s20  }
0xfc: {  	v5 =	vand.u32 $0x7F, v5;
	v11 =	vld.idx.msk [tilespmem:v4+s5+$0x0], $0xffff;
	[tilespmem:s13+$0x14000] =	vst v1;
	s13 =	sor.u32 $0x300, s20;
	s20 =	smov.u32 s22;
	s22 =	sld [smem:$0x7EB]  }
0xfd: {  	[dreg:$0x13] =	wrdreg s28;
	v13 =	vshrl.u32 v16, $0xD;
	v9 =	vor.u32 v5, v12;
	v12 =	vshll.u32 v16, $0x3  }
0xfe: {  	s28 =	rddreg [dreg:$0x16];
	v5 =	vshrl.u32 v16, $0x10;
	v6 =	vand.u32 $0x7FC00, v12;
	v10 =	vand.u32 $0x7F, v16  }
0xff: {  	v13 =	vand.u32 $0x7FC00, v13;
	v12 =	vand.u32 $0x7F, v5;
	v6 =	vor.u32 v6, v10;
	s24 =	sor.u32 s24, s22;
	s22 =	smov.u32 s28  }
0x100: {  	v10 =	vor.u32 v12, v13;
	v4 =	vshrl.u32 v14, $0xD;
	v1 =	vshrl.u32 v14, $0x10;
	v12 =	vld.idx.msk [tilespmem:v7+s5+$0x0], $0xffff;
	[tilespmem:s13+$0x14000] =	vst v2;
	[smem:$0x7EB] =	sst s22  }
0x101: {  	v4 =	vand.u32 $0x7FC00, v4;
	v1 =	vand.u32 $0x7F, v1;
	[tilespmem:s16+$0x14190] =	vst v3;
	s13 =	sor.u32 $0x380, s24;
	s22 =	rddreg [dreg:$0x4]  }
0x102: {  	v4 =	vor.u32 v1, v4;
	s28 =	smov.u32 s22;
	v1 =	vld [tilespmem:s13+$0x10000];
	s13 =	rddreg [dreg:$0xf]  }
0x103: {  	[dreg:$0x16] =	wrdreg s28  }
0x104: {  	v7 =	vor.u32 $0x80, v10;
	v10 =	vshll.u32 v14, $0x3;
	s28 =	rddreg [dreg:$0xb]  }
0x105: {  	v2 =	vand.u32 $0x7F, v14;
	v14 =	vor.u32 $0x80, v6;
	v6 =	vor.u32 $0x100, v4;
	v4 =	vld [tilespmem:s11+$0x10200];
	[tilespmem:s12+$0x14290] =	vst v8;
	s12 =	sld [smem:$0x7EC];
	s22 =	smov.u32 s28  }
0x106: {  	[dreg:$0x4] =	wrdreg s22  }
0x107: {  	s24 =	smov.u32 s20;
	s22 =	smov.u32 s13;
	s13 =	rddreg [dreg:$0x1d]  }
0x108: {  	[dreg:$0x1d] =	wrdreg s24  }
0x109: {  	s9 =	sadd.s32 $0x20, s9;
	s10 =	sadd.s32 $0x100, s10;
	[dreg:$0xb] =	wrdreg s22  }
0x10a: {  	s24 =	sand.u32 $0x3C00, s10;
	s22 =	smov.u32 s13;
	s13 =	rddreg [dreg:$0x19]  }
0x10b: {  	v10 =	vand.u32 $0x7FC00, v10;
	[dreg:$0xf] =	wrdreg s22;
	s22 =	smov.u32 s21;
	s21 =	sand.u32 $0x60, s9  }
0x10c: {  	v2 =	vor.u32 v10, v2;
	s28 =	sor.u32 s21, s24;
	s21 =	rddreg [dreg:$0x7]  }
0x10d: {  	v10 =	vor.u32 $0x100, v2;
	v2 =	vld [tilespmem:s7+$0x10300];
	s7 =	smov.u32 s21;
	s21 =	rddreg [dreg:$0x9]  }
0x10e: {  	p1 =	slt.u32 s2, $0x3F0;
	s20 =	smov.u32 s31;
	[tilespmem:s4+$0x14210] =	vst v11;
	[dreg:$0x19] =	wrdreg s7  }
0x10f: {  	v13 =	vshll.u32 v15, $0x3;
	s31 =	smov.u32 s26;
	[tilespmem:s28+$0x14000] =	vst v12;
	s7 =	smov.u32 s21;
	s21 =	rddreg [dreg:$0x12]  }
0x110: {  	v3 =	vshrl.u32 v15, $0x10;
	s26 =	smov.u32 s29;
	s29 =	smov.u32 s8;
	v8 =	vshrl.u32 v15, $0xD;
	v11 =	vand.u32 $0x7F, v15;
	v15 =	vld.idx.msk [tilespmem:v9+s5+$0x0], $0xffff;
	s5 =	sld [smem:$0x7EE]  }
.Ltmp2:
0x111: {  	[dreg:$0x7] =	wrdreg s7;
	s7 =	smov.u32 s21;
	(pc) =	sbr.rel @p1 .LBB2_3-.Ltmp2, $4  }
0x112: {  	v0 =	vmov v17;
	v3 =	vand.u32 $0x7F, v3;
	s8 =	smov.u32 s2;
	v8 =	vand.u32 $0x7FC00, v8;
	s21 =	smov.u32 s12;
	[dreg:$0x9] =	wrdreg s7  }
0x113: {  	v5 =	vshrl.u32 v0, $0x10;
	v3 =	vor.u32 v3, v8;
	s24 =	smov.u32 s13;
	v12 =	vand.u32 $0x7FC00, v13;
	[dreg:$0x12] =	wrdreg s21;
	s21 =	smov.u32 s25  }
0x114: {  	v3 =	vor.u32 $0x180, v3;
	v13 =	vshll.u32 v1, $0x3;
	v9 =	vor.u32 v12, v11;
	s12 =	smov.u32 s3;
	s7 =	smov.u32 s5;
	[smem:$0x7EE] =	sst s21  }
0x115: {  	v8 =	vld [tilespmem:s3+$0x10280];
	v11 =	vand.u32 $0x7F, v4;
	v12 =	vand.u32 $0x7F, v1;
	v13 =	vand.u32 $0x7FC00, v13;
	s3 =	smov.u32 s11;
	s25 =	smov.u32 s18;
	[smem:$0x7EC] =	sst s7  }
0x116: {  	v16 =	vshll.u32 v0, $0x3  }
0x117: {  	v17 =	vand.u32 $0x7F, v0;
	v16 =	vand.u32 $0x7FC00, v16  }
0x118: {  	v16 =	vor.u32 v17, v16;
	_ =	sdelay $0x3  }
0x119: {  	v0 =	vshrl.u32 v0, $0xD;
	s5 =	simm.s32 $0x0  }
0x11a: {  	v5 =	vand.u32 $0x7F, v5;
	v0 =	vand.u32 $0x7FC00, v0;
	v16 =	vld.idx.msk [tilespmem:v16+s5+$0x0], $0xffff  }
0x11b: {  	v0 =	vor.u32 v5, v0  }
0x11c: {  	s2 =	sadd.s32 $0x20, s9;
	s21 =	sadd.s32 $0x100, s10  }
0x11d: {  	s2 =	sand.u32 $0x60, s2;
	s11 =	sand.u32 $0x3C00, s21  }
0x11e: {  	s18 =	sor.u32 s2, s11  }
0x11f: {  	[tilespmem:s18+$0x14000] =	vst v16  }
0x120: {  	v0 =	vld.idx.msk [tilespmem:v0+s5+$0x0], $0xffff;
	_ =	sdelay $0x1  }
0x121: {  	[tilespmem:s28+$0x14010] =	vst v15  }
0x122: {  	v5 =	vld [tilespmem:s29+$0x10080];
	_ =	sdelay $0x1  }
0x123: {  	[tilespmem:s18+$0x14010] =	vst v0  }
0x124: {  	v0 =	vld [tilespmem:s1+$0x10080];
	_ =	sdelay $0x1  }
0x125: {  	v15 =	vshll.u32 v5, $0x3  }
0x126: {  	v15 =	vand.u32 $0x7FC00, v15;
	v16 =	vand.u32 $0x7F, v5  }
0x127: {  	v15 =	vor.u32 v15, v16  }
0x128: {  	v15 =	vor.u32 $0x80, v15;
	v17 =	vshll.u32 v0, $0x3  }
0x129: {  	v14 =	vld.idx.msk [tilespmem:v14+s5+$0x0], $0xffff;
	v16 =	vand.u32 $0x7F, v0;
	v17 =	vand.u32 $0x7FC00, v17  }
0x12a: {  	v16 =	vor.u32 v17, v16  }
0x12b: {  	v17 =	vshrl.u32 v5, $0x10;
	v5 =	vshrl.u32 v5, $0xD;
	v16 =	vor.u32 $0x80, v16  }
0x12c: {  	v17 =	vand.u32 $0x7F, v17;
	v5 =	vand.u32 $0x7FC00, v5  }
0x12d: {  	v15 =	vld.idx.msk [tilespmem:v15+s5+$0x0], $0xffff;
	v5 =	vor.u32 v17, v5  }
0x12e: {  	[tilespmem:s17+$0x14080] =	vst v14;
	v18 =	vshrl.u32 v0, $0x10;
	v0 =	vshrl.u32 v0, $0xD;
	v5 =	vor.u32 $0x80, v5  }
0x12f: {  	v7 =	vld.idx.msk [tilespmem:v7+s5+$0x0], $0xffff;
	v0 =	vand.u32 $0x7FC00, v0;
	v17 =	vand.u32 $0x7F, v18  }
0x130: {  	v0 =	vor.u32 v17, v0;
	v16 =	vld.idx.msk [tilespmem:v16+s5+$0x0], $0xffff  }
0x131: {  	v0 =	vor.u32 $0x80, v0  }
0x132: {  	[tilespmem:s28+$0x14080] =	vst v15  }
0x133: {  	v5 =	vld.idx.msk [tilespmem:v5+s5+$0x0], $0xffff  }
0x134: {  	[tilespmem:s17+$0x14090] =	vst v7  }
0x135: {  	v7 =	vld [tilespmem:s23+$0x10100];
	[tilespmem:s18+$0x14080] =	vst v16  }
0x136: {  	v0 =	vld.idx.msk [tilespmem:v0+s5+$0x0], $0xffff;
	_ =	sdelay $0x1  }
0x137: {  	[tilespmem:s28+$0x14090] =	vst v5  }
0x138: {  	v5 =	vld [tilespmem:s29+$0x10100]  }
0x139: {  	v14 =	vshll.u32 v7, $0x3  }
0x13a: {  	v10 =	vld.idx.msk [tilespmem:v10+s5+$0x0], $0xffff;
	v14 =	vand.u32 $0x7FC00, v14;
	v15 =	vand.u32 $0x7F, v7;
	[tilespmem:s18+$0x14090] =	vst v0  }
0x13b: {  	v14 =	vor.u32 v14, v15;
	v0 =	vld [tilespmem:s1+$0x10100]  }
0x13c: {  	v14 =	vor.u32 $0x100, v14  }
0x13d: {  	v16 =	vshll.u32 v5, $0x3  }
0x13e: {  	v15 =	vshrl.u32 v7, $0x10;
	v17 =	vand.u32 $0x7F, v5;
	v16 =	vand.u32 $0x7FC00, v16  }
0x13f: {  	[tilespmem:s0+$0x14100] =	vst v10;
	v7 =	vshrl.u32 v7, $0xD;
	v15 =	vand.u32 $0x7F, v15;
	v16 =	vor.u32 v16, v17  }
0x140: {  	v6 =	vld.idx.msk [tilespmem:v6+s5+$0x0], $0xffff;
	v7 =	vand.u32 $0x7FC00, v7;
	v16 =	vor.u32 $0x100, v16;
	v56 =	vshll.u32 v0, $0x3  }
0x141: {  	v7 =	vor.u32 v15, v7;
	v14 =	vld.idx.msk [tilespmem:v14+s5+$0x0], $0xffff;
	v17 =	vand.u32 $0x7F, v0;
	v18 =	vand.u32 $0x7FC00, v56  }
0x142: {  	v7 =	vor.u32 $0x100, v7;
	v17 =	vor.u32 v18, v17  }
0x143: {  	v15 =	vshrl.u32 v5, $0x10;
	v5 =	vshrl.u32 v5, $0xD;
	v17 =	vor.u32 $0x100, v17  }
0x144: {  	v10 =	vand.u32 $0x7F, v15;
	v5 =	vand.u32 $0x7FC00, v5  }
0x145: {  	[tilespmem:s0+$0x14110] =	vst v6;
	v5 =	vor.u32 v10, v5;
	v10 =	vld.idx.msk [tilespmem:v16+s5+$0x0], $0xffff  }
0x146: {  	v57 =	vld [tilespmem:s30+$0x10180];
	[tilespmem:s17+$0x14100] =	vst v14;
	v5 =	vor.u32 $0x100, v5;
	v15 =	vshrl.u32 v0, $0x10;
	v0 =	vshrl.u32 v0, $0xD  }
0x147: {  	v9 =	vor.u32 $0x180, v9;
	v7 =	vld.idx.msk [tilespmem:v7+s5+$0x0], $0xffff;
	v15 =	vand.u32 $0x7F, v15;
	v0 =	vand.u32 $0x7FC00, v0  }
0x148: {  	v14 =	vshll.u32 v4, $0x3;
	v0 =	vor.u32 v15, v0;
	v16 =	vshll.u32 v2, $0x3;
	v15 =	vld.idx.msk [tilespmem:v17+s5+$0x0], $0xffff  }
0x149: {  	v0 =	vor.u32 $0x100, v0;
	v6 =	vand.u32 $0x7FC00, v16;
	v17 =	vshll.u32 v8, $0x3  }
0x14a: {  	v16 =	vand.u32 $0x7F, v8;
	v17 =	vand.u32 $0x7FC00, v17;
	[tilespmem:s28+$0x14100] =	vst v10;
	v10 =	vand.u32 $0x7FC00, v14  }
0x14b: {  	v14 =	vor.u32 v17, v16;
	v5 =	vld.idx.msk [tilespmem:v5+s5+$0x0], $0xffff;
	v10 =	vor.u32 v10, v11;
	v16 =	vand.u32 $0x7F, v57  }
0x14c: {  	[tilespmem:s17+$0x14110] =	vst v7;
	v11 =	vor.u32 $0x280, v14;
	v14 =	vshrl.u32 v8, $0x10;
	v8 =	vshrl.u32 v8, $0xD  }
0x14d: {  	v10 =	vor.u32 $0x200, v10;
	v14 =	vand.u32 $0x7F, v14;
	v7 =	vand.u32 $0x7FC00, v8;
	[tilespmem:s18+$0x14100] =	vst v15  }
0x14e: {  	v8 =	vshrl.u32 v4, $0x10;
	v7 =	vor.u32 v14, v7;
	v14 =	vshll.u32 v57, $0x3;
	v0 =	vld.idx.msk [tilespmem:v0+s5+$0x0], $0xffff  }
0x14f: {  	v9 =	vld.idx.msk [tilespmem:v9+s5+$0x0], $0xffff;
	v4 =	vshrl.u32 v4, $0xD;
	v8 =	vand.u32 $0x7F, v8;
	v14 =	vand.u32 $0x7FC00, v14  }
0x150: {  	v15 =	vld [tilespmem:s23+$0x10180];
	v4 =	vand.u32 $0x7FC00, v4;
	[tilespmem:s28+$0x14110] =	vst v5;
	v5 =	vor.u32 $0x280, v7;
	v7 =	vor.u32 v14, v16  }
0x151: {  	v4 =	vor.u32 v8, v4;
	v8 =	vld [tilespmem:s29+$0x10180];
	v7 =	vor.u32 $0x180, v7  }
0x152: {  	v11 =	vld.idx.msk [tilespmem:v11+s5+$0x0], $0xffff  }
0x153: {  	v12 =	vor.u32 v13, v12;
	v10 =	vld.idx.msk [tilespmem:v10+s5+$0x0], $0xffff;
	[tilespmem:s18+$0x14110] =	vst v0  }
0x154: {  	v14 =	vshrl.u32 v57, $0xD;
	v4 =	vor.u32 $0x200, v4;
	v0 =	vshrl.u32 v57, $0x10;
	v16 =	vld [tilespmem:s1+$0x10180]  }
0x155: {  	v14 =	vand.u32 $0x7FC00, v14;
	v17 =	vshll.u32 v15, $0x3;
	v0 =	vand.u32 $0x7F, v0  }
0x156: {  	v17 =	vand.u32 $0x7FC00, v17;
	v0 =	vor.u32 v0, v14;
	v14 =	vand.u32 $0x7F, v15;
	v7 =	vld.idx.msk [tilespmem:v7+s5+$0x0], $0xffff  }
0x157: {  	[tilespmem:s14+$0x14180] =	vst v9;
	v58 =	vand.u32 $0x7F, v8;
	v9 =	vor.u32 $0x180, v0;
	v0 =	vor.u32 v17, v14  }
0x158: {  	v3 =	vld.idx.msk [tilespmem:v3+s5+$0x0], $0xffff;
	[tilespmem:s16+$0x14200] =	vst v10;
	v10 =	vshrl.u32 v15, $0xD;
	v17 =	vor.u32 $0x180, v0;
	v0 =	vshll.u32 v8, $0x3  }
0x159: {  	[tilespmem:s4+$0x14280] =	vst v11;
	v14 =	vshrl.u32 v15, $0x10;
	v0 =	vand.u32 $0x7FC00, v0;
	v19 =	vshll.u32 v16, $0x3  }
0x15a: {  	v5 =	vld.idx.msk [tilespmem:v5+s5+$0x0], $0xffff;
	v0 =	vor.u32 v0, v58;
	v11 =	vand.u32 $0x7F, v16;
	v59 =	vand.u32 $0x7FC00, v19  }
0x15b: {  	v4 =	vld.idx.msk [tilespmem:v4+s5+$0x0], $0xffff;
	v10 =	vand.u32 $0x7FC00, v10;
	v15 =	vor.u32 $0x180, v0;
	[tilespmem:s0+$0x14180] =	vst v7;
	v0 =	vor.u32 v59, v11  }
0x15c: {  	v7 =	vshrl.u32 v8, $0xD;
	v11 =	vand.u32 $0x7F, v14;
	v9 =	vld.idx.msk [tilespmem:v9+s5+$0x0], $0xffff;
	v14 =	vor.u32 $0x180, v0  }
0x15d: {  	v13 =	vand.u32 $0x7F, v2;
	[tilespmem:s14+$0x14190] =	vst v3;
	v7 =	vand.u32 $0x7FC00, v7;
	v3 =	vor.u32 v11, v10;
	v10 =	vld.idx.msk [tilespmem:v17+s5+$0x0], $0xffff  }
0x15e: {  	v0 =	vor.u32 $0x380, v12;
	v11 =	vshrl.u32 v8, $0x10;
	v12 =	vld [tilespmem:s19+$0x10200];
	v3 =	vor.u32 $0x180, v3  }
0x15f: {  	v8 =	vand.u32 $0x7F, v11;
	v11 =	vshrl.u32 v16, $0x10;
	v16 =	vshrl.u32 v16, $0xD  }
0x160: {  	[tilespmem:s4+$0x14290] =	vst v5;
	v7 =	vor.u32 v8, v7;
	v11 =	vand.u32 $0x7F, v11;
	v8 =	vld.idx.msk [tilespmem:v15+s5+$0x0], $0xffff;
	v15 =	vand.u32 $0x7FC00, v16  }
0x161: {  	v5 =	vor.u32 v6, v13;
	v6 =	vor.u32 $0x180, v7;
	v7 =	vor.u32 v11, v15;
	[tilespmem:s0+$0x14190] =	vst v9;
	v11 =	vld.idx.msk [tilespmem:v14+s5+$0x0], $0xffff  }
0x162: {  	v13 =	vld [tilespmem:s12+$0x10300];
	v5 =	vor.u32 $0x300, v5;
	v9 =	vshrl.u32 v2, $0x10;
	[tilespmem:s17+$0x14180] =	vst v10;
	v7 =	vor.u32 $0x180, v7  }
0x163: {  	[tilespmem:s16+$0x14210] =	vst v4;
	v14 =	vshrl.u32 v1, $0x10;
	v1 =	vshrl.u32 v1, $0xD;
	v4 =	vshll.u32 v12, $0x3;
	v3 =	vld.idx.msk [tilespmem:v3+s5+$0x0], $0xffff  }
0x164: {  	v15 =	vand.u32 $0x7F, v12;
	v10 =	vand.u32 $0x7F, v14;
	v14 =	vld [tilespmem:s3+$0x10280];
	v4 =	vand.u32 $0x7FC00, v4  }
0x165: {  	v2 =	vshrl.u32 v2, $0xD;
	v1 =	vand.u32 $0x7FC00, v1;
	v4 =	vor.u32 v4, v15;
	v15 =	vld [tilespmem:s30+$0x10200];
	[tilespmem:s28+$0x14180] =	vst v8  }
0x166: {  	v2 =	vand.u32 $0x7FC00, v2;
	v1 =	vor.u32 v10, v1;
	v4 =	vor.u32 $0x200, v4;
	v6 =	vld.idx.msk [tilespmem:v6+s5+$0x0], $0xffff;
	[tilespmem:s18+$0x14180] =	vst v11  }
0x167: {  	v10 =	vshrl.u32 v12, $0x10;
	v8 =	vand.u32 $0x7F, v9;
	v9 =	vand.u32 $0x7F, v13;
	v7 =	vld.idx.msk [tilespmem:v7+s5+$0x0], $0xffff  }
0x168: {  	v10 =	vand.u32 $0x7F, v10;
	v2 =	vor.u32 v8, v2;
	v8 =	vshll.u32 v13, $0x3;
	[tilespmem:s17+$0x14190] =	vst v3  }
0x169: {  	v2 =	vor.u32 $0x300, v2;
	v8 =	vand.u32 $0x7FC00, v8;
	v11 =	vshrl.u32 v12, $0xD;
	v12 =	vld [tilespmem:s23+$0x10200]  }
0x16a: {  	v5 =	vld.idx.msk [tilespmem:v5+s5+$0x0], $0xffff;
	v3 =	vshll.u32 v14, $0x3;
	v11 =	vand.u32 $0x7FC00, v11;
	v16 =	vshll.u32 v15, $0x3  }
0x16b: {  	v10 =	vor.u32 v10, v11;
	v11 =	vand.u32 $0x7F, v15;
	v4 =	vld.idx.msk [tilespmem:v4+s5+$0x0], $0xffff;
	v16 =	vand.u32 $0x7FC00, v16;
	[tilespmem:s28+$0x14190] =	vst v6  }
0x16c: {  	s12 =	sadd.s32 $0x1, s15;
	v6 =	vor.u32 v8, v9;
	v8 =	vor.u32 $0x200, v10;
	v9 =	vor.u32 v16, v11;
	v10 =	vld [tilespmem:s29+$0x10200];
	[tilespmem:s18+$0x14190] =	vst v7  }
0x16d: {  	s13 =	sand.u32 $0x3, s12;
	v11 =	vshrl.u32 v15, $0xD;
	v7 =	vor.u32 $0x200, v9;
	v9 =	vshrl.u32 v15, $0x10;
	v15 =	vld [tilespmem:s1+$0x10200]  }
0x16e: {  	s4 =	sshll.u32 s13, $0x5;
	v11 =	vand.u32 $0x7FC00, v11;
	v9 =	vand.u32 $0x7F, v9;
	v16 =	vshll.u32 v12, $0x3  }
0x16f: {  	s4 =	sadd.s32 s4, s26;
	v9 =	vor.u32 v9, v11;
	v11 =	vand.u32 $0x7F, v12;
	v16 =	vand.u32 $0x7FC00, v16  }
0x170: {  	s15 =	sor.u32 $0x300, s4;
	v17 =	vand.u32 $0x7F, v14;
	[tilespmem:s14+$0x14200] =	vst v4;
	v4 =	vor.u32 $0x200, v9;
	v9 =	vor.u32 v16, v11  }
0x171: {  	[tilespmem:s15+$0x14000] =	vst v5;
	v5 =	vshrl.u32 v12, $0xD;
	v8 =	vld.idx.msk [tilespmem:v8+s5+$0x0], $0xffff;
	v9 =	vor.u32 $0x200, v9;
	v16 =	vshll.u32 v10, $0x3  }
0x172: {  	v60 =	vand.u32 $0x7F, v10;
	v7 =	vld.idx.msk [tilespmem:v7+s5+$0x0], $0xffff;
	v16 =	vand.u32 $0x7FC00, v16;
	v61 =	vshll.u32 v15, $0x3  }
0x173: {  	v16 =	vor.u32 v16, v60;
	v62 =	vand.u32 $0x7F, v15;
	v19 =	vand.u32 $0x7FC00, v61  }
0x174: {  	v11 =	vshrl.u32 v12, $0x10;
	v12 =	vor.u32 $0x200, v16;
	v16 =	vor.u32 v19, v62  }
0x175: {  	v2 =	vld.idx.msk [tilespmem:v2+s5+$0x0], $0xffff;
	v5 =	vand.u32 $0x7FC00, v5;
	v11 =	vand.u32 $0x7F, v11;
	v16 =	vor.u32 $0x200, v16  }
0x176: {  	v6 =	vor.u32 $0x300, v6;
	v5 =	vor.u32 v11, v5;
	[tilespmem:s14+$0x14210] =	vst v8;
	v8 =	vld.idx.msk [tilespmem:v9+s5+$0x0], $0xffff;
	v9 =	vshrl.u32 v10, $0x10  }
0x177: {  	v5 =	vor.u32 $0x200, v5;
	v11 =	vld [tilespmem:s19+$0x10280];
	[tilespmem:s0+$0x14200] =	vst v7;
	v7 =	vshrl.u32 v10, $0xD;
	v9 =	vand.u32 $0x7F, v9  }
0x178: {  	s15 =	sadd.s32 $0x10, s4;
	v10 =	vshrl.u32 v15, $0x10;
	v15 =	vshrl.u32 v15, $0xD;
	v4 =	vld.idx.msk [tilespmem:v4+s5+$0x0], $0xffff;
	v7 =	vand.u32 $0x7FC00, v7;
	s9 =	sld [smem:$0x7EB]  }
0x179: {  	s11 =	sor.u32 $0x300, s15;
	v12 =	vld.idx.msk [tilespmem:v12+s5+$0x0], $0xffff;
	v7 =	vor.u32 v9, v7;
	v9 =	vand.u32 $0x7F, v10;
	v10 =	vand.u32 $0x7FC00, v15  }
0x17a: {  	[tilespmem:s11+$0x14000] =	vst v2;
	v2 =	vand.u32 $0x7FC00, v3;
	v3 =	vor.u32 $0x200, v7;
	v9 =	vor.u32 v9, v10;
	v7 =	vld.idx.msk [tilespmem:v16+s5+$0x0], $0xffff  }
0x17b: {  	v6 =	vld.idx.msk [tilespmem:v6+s5+$0x0], $0xffff;
	v2 =	vor.u32 v2, v17;
	s9 =	sor.u32 s24, s9;
	[tilespmem:s17+$0x14200] =	vst v8;
	v8 =	vor.u32 $0x200, v9  }
0x17c: {  	v2 =	vor.u32 $0x280, v2;
	v9 =	vshrl.u32 v13, $0x10;
	v15 =	vshll.u32 v11, $0x3;
	s9 =	sor.u32 $0x380, s9;
	v5 =	vld.idx.msk [tilespmem:v5+s5+$0x0], $0xffff  }
0x17d: {  	v13 =	vshrl.u32 v13, $0xD;
	v16 =	vand.u32 $0x7F, v11;
	v15 =	vand.u32 $0x7FC00, v15;
	v10 =	vld [tilespmem:s9+$0x10000];
	[tilespmem:s0+$0x14210] =	vst v4  }
0x17e: {  	v4 =	vand.u32 $0x7F, v9;
	v9 =	vand.u32 $0x7FC00, v13;
	v13 =	vor.u32 v15, v16;
	v15 =	vld [tilespmem:s30+$0x10280];
	[tilespmem:s28+$0x14200] =	vst v12  }
0x17f: {  	v12 =	vshrl.u32 v14, $0x10;
	v14 =	vshrl.u32 v14, $0xD;
	v13 =	vor.u32 $0x280, v13;
	v3 =	vld.idx.msk [tilespmem:v3+s5+$0x0], $0xffff;
	[tilespmem:s18+$0x14200] =	vst v7  }
0x180: {  	v4 =	vor.u32 v4, v9;
	v9 =	vand.u32 $0x7FC00, v14;
	v7 =	vand.u32 $0x7F, v12;
	v8 =	vld.idx.msk [tilespmem:v8+s5+$0x0], $0xffff  }
0x181: {  	s9 =	sadd.s32 $0x1, s12;
	v2 =	vld.idx.msk [tilespmem:v2+s5+$0x0], $0xffff;
	v4 =	vor.u32 $0x300, v4;
	v7 =	vor.u32 v7, v9;
	[tilespmem:s17+$0x14210] =	vst v5;
	v9 =	vshrl.u32 v11, $0xD  }
0x182: {  	s2 =	sand.u32 $0x3, s9;
	v12 =	vshll.u32 v10, $0x3;
	v5 =	vor.u32 $0x280, v7;
	v7 =	vshrl.u32 v11, $0x10;
	v11 =	vld [tilespmem:s23+$0x10280]  }
0x183: {  	s2 =	sshll.u32 s2, $0x5;
	v9 =	vand.u32 $0x7FC00, v9;
	v7 =	vand.u32 $0x7F, v7;
	v14 =	vshll.u32 v15, $0x3  }
0x184: {  	s2 =	sadd.s32 s2, s31;
	v13 =	vld.idx.msk [tilespmem:v13+s5+$0x0], $0xffff;
	v7 =	vor.u32 v7, v9;
	v9 =	vand.u32 $0x7F, v15;
	v14 =	vand.u32 $0x7FC00, v14;
	[tilespmem:s28+$0x14210] =	vst v3  }
0x185: {  	s24 =	sor.u32 $0x300, s2;
	v12 =	vand.u32 $0x7FC00, v12;
	v7 =	vor.u32 $0x280, v7;
	v9 =	vor.u32 v14, v9;
	v14 =	vld [tilespmem:s29+$0x10280];
	[tilespmem:s18+$0x14210] =	vst v8  }
0x186: {  	[tilespmem:s24+$0x14000] =	vst v6;
	v6 =	vor.u32 $0x280, v9;
	v8 =	vshrl.u32 v15, $0x10;
	v9 =	vshrl.u32 v15, $0xD;
	v15 =	vld [tilespmem:s1+$0x10280]  }
0x187: {  	[tilespmem:s16+$0x14280] =	vst v2;
	v2 =	vand.u32 $0x7F, v8;
	v8 =	vand.u32 $0x7FC00, v9;
	v9 =	vshll.u32 v11, $0x3  }
0x188: {  	v5 =	vld.idx.msk [tilespmem:v5+s5+$0x0], $0xffff;
	v2 =	vor.u32 v2, v8;
	v8 =	vand.u32 $0x7F, v11;
	v9 =	vand.u32 $0x7FC00, v9  }
0x189: {  	v3 =	vand.u32 $0x7F, v10;
	[tilespmem:s14+$0x14280] =	vst v13;
	v2 =	vor.u32 $0x280, v2;
	v8 =	vor.u32 v9, v8  }
0x18a: {  	v9 =	vshrl.u32 v11, $0x10;
	v7 =	vld.idx.msk [tilespmem:v7+s5+$0x0], $0xffff;
	v8 =	vor.u32 $0x280, v8;
	v13 =	vshll.u32 v14, $0x3  }
0x18b: {  	v16 =	vand.u32 $0x7F, v14;
	v6 =	vld.idx.msk [tilespmem:v6+s5+$0x0], $0xffff;
	v13 =	vand.u32 $0x7FC00, v13;
	v17 =	vshll.u32 v15, $0x3  }
0x18c: {  	s26 =	rddreg [dreg:$0x16];
	v13 =	vor.u32 v13, v16;
	v16 =	vand.u32 $0x7F, v15;
	v17 =	vand.u32 $0x7FC00, v17  }
0x18d: {  	s13 =	rddreg [dreg:$0x19];
	[tilespmem:s16+$0x14290] =	vst v5;
	v5 =	vshrl.u32 v11, $0xD;
	v11 =	vor.u32 $0x280, v13;
	v13 =	vor.u32 v17, v16  }
0x18e: {  	v9 =	vand.u32 $0x7F, v9;
	v5 =	vand.u32 $0x7FC00, v5;
	v16 =	vld [tilespmem:s3+$0x10300];
	v13 =	vor.u32 $0x280, v13  }
0x18f: {  	v3 =	vor.u32 v12, v3;
	v12 =	vshrl.u32 v15, $0x10;
	v5 =	vor.u32 v9, v5;
	[tilespmem:s14+$0x14290] =	vst v7;
	v7 =	vld.idx.msk [tilespmem:v8+s5+$0x0], $0xffff  }
0x190: {  	v8 =	vshrl.u32 v14, $0x10;
	v5 =	vor.u32 $0x280, v5;
	v9 =	vld [tilespmem:s19+$0x10300];
	[tilespmem:s0+$0x14280] =	vst v6;
	v6 =	vshrl.u32 v14, $0xD  }
0x191: {  	v8 =	vand.u32 $0x7F, v8;
	v14 =	vshrl.u32 v15, $0xD;
	v2 =	vld.idx.msk [tilespmem:v2+s5+$0x0], $0xffff;
	v6 =	vand.u32 $0x7FC00, v6  }
0x192: {  	v11 =	vld.idx.msk [tilespmem:v11+s5+$0x0], $0xffff;
	v6 =	vor.u32 v8, v6;
	v8 =	vand.u32 $0x7F, v12;
	v12 =	vand.u32 $0x7FC00, v14  }
0x193: {  	v6 =	vor.u32 $0x280, v6;
	v8 =	vor.u32 v8, v12;
	v13 =	vld.idx.msk [tilespmem:v13+s5+$0x0], $0xffff  }
0x194: {  	v12 =	vshrl.u32 v10, $0x10;
	v10 =	vshrl.u32 v10, $0xD;
	[tilespmem:s17+$0x14280] =	vst v7;
	v7 =	vor.u32 $0x280, v8  }
0x195: {  	v8 =	vand.u32 $0x7F, v12;
	v10 =	vand.u32 $0x7FC00, v10;
	v12 =	vshll.u32 v16, $0x3;
	v5 =	vld.idx.msk [tilespmem:v5+s5+$0x0], $0xffff  }
0x196: {  	v4 =	vld.idx.msk [tilespmem:v4+s5+$0x0], $0xffff;
	[tilespmem:s0+$0x14290] =	vst v2;
	v2 =	vor.u32 v8, v10;
	v8 =	vand.u32 $0x7F, v16;
	v10 =	vand.u32 $0x7FC00, v12  }
0x197: {  	v12 =	vld [tilespmem:s30+$0x10300];
	v8 =	vor.u32 v10, v8;
	[tilespmem:s28+$0x14280] =	vst v11  }
0x198: {  	v15 =	vand.u32 $0x7F, v9;
	v11 =	vshll.u32 v9, $0x3;
	v8 =	vor.u32 $0x300, v8;
	v6 =	vld.idx.msk [tilespmem:v6+s5+$0x0], $0xffff;
	[tilespmem:s18+$0x14280] =	vst v13  }
0x199: {  	v10 =	vshrl.u32 v16, $0x10;
	v11 =	vand.u32 $0x7FC00, v11;
	v13 =	vshrl.u32 v16, $0xD;
	v7 =	vld.idx.msk [tilespmem:v7+s5+$0x0], $0xffff  }
0x19a: {  	s11 =	sadd.s32 $0x10, s2;
	v11 =	vor.u32 v11, v15;
	[tilespmem:s17+$0x14290] =	vst v5;
	v5 =	vand.u32 $0x7F, v10;
	v10 =	vand.u32 $0x7FC00, v13  }
0x19b: {  	s7 =	sor.u32 $0x300, s11;
	v5 =	vor.u32 v5, v10;
	v10 =	vor.u32 $0x300, v11  }
0x19c: {  	[tilespmem:s7+$0x14000] =	vst v4  }
0x19d: {  	s16 =	sadd.s32 $0x1, s9;
	v11 =	vshrl.u32 v9, $0x10;
	v9 =	vshrl.u32 v9, $0xD;
	[tilespmem:s28+$0x14290] =	vst v6;
	v6 =	vld.idx.msk [tilespmem:v8+s5+$0x0], $0xffff  }
0x19e: {  	s17 =	sand.u32 $0x3, s16;
	v11 =	vand.u32 $0x7F, v11;
	v15 =	vshll.u32 v12, $0x3;
	v5 =	vor.u32 $0x300, v5;
	[tilespmem:s18+$0x14290] =	vst v7  }
0x19f: {  	v13 =	vld [tilespmem:s23+$0x10300];
	s0 =	sshll.u32 s17, $0x5;
	v8 =	vand.u32 $0x7FC00, v9;
	v9 =	vand.u32 $0x7F, v12;
	v15 =	vand.u32 $0x7FC00, v15;
	s18 =	rddreg [dreg:$0x13]  }
0x1a0: {  	s9 =	sadd.s32 $0x1, s16;
	v7 =	vor.u32 v11, v8;
	v8 =	vor.u32 v15, v9;
	v10 =	vld.idx.msk [tilespmem:v10+s5+$0x0], $0xffff;
	s0 =	sadd.s32 s0, s18  }
0x1a1: {  	s19 =	sand.u32 $0x3, s9;
	v9 =	vld [tilespmem:s1+$0x10300];
	v8 =	vor.u32 $0x300, v8;
	s1 =	sor.u32 $0x300, s0  }
0x1a2: {  	v16 =	vld [tilespmem:s29+$0x10300];
	[tilespmem:s1+$0x14000] =	vst v6;
	s1 =	sshll.u32 s19, $0x5  }
0x1a3: {  	v11 =	vshrl.u32 v12, $0x10;
	v12 =	vshrl.u32 v12, $0xD;
	s3 =	sadd.s32 s1, s20  }
0x1a4: {  	v11 =	vand.u32 $0x7F, v11;
	v12 =	vand.u32 $0x7FC00, v12;
	v15 =	vshll.u32 v13, $0x3;
	v5 =	vld.idx.msk [tilespmem:v5+s5+$0x0], $0xffff;
	s1 =	sor.u32 $0x300, s3  }
0x1a5: {  	v11 =	vor.u32 v11, v12;
	v12 =	vand.u32 $0x7F, v13;
	v15 =	vand.u32 $0x7FC00, v15;
	[tilespmem:s1+$0x14000] =	vst v10  }
0x1a6: {  	s23 =	sadd.s32 $0x1, s9;
	v6 =	vor.u32 $0x300, v7;
	v7 =	vor.u32 $0x300, v11;
	v11 =	vor.u32 v15, v12;
	v8 =	vld.idx.msk [tilespmem:v8+s5+$0x0], $0xffff;
	s24 =	sld [smem:$0x7ED]  }
0x1a7: {  	s12 =	sor.u32 s13, s26;
	s9 =	sand.u32 $0x3, s23;
	v12 =	vshrl.u32 v13, $0x10;
	v15 =	vshll.u32 v16, $0x3;
	v11 =	vor.u32 $0x300, v11;
	s1 =	sadd.s32 $0x10, s0  }
0x1a8: {  	s9 =	sshll.u32 s9, $0x5;
	v17 =	vand.u32 $0x7F, v16;
	v15 =	vand.u32 $0x7FC00, v15;
	v63 =	vshll.u32 v9, $0x3;
	s13 =	rddreg [dreg:$0x4];
	s26 =	sor.u32 $0x300, s1  }
0x1a9: {  	s12 =	sor.u32 $0x380, s12;
	v15 =	vor.u32 v15, v17;
	v17 =	vand.u32 $0x7F, v9;
	v18 =	vand.u32 $0x7FC00, v63;
	s14 =	rddreg [dreg:$0x7];
	[tilespmem:s26+$0x14000] =	vst v5;
	s9 =	sadd.s32 s9, s24  }
0x1aa: {  	v4 =	vld [tilespmem:s12+$0x10000];
	v10 =	vshrl.u32 v13, $0xD;
	v13 =	vor.u32 $0x300, v15;
	v15 =	vor.u32 v18, v17;
	s16 =	rddreg [dreg:$0x9];
	s7 =	sor.u32 $0x300, s9  }
0x1ab: {  	v12 =	vand.u32 $0x7F, v12;
	v10 =	vand.u32 $0x7FC00, v10;
	s13 =	sor.u32 s14, s13;
	v6 =	vld.idx.msk [tilespmem:v6+s5+$0x0], $0xffff;
	v15 =	vor.u32 $0x300, v15;
	s17 =	rddreg [dreg:$0xb];
	[tilespmem:s7+$0x14000] =	vst v8  }
0x1ac: {  	s12 =	sadd.s32 $0x1, s23;
	v10 =	vor.u32 v12, v10;
	s13 =	sor.u32 $0x380, s13;
	v5 =	vld.idx.msk [tilespmem:v11+s5+$0x0], $0xffff;
	s20 =	sld [smem:$0x7EF]  }
0x1ad: {  	v11 =	vshrl.u32 v16, $0x10;
	v12 =	vld [tilespmem:s13+$0x10000];
	s13 =	sadd.s32 $0x10, s3;
	s16 =	sor.u32 s16, s17;
	s17 =	sand.u32 $0x3, s12;
	v8 =	vor.u32 $0x300, v10;
	v10 =	vshrl.u32 v16, $0xD  }
0x1ae: {  	v11 =	vand.u32 $0x7F, v11;
	s18 =	sor.u32 $0x300, s13;
	s14 =	sshll.u32 s17, $0x5;
	v10 =	vand.u32 $0x7FC00, v10  }
0x1af: {  	s12 =	sadd.s32 $0x1, s12;
	s19 =	sor.u32 $0x380, s16;
	v7 =	vld.idx.msk [tilespmem:v7+s5+$0x0], $0xffff;
	v10 =	vor.u32 v11, v10;
	s16 =	sadd.s32 s14, s20  }
0x1b0: {  	v16 =	vshrl.u32 v9, $0x10;
	v9 =	vshrl.u32 v9, $0xD;
	s23 =	sand.u32 $0x3, s12;
	s12 =	sadd.s32 $0x1, s12;
	[tilespmem:s18+$0x14000] =	vst v6;
	v6 =	vor.u32 $0x300, v10;
	v10 =	vld.idx.msk [tilespmem:v15+s5+$0x0], $0xffff;
	s24 =	sor.u32 $0x300, s16  }
0x1b1: {  	v13 =	vld.idx.msk [tilespmem:v13+s5+$0x0], $0xffff;
	v9 =	vand.u32 $0x7FC00, v9;
	s17 =	sshll.u32 s23, $0x5;
	s12 =	sand.u32 $0x3, s12;
	v11 =	vand.u32 $0x7F, v16;
	[tilespmem:s24+$0x14000] =	vst v5  }
0x1b2: {  	s12 =	sshll.u32 s12, $0x5;
	v9 =	vor.u32 v11, v9;
	v11 =	vld [tilespmem:s19+$0x10000];
	s14 =	sadd.s32 $0x10, s9;
	s19 =	rddreg [dreg:$0xf]  }
0x1b3: {  	v1 =	vor.u32 $0x380, v1;
	v3 =	vor.u32 $0x380, v3;
	v14 =	vshll.u32 v4, $0x3;
	s12 =	sadd.s32 s12, s21;
	s26 =	sor.u32 $0x300, s14;
	s7 =	rddreg [dreg:$0x12];
	v8 =	vld.idx.msk [tilespmem:v8+s5+$0x0], $0xffff  }
0x1b4: {  	v14 =	vand.u32 $0x7FC00, v14;
	v2 =	vor.u32 $0x380, v2;
	s10 =	sadd.s32 s17, s10;
	s20 =	sor.u32 $0x300, s12;
	v5 =	vor.u32 $0x300, v9;
	[tilespmem:s26+$0x14000] =	vst v7;
	s19 =	sor.u32 s7, s19  }
0x1b5: {  	v17 =	vand.u32 $0x7F, v4;
	v15 =	vshrl.u32 v4, $0x10;
	v4 =	vshrl.u32 v4, $0xD;
	[tilespmem:s20+$0x14000] =	vst v10;
	s18 =	sor.u32 $0x380, s19;
	s19 =	sor.u32 $0x300, s10  }
0x1b6: {  	v4 =	vand.u32 $0x7FC00, v4;
	s17 =	sadd.s32 $0x10, s16;
	v9 =	vor.u32 v14, v17;
	v14 =	vand.u32 $0x7F, v15;
	[tilespmem:s19+$0x14000] =	vst v13  }
0x1b7: {  	s21 =	sor.u32 $0x300, s17;
	v9 =	vor.u32 $0x380, v9;
	v4 =	vor.u32 v14, v4;
	v14 =	vshll.u32 v12, $0x3;
	v15 =	vld [tilespmem:s18+$0x10000];
	s24 =	sld [smem:$0x7EC]  }
0x1b8: {  	v7 =	vand.u32 $0x7F, v12;
	v13 =	vshrl.u32 v12, $0x10;
	v12 =	vshrl.u32 v12, $0xD;
	v6 =	vld.idx.msk [tilespmem:v6+s5+$0x0], $0xffff;
	s23 =	rddreg [dreg:$0x1d];
	[tilespmem:s21+$0x14000] =	vst v8  }
0x1b9: {  	v14 =	vand.u32 $0x7FC00, v14;
	v10 =	vand.u32 $0x7F, v13;
	v12 =	vand.u32 $0x7FC00, v12;
	v5 =	vld.idx.msk [tilespmem:v5+s5+$0x0], $0xffff;
	s21 =	sld [smem:$0x7EE]  }
0x1ba: {  	v0 =	vld.idx.msk [tilespmem:v0+s5+$0x0], $0xffff;
	v7 =	vor.u32 v14, v7;
	v13 =	vshll.u32 v11, $0x3;
	v10 =	vor.u32 v10, v12;
	s19 =	sor.u32 s24, s23  }
0x1bb: {  	v3 =	vld.idx.msk [tilespmem:v3+s5+$0x0], $0xffff;
	s18 =	sadd.s32 $0x10, s10;
	v12 =	vand.u32 $0x7F, v11;
	v13 =	vand.u32 $0x7FC00, v13;
	v8 =	vor.u32 $0x380, v10;
	s26 =	sor.u32 $0x380, s19  }
0x1bc: {  	s7 =	sor.u32 $0x300, s18;
	v10 =	vor.u32 v13, v12;
	v13 =	vshrl.u32 v11, $0x10;
	v11 =	vshrl.u32 v11, $0xD;
	s23 =	sadd.s32 $0x10, s12;
	v12 =	vld [tilespmem:s26+$0x10000];
	s22 =	sor.u32 s21, s22  }
0x1bd: {  	v9 =	vld.idx.msk [tilespmem:v9+s5+$0x0], $0xffff;
	v13 =	vand.u32 $0x7F, v13;
	v11 =	vand.u32 $0x7FC00, v11;
	v14 =	vshll.u32 v15, $0x3;
	[tilespmem:s7+$0x14000] =	vst v6;
	s26 =	sor.u32 $0x300, s23;
	s7 =	sor.u32 s25, s8;
	s24 =	sor.u32 $0x380, s22  }
0x1be: {  	v6 =	vor.u32 v13, v11;
	v11 =	vand.u32 $0x7F, v15;
	v13 =	vand.u32 $0x7FC00, v14;
	[tilespmem:s26+$0x14000] =	vst v5;
	s7 =	sor.u32 $0x380, s7;
	v14 =	vld [tilespmem:s24+$0x10000]  }
0x1bf: {  	v4 =	vor.u32 $0x380, v4;
	v5 =	vor.u32 $0x380, v6;
	v6 =	vor.u32 v13, v11;
	v13 =	vld [tilespmem:s7+$0x10000]  }
0x1c0: {  	v7 =	vor.u32 $0x380, v7;
	v10 =	vor.u32 $0x380, v10;
	v11 =	vshrl.u32 v15, $0x10  }
0x1c1: {  	s6 =	sor.u32 $0x380, s6;
	v15 =	vshrl.u32 v15, $0xD;
	v11 =	vand.u32 $0x7F, v11;
	v16 =	vshll.u32 v12, $0x3  }
0x1c2: {  	s4 =	sor.u32 $0x380, s4;
	[tilespmem:s6+$0x14000] =	vst v0;
	v15 =	vand.u32 $0x7FC00, v15;
	v17 =	vand.u32 $0x7F, v12;
	v16 =	vand.u32 $0x7FC00, v16  }
0x1c3: {  	s2 =	sor.u32 $0x380, s2;
	[tilespmem:s4+$0x14000] =	vst v3;
	v6 =	vor.u32 $0x380, v6;
	v11 =	vor.u32 v11, v15;
	v15 =	vor.u32 v16, v17  }
0x1c4: {  	v1 =	vld.idx.msk [tilespmem:v1+s5+$0x0], $0xffff;
	[tilespmem:s2+$0x14000] =	vst v9;
	v16 =	vshll.u32 v14, $0x3;
	v3 =	vand.u32 $0x7F, v14;
	v17 =	vshll.u32 v13, $0x3  }
0x1c5: {  	v7 =	vld.idx.msk [tilespmem:v7+s5+$0x0], $0xffff;
	s2 =	sld [smem:$0x7F0];
	v9 =	vand.u32 $0x7F, v13;
	v0 =	vor.u32 $0x380, v15;
	v16 =	vand.u32 $0x7FC00, v16  }
0x1c6: {  	v2 =	vld.idx.msk [tilespmem:v2+s5+$0x0], $0xffff;
	v15 =	vshrl.u32 v12, $0x10;
	v3 =	vor.u32 v16, v3;
	v16 =	vand.u32 $0x7FC00, v17  }
0x1c7: {  	v4 =	vld.idx.msk [tilespmem:v4+s5+$0x0], $0xffff;
	v12 =	vshrl.u32 v12, $0xD;
	v3 =	vor.u32 $0x380, v3;
	v9 =	vor.u32 v16, v9  }
0x1c8: {  	v10 =	vld.idx.msk [tilespmem:v10+s5+$0x0], $0xffff;
	s2 =	sor.u32 $0x380, s2;
	v15 =	vand.u32 $0x7F, v15;
	v12 =	vand.u32 $0x7FC00, v12;
	v9 =	vor.u32 $0x380, v9  }
0x1c9: {  	s0 =	sor.u32 $0x380, s0;
	v11 =	vor.u32 $0x380, v11;
	[tilespmem:s2+$0x14000] =	vst v1;
	v1 =	vld.idx.msk [tilespmem:v6+s5+$0x0], $0xffff;
	v12 =	vor.u32 v15, v12;
	v15 =	vshrl.u32 v14, $0x10  }
0x1ca: {  	s4 =	sor.u32 $0x380, s15;
	[tilespmem:s0+$0x14000] =	vst v7;
	v6 =	vor.u32 $0x380, v12;
	v12 =	vshrl.u32 v14, $0xD;
	v14 =	vand.u32 $0x7F, v15;
	v0 =	vld.idx.msk [tilespmem:v0+s5+$0x0], $0xffff  }
0x1cb: {  	s6 =	sor.u32 $0x380, s11;
	[tilespmem:s4+$0x14000] =	vst v2;
	v8 =	vld.idx.msk [tilespmem:v8+s5+$0x0], $0xffff;
	v2 =	vand.u32 $0x7FC00, v12;
	v12 =	vshrl.u32 v13, $0x10;
	v13 =	vshrl.u32 v13, $0xD  }
0x1cc: {  	s7 =	sor.u32 $0x380, s3;
	[tilespmem:s6+$0x14000] =	vst v4;
	v2 =	vor.u32 v14, v2;
	v4 =	vand.u32 $0x7F, v12;
	v12 =	vand.u32 $0x7FC00, v13;
	v3 =	vld.idx.msk [tilespmem:v3+s5+$0x0], $0xffff  }
0x1cd: {  	s8 =	sor.u32 $0x380, s9;
	[tilespmem:s7+$0x14000] =	vst v10;
	v2 =	vor.u32 $0x380, v2;
	v4 =	vor.u32 v4, v12;
	v7 =	vld.idx.msk [tilespmem:v9+s5+$0x0], $0xffff  }
0x1ce: {  	s9 =	sor.u32 $0x380, s16;
	v5 =	vld.idx.msk [tilespmem:v5+s5+$0x0], $0xffff;
	[tilespmem:s8+$0x14000] =	vst v1;
	v4 =	vor.u32 $0x380, v4  }
0x1cf: {  	s1 =	sor.u32 $0x380, s1;
	v1 =	vld.idx.msk [tilespmem:v11+s5+$0x0], $0xffff;
	[tilespmem:s9+$0x14000] =	vst v0  }
0x1d0: {  	s11 =	sor.u32 $0x380, s10;
	[tilespmem:s1+$0x14000] =	vst v8;
	v0 =	vld.idx.msk [tilespmem:v6+s5+$0x0], $0xffff  }
0x1d1: {  	s12 =	sor.u32 $0x380, s12;
	[tilespmem:s11+$0x14000] =	vst v3  }
0x1d2: {  	s13 =	sor.u32 $0x380, s13;
	v2 =	vld.idx.msk [tilespmem:v2+s5+$0x0], $0xffff;
	[tilespmem:s12+$0x14000] =	vst v7  }
0x1d3: {  	s15 =	sor.u32 $0x380, s14;
	[tilespmem:s13+$0x14000] =	vst v5;
	v3 =	vld.idx.msk [tilespmem:v4+s5+$0x0], $0xffff  }
0x1d4: {  	s16 =	sor.u32 $0x380, s17;
	[tilespmem:s15+$0x14000] =	vst v1  }
0x1d5: {  	[tilespmem:s16+$0x14000] =	vst v0  }
0x1d6: {  	s17 =	sor.u32 $0x380, s18;
	s1 =	sld [smem:$0x7F9]  }
0x1d7: {  	s18 =	sor.u32 $0x380, s23;
	s2 =	sld [smem:$0x7EA];
	[tilespmem:s17+$0x14000] =	vst v2  }
0x1d8: {  	[tilespmem:s18+$0x14000] =	vst v3  }
0x1d9: {  	s0 =	sld [smem:$0x7F6]  }
0x1da: {  	s20 =	rddreg [dreg:$0x2];
	s1 =	sor.u32 s1, s2  }
0x1db: {  	s19 =	simm.s32 $0x10000;
	s21 =	simm.s32 $0x14000;
	s2 =	sshll.u32 s1, $0xC  }
0x1dc: {  	s1 =	sshll.u32 s1, $0xD;
	[smem:$0x7E0] =	sst s2;
	s0 =	sadd.s32 s2, s0  }
0x1dd: {  	[tilespmem:s19], [sflag:$0x2] =	stream.linear.gather [hbm4b:s0+s5], $0x2000, $0x38;
	[tilespmem:$0x1C000] =	vst v63  }
0x1de: {  	s22 =	simm.s32 $0x3;
	[smem:$0x7E1] =	sst s1;
	s0 =	sadd.s32 s20, s1  }
0x1df: {  	[hbm4b:s0+s5] =	stream.linear.scatter [tilespmem:s21], [sflag:$0x4], $0x4000, $0x38;
	[tilespmem:$0x1C000] =	vst v63  }
0x1e0: {  	_ =	swait.ge [sflag:s22], $0x2000  }
0x1e1: {  	[sflag:s22] =	ssyncset.done $0x0  }
0x1e2: {  	s0 =	simm.s32 @!p0 $0x5;
	[sflag:s22] =	ssyncadd.s32 $0xFFFFE000  }
0x1e3: {  	s3 =	simm.s32 $0x0;
	s22 =	simm.s32 $0x0;
	_ =	swait.ge @!p0 [sflag:s0], $0x4000  }
0x1e4: {  	s23 =	sand.u32 $0x70, s3;
	s24 =	sand.u32 $0x1C00, s22;
	[sflag:s0] =	ssyncset.done @!p0 $0x0  }
0x1e5: {  	s10 =	sor.u32 s23, s24;
	[sflag:s0] =	ssyncadd.s32 @!p0 $0xFFFFC000  }
0x1e6: {  	v0 =	vld [tilespmem:s10+$0x12000];
	_ =	sdelay $0x4  }
0x1e7: {  	v1 =	vshll.u32 v0, $0x3  }
0x1e8: {  	v2 =	vand.u32 $0x7F, v0;
	v1 =	vand.u32 $0x7FC00, v1  }
0x1e9: {  	v1 =	vor.u32 v2, v1;
	_ =	sdelay $0x3  }
0x1ea: {  	v2 =	vshrl.u32 v0, $0x10;
	v0 =	vshrl.u32 v0, $0xD  }
0x1eb: {  	v2 =	vand.u32 $0x7F, v2;
	v0 =	vand.u32 $0x7FC00, v0;
	v1 =	vld.idx.msk [tilespmem:v1+s5+$0x0], $0xffff  }
0x1ec: {  	v0 =	vor.u32 v2, v0;
	_ =	sdelay $0x1  }
0x1ed: {  	s25 =	sand.u32 $0x60, s22;
	s26 =	sand.u32 $0x3C00, s22  }
0x1ee: {  	s17 =	sor.u32 s25, s26  }
0x1ef: {  	[tilespmem:s17+$0x18000] =	vst v1  }
0x1f0: {  	v0 =	vld.idx.msk [tilespmem:v0+s5+$0x0], $0xffff;
	_ =	sdelay $0x4  }
0x1f1: {  	[tilespmem:s17+$0x18010] =	vst v0  }
0x1f2: {  	v0 =	vld [tilespmem:s10+$0x12080];
	_ =	sdelay $0x1  }
0x1f3: {  	s2 =	simm.s32 $0x10;
	s19 =	simm.s32 $0x80  }
0x1f4: {  	s4 =	simm.s32 $0x10;
	s6 =	sand.u32 $0x70, s2;
	s7 =	sand.u32 $0x1C00, s19  }
0x1f5: {  	s1 =	sor.u32 s6, s7;
	[smem:$0x7E2] =	sst s4  }
0x1f6: {  	v1 =	vld [tilespmem:s1+$0x12000];
	v2 =	vshll.u32 v0, $0x3  }
0x1f7: {  	v3 =	vand.u32 $0x7F, v0;
	v2 =	vand.u32 $0x7FC00, v2  }
0x1f8: {  	v2 =	vor.u32 v2, v3  }
0x1f9: {  	v2 =	vor.u32 $0x80, v2;
	_ =	sdelay $0x1  }
0x1fa: {  	v5 =	vshrl.u32 v0, $0x10;
	v3 =	vshll.u32 v1, $0x3  }
0x1fb: {  	v0 =	vshrl.u32 v0, $0xD;
	v4 =	vand.u32 $0x7F, v1;
	v3 =	vand.u32 $0x7FC00, v3  }
0x1fc: {  	v0 =	vand.u32 $0x7FC00, v0;
	v3 =	vor.u32 v4, v3;
	v4 =	vand.u32 $0x7F, v5  }
0x1fd: {  	v0 =	vor.u32 v4, v0;
	v2 =	vld.idx.msk [tilespmem:v2+s5+$0x0], $0xffff  }
0x1fe: {  	v0 =	vor.u32 $0x80, v0;
	_ =	sdelay $0x1  }
0x1ff: {  	v4 =	vshrl.u32 v1, $0x10;
	v1 =	vshrl.u32 v1, $0xD  }
0x200: {  	v4 =	vand.u32 $0x7F, v4;
	v1 =	vand.u32 $0x7FC00, v1;
	v3 =	vld.idx.msk [tilespmem:v3+s5+$0x0], $0xffff  }
0x201: {  	v1 =	vor.u32 v4, v1;
	[tilespmem:s17+$0x18080] =	vst v2  }
0x202: {  	s8 =	simm.s32 $0x100;
	s9 =	simm.s32 $0x20;
	v0 =	vld.idx.msk [tilespmem:v0+s5+$0x0], $0xffff  }
0x203: {  	s11 =	simm.s32 $0x100;
	s12 =	sand.u32 $0x3C00, s8;
	s0 =	sand.u32 $0x60, s9  }
0x204: {  	s8 =	sor.u32 s0, s12;
	[smem:$0x7E3] =	sst s11  }
0x205: {  	[tilespmem:s8+$0x18000] =	vst v3  }
0x206: {  	v1 =	vld.idx.msk [tilespmem:v1+s5+$0x0], $0xffff  }
0x207: {  	[tilespmem:s17+$0x18090] =	vst v0  }
0x208: {  	s13 =	simm.s32 $0x20;
	s15 =	simm.s32 $0x100;
	v0 =	vld [tilespmem:s10+$0x12100]  }
0x209: {  	s14 =	simm.s32 $0x20;
	s16 =	sand.u32 $0x70, s13;
	s18 =	sand.u32 $0x1C00, s15  }
0x20a: {  	[dreg:$0x17] =	wrdreg s14;
	s14 =	sor.u32 s16, s18  }
0x20b: {  	v2 =	vld [tilespmem:s14+$0x12000];
	[tilespmem:s8+$0x18010] =	vst v1  }
0x20c: {  	v1 =	vld [tilespmem:s1+$0x12080]  }
0x20d: {  	v3 =	vshll.u32 v0, $0x3  }
0x20e: {  	v4 =	vand.u32 $0x7F, v0;
	v3 =	vand.u32 $0x7FC00, v3  }
0x20f: {  	v3 =	vor.u32 v3, v4  }
0x210: {  	v4 =	vshll.u32 v2, $0x3;
	v3 =	vor.u32 $0x100, v3  }
0x211: {  	v5 =	vand.u32 $0x7F, v2;
	v6 =	vshll.u32 v1, $0x3;
	v4 =	vand.u32 $0x7FC00, v4  }
0x212: {  	v6 =	vand.u32 $0x7FC00, v6;
	v4 =	vor.u32 v5, v4;
	v5 =	vand.u32 $0x7F, v1  }
0x213: {  	v5 =	vor.u32 v6, v5;
	v6 =	vshrl.u32 v0, $0x10;
	v0 =	vshrl.u32 v0, $0xD  }
0x214: {  	v6 =	vand.u32 $0x7F, v6;
	v0 =	vand.u32 $0x7FC00, v0;
	v5 =	vor.u32 $0x80, v5  }
0x215: {  	v0 =	vor.u32 v6, v0;
	v3 =	vld.idx.msk [tilespmem:v3+s5+$0x0], $0xffff  }
0x216: {  	v7 =	vshrl.u32 v2, $0x10;
	v2 =	vshrl.u32 v2, $0xD;
	v0 =	vor.u32 $0x100, v0  }
0x217: {  	v2 =	vand.u32 $0x7FC00, v2  }
0x218: {  	s23 =	simm.s32 $0x200;
	v6 =	vand.u32 $0x7F, v7;
	v7 =	vshrl.u32 v1, $0x10;
	v1 =	vshrl.u32 v1, $0xD;
	v4 =	vld.idx.msk [tilespmem:v4+s5+$0x0], $0xffff  }
0x219: {  	s20 =	simm.s32 $0x200;
	s2 =	simm.s32 $0x30;
	v2 =	vor.u32 v6, v2;
	v6 =	vand.u32 $0x7F, v7;
	v1 =	vand.u32 $0x7FC00, v1;
	v5 =	vld.idx.msk [tilespmem:v5+s5+$0x0], $0xffff;
	[smem:$0x7E4] =	sst s23  }
0x21a: {  	s21 =	simm.s32 $0x40;
	s6 =	simm.s32 $0x180;
	s24 =	sand.u32 $0x3C00, s20;
	v1 =	vor.u32 v6, v1;
	[tilespmem:s17+$0x18100] =	vst v3  }
0x21b: {  	s25 =	simm.s32 $0x30;
	s0 =	sand.u32 $0x60, s21;
	v1 =	vor.u32 $0x80, v1;
	v0 =	vld.idx.msk [tilespmem:v0+s5+$0x0], $0xffff;
	[dreg:$0x5] =	wrdreg s2  }
0x21c: {  	s26 =	simm.s32 $0x180;
	s7 =	sor.u32 s0, s24;
	[dreg:$0x8] =	wrdreg s6  }
0x21d: {  	s9 =	sand.u32 $0x1C00, s26;
	s4 =	sand.u32 $0x70, s25;
	[tilespmem:s7+$0x18000] =	vst v4  }
0x21e: {  	s13 =	sor.u32 s4, s9;
	v2 =	vld.idx.msk [tilespmem:v2+s5+$0x0], $0xffff  }
0x21f: {  	v3 =	vld [tilespmem:s13+$0x12000];
	[tilespmem:s8+$0x18080] =	vst v5  }
0x220: {  	v1 =	vld.idx.msk [tilespmem:v1+s5+$0x0], $0xffff;
	_ =	sdelay $0x1  }
0x221: {  	[tilespmem:s17+$0x18110] =	vst v0  }
0x222: {  	v0 =	vld [tilespmem:s10+$0x12180];
	[tilespmem:s7+$0x18010] =	vst v2  }
0x223: {  	v4 =	vshll.u32 v3, $0x3;
	v2 =	vld [tilespmem:s14+$0x12080]  }
0x224: {  	v5 =	vand.u32 $0x7F, v3;
	v4 =	vand.u32 $0x7FC00, v4;
	[tilespmem:s8+$0x18090] =	vst v1  }
0x225: {  	v1 =	vshrl.u32 v3, $0x10;
	v3 =	vshrl.u32 v3, $0xD;
	v4 =	vor.u32 v5, v4;
	v6 =	vld [tilespmem:s1+$0x12100]  }
0x226: {  	v1 =	vand.u32 $0x7F, v1;
	v3 =	vand.u32 $0x7FC00, v3  }
0x227: {  	v1 =	vor.u32 v1, v3;
	v5 =	vshll.u32 v0, $0x3  }
0x228: {  	v7 =	vand.u32 $0x7F, v0;
	v5 =	vand.u32 $0x7FC00, v5;
	v8 =	vshll.u32 v2, $0x3  }
0x229: {  	v5 =	vor.u32 v5, v7;
	v7 =	vand.u32 $0x7F, v2;
	v8 =	vand.u32 $0x7FC00, v8  }
0x22a: {  	v4 =	vld.idx.msk [tilespmem:v4+s5+$0x0], $0xffff;
	v5 =	vor.u32 $0x180, v5;
	v3 =	vor.u32 v8, v7;
	v7 =	vshll.u32 v6, $0x3  }
0x22b: {  	v8 =	vand.u32 $0x7F, v6;
	v7 =	vand.u32 $0x7FC00, v7;
	v3 =	vor.u32 $0x80, v3  }
0x22c: {  	s12 =	simm.s32 $0x60;
	s11 =	simm.s32 $0x300;
	v7 =	vor.u32 v7, v8;
	v8 =	vshrl.u32 v0, $0x10;
	v0 =	vshrl.u32 v0, $0xD  }
0x22d: {  	s0 =	sand.u32 $0x60, s12;
	s16 =	simm.s32 $0x300;
	s18 =	sand.u32 $0x3C00, s11;
	v7 =	vor.u32 $0x100, v7;
	v8 =	vand.u32 $0x7F, v8;
	v0 =	vand.u32 $0x7FC00, v0  }
0x22e: {  	s24 =	sor.u32 s0, s18;
	v9 =	vshrl.u32 v2, $0x10;
	v2 =	vshrl.u32 v2, $0xD;
	[dreg:$0x14] =	wrdreg s16;
	v0 =	vor.u32 v8, v0  }
0x22f: {  	v2 =	vand.u32 $0x7FC00, v2;
	[tilespmem:s24+$0x18000] =	vst v4;
	v5 =	vld.idx.msk [tilespmem:v5+s5+$0x0], $0xffff;
	v8 =	vand.u32 $0x7F, v9;
	v0 =	vor.u32 $0x180, v0  }
0x230: {  	v1 =	vld.idx.msk [tilespmem:v1+s5+$0x0], $0xffff;
	v2 =	vor.u32 v8, v2;
	v8 =	vshrl.u32 v6, $0x10;
	v6 =	vshrl.u32 v6, $0xD  }
0x231: {  	s23 =	simm.s32 $0x40;
	v3 =	vld.idx.msk [tilespmem:v3+s5+$0x0], $0xffff;
	v4 =	vand.u32 $0x7F, v8;
	v6 =	vand.u32 $0x7FC00, v6  }
0x232: {  	s26 =	simm.s32 $0x200;
	v4 =	vor.u32 v4, v6;
	v6 =	vld.idx.msk [tilespmem:v7+s5+$0x0], $0xffff;
	[dreg:$0xd] =	wrdreg s23  }
0x233: {  	v2 =	vor.u32 $0x80, v2;
	[dreg:$0xa] =	wrdreg s26  }
0x234: {  	s20 =	simm.s32 $0x40;
	s21 =	simm.s32 $0x200;
	[tilespmem:s17+$0x18180] =	vst v5  }
0x235: {  	s25 =	sand.u32 $0x70, s20;
	s2 =	sand.u32 $0x1C00, s21;
	v4 =	vor.u32 $0x100, v4;
	v0 =	vld.idx.msk [tilespmem:v0+s5+$0x0], $0xffff  }
0x236: {  	s28 =	sor.u32 s25, s2  }
0x237: {  	v5 =	vld [tilespmem:s28+$0x12000];
	[tilespmem:s7+$0x18080] =	vst v3  }
0x238: {  	[tilespmem:s24+$0x18010] =	vst v1;
	v1 =	vld.idx.msk [tilespmem:v2+s5+$0x0], $0xffff  }
0x239: {  	v2 =	vld [tilespmem:s13+$0x12080];
	[tilespmem:s8+$0x18100] =	vst v6  }
0x23a: {  	v3 =	vld.idx.msk [tilespmem:v4+s5+$0x0], $0xffff;
	[tilespmem:s17+$0x18190] =	vst v0  }
0x23b: {  	v6 =	vld [tilespmem:s10+$0x12200]  }
0x23c: {  	v4 =	vshll.u32 v5, $0x3;
	v7 =	vshrl.u32 v5, $0xD;
	v0 =	vshrl.u32 v5, $0x10  }
0x23d: {  	v4 =	vand.u32 $0x7FC00, v4;
	v0 =	vand.u32 $0x7F, v0;
	[tilespmem:s7+$0x18090] =	vst v1;
	v1 =	vand.u32 $0x7F, v5  }
0x23e: {  	v5 =	vld [tilespmem:s14+$0x12100];
	v1 =	vor.u32 v1, v4;
	v4 =	vand.u32 $0x7FC00, v7;
	v7 =	vshll.u32 v2, $0x3  }
0x23f: {  	v0 =	vor.u32 v0, v4;
	[tilespmem:s8+$0x18110] =	vst v3;
	v3 =	vand.u32 $0x7F, v2;
	v7 =	vand.u32 $0x7FC00, v7  }
0x240: {  	v4 =	vshrl.u32 v2, $0x10;
	v8 =	vld [tilespmem:s1+$0x12180];
	v3 =	vor.u32 v7, v3;
	v9 =	vshll.u32 v6, $0x3  }
0x241: {  	v7 =	vand.u32 $0x7F, v6;
	v3 =	vor.u32 $0x80, v3;
	v9 =	vand.u32 $0x7FC00, v9  }
0x242: {  	v2 =	vshrl.u32 v2, $0xD;
	v4 =	vand.u32 $0x7F, v4;
	v7 =	vor.u32 v9, v7  }
0x243: {  	v2 =	vand.u32 $0x7FC00, v2;
	v10 =	vshll.u32 v5, $0x3;
	v7 =	vor.u32 $0x200, v7  }
0x244: {  	s29 =	simm.s32 $0x400;
	s4 =	simm.s32 $0x50;
	v2 =	vor.u32 v4, v2;
	v9 =	vand.u32 $0x7F, v5;
	v1 =	vld.idx.msk [tilespmem:v1+s5+$0x0], $0xffff;
	v10 =	vand.u32 $0x7FC00, v10  }
0x245: {  	s20 =	sand.u32 $0x3C00, s29;
	s12 =	sand.u32 $0x70, s4;
	v2 =	vor.u32 $0x80, v2;
	v4 =	vor.u32 v10, v9;
	v9 =	vshll.u32 v8, $0x3  }
0x246: {  	s11 =	simm.s32 $0x50;
	s6 =	simm.s32 $0x80;
	s16 =	simm.s32 $0x280;
	v10 =	vand.u32 $0x7F, v8;
	v4 =	vor.u32 $0x100, v4;
	v9 =	vand.u32 $0x7FC00, v9;
	v3 =	vld.idx.msk [tilespmem:v3+s5+$0x0], $0xffff  }
0x247: {  	s0 =	sand.u32 $0x60, s6;
	s18 =	sand.u32 $0x1C00, s16;
	[dreg:$0x1b] =	wrdreg s11;
	v9 =	vor.u32 v9, v10;
	v10 =	vshrl.u32 v6, $0x10;
	v6 =	vshrl.u32 v6, $0xD  }
0x248: {  	s6 =	sor.u32 s0, s20;
	s26 =	sor.u32 s12, s18;
	v9 =	vor.u32 $0x180, v9;
	v10 =	vand.u32 $0x7F, v10;
	v6 =	vand.u32 $0x7FC00, v6;
	v7 =	vld.idx.msk [tilespmem:v7+s5+$0x0], $0xffff  }
0x249: {  	v11 =	vshrl.u32 v5, $0x10;
	v5 =	vshrl.u32 v5, $0xD;
	[tilespmem:s6+$0x18000] =	vst v1;
	v6 =	vor.u32 v10, v6;
	v10 =	vld [tilespmem:s26+$0x12000]  }
0x24a: {  	v11 =	vand.u32 $0x7F, v11;
	v5 =	vand.u32 $0x7FC00, v5;
	v0 =	vld.idx.msk [tilespmem:v0+s5+$0x0], $0xffff;
	v1 =	vor.u32 $0x200, v6  }
0x24b: {  	v5 =	vor.u32 v11, v5;
	v6 =	vshrl.u32 v8, $0x10;
	v8 =	vshrl.u32 v8, $0xD;
	v4 =	vld.idx.msk [tilespmem:v4+s5+$0x0], $0xffff;
	[tilespmem:s24+$0x18080] =	vst v3  }
0x24c: {  	v5 =	vor.u32 $0x100, v5;
	v6 =	vand.u32 $0x7F, v6;
	v8 =	vand.u32 $0x7FC00, v8;
	v2 =	vld.idx.msk [tilespmem:v2+s5+$0x0], $0xffff  }
0x24d: {  	v6 =	vor.u32 v6, v8;
	v3 =	vld.idx.msk [tilespmem:v9+s5+$0x0], $0xffff  }
0x24e: {  	v6 =	vor.u32 $0x180, v6;
	[tilespmem:s17+$0x18200] =	vst v7  }
0x24f: {  	[tilespmem:s6+$0x18010] =	vst v0;
	v1 =	vld.idx.msk [tilespmem:v1+s5+$0x0], $0xffff  }
0x250: {  	v0 =	vld [tilespmem:s28+$0x12080];
	[tilespmem:s7+$0x18100] =	vst v4  }
0x251: {  	v4 =	vld.idx.msk [tilespmem:v5+s5+$0x0], $0xffff;
	[tilespmem:s24+$0x18090] =	vst v2  }
0x252: {  	v7 =	vand.u32 $0x7F, v10;
	v5 =	vshll.u32 v10, $0x3;
	[tilespmem:s8+$0x18180] =	vst v3;
	v8 =	vld [tilespmem:s13+$0x12100]  }
0x253: {  	v3 =	vshrl.u32 v10, $0x10;
	v5 =	vand.u32 $0x7FC00, v5;
	v2 =	vld.idx.msk [tilespmem:v6+s5+$0x0], $0xffff;
	v6 =	vshrl.u32 v10, $0xD  }
0x254: {  	v3 =	vand.u32 $0x7F, v3;
	[tilespmem:s17+$0x18210] =	vst v1;
	v1 =	vor.u32 v7, v5;
	v5 =	vand.u32 $0x7FC00, v6  }
0x255: {  	v7 =	vshrl.u32 v0, $0xD;
	v9 =	vshll.u32 v0, $0x3;
	v6 =	vld [tilespmem:s10+$0x12280];
	v3 =	vor.u32 v3, v5  }
0x256: {  	v5 =	vshrl.u32 v0, $0x10;
	v0 =	vand.u32 $0x7F, v0;
	v9 =	vand.u32 $0x7FC00, v9  }
0x257: {  	v7 =	vand.u32 $0x7FC00, v7;
	v5 =	vand.u32 $0x7F, v5;
	[tilespmem:s7+$0x18110] =	vst v4;
	v0 =	vor.u32 v9, v0  }
0x258: {  	v5 =	vor.u32 v5, v7;
	v4 =	vshrl.u32 v8, $0x10;
	v7 =	vld [tilespmem:s14+$0x12180];
	v0 =	vor.u32 $0x80, v0;
	[tilespmem:s8+$0x18190] =	vst v2  }
0x259: {  	v9 =	vshrl.u32 v8, $0xD;
	v11 =	vshll.u32 v8, $0x3;
	v2 =	vor.u32 $0x80, v5;
	v5 =	vld [tilespmem:s1+$0x12200]  }
0x25a: {  	s4 =	simm.s32 $0x60;
	s21 =	simm.s32 $0xA0;
	s25 =	simm.s32 $0x300;
	v8 =	vand.u32 $0x7F, v8;
	v11 =	vand.u32 $0x7FC00, v11;
	v1 =	vld.idx.msk [tilespmem:v1+s5+$0x0], $0xffff;
	v10 =	vshll.u32 v6, $0x3  }
0x25b: {  	s2 =	simm.s32 $0x500;
	s20 =	simm.s32 $0x500;
	v8 =	vor.u32 v11, v8;
	[dreg:$0x1e] =	wrdreg s4;
	v12 =	vand.u32 $0x7F, v6;
	v10 =	vand.u32 $0x7FC00, v10  }
0x25c: {  	s0 =	sand.u32 $0x60, s21;
	s23 =	simm.s32 $0x60;
	[smem:$0x7E5] =	sst s20;
	v8 =	vor.u32 $0x100, v8;
	v10 =	vor.u32 v10, v12  }
0x25d: {  	s18 =	sand.u32 $0x1C00, s25;
	s12 =	sand.u32 $0x3C00, s2;
	s11 =	sand.u32 $0x70, s23;
	v4 =	vand.u32 $0x7F, v4;
	v9 =	vand.u32 $0x7FC00, v9;
	v0 =	vld.idx.msk [tilespmem:v0+s5+$0x0], $0xffff;
	v10 =	vor.u32 $0x280, v10  }
0x25e: {  	s0 =	sor.u32 s0, s12;
	s30 =	sor.u32 s11, s18;
	v4 =	vor.u32 v4, v9;
	v11 =	vshll.u32 v5, $0x3  }
0x25f: {  	s2 =	simm.s32 $0x380;
	v14 =	vld [tilespmem:s30+$0x12000];
	v12 =	vshll.u32 v7, $0x3;
	v13 =	vand.u32 $0x7F, v5;
	[tilespmem:s0+$0x18000] =	vst v1;
	v11 =	vand.u32 $0x7FC00, v11  }
0x260: {  	v4 =	vor.u32 $0x100, v4;
	v12 =	vand.u32 $0x7FC00, v12;
	v3 =	vld.idx.msk [tilespmem:v3+s5+$0x0], $0xffff;
	[smem:$0x7E6] =	sst s2;
	v1 =	vor.u32 v11, v13  }
0x261: {  	v11 =	vshrl.u32 v6, $0x10;
	v6 =	vshrl.u32 v6, $0xD;
	v8 =	vld.idx.msk [tilespmem:v8+s5+$0x0], $0xffff;
	v13 =	vor.u32 $0x200, v1  }
0x262: {  	s31 =	simm.s32 $0x70;
	s21 =	simm.s32 $0x380;
	v1 =	vand.u32 $0x7F, v11;
	v6 =	vand.u32 $0x7FC00, v6;
	v11 =	vand.u32 $0x7F, v7;
	[tilespmem:s6+$0x18080] =	vst v0;
	v10 =	vld.idx.msk [tilespmem:v10+s5+$0x0], $0xffff  }
0x263: {  	s23 =	sand.u32 $0x70, s31;
	s4 =	sand.u32 $0x1C00, s21;
	v0 =	vshrl.u32 v5, $0x10;
	v5 =	vshrl.u32 v5, $0xD;
	v6 =	vor.u32 v1, v6;
	v2 =	vld.idx.msk [tilespmem:v2+s5+$0x0], $0xffff  }
0x264: {  	s12 =	sor.u32 s23, s4;
	v9 =	vor.u32 v12, v11;
	v0 =	vand.u32 $0x7F, v0;
	v6 =	vor.u32 $0x280, v6  }
0x265: {  	v1 =	vld [tilespmem:s12+$0x12000];
	v5 =	vand.u32 $0x7FC00, v5;
	v11 =	vshrl.u32 v7, $0x10;
	v9 =	vor.u32 $0x180, v9;
	[tilespmem:s0+$0x18010] =	vst v3  }
0x266: {  	v0 =	vor.u32 v0, v5;
	v5 =	vand.u32 $0x7F, v11;
	v11 =	vld [tilespmem:s26+$0x12080];
	[tilespmem:s24+$0x18100] =	vst v8  }
0x267: {  	v7 =	vshrl.u32 v7, $0xD;
	v8 =	vshll.u32 v14, $0x3;
	v3 =	vld.idx.msk [tilespmem:v13+s5+$0x0], $0xffff;
	[tilespmem:s17+$0x18280] =	vst v10  }
0x268: {  	v0 =	vor.u32 $0x200, v0;
	v4 =	vld.idx.msk [tilespmem:v4+s5+$0x0], $0xffff;
	v8 =	vand.u32 $0x7FC00, v8;
	[tilespmem:s6+$0x18090] =	vst v2;
	v2 =	vand.u32 $0x7F, v14  }
0x269: {  	v7 =	vand.u32 $0x7FC00, v7;
	v6 =	vld.idx.msk [tilespmem:v6+s5+$0x0], $0xffff;
	v2 =	vor.u32 v2, v8  }
0x26a: {  	v5 =	vor.u32 v5, v7;
	v9 =	vld.idx.msk [tilespmem:v9+s5+$0x0], $0xffff  }
0x26b: {  	v7 =	vshrl.u32 v14, $0x10;
	v5 =	vor.u32 $0x180, v5;
	v10 =	vshrl.u32 v14, $0xD;
	v12 =	vld [tilespmem:s28+$0x12100]  }
0x26c: {  	v7 =	vand.u32 $0x7F, v7;
	v10 =	vand.u32 $0x7FC00, v10;
	[tilespmem:s8+$0x18200] =	vst v3  }
0x26d: {  	v8 =	vshll.u32 v11, $0x3;
	v3 =	vor.u32 v7, v10;
	[tilespmem:s24+$0x18110] =	vst v4;
	v0 =	vld.idx.msk [tilespmem:v0+s5+$0x0], $0xffff  }
0x26e: {  	v7 =	vshrl.u32 v11, $0x10;
	v10 =	vshrl.u32 v11, $0xD;
	v8 =	vand.u32 $0x7FC00, v8;
	[tilespmem:s17+$0x18290] =	vst v6;
	v2 =	vld.idx.msk [tilespmem:v2+s5+$0x0], $0xffff  }
0x26f: {  	v4 =	vshrl.u32 v1, $0x10;
	v7 =	vand.u32 $0x7F, v7;
	v6 =	vand.u32 $0x7F, v11;
	[tilespmem:s7+$0x18180] =	vst v9;
	v11 =	vld [tilespmem:s10+$0x12300]  }
0x270: {  	v9 =	vand.u32 $0x7FC00, v10;
	v10 =	vshrl.u32 v12, $0xD;
	v5 =	vld.idx.msk [tilespmem:v5+s5+$0x0], $0xffff;
	v6 =	vor.u32 v8, v6  }
0x271: {  	s18 =	simm.s32 $0x600;
	s20 =	simm.s32 $0xC0;
	v7 =	vor.u32 v7, v9;
	v8 =	vld [tilespmem:s13+$0x12180];
	v9 =	vshrl.u32 v12, $0x10;
	v6 =	vor.u32 $0x80, v6  }
0x272: {  	s21 =	simm.s32 $0x600;
	s9 =	sand.u32 $0x60, s20;
	v13 =	vshll.u32 v12, $0x3;
	v10 =	vand.u32 $0x7FC00, v10;
	s10 =	sand.u32 $0x3C00, s18;
	v9 =	vand.u32 $0x7F, v9;
	[tilespmem:s8+$0x18210] =	vst v0  }
0x273: {  	s23 =	sor.u32 s9, s10;
	v9 =	vor.u32 v9, v10;
	v0 =	vand.u32 $0x7F, v12;
	v12 =	vand.u32 $0x7FC00, v13;
	v10 =	vld [tilespmem:s1+$0x12280];
	[smem:$0x7E7] =	sst s21  }
0x274: {  	v7 =	vor.u32 $0x80, v7;
	v0 =	vor.u32 v12, v0;
	v12 =	vshll.u32 v11, $0x3;
	[tilespmem:s23+$0x18000] =	vst v2  }
0x275: {  	v13 =	vand.u32 $0x7F, v11;
	[tilespmem:s7+$0x18190] =	vst v5;
	v5 =	vor.u32 $0x100, v0;
	v12 =	vand.u32 $0x7FC00, v12;
	v3 =	vld.idx.msk [tilespmem:v3+s5+$0x0], $0xffff  }
0x276: {  	v9 =	vor.u32 $0x100, v9;
	v14 =	vshrl.u32 v8, $0x10;
	v6 =	vld.idx.msk [tilespmem:v6+s5+$0x0], $0xffff;
	v0 =	vor.u32 v12, v13  }
0x277: {  	v15 =	vshll.u32 v8, $0x3;
	v17 =	vshrl.u32 v11, $0x10;
	v12 =	vld [tilespmem:s14+$0x12200];
	v2 =	vor.u32 $0x300, v0  }
0x278: {  	v13 =	vshrl.u32 v8, $0xD;
	v0 =	vand.u32 $0x7F, v8;
	v8 =	vand.u32 $0x7FC00, v15  }
0x279: {  	v11 =	vshrl.u32 v11, $0xD;
	v15 =	vshll.u32 v10, $0x3;
	v0 =	vor.u32 v8, v0  }
0x27a: {  	v8 =	vand.u32 $0x7F, v10;
	v15 =	vand.u32 $0x7FC00, v15;
	v16 =	vor.u32 $0x180, v0;
	[tilespmem:s23+$0x18010] =	vst v3;
	v3 =	vld.idx.msk [tilespmem:v5+s5+$0x0], $0xffff  }
0x27b: {  	v11 =	vand.u32 $0x7FC00, v11;
	v8 =	vor.u32 v15, v8;
	v15 =	vand.u32 $0x7F, v17  }
0x27c: {  	[tilespmem:s0+$0x18080] =	vst v6;
	v17 =	vshll.u32 v12, $0x3;
	v8 =	vor.u32 $0x280, v8;
	v11 =	vor.u32 v15, v11;
	v2 =	vld.idx.msk [tilespmem:v2+s5+$0x0], $0xffff  }
0x27d: {  	s21 =	sand.u32 $0x3, s22;
	v15 =	vand.u32 $0x7F, v12;
	v7 =	vld.idx.msk [tilespmem:v7+s5+$0x0], $0xffff;
	v17 =	vand.u32 $0x7FC00, v17;
	v5 =	vor.u32 $0x300, v11  }
0x27e: {  	s11 =	sshll.u32 s21, $0x5;
	v13 =	vand.u32 $0x7FC00, v13;
	v11 =	vand.u32 $0x7F, v14;
	v14 =	vor.u32 v17, v15;
	v15 =	vld [tilespmem:s30+$0x12080]  }
0x27f: {  	v4 =	vand.u32 $0x7F, v4;
	s21 =	sadd.s32 $0x0, s11;
	v6 =	vor.u32 v11, v13;
	v11 =	vor.u32 $0x200, v14;
	v14 =	vld.idx.msk [tilespmem:v16+s5+$0x0], $0xffff;
	[tilespmem:s6+$0x18100] =	vst v3  }
0x280: {  	s18 =	simm.s32 $0x80;
	s9 =	simm.s32 $0x400;
	s11 =	sor.u32 $0x300, s21;
	v13 =	vshrl.u32 v10, $0x10;
	v10 =	vshrl.u32 v10, $0xD;
	v6 =	vor.u32 $0x180, v6;
	v9 =	vld.idx.msk [tilespmem:v9+s5+$0x0], $0xffff  }
0x281: {  	s17 =	sand.u32 $0x70, s18;
	s20 =	sand.u32 $0x1C00, s9;
	v13 =	vand.u32 $0x7F, v13;
	[tilespmem:s11+$0x18000] =	vst v2;
	v2 =	vld.idx.msk [tilespmem:v8+s5+$0x0], $0xffff;
	v8 =	vand.u32 $0x7FC00, v10;
	v10 =	vshrl.u32 v12, $0x10  }
0x282: {  	s10 =	sor.u32 s17, s20;
	v12 =	vshrl.u32 v12, $0xD;
	v3 =	vor.u32 v13, v8;
	v8 =	vand.u32 $0x7F, v10;
	v5 =	vld.idx.msk [tilespmem:v5+s5+$0x0], $0xffff  }
0x283: {  	v0 =	vld [tilespmem:s10+$0x12000];
	[tilespmem:s0+$0x18090] =	vst v7;
	v10 =	vand.u32 $0x7FC00, v12;
	v12 =	vshll.u32 v1, $0x3;
	v13 =	vshrl.u32 v1, $0xD  }
0x284: {  	s20 =	smov.u32 s23;
	s23 =	sadd.s32 $0x10, s21;
	v1 =	vand.u32 $0x7F, v1;
	v3 =	vor.u32 $0x280, v3;
	v11 =	vld.idx.msk [tilespmem:v11+s5+$0x0], $0xffff;
	v7 =	vor.u32 v8, v10;
	[tilespmem:s24+$0x18180] =	vst v14  }
0x285: {  	v8 =	vand.u32 $0x7FC00, v12;
	v10 =	vld [tilespmem:s26+$0x12100];
	v14 =	vshrl.u32 v15, $0xD;
	v12 =	vor.u32 $0x200, v7;
	[smem:$0x7E8] =	sst s23  }
0x286: {  	s11 =	sor.u32 $0x300, s23;
	v7 =	vand.u32 $0x7FC00, v13;
	v8 =	vor.u32 v1, v8;
	v14 =	vand.u32 $0x7FC00, v14;
	[tilespmem:s6+$0x18110] =	vst v9  }
0x287: {  	s3 =	sor.u32 s22, s3;
	v13 =	vor.u32 v4, v7;
	v4 =	vshrl.u32 v15, $0x10;
	v6 =	vld.idx.msk [tilespmem:v6+s5+$0x0], $0xffff;
	[tilespmem:s11+$0x18000] =	vst v5;
	v5 =	vshll.u32 v15, $0x3  }
0x288: {  	s3 =	sor.u32 $0x380, s3;
	v7 =	vand.u32 $0x7F, v15;
	v4 =	vand.u32 $0x7F, v4;
	v15 =	vld [tilespmem:s28+$0x12180];
	v9 =	vand.u32 $0x7FC00, v5  }
0x289: {  	[tilespmem:s8+$0x18280] =	vst v2;
	v4 =	vor.u32 v4, v14;
	v1 =	vld [tilespmem:s3+$0x12000];
	v5 =	vshrl.u32 v0, $0x10;
	v2 =	vor.u32 v9, v7  }
0x28a: {  	v3 =	vld.idx.msk [tilespmem:v3+s5+$0x0], $0xffff;
	[tilespmem:s7+$0x18200] =	vst v11;
	v7 =	vor.u32 $0x80, v4;
	v4 =	vshrl.u32 v10, $0x10;
	v9 =	vshrl.u32 v10, $0xD  }
0x28b: {  	v11 =	vld.idx.msk [tilespmem:v12+s5+$0x0], $0xffff;
	v12 =	vshll.u32 v10, $0x3;
	v4 =	vand.u32 $0x7F, v4;
	v9 =	vand.u32 $0x7FC00, v9  }
0x28c: {  	v8 =	vld.idx.msk [tilespmem:v8+s5+$0x0], $0xffff;
	v10 =	vand.u32 $0x7F, v10;
	v12 =	vand.u32 $0x7FC00, v12;
	[tilespmem:s24+$0x18190] =	vst v6;
	v4 =	vor.u32 v4, v9  }
0x28d: {  	v14 =	vor.u32 $0x80, v2;
	v2 =	vor.u32 v12, v10;
	v6 =	vor.u32 $0x100, v4;
	v4 =	vld [tilespmem:s13+$0x12200]  }
0x28e: {  	s17 =	simm.s32 $0x700;
	s11 =	simm.s32 $0xE0;
	v10 =	vor.u32 $0x100, v2;
	v2 =	vshrl.u32 v15, $0x10;
	v9 =	vshrl.u32 v15, $0xD  }
0x28f: {  	s2 =	smov.u32 s12;
	s12 =	sand.u32 $0x3C00, s17;
	[tilespmem:s8+$0x18290] =	vst v3;
	v3 =	vshll.u32 v15, $0x3;
	v12 =	vand.u32 $0x7F, v2;
	v9 =	vand.u32 $0x7FC00, v9;
	s8 =	sand.u32 $0x60, s11  }
0x290: {  	v2 =	vld [tilespmem:s1+$0x12300];
	s3 =	sor.u32 s8, s12;
	[tilespmem:s7+$0x18210] =	vst v11;
	v11 =	vand.u32 $0x7F, v15;
	v3 =	vand.u32 $0x7FC00, v3;
	v12 =	vor.u32 v12, v9  }
0x291: {  	s23 =	simm.s32 $0x400;
	v16 =	vshll.u32 v1, $0x3;
	[tilespmem:s3+$0x18000] =	vst v8;
	v8 =	vld [tilespmem:s14+$0x12280];
	v9 =	vor.u32 v3, v11;
	v3 =	vor.u32 $0x180, v12  }
0x292: {  	s4 =	smov.u32 s14;
	s1 =	simm.s32 $0x80;
	v12 =	vand.u32 $0x7F, v1;
	v15 =	vld.idx.msk [tilespmem:v13+s5+$0x0], $0xffff;
	v13 =	vand.u32 $0x7FC00, v16;
	[smem:$0x7E9] =	sst s23;
	v11 =	vand.u32 $0x7F, v4  }
.LBB2_5:
0x293: {  	s18 =	sadd.s32 $0x10, s18;
	s5 =	simm.s32 $0x0  }
0x294: {  	s9 =	sadd.s32 $0x80, s9;
	v12 =	vor.u32 v13, v12;
	s12 =	smov.u32 s28;
	s8 =	smov.u32 s13;
	v14 =	vld.idx.msk [tilespmem:v14+s5+$0x0], $0xffff  }
0x295: {  	v17 =	vshll.u32 v2, $0x3;
	s28 =	smov.u32 s26;
	s13 =	sand.u32 $0x70, s18;
	s23 =	sand.u32 $0x1C00, s9;
	v12 =	vor.u32 $0x380, v12  }
0x296: {  	v13 =	vand.u32 $0x7F, v2;
	s26 =	smov.u32 s30;
	s30 =	smov.u32 s2;
	v17 =	vand.u32 $0x7FC00, v17;
	s13 =	sor.u32 s13, s23  }
0x297: {  	v16 =	vshll.u32 v4, $0x3;
	v9 =	vor.u32 $0x180, v9;
	v13 =	vor.u32 v17, v13;
	v17 =	vld [tilespmem:s13+$0x12000];
	s23 =	smov.u32 s13;
	s13 =	smov.u32 s7;
	s7 =	smov.u32 s24;
	[tilespmem:s3+$0x18010] =	vst v15  }
0x298: {  	v16 =	vand.u32 $0x7FC00, v16;
	v13 =	vor.u32 $0x300, v13;
	s24 =	smov.u32 s6;
	s6 =	smov.u32 s0;
	s0 =	smov.u32 s20;
	v18 =	vshll.u32 v8, $0x3;
	v10 =	vld.idx.msk [tilespmem:v10+s5+$0x0], $0xffff  }
0x299: {  	v11 =	vor.u32 v16, v11;
	v19 =	vand.u32 $0x7F, v8;
	v18 =	vand.u32 $0x7FC00, v18;
	v16 =	vld [tilespmem:s30+$0x12080];
	[tilespmem:s0+$0x18080] =	vst v14  }
0x29a: {  	v11 =	vor.u32 $0x200, v11;
	v15 =	vor.u32 v18, v19;
	v12 =	vld.idx.msk [tilespmem:v12+s5+$0x0], $0xffff  }
0x29b: {  	v15 =	vor.u32 $0x280, v15;
	v7 =	vld.idx.msk [tilespmem:v7+s5+$0x0], $0xffff  }
0x29c: {  	s14 =	smov.u32 s25;
	s25 =	smov.u32 s16;
	s2 =	smov.u32 s10;
	v9 =	vld.idx.msk [tilespmem:v9+s5+$0x0], $0xffff  }
0x29d: {  	s22 =	sadd.s32 $0x1, s22;
	s10 =	smov.u32 s4;
	s4 =	sld [smem:$0x7E4];
	v13 =	vld.idx.msk [tilespmem:v13+s5+$0x0], $0xffff;
	[tilespmem:s6+$0x18100] =	vst v10  }
0x29e: {  	s16 =	smov.u32 s15;
	s15 =	sand.u32 $0x3, s22;
	s20 =	smov.u32 s3;
	v6 =	vld.idx.msk [tilespmem:v6+s5+$0x0], $0xffff  }
0x29f: {  	s3 =	sshll.u32 s15, $0x5;
	s15 =	sor.u32 $0x380, s21;
	s21 =	sld [smem:$0x7E3];
	v11 =	vld.idx.msk [tilespmem:v11+s5+$0x0], $0xffff  }
0x2a0: {  	v61 =	vshrl.u32 v1, $0x10;
	v1 =	vshrl.u32 v1, $0xD;
	v10 =	vld.idx.msk [tilespmem:v15+s5+$0x0], $0xffff;
	[tilespmem:s15+$0x18000] =	vst v12;
	s15 =	smov.u32 s4;
	s4 =	rddreg [dreg:$0x14]  }
0x2a1: {  	v1 =	vand.u32 $0x7FC00, v1;
	v14 =	vand.u32 $0x7F, v61;
	[smem:$0x7E3] =	sst s15;
	s15 =	smov.u32 s4  }
0x2a2: {  	v1 =	vor.u32 v14, v1;
	[smem:$0x7E4] =	sst s15  }
0x2a3: {  	v62 =	vshrl.u32 v2, $0x10;
	v2 =	vshrl.u32 v2, $0xD;
	v1 =	vor.u32 $0x380, v1;
	s15 =	sld [smem:$0x7E5]  }
0x2a4: {  	v2 =	vand.u32 $0x7FC00, v2;
	v14 =	vand.u32 $0x7F, v62;
	s4 =	smov.u32 s29  }
0x2a5: {  	v63 =	vshrl.u32 v8, $0x10;
	v8 =	vshrl.u32 v8, $0xD;
	v2 =	vor.u32 v14, v2;
	[dreg:$0x14] =	wrdreg s4  }
0x2a6: {  	v8 =	vand.u32 $0x7FC00, v8;
	v2 =	vor.u32 $0x300, v2;
	s4 =	smov.u32 s15;
	s15 =	sld [smem:$0x7E7]  }
0x2a7: {  	s21 =	sadd.s32 s3, s21;
	v14 =	vand.u32 $0x7F, v63;
	v15 =	vshrl.u32 v4, $0x10;
	v4 =	vshrl.u32 v4, $0xD;
	[tilespmem:s0+$0x18090] =	vst v7  }
0x2a8: {  	s3 =	sor.u32 $0x300, s21;
	v8 =	vor.u32 v14, v8;
	v14 =	vand.u32 $0x7F, v15;
	v4 =	vand.u32 $0x7FC00, v4;
	v1 =	vld.idx.msk [tilespmem:v1+s5+$0x0], $0xffff  }
0x2a9: {  	v8 =	vor.u32 $0x280, v8;
	v4 =	vor.u32 v14, v4;
	v14 =	vld [tilespmem:s26+$0x12100];
	[tilespmem:s3+$0x18000] =	vst v13;
	s3 =	smov.u32 s15;
	s15 =	smov.u32 s17  }
0x2aa: {  	[tilespmem:s24+$0x18180] =	vst v9;
	[smem:$0x7E7] =	sst s15  }
0x2ab: {  	v4 =	vor.u32 $0x200, v4;
	v2 =	vld.idx.msk [tilespmem:v2+s5+$0x0], $0xffff;
	s15 =	sld [smem:$0x7E8]  }
0x2ac: {  	v3 =	vld.idx.msk [tilespmem:v3+s5+$0x0], $0xffff;
	[tilespmem:s6+$0x18110] =	vst v6  }
0x2ad: {  	v12 =	vshll.u32 v0, $0x3;
	[tilespmem:s13+$0x18280] =	vst v10  }
0x2ae: {  	v15 =	vshrl.u32 v0, $0xD;
	v7 =	vand.u32 $0x7F, v0;
	v12 =	vand.u32 $0x7FC00, v12;
	v8 =	vld.idx.msk [tilespmem:v8+s5+$0x0], $0xffff;
	[smem:$0x7E5] =	sst s3;
	s3 =	sor.u32 $0x380, s15;
	s15 =	sadd.s32 $0x10, s21  }
0x2af: {  	v7 =	vor.u32 v7, v12;
	v12 =	vand.u32 $0x7FC00, v15;
	v15 =	vld [tilespmem:s28+$0x12180];
	[tilespmem:s7+$0x18200] =	vst v11;
	[smem:$0x7E8] =	sst s15  }
0x2b0: {  	v5 =	vand.u32 $0x7F, v5;
	v11 =	vld.idx.msk [tilespmem:v4+s5+$0x0], $0xffff;
	[tilespmem:s3+$0x18000] =	vst v1;
	s3 =	sor.u32 $0x300, s15;
	s15 =	sld [smem:$0x7E2]  }
0x2b1: {  	v13 =	vshrl.u32 v16, $0xD;
	v9 =	vor.u32 v5, v12;
	v12 =	vshll.u32 v16, $0x3  }
0x2b2: {  	v5 =	vshrl.u32 v16, $0x10;
	v6 =	vand.u32 $0x7FC00, v12;
	v10 =	vand.u32 $0x7F, v16  }
0x2b3: {  	s29 =	smov.u32 s31;
	v13 =	vand.u32 $0x7FC00, v13;
	v12 =	vand.u32 $0x7F, v5;
	v6 =	vor.u32 v6, v10;
	s15 =	sor.u32 s19, s15;
	s19 =	rddreg [dreg:$0x17]  }
0x2b4: {  	v10 =	vor.u32 v12, v13;
	v4 =	vshrl.u32 v14, $0xD;
	v1 =	vshrl.u32 v14, $0x10;
	v12 =	vld.idx.msk [tilespmem:v7+s5+$0x0], $0xffff;
	[tilespmem:s3+$0x18000] =	vst v2;
	s31 =	smov.u32 s19;
	s3 =	sor.u32 $0x380, s15;
	s15 =	rddreg [dreg:$0x5]  }
0x2b5: {  	v4 =	vand.u32 $0x7FC00, v4;
	v1 =	vand.u32 $0x7F, v1;
	[tilespmem:s24+$0x18190] =	vst v3;
	[smem:$0x7E2] =	sst s31  }
0x2b6: {  	v4 =	vor.u32 v1, v4;
	s19 =	smov.u32 s15;
	v1 =	vld [tilespmem:s3+$0x12000];
	s3 =	rddreg [dreg:$0x1b]  }
0x2b7: {  	[dreg:$0x17] =	wrdreg s19  }
0x2b8: {  	s19 =	rddreg [dreg:$0xd]  }
0x2b9: {  	s15 =	smov.u32 s19;
	s19 =	smov.u32 s3;
	s3 =	rddreg [dreg:$0x1e]  }
0x2ba: {  	s11 =	sadd.s32 $0x20, s11;
	[dreg:$0x5] =	wrdreg s15  }
0x2bb: {  	s17 =	sadd.s32 $0x100, s17;
	v7 =	vor.u32 $0x80, v10;
	v10 =	vshll.u32 v14, $0x3;
	[dreg:$0xd] =	wrdreg s19;
	s19 =	smov.u32 s3  }
0x2bc: {  	v2 =	vand.u32 $0x7F, v14;
	v14 =	vor.u32 $0x80, v6;
	v6 =	vor.u32 $0x100, v4;
	v4 =	vld [tilespmem:s12+$0x12200];
	[tilespmem:s13+$0x18290] =	vst v8;
	s13 =	sand.u32 $0x60, s11;
	s15 =	sand.u32 $0x3C00, s17;
	[dreg:$0x1b] =	wrdreg s19  }
0x2bd: {  	s19 =	smov.u32 s29;
	s29 =	smov.u32 s4;
	s4 =	rddreg [dreg:$0xa]  }
0x2be: {  	v10 =	vand.u32 $0x7FC00, v10;
	s3 =	sor.u32 s13, s15;
	s13 =	sld [smem:$0x7E9]  }
0x2bf: {  	v2 =	vor.u32 v10, v2;
	[dreg:$0x1e] =	wrdreg s19  }
0x2c0: {  	v10 =	vor.u32 $0x100, v2;
	v2 =	vld [tilespmem:s10+$0x12300];
	s19 =	smov.u32 s16;
	s16 =	rddreg [dreg:$0x8];
	s10 =	smov.u32 s4  }
0x2c1: {  	p0 =	slt.u32 s18, $0x3F0;
	v0 =	vmov v17;
	s15 =	smov.u32 s16;
	[dreg:$0x8] =	wrdreg s10  }
.Ltmp3:
0x2c2: {  	v5 =	vshrl.u32 v0, $0x10;
	v3 =	vshrl.u32 v15, $0x10;
	v8 =	vshrl.u32 v15, $0xD;
	s16 =	smov.u32 s25;
	s10 =	sld [smem:$0x7E6];
	(pc) =	sbr.rel @p0 .LBB2_5-.Ltmp3, $4  }
0x2c3: {  	v13 =	vshll.u32 v15, $0x3;
	v3 =	vand.u32 $0x7F, v3;
	v8 =	vand.u32 $0x7FC00, v8;
	[tilespmem:s7+$0x18210] =	vst v11;
	[dreg:$0xa] =	wrdreg s16;
	s16 =	smov.u32 s14;
	s14 =	smov.u32 s13  }
0x2c4: {  	s31 =	smov.u32 s1;
	s1 =	smov.u32 s18;
	v11 =	vand.u32 $0x7F, v15;
	v3 =	vor.u32 v3, v8;
	[tilespmem:s3+$0x18000] =	vst v12;
	v12 =	vand.u32 $0x7FC00, v13;
	[smem:$0x7E6] =	sst s14  }
0x2c5: {  	v3 =	vor.u32 $0x180, v3;
	v13 =	vshll.u32 v1, $0x3;
	v15 =	vld.idx.msk [tilespmem:v9+s5+$0x0], $0xffff;
	v9 =	vor.u32 v12, v11;
	s25 =	smov.u32 s10;
	s10 =	smov.u32 s23;
	s23 =	smov.u32 s9  }
0x2c6: {  	s4 =	smov.u32 s8;
	v8 =	vld [tilespmem:s8+$0x12280];
	v11 =	vand.u32 $0x7F, v4;
	v12 =	vand.u32 $0x7F, v1;
	v13 =	vand.u32 $0x7FC00, v13;
	s13 =	smov.u32 s12;
	[smem:$0x7E9] =	sst s23  }
0x2c7: {  	v16 =	vshll.u32 v0, $0x3  }
0x2c8: {  	v17 =	vand.u32 $0x7F, v0;
	v16 =	vand.u32 $0x7FC00, v16  }
0x2c9: {  	v16 =	vor.u32 v17, v16;
	_ =	sdelay $0x3  }
0x2ca: {  	v0 =	vshrl.u32 v0, $0xD;
	s5 =	simm.s32 $0x0  }
0x2cb: {  	v5 =	vand.u32 $0x7F, v5;
	v0 =	vand.u32 $0x7FC00, v0;
	v16 =	vld.idx.msk [tilespmem:v16+s5+$0x0], $0xffff  }
0x2cc: {  	v0 =	vor.u32 v5, v0  }
0x2cd: {  	s9 =	sadd.s32 $0x20, s11;
	s23 =	sadd.s32 $0x100, s17  }
0x2ce: {  	s9 =	sand.u32 $0x60, s9;
	s18 =	sand.u32 $0x3C00, s23  }
0x2cf: {  	s18 =	sor.u32 s9, s18  }
0x2d0: {  	[tilespmem:s18+$0x18000] =	vst v16  }
0x2d1: {  	v0 =	vld.idx.msk [tilespmem:v0+s5+$0x0], $0xffff;
	_ =	sdelay $0x1  }
0x2d2: {  	[tilespmem:s3+$0x18010] =	vst v15  }
0x2d3: {  	v5 =	vld [tilespmem:s2+$0x12080];
	_ =	sdelay $0x1  }
0x2d4: {  	[tilespmem:s18+$0x18010] =	vst v0  }
0x2d5: {  	v0 =	vld [tilespmem:s10+$0x12080];
	_ =	sdelay $0x1  }
0x2d6: {  	v15 =	vshll.u32 v5, $0x3  }
0x2d7: {  	v15 =	vand.u32 $0x7FC00, v15;
	v16 =	vand.u32 $0x7F, v5  }
0x2d8: {  	v15 =	vor.u32 v15, v16  }
0x2d9: {  	v15 =	vor.u32 $0x80, v15;
	v17 =	vshll.u32 v0, $0x3  }
0x2da: {  	v16 =	vand.u32 $0x7F, v0;
	v17 =	vand.u32 $0x7FC00, v17  }
0x2db: {  	v16 =	vor.u32 v17, v16  }
0x2dc: {  	v14 =	vld.idx.msk [tilespmem:v14+s5+$0x0], $0xffff;
	v17 =	vshrl.u32 v5, $0x10;
	v5 =	vshrl.u32 v5, $0xD;
	v16 =	vor.u32 $0x80, v16  }
0x2dd: {  	v17 =	vand.u32 $0x7F, v17;
	v5 =	vand.u32 $0x7FC00, v5  }
0x2de: {  	v15 =	vld.idx.msk [tilespmem:v15+s5+$0x0], $0xffff;
	v5 =	vor.u32 v17, v5  }
0x2df: {  	v18 =	vshrl.u32 v0, $0x10;
	v0 =	vshrl.u32 v0, $0xD;
	v5 =	vor.u32 $0x80, v5  }
0x2e0: {  	v0 =	vand.u32 $0x7FC00, v0;
	v17 =	vand.u32 $0x7F, v18  }
0x2e1: {  	[tilespmem:s20+$0x18080] =	vst v14;
	v0 =	vor.u32 v17, v0;
	v16 =	vld.idx.msk [tilespmem:v16+s5+$0x0], $0xffff  }
0x2e2: {  	v7 =	vld.idx.msk [tilespmem:v7+s5+$0x0], $0xffff;
	v0 =	vor.u32 $0x80, v0  }
0x2e3: {  	[tilespmem:s3+$0x18080] =	vst v15  }
0x2e4: {  	v5 =	vld.idx.msk [tilespmem:v5+s5+$0x0], $0xffff;
	_ =	sdelay $0x1  }
0x2e5: {  	[tilespmem:s18+$0x18080] =	vst v16  }
0x2e6: {  	[tilespmem:s20+$0x18090] =	vst v7;
	v0 =	vld.idx.msk [tilespmem:v0+s5+$0x0], $0xffff  }
0x2e7: {  	v7 =	vld [tilespmem:s30+$0x12100]  }
0x2e8: {  	[tilespmem:s3+$0x18090] =	vst v5  }
0x2e9: {  	v5 =	vld [tilespmem:s2+$0x12100];
	_ =	sdelay $0x1  }
0x2ea: {  	[tilespmem:s18+$0x18090] =	vst v0  }
0x2eb: {  	v14 =	vshll.u32 v7, $0x3;
	v0 =	vld [tilespmem:s10+$0x12100]  }
0x2ec: {  	v14 =	vand.u32 $0x7FC00, v14;
	v15 =	vand.u32 $0x7F, v7  }
0x2ed: {  	v14 =	vor.u32 v14, v15;
	v16 =	vshll.u32 v5, $0x3  }
0x2ee: {  	v10 =	vld.idx.msk [tilespmem:v10+s5+$0x0], $0xffff;
	v14 =	vor.u32 $0x100, v14;
	v17 =	vand.u32 $0x7F, v5;
	v16 =	vand.u32 $0x7FC00, v16  }
0x2ef: {  	v15 =	vshrl.u32 v7, $0x10;
	v7 =	vshrl.u32 v7, $0xD;
	v16 =	vor.u32 v16, v17  }
0x2f0: {  	v15 =	vand.u32 $0x7F, v15;
	v16 =	vor.u32 $0x100, v16;
	v56 =	vshll.u32 v0, $0x3  }
0x2f1: {  	v7 =	vand.u32 $0x7FC00, v7;
	v17 =	vand.u32 $0x7F, v0;
	v18 =	vand.u32 $0x7FC00, v56  }
0x2f2: {  	v7 =	vor.u32 v15, v7;
	v17 =	vor.u32 v18, v17  }
0x2f3: {  	[tilespmem:s0+$0x18100] =	vst v10;
	v14 =	vld.idx.msk [tilespmem:v14+s5+$0x0], $0xffff;
	v15 =	vshrl.u32 v5, $0x10;
	v5 =	vshrl.u32 v5, $0xD;
	v17 =	vor.u32 $0x100, v17  }
0x2f4: {  	v6 =	vld.idx.msk [tilespmem:v6+s5+$0x0], $0xffff;
	v7 =	vor.u32 $0x100, v7;
	v10 =	vand.u32 $0x7F, v15;
	v5 =	vand.u32 $0x7FC00, v5  }
0x2f5: {  	v5 =	vor.u32 v10, v5;
	v10 =	vld.idx.msk [tilespmem:v16+s5+$0x0], $0xffff  }
0x2f6: {  	v5 =	vor.u32 $0x100, v5;
	v15 =	vshrl.u32 v0, $0x10;
	v0 =	vshrl.u32 v0, $0xD  }
0x2f7: {  	v15 =	vand.u32 $0x7F, v15;
	v0 =	vand.u32 $0x7FC00, v0  }
0x2f8: {  	[tilespmem:s20+$0x18100] =	vst v14;
	v0 =	vor.u32 v15, v0;
	v15 =	vld.idx.msk [tilespmem:v17+s5+$0x0], $0xffff  }
0x2f9: {  	v9 =	vor.u32 $0x180, v9;
	[tilespmem:s0+$0x18110] =	vst v6;
	v7 =	vld.idx.msk [tilespmem:v7+s5+$0x0], $0xffff;
	v0 =	vor.u32 $0x100, v0;
	v16 =	vshll.u32 v2, $0x3  }
0x2fa: {  	v57 =	vld [tilespmem:s26+$0x12180];
	v14 =	vshll.u32 v4, $0x3;
	v6 =	vand.u32 $0x7FC00, v16;
	v17 =	vshll.u32 v8, $0x3;
	[tilespmem:s3+$0x18100] =	vst v10  }
0x2fb: {  	v16 =	vand.u32 $0x7F, v8;
	v17 =	vand.u32 $0x7FC00, v17;
	v10 =	vand.u32 $0x7FC00, v14;
	v5 =	vld.idx.msk [tilespmem:v5+s5+$0x0], $0xffff  }
0x2fc: {  	v14 =	vor.u32 v17, v16;
	v10 =	vor.u32 v10, v11  }
0x2fd: {  	v11 =	vor.u32 $0x280, v14;
	v14 =	vshrl.u32 v8, $0x10;
	v8 =	vshrl.u32 v8, $0xD;
	[tilespmem:s18+$0x18100] =	vst v15  }
0x2fe: {  	[tilespmem:s20+$0x18110] =	vst v7;
	v10 =	vor.u32 $0x200, v10;
	v14 =	vand.u32 $0x7F, v14;
	v7 =	vand.u32 $0x7FC00, v8;
	v0 =	vld.idx.msk [tilespmem:v0+s5+$0x0], $0xffff  }
0x2ff: {  	v8 =	vshrl.u32 v4, $0x10;
	v4 =	vshrl.u32 v4, $0xD;
	v15 =	vld [tilespmem:s30+$0x12180];
	v7 =	vor.u32 v14, v7  }
0x300: {  	v9 =	vld.idx.msk [tilespmem:v9+s5+$0x0], $0xffff;
	v8 =	vand.u32 $0x7F, v8;
	v14 =	vshll.u32 v57, $0x3;
	v4 =	vand.u32 $0x7FC00, v4;
	[tilespmem:s3+$0x18110] =	vst v5  }
0x301: {  	v16 =	vand.u32 $0x7F, v57;
	v14 =	vand.u32 $0x7FC00, v14;
	v4 =	vor.u32 v8, v4;
	v8 =	vld [tilespmem:s2+$0x12180]  }
0x302: {  	v5 =	vor.u32 $0x280, v7;
	v7 =	vor.u32 v14, v16;
	v11 =	vld.idx.msk [tilespmem:v11+s5+$0x0], $0xffff  }
0x303: {  	v14 =	vshrl.u32 v57, $0xD;
	v7 =	vor.u32 $0x180, v7;
	v10 =	vld.idx.msk [tilespmem:v10+s5+$0x0], $0xffff;
	[tilespmem:s18+$0x18110] =	vst v0;
	v0 =	vshrl.u32 v57, $0x10  }
0x304: {  	v14 =	vand.u32 $0x7FC00, v14;
	v17 =	vshll.u32 v15, $0x3;
	v16 =	vld [tilespmem:s10+$0x12180];
	v0 =	vand.u32 $0x7F, v0  }
0x305: {  	v17 =	vand.u32 $0x7FC00, v17;
	v0 =	vor.u32 v0, v14;
	v14 =	vand.u32 $0x7F, v15  }
0x306: {  	[tilespmem:s6+$0x18180] =	vst v9;
	v4 =	vor.u32 $0x200, v4;
	v9 =	vor.u32 $0x180, v0;
	v0 =	vor.u32 v17, v14  }
0x307: {  	v3 =	vld.idx.msk [tilespmem:v3+s5+$0x0], $0xffff;
	v58 =	vand.u32 $0x7F, v8;
	v17 =	vor.u32 $0x180, v0  }
0x308: {  	[tilespmem:s24+$0x18200] =	vst v10;
	v10 =	vshrl.u32 v15, $0xD;
	v14 =	vshrl.u32 v15, $0x10;
	v0 =	vshll.u32 v8, $0x3  }
0x309: {  	v7 =	vld.idx.msk [tilespmem:v7+s5+$0x0], $0xffff;
	[tilespmem:s7+$0x18280] =	vst v11;
	v10 =	vand.u32 $0x7FC00, v10;
	v0 =	vand.u32 $0x7FC00, v0;
	v19 =	vshll.u32 v16, $0x3  }
0x30a: {  	v5 =	vld.idx.msk [tilespmem:v5+s5+$0x0], $0xffff;
	v0 =	vor.u32 v0, v58;
	v11 =	vand.u32 $0x7F, v16;
	v59 =	vand.u32 $0x7FC00, v19  }
0x30b: {  	v4 =	vld.idx.msk [tilespmem:v4+s5+$0x0], $0xffff;
	v15 =	vor.u32 $0x180, v0;
	v0 =	vor.u32 v59, v11;
	v11 =	vand.u32 $0x7F, v14  }
0x30c: {  	v12 =	vor.u32 v13, v12;
	[tilespmem:s6+$0x18190] =	vst v3;
	v3 =	vor.u32 v11, v10;
	v10 =	vld.idx.msk [tilespmem:v17+s5+$0x0], $0xffff  }
0x30d: {  	v14 =	vor.u32 $0x180, v0;
	v0 =	vor.u32 $0x380, v12;
	v12 =	vld [tilespmem:s28+$0x12200]  }
0x30e: {  	v13 =	vand.u32 $0x7F, v2;
	[tilespmem:s0+$0x18180] =	vst v7;
	v7 =	vshrl.u32 v8, $0xD;
	v3 =	vor.u32 $0x180, v3  }
0x30f: {  	v9 =	vld.idx.msk [tilespmem:v9+s5+$0x0], $0xffff;
	v7 =	vand.u32 $0x7FC00, v7;
	[tilespmem:s7+$0x18290] =	vst v5;
	v5 =	vor.u32 v6, v13;
	v11 =	vshrl.u32 v8, $0x10  }
0x310: {  	v13 =	vld [tilespmem:s4+$0x12300];
	v8 =	vand.u32 $0x7F, v11;
	v11 =	vshrl.u32 v16, $0x10;
	v16 =	vshrl.u32 v16, $0xD  }
0x311: {  	[tilespmem:s24+$0x18210] =	vst v4;
	v7 =	vor.u32 v8, v7;
	v11 =	vand.u32 $0x7F, v11;
	v8 =	vld.idx.msk [tilespmem:v15+s5+$0x0], $0xffff;
	v15 =	vand.u32 $0x7FC00, v16  }
0x312: {  	v6 =	vor.u32 $0x180, v7;
	v7 =	vor.u32 v11, v15;
	v11 =	vld.idx.msk [tilespmem:v14+s5+$0x0], $0xffff;
	[tilespmem:s20+$0x18180] =	vst v10;
	v4 =	vshll.u32 v12, $0x3  }
0x313: {  	v7 =	vor.u32 $0x180, v7;
	v15 =	vand.u32 $0x7F, v12;
	v3 =	vld.idx.msk [tilespmem:v3+s5+$0x0], $0xffff;
	v4 =	vand.u32 $0x7FC00, v4  }
0x314: {  	v5 =	vor.u32 $0x300, v5;
	[tilespmem:s0+$0x18190] =	vst v9;
	v9 =	vshrl.u32 v2, $0x10;
	v4 =	vor.u32 v4, v15  }
0x315: {  	v14 =	vshrl.u32 v1, $0x10;
	v1 =	vshrl.u32 v1, $0xD;
	v15 =	vld [tilespmem:s26+$0x12200];
	v4 =	vor.u32 $0x200, v4  }
0x316: {  	v2 =	vshrl.u32 v2, $0xD;
	v10 =	vand.u32 $0x7F, v14;
	v1 =	vand.u32 $0x7FC00, v1;
	[tilespmem:s3+$0x18180] =	vst v8  }
0x317: {  	v2 =	vand.u32 $0x7FC00, v2;
	v1 =	vor.u32 v10, v1;
	v10 =	vshrl.u32 v12, $0x10;
	v6 =	vld.idx.msk [tilespmem:v6+s5+$0x0], $0xffff;
	[tilespmem:s18+$0x18180] =	vst v11  }
0x318: {  	v8 =	vand.u32 $0x7F, v9;
	v9 =	vand.u32 $0x7F, v13;
	v10 =	vand.u32 $0x7F, v10;
	v7 =	vld.idx.msk [tilespmem:v7+s5+$0x0], $0xffff;
	[tilespmem:s20+$0x18190] =	vst v3  }
0x319: {  	v2 =	vor.u32 v8, v2;
	v8 =	vshll.u32 v13, $0x3;
	v11 =	vshrl.u32 v12, $0xD;
	v12 =	vld [tilespmem:s30+$0x12200]  }
0x31a: {  	v8 =	vand.u32 $0x7FC00, v8;
	v11 =	vand.u32 $0x7FC00, v11;
	v16 =	vshll.u32 v15, $0x3;
	v4 =	vld.idx.msk [tilespmem:v4+s5+$0x0], $0xffff  }
0x31b: {  	v10 =	vor.u32 v10, v11;
	v11 =	vand.u32 $0x7F, v15;
	v16 =	vand.u32 $0x7FC00, v16  }
0x31c: {  	[tilespmem:s3+$0x18190] =	vst v6;
	v6 =	vor.u32 v8, v9;
	v8 =	vor.u32 $0x200, v10;
	v9 =	vor.u32 v16, v11  }
0x31d: {  	v11 =	vshrl.u32 v15, $0xD;
	v10 =	vld [tilespmem:s2+$0x12200];
	[tilespmem:s18+$0x18190] =	vst v7;
	v7 =	vor.u32 $0x200, v9;
	v9 =	vshrl.u32 v15, $0x10  }
0x31e: {  	v5 =	vld.idx.msk [tilespmem:v5+s5+$0x0], $0xffff;
	v11 =	vand.u32 $0x7FC00, v11;
	v9 =	vand.u32 $0x7F, v9;
	v16 =	vshll.u32 v12, $0x3  }
0x31f: {  	v15 =	vld [tilespmem:s10+$0x12200];
	v9 =	vor.u32 v9, v11;
	v11 =	vand.u32 $0x7F, v12;
	v16 =	vand.u32 $0x7FC00, v16;
	[tilespmem:s6+$0x18200] =	vst v4  }
0x320: {  	s8 =	sadd.s32 $0x1, s22;
	v14 =	vld [tilespmem:s13+$0x12280];
	v4 =	vor.u32 $0x200, v9;
	v9 =	vor.u32 v16, v11;
	s7 =	sld [smem:$0x7E3]  }
0x321: {  	s11 =	sand.u32 $0x3, s8;
	v8 =	vld.idx.msk [tilespmem:v8+s5+$0x0], $0xffff;
	v9 =	vor.u32 $0x200, v9  }
0x322: {  	s4 =	sshll.u32 s11, $0x5;
	v2 =	vor.u32 $0x300, v2;
	v16 =	vshll.u32 v10, $0x3;
	v7 =	vld.idx.msk [tilespmem:v7+s5+$0x0], $0xffff  }
0x323: {  	v11 =	vshrl.u32 v12, $0x10;
	v60 =	vand.u32 $0x7F, v10;
	v16 =	vand.u32 $0x7FC00, v16;
	s4 =	sadd.s32 s4, s7  }
0x324: {  	v11 =	vand.u32 $0x7F, v11;
	v61 =	vshll.u32 v15, $0x3;
	v16 =	vor.u32 v16, v60;
	s7 =	sor.u32 $0x300, s4  }
0x325: {  	v62 =	vand.u32 $0x7F, v15;
	v19 =	vand.u32 $0x7FC00, v61;
	[tilespmem:s7+$0x18000] =	vst v5;
	v5 =	vshrl.u32 v12, $0xD  }
0x326: {  	v12 =	vor.u32 $0x200, v16;
	v16 =	vor.u32 v19, v62;
	[tilespmem:s6+$0x18210] =	vst v8;
	v5 =	vand.u32 $0x7FC00, v5;
	v8 =	vld.idx.msk [tilespmem:v9+s5+$0x0], $0xffff  }
0x327: {  	v3 =	vshll.u32 v14, $0x3;
	v2 =	vld.idx.msk [tilespmem:v2+s5+$0x0], $0xffff;
	v16 =	vor.u32 $0x200, v16;
	v5 =	vor.u32 v11, v5;
	[tilespmem:s0+$0x18200] =	vst v7  }
0x328: {  	v17 =	vand.u32 $0x7F, v14;
	v9 =	vshrl.u32 v10, $0x10;
	v5 =	vor.u32 $0x200, v5;
	s12 =	sld [smem:$0x7E2]  }
0x329: {  	v6 =	vor.u32 $0x300, v6;
	v11 =	vld [tilespmem:s28+$0x12280];
	v7 =	vshrl.u32 v10, $0xD;
	v9 =	vand.u32 $0x7F, v9  }
0x32a: {  	s7 =	sadd.s32 $0x10, s4;
	v10 =	vshrl.u32 v15, $0x10;
	v15 =	vshrl.u32 v15, $0xD;
	v4 =	vld.idx.msk [tilespmem:v4+s5+$0x0], $0xffff;
	v7 =	vand.u32 $0x7FC00, v7  }
0x32b: {  	v7 =	vor.u32 v9, v7;
	v9 =	vand.u32 $0x7F, v10;
	v10 =	vand.u32 $0x7FC00, v15;
	v12 =	vld.idx.msk [tilespmem:v12+s5+$0x0], $0xffff;
	s11 =	sor.u32 s19, s12;
	s12 =	sor.u32 $0x300, s7;
	[tilespmem:s20+$0x18200] =	vst v8  }
0x32c: {  	v9 =	vor.u32 v9, v10;
	[tilespmem:s12+$0x18000] =	vst v2;
	v2 =	vand.u32 $0x7FC00, v3;
	v3 =	vor.u32 $0x200, v7;
	v7 =	vld.idx.msk [tilespmem:v16+s5+$0x0], $0xffff  }
0x32d: {  	v8 =	vor.u32 $0x200, v9;
	s11 =	sor.u32 $0x380, s11;
	v2 =	vor.u32 v2, v17;
	v5 =	vld.idx.msk [tilespmem:v5+s5+$0x0], $0xffff  }
0x32e: {  	v9 =	vshrl.u32 v13, $0x10;
	v15 =	vshll.u32 v11, $0x3;
	v10 =	vld [tilespmem:s11+$0x12000];
	v2 =	vor.u32 $0x280, v2  }
0x32f: {  	v6 =	vld.idx.msk [tilespmem:v6+s5+$0x0], $0xffff;
	v13 =	vshrl.u32 v13, $0xD;
	v16 =	vand.u32 $0x7F, v11;
	v15 =	vand.u32 $0x7FC00, v15;
	[tilespmem:s0+$0x18210] =	vst v4  }
0x330: {  	v4 =	vand.u32 $0x7F, v9;
	v9 =	vand.u32 $0x7FC00, v13;
	v13 =	vor.u32 v15, v16;
	v15 =	vld [tilespmem:s26+$0x12280];
	[tilespmem:s3+$0x18200] =	vst v12  }
0x331: {  	v12 =	vshrl.u32 v14, $0x10;
	v14 =	vshrl.u32 v14, $0xD;
	v13 =	vor.u32 $0x280, v13;
	v3 =	vld.idx.msk [tilespmem:v3+s5+$0x0], $0xffff;
	[tilespmem:s18+$0x18200] =	vst v7  }
0x332: {  	v4 =	vor.u32 v4, v9;
	v9 =	vand.u32 $0x7FC00, v14;
	v7 =	vand.u32 $0x7F, v12;
	v8 =	vld.idx.msk [tilespmem:v8+s5+$0x0], $0xffff;
	[tilespmem:s20+$0x18210] =	vst v5  }
0x333: {  	s11 =	sadd.s32 $0x1, s8;
	v4 =	vor.u32 $0x300, v4;
	v12 =	vshll.u32 v10, $0x3;
	v7 =	vor.u32 v7, v9;
	v2 =	vld.idx.msk [tilespmem:v2+s5+$0x0], $0xffff;
	s12 =	sld [smem:$0x7E4]  }
0x334: {  	s9 =	sand.u32 $0x3, s11;
	v9 =	vshrl.u32 v11, $0xD;
	v5 =	vor.u32 $0x280, v7;
	v7 =	vshrl.u32 v11, $0x10;
	v11 =	vld [tilespmem:s30+$0x12280]  }
0x335: {  	s9 =	sshll.u32 s9, $0x5;
	v9 =	vand.u32 $0x7FC00, v9;
	v14 =	vshll.u32 v15, $0x3;
	v7 =	vand.u32 $0x7F, v7  }
0x336: {  	v13 =	vld.idx.msk [tilespmem:v13+s5+$0x0], $0xffff;
	v14 =	vand.u32 $0x7FC00, v14;
	v7 =	vor.u32 v7, v9;
	v9 =	vand.u32 $0x7F, v15;
	s9 =	sadd.s32 s9, s12;
	[tilespmem:s3+$0x18210] =	vst v3  }
0x337: {  	v12 =	vand.u32 $0x7FC00, v12;
	v7 =	vor.u32 $0x280, v7;
	v9 =	vor.u32 v14, v9;
	v14 =	vld [tilespmem:s2+$0x12280];
	[tilespmem:s18+$0x18210] =	vst v8;
	s12 =	sor.u32 $0x300, s9  }
0x338: {  	v8 =	vshrl.u32 v15, $0x10;
	[tilespmem:s12+$0x18000] =	vst v6;
	v6 =	vor.u32 $0x280, v9;
	v9 =	vshrl.u32 v15, $0xD;
	v15 =	vld [tilespmem:s10+$0x12280]  }
0x339: {  	[tilespmem:s24+$0x18280] =	vst v2;
	v2 =	vand.u32 $0x7F, v8;
	v8 =	vand.u32 $0x7FC00, v9;
	v9 =	vshll.u32 v11, $0x3  }
0x33a: {  	v5 =	vld.idx.msk [tilespmem:v5+s5+$0x0], $0xffff;
	v2 =	vor.u32 v2, v8;
	v8 =	vand.u32 $0x7F, v11;
	v9 =	vand.u32 $0x7FC00, v9  }
0x33b: {  	v3 =	vand.u32 $0x7F, v10;
	[tilespmem:s6+$0x18280] =	vst v13;
	v2 =	vor.u32 $0x280, v2;
	v8 =	vor.u32 v9, v8  }
0x33c: {  	v7 =	vld.idx.msk [tilespmem:v7+s5+$0x0], $0xffff;
	v9 =	vshrl.u32 v11, $0x10;
	v8 =	vor.u32 $0x280, v8;
	v13 =	vshll.u32 v14, $0x3  }
0x33d: {  	v16 =	vand.u32 $0x7F, v14;
	v6 =	vld.idx.msk [tilespmem:v6+s5+$0x0], $0xffff;
	v13 =	vand.u32 $0x7FC00, v13;
	v17 =	vshll.u32 v15, $0x3  }
0x33e: {  	v13 =	vor.u32 v13, v16;
	v16 =	vand.u32 $0x7F, v15;
	v17 =	vand.u32 $0x7FC00, v17  }
0x33f: {  	s19 =	smov.u32 s13;
	s22 =	rddreg [dreg:$0x17];
	[tilespmem:s24+$0x18290] =	vst v5;
	v5 =	vshrl.u32 v11, $0xD;
	v11 =	vor.u32 $0x280, v13;
	v13 =	vor.u32 v17, v16  }
0x340: {  	v9 =	vand.u32 $0x7F, v9;
	v16 =	vld [tilespmem:s19+$0x12300];
	v5 =	vand.u32 $0x7FC00, v5;
	v13 =	vor.u32 $0x280, v13  }
0x341: {  	v3 =	vor.u32 v12, v3;
	v12 =	vshrl.u32 v15, $0x10;
	[tilespmem:s6+$0x18290] =	vst v7;
	v5 =	vor.u32 v9, v5;
	v7 =	vld.idx.msk [tilespmem:v8+s5+$0x0], $0xffff  }
0x342: {  	v8 =	vshrl.u32 v14, $0x10;
	v9 =	vld [tilespmem:s28+$0x12300];
	v5 =	vor.u32 $0x280, v5;
	[tilespmem:s0+$0x18280] =	vst v6;
	v6 =	vshrl.u32 v14, $0xD  }
0x343: {  	v8 =	vand.u32 $0x7F, v8;
	v14 =	vshrl.u32 v15, $0xD;
	v2 =	vld.idx.msk [tilespmem:v2+s5+$0x0], $0xffff;
	v6 =	vand.u32 $0x7FC00, v6  }
0x344: {  	v11 =	vld.idx.msk [tilespmem:v11+s5+$0x0], $0xffff;
	v6 =	vor.u32 v8, v6;
	v8 =	vand.u32 $0x7F, v12;
	v12 =	vand.u32 $0x7FC00, v14  }
0x345: {  	v6 =	vor.u32 $0x280, v6;
	v13 =	vld.idx.msk [tilespmem:v13+s5+$0x0], $0xffff;
	v8 =	vor.u32 v8, v12  }
0x346: {  	v4 =	vld.idx.msk [tilespmem:v4+s5+$0x0], $0xffff;
	v12 =	vshrl.u32 v10, $0x10;
	v10 =	vshrl.u32 v10, $0xD;
	[tilespmem:s20+$0x18280] =	vst v7;
	v7 =	vor.u32 $0x280, v8  }
0x347: {  	v8 =	vand.u32 $0x7F, v12;
	v10 =	vand.u32 $0x7FC00, v10;
	v12 =	vshll.u32 v16, $0x3;
	v5 =	vld.idx.msk [tilespmem:v5+s5+$0x0], $0xffff  }
0x348: {  	[tilespmem:s0+$0x18290] =	vst v2;
	v2 =	vor.u32 v8, v10;
	v8 =	vand.u32 $0x7F, v16;
	v10 =	vand.u32 $0x7FC00, v12  }
0x349: {  	s12 =	sadd.s32 $0x10, s9;
	v12 =	vld [tilespmem:s26+$0x12300];
	v8 =	vor.u32 v10, v8;
	[tilespmem:s3+$0x18280] =	vst v11  }
0x34a: {  	s8 =	sor.u32 $0x300, s12;
	v15 =	vand.u32 $0x7F, v9;
	v11 =	vshll.u32 v9, $0x3;
	v8 =	vor.u32 $0x300, v8;
	v6 =	vld.idx.msk [tilespmem:v6+s5+$0x0], $0xffff;
	[tilespmem:s18+$0x18280] =	vst v13  }
0x34b: {  	s13 =	sor.u32 s15, s22;
	[tilespmem:s8+$0x18000] =	vst v4;
	v10 =	vshrl.u32 v16, $0x10;
	v13 =	vshrl.u32 v16, $0xD;
	v11 =	vand.u32 $0x7FC00, v11;
	v7 =	vld.idx.msk [tilespmem:v7+s5+$0x0], $0xffff  }
0x34c: {  	s13 =	sor.u32 $0x380, s13;
	v11 =	vor.u32 v11, v15;
	[tilespmem:s20+$0x18290] =	vst v5;
	v5 =	vand.u32 $0x7F, v10;
	v10 =	vand.u32 $0x7FC00, v13  }
0x34d: {  	v4 =	vld [tilespmem:s13+$0x12000];
	v5 =	vor.u32 v5, v10;
	v10 =	vor.u32 $0x300, v11  }
0x34e: {  	v13 =	vld [tilespmem:s30+$0x12300]  }
0x34f: {  	s14 =	smov.u32 s2;
	s13 =	sadd.s32 $0x1, s11;
	v11 =	vshrl.u32 v9, $0x10;
	v9 =	vshrl.u32 v9, $0xD;
	[tilespmem:s3+$0x18290] =	vst v6;
	v6 =	vld.idx.msk [tilespmem:v8+s5+$0x0], $0xffff  }
0x350: {  	v11 =	vand.u32 $0x7F, v11;
	v15 =	vshll.u32 v12, $0x3;
	v5 =	vor.u32 $0x300, v5;
	v16 =	vld [tilespmem:s14+$0x12300];
	[tilespmem:s18+$0x18290] =	vst v7;
	s14 =	sand.u32 $0x3, s13  }
0x351: {  	v8 =	vand.u32 $0x7FC00, v9;
	v9 =	vand.u32 $0x7F, v12;
	v15 =	vand.u32 $0x7FC00, v15;
	s0 =	sshll.u32 s14, $0x5;
	s3 =	rddreg [dreg:$0x14]  }
0x352: {  	s2 =	sadd.s32 $0x1, s13;
	v7 =	vor.u32 v11, v8;
	v8 =	vor.u32 v15, v9;
	s0 =	sadd.s32 s0, s3;
	v10 =	vld.idx.msk [tilespmem:v10+s5+$0x0], $0xffff  }
0x353: {  	s15 =	sand.u32 $0x3, s2;
	v11 =	vshrl.u32 v12, $0x10;
	v12 =	vshrl.u32 v12, $0xD;
	v8 =	vor.u32 $0x300, v8;
	s3 =	sor.u32 $0x300, s0  }
0x354: {  	v9 =	vld [tilespmem:s10+$0x12300];
	v11 =	vand.u32 $0x7F, v11;
	v12 =	vand.u32 $0x7FC00, v12;
	[tilespmem:s3+$0x18000] =	vst v6;
	s3 =	sshll.u32 s15, $0x5  }
0x355: {  	v15 =	vshll.u32 v13, $0x3;
	v11 =	vor.u32 v11, v12;
	v12 =	vand.u32 $0x7F, v13;
	s3 =	sadd.s32 s3, s29  }
0x356: {  	v15 =	vand.u32 $0x7FC00, v15;
	v6 =	vor.u32 $0x300, v7;
	v7 =	vor.u32 $0x300, v11;
	v5 =	vld.idx.msk [tilespmem:v5+s5+$0x0], $0xffff;
	s19 =	sor.u32 $0x300, s3  }
0x357: {  	v11 =	vor.u32 v15, v12;
	v12 =	vshrl.u32 v13, $0x10;
	v15 =	vshll.u32 v16, $0x3;
	[tilespmem:s19+$0x18000] =	vst v10  }
0x358: {  	s18 =	sadd.s32 $0x1, s2;
	v11 =	vor.u32 $0x300, v11;
	v17 =	vand.u32 $0x7F, v16;
	v8 =	vld.idx.msk [tilespmem:v8+s5+$0x0], $0xffff;
	v15 =	vand.u32 $0x7FC00, v15;
	s26 =	sld [smem:$0x7E5]  }
0x359: {  	s20 =	sand.u32 $0x3, s18;
	s2 =	sadd.s32 $0x10, s0;
	v63 =	vshll.u32 v9, $0x3;
	v15 =	vor.u32 v15, v17;
	v17 =	vand.u32 $0x7F, v9  }
0x35a: {  	s6 =	sshll.u32 s20, $0x5;
	s29 =	sor.u32 $0x300, s2;
	v18 =	vand.u32 $0x7FC00, v63;
	v10 =	vshrl.u32 v13, $0xD;
	v13 =	vor.u32 $0x300, v15;
	s22 =	rddreg [dreg:$0x5]  }
0x35b: {  	s8 =	sadd.s32 $0x1, s18;
	v12 =	vand.u32 $0x7F, v12;
	v15 =	vor.u32 v18, v17;
	s24 =	rddreg [dreg:$0x8];
	v10 =	vand.u32 $0x7FC00, v10;
	v6 =	vld.idx.msk [tilespmem:v6+s5+$0x0], $0xffff;
	[tilespmem:s29+$0x18000] =	vst v5;
	s6 =	sadd.s32 s6, s26  }
0x35c: {  	s20 =	sand.u32 $0x3, s8;
	v15 =	vor.u32 $0x300, v15;
	v10 =	vor.u32 v12, v10;
	s18 =	rddreg [dreg:$0xa];
	s15 =	sor.u32 $0x300, s6  }
0x35d: {  	s13 =	sadd.s32 $0x1, s8;
	s14 =	sshll.u32 s20, $0x5;
	v12 =	vshrl.u32 v16, $0x10;
	s19 =	rddreg [dreg:$0xd];
	[tilespmem:s15+$0x18000] =	vst v8;
	v8 =	vor.u32 $0x300, v10;
	v10 =	vshrl.u32 v16, $0xD  }
0x35e: {  	s10 =	sadd.s32 $0x10, s3;
	s11 =	sor.u32 s24, s22;
	v11 =	vld.idx.msk [tilespmem:v11+s5+$0x0], $0xffff;
	v12 =	vand.u32 $0x7F, v12;
	v10 =	vand.u32 $0x7FC00, v10;
	s26 =	sld [smem:$0x7E7]  }
0x35f: {  	s8 =	sand.u32 $0x3, s13;
	s22 =	sor.u32 $0x300, s10;
	s11 =	sor.u32 $0x380, s11;
	v13 =	vld.idx.msk [tilespmem:v13+s5+$0x0], $0xffff;
	v10 =	vor.u32 v12, v10  }
0x360: {  	s13 =	sadd.s32 $0x1, s13;
	v17 =	vld [tilespmem:s11+$0x12000];
	s11 =	sor.u32 s18, s19;
	s15 =	rddreg [dreg:$0x1b];
	[tilespmem:s22+$0x18000] =	vst v6;
	v6 =	vor.u32 $0x300, v10  }
0x361: {  	v1 =	vor.u32 $0x380, v1;
	v3 =	vor.u32 $0x380, v3;
	s20 =	sshll.u32 s8, $0x5;
	s24 =	sor.u32 $0x380, s11;
	v7 =	vld.idx.msk [tilespmem:v7+s5+$0x0], $0xffff;
	s11 =	sadd.s32 s14, s26  }
0x362: {  	v14 =	vshll.u32 v4, $0x3;
	v16 =	vshrl.u32 v9, $0x10;
	v9 =	vshrl.u32 v9, $0xD;
	s22 =	sand.u32 $0x3, s13;
	s13 =	sadd.s32 s20, s17;
	v10 =	vld.idx.msk [tilespmem:v15+s5+$0x0], $0xffff;
	s29 =	sor.u32 $0x300, s11  }
0x363: {  	v14 =	vand.u32 $0x7FC00, v14;
	v9 =	vand.u32 $0x7FC00, v9;
	v12 =	vand.u32 $0x7F, v16;
	s8 =	sor.u32 $0x300, s13;
	v15 =	vld [tilespmem:s24+$0x12000];
	[tilespmem:s29+$0x18000] =	vst v11  }
0x364: {  	v2 =	vor.u32 $0x380, v2;
	v5 =	vand.u32 $0x7F, v4;
	v9 =	vor.u32 v12, v9;
	[tilespmem:s8+$0x18000] =	vst v13;
	v8 =	vld.idx.msk [tilespmem:v8+s5+$0x0], $0xffff  }
0x365: {  	s15 =	sor.u32 s16, s15;
	v12 =	vshrl.u32 v4, $0x10;
	v4 =	vshrl.u32 v4, $0xD;
	s14 =	sadd.s32 $0x10, s6;
	v9 =	vor.u32 $0x300, v9;
	s26 =	sshll.u32 s22, $0x5;
	v6 =	vld.idx.msk [tilespmem:v6+s5+$0x0], $0xffff  }
0x366: {  	v5 =	vor.u32 v14, v5;
	v4 =	vand.u32 $0x7FC00, v4;
	s24 =	sor.u32 $0x300, s14;
	v11 =	vand.u32 $0x7F, v12;
	s29 =	sor.u32 $0x380, s15;
	s15 =	sadd.s32 s26, s23  }
0x367: {  	v5 =	vor.u32 $0x380, v5;
	s16 =	sadd.s32 $0x10, s11;
	[tilespmem:s24+$0x18000] =	vst v7;
	v4 =	vor.u32 v11, v4;
	v11 =	vshll.u32 v17, $0x3;
	s19 =	sor.u32 $0x300, s15  }
0x368: {  	s17 =	sadd.s32 $0x10, s13;
	v13 =	vshrl.u32 v17, $0xD;
	v7 =	vand.u32 $0x7F, v17;
	s20 =	sor.u32 $0x300, s16;
	v11 =	vand.u32 $0x7FC00, v11;
	[tilespmem:s19+$0x18000] =	vst v10  }
0x369: {  	s23 =	sor.u32 $0x300, s17;
	v12 =	vld [tilespmem:s29+$0x12000];
	v4 =	vor.u32 $0x380, v4;
	v7 =	vor.u32 v11, v7;
	v11 =	vshrl.u32 v17, $0x10;
	s18 =	rddreg [dreg:$0x1e];
	[tilespmem:s20+$0x18000] =	vst v8  }
0x36a: {  	v9 =	vld.idx.msk [tilespmem:v9+s5+$0x0], $0xffff;
	v10 =	vand.u32 $0x7F, v11;
	v11 =	vand.u32 $0x7FC00, v13;
	v13 =	vshll.u32 v15, $0x3;
	s18 =	sor.u32 s25, s18;
	s24 =	sld [smem:$0x7E6];
	[tilespmem:s23+$0x18000] =	vst v6  }
0x36b: {  	v0 =	vld.idx.msk [tilespmem:v0+s5+$0x0], $0xffff;
	v10 =	vor.u32 v10, v11;
	v11 =	vand.u32 $0x7F, v15;
	v13 =	vand.u32 $0x7FC00, v13;
	s22 =	sor.u32 $0x380, s18;
	s8 =	sld [smem:$0x7E9]  }
0x36c: {  	v14 =	vshrl.u32 v15, $0xD;
	v8 =	vor.u32 $0x380, v10;
	v10 =	vor.u32 v13, v11;
	v11 =	vld [tilespmem:s22+$0x12000]  }
0x36d: {  	v3 =	vld.idx.msk [tilespmem:v3+s5+$0x0], $0xffff;
	v14 =	vand.u32 $0x7FC00, v14;
	v7 =	vor.u32 $0x380, v7;
	s18 =	sadd.s32 $0x10, s15;
	v13 =	vshrl.u32 v15, $0x10;
	s25 =	sor.u32 s24, s31  }
0x36e: {  	v5 =	vld.idx.msk [tilespmem:v5+s5+$0x0], $0xffff;
	v15 =	vshll.u32 v12, $0x3;
	s29 =	sor.u32 $0x300, s18;
	v10 =	vor.u32 $0x380, v10;
	v13 =	vand.u32 $0x7F, v13;
	s26 =	sor.u32 $0x380, s25;
	s1 =	sor.u32 s8, s1  }
0x36f: {  	v6 =	vor.u32 v13, v14;
	v13 =	vand.u32 $0x7F, v12;
	v14 =	vand.u32 $0x7FC00, v15;
	[tilespmem:s29+$0x18000] =	vst v9;
	v15 =	vld [tilespmem:s26+$0x12000];
	s1 =	sor.u32 $0x380, s1  }
0x370: {  	v6 =	vor.u32 $0x380, v6;
	v9 =	vor.u32 v14, v13;
	v13 =	vshrl.u32 v12, $0x10;
	v14 =	vld [tilespmem:s1+$0x12000]  }
0x371: {  	v12 =	vshrl.u32 v12, $0xD;
	v13 =	vand.u32 $0x7F, v13;
	v16 =	vshll.u32 v11, $0x3  }
0x372: {  	s19 =	sor.u32 $0x380, s21;
	v12 =	vand.u32 $0x7FC00, v12;
	v17 =	vand.u32 $0x7F, v11;
	v16 =	vand.u32 $0x7FC00, v16  }
0x373: {  	s20 =	sor.u32 $0x380, s4;
	[tilespmem:s19+$0x18000] =	vst v0;
	v9 =	vor.u32 $0x380, v9;
	v12 =	vor.u32 v13, v12;
	v13 =	vor.u32 v16, v17  }
0x374: {  	s21 =	sor.u32 $0x380, s9;
	[tilespmem:s20+$0x18000] =	vst v3;
	v0 =	vor.u32 $0x380, v13;
	v13 =	vshrl.u32 v11, $0x10;
	v16 =	vshll.u32 v15, $0x3  }
0x375: {  	[tilespmem:s21+$0x18000] =	vst v5;
	v1 =	vld.idx.msk [tilespmem:v1+s5+$0x0], $0xffff;
	v3 =	vand.u32 $0x7F, v15;
	v16 =	vand.u32 $0x7FC00, v16;
	v17 =	vshll.u32 v14, $0x3  }
0x376: {  	v2 =	vld.idx.msk [tilespmem:v2+s5+$0x0], $0xffff;
	s1 =	sld [smem:$0x7E8];
	v5 =	vand.u32 $0x7F, v14;
	v3 =	vor.u32 v16, v3;
	v16 =	vand.u32 $0x7FC00, v17  }
0x377: {  	v4 =	vld.idx.msk [tilespmem:v4+s5+$0x0], $0xffff;
	v11 =	vshrl.u32 v11, $0xD;
	v3 =	vor.u32 $0x380, v3;
	v5 =	vor.u32 v16, v5  }
0x378: {  	v7 =	vld.idx.msk [tilespmem:v7+s5+$0x0], $0xffff;
	v13 =	vand.u32 $0x7F, v13;
	v11 =	vand.u32 $0x7FC00, v11;
	v5 =	vor.u32 $0x380, v5  }
0x379: {  	v10 =	vld.idx.msk [tilespmem:v10+s5+$0x0], $0xffff;
	v12 =	vor.u32 $0x380, v12;
	s1 =	sor.u32 $0x380, s1;
	v11 =	vor.u32 v13, v11;
	v13 =	vshrl.u32 v15, $0x10  }
0x37a: {  	s22 =	sor.u32 $0x380, s7;
	[tilespmem:s1+$0x18000] =	vst v1;
	v1 =	vld.idx.msk [tilespmem:v9+s5+$0x0], $0xffff;
	v9 =	vor.u32 $0x380, v11;
	v11 =	vshrl.u32 v15, $0xD;
	v13 =	vand.u32 $0x7F, v13  }
0x37b: {  	s23 =	sor.u32 $0x380, s12;
	[tilespmem:s22+$0x18000] =	vst v2;
	v2 =	vand.u32 $0x7FC00, v11;
	v11 =	vshrl.u32 v14, $0x10;
	v14 =	vshrl.u32 v14, $0xD;
	v0 =	vld.idx.msk [tilespmem:v0+s5+$0x0], $0xffff  }
0x37c: {  	s0 =	sor.u32 $0x380, s0;
	[tilespmem:s23+$0x18000] =	vst v4;
	v2 =	vor.u32 v13, v2;
	v4 =	vand.u32 $0x7F, v11;
	v11 =	vand.u32 $0x7FC00, v14;
	v3 =	vld.idx.msk [tilespmem:v3+s5+$0x0], $0xffff  }
0x37d: {  	s24 =	sor.u32 $0x380, s3;
	[tilespmem:s0+$0x18000] =	vst v7;
	v2 =	vor.u32 $0x380, v2;
	v4 =	vor.u32 v4, v11;
	v5 =	vld.idx.msk [tilespmem:v5+s5+$0x0], $0xffff  }
0x37e: {  	s25 =	sor.u32 $0x380, s6;
	v7 =	vld.idx.msk [tilespmem:v8+s5+$0x0], $0xffff;
	[tilespmem:s24+$0x18000] =	vst v10;
	v4 =	vor.u32 $0x380, v4  }
0x37f: {  	s26 =	sor.u32 $0x380, s11;
	v6 =	vld.idx.msk [tilespmem:v6+s5+$0x0], $0xffff;
	[tilespmem:s25+$0x18000] =	vst v1  }
0x380: {  	s29 =	sor.u32 $0x380, s13;
	v1 =	vld.idx.msk [tilespmem:v12+s5+$0x0], $0xffff;
	[tilespmem:s26+$0x18000] =	vst v0  }
0x381: {  	s1 =	sor.u32 $0x380, s15;
	v0 =	vld.idx.msk [tilespmem:v9+s5+$0x0], $0xffff;
	[tilespmem:s29+$0x18000] =	vst v3  }
0x382: {  	s3 =	sor.u32 $0x380, s2;
	v2 =	vld.idx.msk [tilespmem:v2+s5+$0x0], $0xffff;
	[tilespmem:s1+$0x18000] =	vst v5  }
0x383: {  	s4 =	sor.u32 $0x380, s10;
	[tilespmem:s3+$0x18000] =	vst v7;
	v3 =	vld.idx.msk [tilespmem:v4+s5+$0x0], $0xffff  }
0x384: {  	s6 =	sor.u32 $0x380, s14;
	[tilespmem:s4+$0x18000] =	vst v6  }
0x385: {  	s7 =	sor.u32 $0x380, s16;
	[tilespmem:s6+$0x18000] =	vst v1  }
0x386: {  	s8 =	sor.u32 $0x380, s17;
	[tilespmem:s7+$0x18000] =	vst v0  }
0x387: {  	s9 =	sor.u32 $0x380, s18;
	[tilespmem:s8+$0x18000] =	vst v2  }
0x388: {  	[tilespmem:s9+$0x18000] =	vst v3  }
0x389: {  	s0 =	sld [smem:$0x7F7]  }
0x38a: {  	s1 =	sld [smem:$0x7E0]  }
0x38b: {  	s11 =	sld [smem:$0x7F8]  }
0x38c: {  	s12 =	sld [smem:$0x7E1]  }
0x38d: {  	s10 =	simm.s32 $0x12000;
	s15 =	simm.s32 $0x0;
	s0 =	sadd.s32 s1, s0  }
0x38e: {  	[tilespmem:s10], [sflag:$0x3] =	stream.linear.gather [hbm4b:s0+s15], $0x2000, $0x38;
	[tilespmem:$0x1C000] =	vst v63  }
0x38f: {  	s13 =	simm.s32 $0x18000;
	s14 =	simm.s32 $0x2;
	s0 =	sadd.s32 s12, s11  }
0x390: {  	[hbm4b:s0+s15] =	stream.linear.scatter [tilespmem:s13], [sflag:$0x5], $0x4000, $0x38;
	[tilespmem:$0x1C000] =	vst v63  }
0x391: {  	_ =	swait.ge [sflag:s14], $0x2000  }
0x392: {  	[sflag:s14] =	ssyncset.done $0x0  }
0x393: {  	s16 =	simm.s32 $0x4;
	[sflag:s14] =	ssyncadd.s32 $0xFFFFE000  }
0x394: {  	s10 =	simm.s32 $0x0;
	_ =	swait.ge [sflag:s16], $0x4000  }
0x395: {  	s18 =	sand.u32 $0x1C00, s15;
	s17 =	sand.u32 $0x70, s10;
	[sflag:s16] =	ssyncset.done $0x0  }
0x396: {  	s1 =	sor.u32 s17, s18;
	[sflag:s16] =	ssyncadd.s32 $0xFFFFC000  }
0x397: {  	v0 =	vld [tilespmem:s1+$0x10000];
	_ =	sdelay $0x4  }
0x398: {  	v1 =	vshll.u32 v0, $0x3  }
0x399: {  	v2 =	vand.u32 $0x7F, v0;
	v1 =	vand.u32 $0x7FC00, v1  }
0x39a: {  	v1 =	vor.u32 v2, v1;
	_ =	sdelay $0x3  }
0x39b: {  	v2 =	vshrl.u32 v0, $0x10;
	v0 =	vshrl.u32 v0, $0xD  }
0x39c: {  	v2 =	vand.u32 $0x7F, v2;
	v0 =	vand.u32 $0x7FC00, v0;
	v1 =	vld.idx.msk [tilespmem:v1+s5+$0x0], $0xffff  }
0x39d: {  	v0 =	vor.u32 v2, v0;
	_ =	sdelay $0x1  }
0x39e: {  	s19 =	sand.u32 $0x60, s15;
	s20 =	sand.u32 $0x3C00, s15  }
0x39f: {  	s17 =	sor.u32 s19, s20  }
0x3a0: {  	[tilespmem:s17+$0x14000] =	vst v1  }
0x3a1: {  	v0 =	vld.idx.msk [tilespmem:v0+s5+$0x0], $0xffff;
	_ =	sdelay $0x4  }
0x3a2: {  	[tilespmem:s17+$0x14010] =	vst v0  }
0x3a3: {  	v0 =	vld [tilespmem:s1+$0x10080];
	_ =	sdelay $0x1  }
0x3a4: {  	s21 =	simm.s32 $0x10;
	s19 =	simm.s32 $0x80  }
0x3a5: {  	s22 =	simm.s32 $0x10;
	s23 =	sand.u32 $0x70, s21;
	s24 =	sand.u32 $0x1C00, s19  }
0x3a6: {  	s8 =	sor.u32 s23, s24;
	[smem:$0x7D4] =	sst s22  }
0x3a7: {  	v1 =	vld [tilespmem:s8+$0x10000];
	v2 =	vshll.u32 v0, $0x3  }
0x3a8: {  	v3 =	vand.u32 $0x7F, v0;
	v2 =	vand.u32 $0x7FC00, v2  }
0x3a9: {  	v2 =	vor.u32 v2, v3  }
0x3aa: {  	v2 =	vor.u32 $0x80, v2;
	_ =	sdelay $0x1  }
0x3ab: {  	v5 =	vshrl.u32 v0, $0x10;
	v3 =	vshll.u32 v1, $0x3  }
0x3ac: {  	v0 =	vshrl.u32 v0, $0xD;
	v4 =	vand.u32 $0x7F, v1;
	v3 =	vand.u32 $0x7FC00, v3  }
0x3ad: {  	v0 =	vand.u32 $0x7FC00, v0;
	v3 =	vor.u32 v4, v3;
	v4 =	vand.u32 $0x7F, v5  }
0x3ae: {  	v0 =	vor.u32 v4, v0;
	v2 =	vld.idx.msk [tilespmem:v2+s5+$0x0], $0xffff  }
0x3af: {  	v0 =	vor.u32 $0x80, v0;
	_ =	sdelay $0x1  }
0x3b0: {  	v4 =	vshrl.u32 v1, $0x10;
	v1 =	vshrl.u32 v1, $0xD  }
0x3b1: {  	v4 =	vand.u32 $0x7F, v4;
	v1 =	vand.u32 $0x7FC00, v1;
	v3 =	vld.idx.msk [tilespmem:v3+s5+$0x0], $0xffff  }
0x3b2: {  	v1 =	vor.u32 v4, v1;
	[tilespmem:s17+$0x14080] =	vst v2  }
0x3b3: {  	s25 =	simm.s32 $0x100;
	s26 =	simm.s32 $0x20;
	v0 =	vld.idx.msk [tilespmem:v0+s5+$0x0], $0xffff  }
0x3b4: {  	s4 =	sand.u32 $0x3C00, s25;
	s29 =	simm.s32 $0x100;
	s0 =	sand.u32 $0x60, s26  }
0x3b5: {  	s28 =	sor.u32 s0, s4;
	[smem:$0x7D5] =	sst s29  }
0x3b6: {  	[tilespmem:s28+$0x14000] =	vst v3  }
0x3b7: {  	v1 =	vld.idx.msk [tilespmem:v1+s5+$0x0], $0xffff  }
0x3b8: {  	s6 =	simm.s32 $0x20;
	[tilespmem:s17+$0x14090] =	vst v0  }
0x3b9: {  	s7 =	simm.s32 $0x100;
	s9 =	simm.s32 $0x20;
	s11 =	sand.u32 $0x70, s6;
	v0 =	vld [tilespmem:s1+$0x10100]  }
0x3ba: {  	s12 =	simm.s32 $0x100;
	s13 =	sand.u32 $0x1C00, s7;
	[dreg:$0x18] =	wrdreg s9  }
0x3bb: {  	s13 =	sor.u32 s11, s13;
	[dreg:$0x1a] =	wrdreg s12  }
0x3bc: {  	v2 =	vld [tilespmem:s13+$0x10000];
	[tilespmem:s28+$0x14010] =	vst v1  }
0x3bd: {  	v1 =	vld [tilespmem:s8+$0x10080]  }
0x3be: {  	v3 =	vshll.u32 v0, $0x3  }
0x3bf: {  	v4 =	vand.u32 $0x7F, v0;
	v3 =	vand.u32 $0x7FC00, v3  }
0x3c0: {  	v3 =	vor.u32 v3, v4  }
0x3c1: {  	v4 =	vshll.u32 v2, $0x3;
	v3 =	vor.u32 $0x100, v3  }
0x3c2: {  	v5 =	vand.u32 $0x7F, v2;
	v6 =	vshll.u32 v1, $0x3;
	v4 =	vand.u32 $0x7FC00, v4  }
0x3c3: {  	v6 =	vand.u32 $0x7FC00, v6;
	v4 =	vor.u32 v5, v4;
	v5 =	vand.u32 $0x7F, v1  }
0x3c4: {  	v5 =	vor.u32 v6, v5;
	v6 =	vshrl.u32 v0, $0x10;
	v0 =	vshrl.u32 v0, $0xD  }
0x3c5: {  	v6 =	vand.u32 $0x7F, v6;
	v0 =	vand.u32 $0x7FC00, v0;
	v5 =	vor.u32 $0x80, v5  }
0x3c6: {  	v7 =	vshrl.u32 v2, $0x10;
	v2 =	vshrl.u32 v2, $0xD;
	v0 =	vor.u32 v6, v0;
	v3 =	vld.idx.msk [tilespmem:v3+s5+$0x0], $0xffff  }
0x3c7: {  	v2 =	vand.u32 $0x7FC00, v2;
	v0 =	vor.u32 $0x100, v0  }
0x3c8: {  	v6 =	vand.u32 $0x7F, v7;
	v7 =	vshrl.u32 v1, $0x10;
	v1 =	vshrl.u32 v1, $0xD;
	v4 =	vld.idx.msk [tilespmem:v4+s5+$0x0], $0xffff  }
0x3c9: {  	s21 =	simm.s32 $0x30;
	s18 =	simm.s32 $0x200;
	v2 =	vor.u32 v6, v2;
	v6 =	vand.u32 $0x7F, v7;
	v1 =	vand.u32 $0x7FC00, v1  }
0x3ca: {  	s14 =	simm.s32 $0x200;
	s16 =	simm.s32 $0x40;
	v1 =	vor.u32 v6, v1;
	v5 =	vld.idx.msk [tilespmem:v5+s5+$0x0], $0xffff;
	[smem:$0x7D6] =	sst s18  }
0x3cb: {  	s20 =	sand.u32 $0x3C00, s14;
	s0 =	sand.u32 $0x60, s16;
	s22 =	simm.s32 $0x30;
	v1 =	vor.u32 $0x80, v1;
	[tilespmem:s17+$0x14100] =	vst v3  }
0x3cc: {  	s29 =	sor.u32 s0, s20;
	s18 =	simm.s32 $0x180;
	v0 =	vld.idx.msk [tilespmem:v0+s5+$0x0], $0xffff;
	[dreg:$0x6] =	wrdreg s22  }
0x3cd: {  	s23 =	sand.u32 $0x70, s21;
	s24 =	sand.u32 $0x1C00, s18;
	[tilespmem:s29+$0x14000] =	vst v4  }
0x3ce: {  	s12 =	sor.u32 s23, s24;
	v2 =	vld.idx.msk [tilespmem:v2+s5+$0x0], $0xffff  }
0x3cf: {  	v3 =	vld [tilespmem:s12+$0x10000];
	[tilespmem:s28+$0x14080] =	vst v5  }
0x3d0: {  	v1 =	vld.idx.msk [tilespmem:v1+s5+$0x0], $0xffff  }
0x3d1: {  	[tilespmem:s17+$0x14110] =	vst v0  }
0x3d2: {  	v0 =	vld [tilespmem:s1+$0x10180]  }
0x3d3: {  	[tilespmem:s29+$0x14010] =	vst v2  }
0x3d4: {  	v2 =	vld [tilespmem:s13+$0x10080]  }
0x3d5: {  	v4 =	vshll.u32 v3, $0x3;
	[tilespmem:s28+$0x14090] =	vst v1  }
0x3d6: {  	v5 =	vand.u32 $0x7F, v3;
	v4 =	vand.u32 $0x7FC00, v4;
	v1 =	vshrl.u32 v3, $0x10;
	v6 =	vld [tilespmem:s8+$0x10100]  }
0x3d7: {  	v3 =	vshrl.u32 v3, $0xD;
	v4 =	vor.u32 v5, v4;
	v5 =	vshll.u32 v0, $0x3  }
0x3d8: {  	v1 =	vand.u32 $0x7F, v1;
	v7 =	vand.u32 $0x7F, v0;
	v5 =	vand.u32 $0x7FC00, v5  }
0x3d9: {  	v3 =	vand.u32 $0x7FC00, v3;
	v8 =	vshll.u32 v2, $0x3;
	v5 =	vor.u32 v5, v7  }
0x3da: {  	v7 =	vand.u32 $0x7F, v2;
	v8 =	vand.u32 $0x7FC00, v8;
	v5 =	vor.u32 $0x180, v5  }
0x3db: {  	v1 =	vor.u32 v1, v3;
	v3 =	vor.u32 v8, v7;
	v7 =	vshll.u32 v6, $0x3  }
0x3dc: {  	v4 =	vld.idx.msk [tilespmem:v4+s5+$0x0], $0xffff;
	v8 =	vand.u32 $0x7F, v6;
	v7 =	vand.u32 $0x7FC00, v7;
	v3 =	vor.u32 $0x80, v3  }
0x3dd: {  	s2 =	simm.s32 $0x300;
	v7 =	vor.u32 v7, v8;
	v8 =	vshrl.u32 v0, $0x10;
	v0 =	vshrl.u32 v0, $0xD  }
0x3de: {  	s25 =	simm.s32 $0x300;
	s26 =	simm.s32 $0x60;
	[dreg:$0x15] =	wrdreg s2;
	v7 =	vor.u32 $0x100, v7;
	v8 =	vand.u32 $0x7F, v8;
	v0 =	vand.u32 $0x7FC00, v0  }
0x3df: {  	s4 =	sand.u32 $0x3C00, s25;
	s0 =	sand.u32 $0x60, s26;
	v9 =	vshrl.u32 v2, $0x10;
	v2 =	vshrl.u32 v2, $0xD;
	v0 =	vor.u32 v8, v0;
	v5 =	vld.idx.msk [tilespmem:v5+s5+$0x0], $0xffff  }
0x3e0: {  	s26 =	sor.u32 s0, s4;
	v2 =	vand.u32 $0x7FC00, v2;
	v8 =	vand.u32 $0x7F, v9;
	v0 =	vor.u32 $0x180, v0  }
0x3e1: {  	[tilespmem:s26+$0x14000] =	vst v4;
	v2 =	vor.u32 v8, v2;
	v8 =	vshrl.u32 v6, $0x10;
	v6 =	vshrl.u32 v6, $0xD;
	v3 =	vld.idx.msk [tilespmem:v3+s5+$0x0], $0xffff  }
0x3e2: {  	s7 =	simm.s32 $0x40;
	v1 =	vld.idx.msk [tilespmem:v1+s5+$0x0], $0xffff;
	v2 =	vor.u32 $0x80, v2;
	v4 =	vand.u32 $0x7F, v8;
	v6 =	vand.u32 $0x7FC00, v6  }
0x3e3: {  	s6 =	simm.s32 $0x40;
	s16 =	simm.s32 $0x200;
	v4 =	vor.u32 v4, v6;
	v6 =	vld.idx.msk [tilespmem:v7+s5+$0x0], $0xffff;
	[dreg:$0xc] =	wrdreg s7  }
0x3e4: {  	s11 =	sand.u32 $0x1C00, s16;
	s9 =	sand.u32 $0x70, s6;
	v4 =	vor.u32 $0x100, v4;
	[tilespmem:s17+$0x14180] =	vst v5  }
0x3e5: {  	s31 =	sor.u32 s9, s11;
	v0 =	vld.idx.msk [tilespmem:v0+s5+$0x0], $0xffff  }
0x3e6: {  	v5 =	vld [tilespmem:s31+$0x10000];
	[tilespmem:s29+$0x14080] =	vst v3  }
0x3e7: {  	[tilespmem:s26+$0x14010] =	vst v1;
	v1 =	vld.idx.msk [tilespmem:v2+s5+$0x0], $0xffff  }
0x3e8: {  	v2 =	vld [tilespmem:s12+$0x10080];
	[tilespmem:s28+$0x14100] =	vst v6  }
0x3e9: {  	v3 =	vld.idx.msk [tilespmem:v4+s5+$0x0], $0xffff  }
0x3ea: {  	[tilespmem:s17+$0x14190] =	vst v0  }
0x3eb: {  	v4 =	vshll.u32 v5, $0x3;
	v7 =	vshrl.u32 v5, $0xD;
	v6 =	vld [tilespmem:s1+$0x10200]  }
0x3ec: {  	v0 =	vshrl.u32 v5, $0x10;
	v4 =	vand.u32 $0x7FC00, v4;
	[tilespmem:s29+$0x14090] =	vst v1;
	v1 =	vand.u32 $0x7F, v5  }
0x3ed: {  	v0 =	vand.u32 $0x7F, v0;
	v5 =	vld [tilespmem:s13+$0x10100];
	v1 =	vor.u32 v1, v4;
	v4 =	vand.u32 $0x7FC00, v7  }
0x3ee: {  	v7 =	vshll.u32 v2, $0x3;
	v0 =	vor.u32 v0, v4;
	v4 =	vshrl.u32 v2, $0x10;
	[tilespmem:s28+$0x14110] =	vst v3  }
0x3ef: {  	v3 =	vand.u32 $0x7F, v2;
	v2 =	vshrl.u32 v2, $0xD;
	v7 =	vand.u32 $0x7FC00, v7;
	v8 =	vld [tilespmem:s8+$0x10180]  }
0x3f0: {  	v4 =	vand.u32 $0x7F, v4;
	v3 =	vor.u32 v7, v3;
	v9 =	vshll.u32 v6, $0x3  }
0x3f1: {  	v7 =	vand.u32 $0x7F, v6;
	v3 =	vor.u32 $0x80, v3;
	v9 =	vand.u32 $0x7FC00, v9  }
0x3f2: {  	v2 =	vand.u32 $0x7FC00, v2;
	v10 =	vshll.u32 v5, $0x3;
	v7 =	vor.u32 v9, v7  }
0x3f3: {  	s21 =	simm.s32 $0x400;
	s20 =	simm.s32 $0x80;
	v9 =	vand.u32 $0x7F, v5;
	v1 =	vld.idx.msk [tilespmem:v1+s5+$0x0], $0xffff;
	v10 =	vand.u32 $0x7FC00, v10;
	v7 =	vor.u32 $0x200, v7  }
0x3f4: {  	s0 =	sand.u32 $0x60, s20;
	s9 =	sand.u32 $0x3C00, s21;
	v2 =	vor.u32 v4, v2;
	v4 =	vor.u32 v10, v9;
	v9 =	vshll.u32 v8, $0x3  }
0x3f5: {  	s14 =	simm.s32 $0x50;
	s6 =	sor.u32 s0, s9;
	s22 =	simm.s32 $0x50;
	v10 =	vand.u32 $0x7F, v8;
	v4 =	vor.u32 $0x100, v4;
	v9 =	vand.u32 $0x7FC00, v9  }
0x3f6: {  	s24 =	simm.s32 $0x280;
	s2 =	simm.s32 $0x400;
	v3 =	vld.idx.msk [tilespmem:v3+s5+$0x0], $0xffff;
	[dreg:$0x10] =	wrdreg s22;
	v9 =	vor.u32 v9, v10;
	v10 =	vshrl.u32 v6, $0x10;
	v6 =	vshrl.u32 v6, $0xD  }
0x3f7: {  	s23 =	sand.u32 $0x70, s14;
	s14 =	simm.s32 $0x0;
	[smem:$0x7D7] =	sst s2;
	v9 =	vor.u32 $0x180, v9;
	v10 =	vand.u32 $0x7F, v10;
	v6 =	vand.u32 $0x7FC00, v6  }
0x3f8: {  	s25 =	sand.u32 $0x1C00, s24;
	v2 =	vor.u32 $0x80, v2;
	v11 =	vshrl.u32 v5, $0x10;
	[tilespmem:s6+$0x14000] =	vst v1;
	v7 =	vld.idx.msk [tilespmem:v7+s14+$0x0], $0xffff;
	v6 =	vor.u32 v10, v6  }
0x3f9: {  	v5 =	vshrl.u32 v5, $0xD;
	v11 =	vand.u32 $0x7F, v11;
	s5 =	sor.u32 s23, s25;
	v0 =	vld.idx.msk [tilespmem:v0+s14+$0x0], $0xffff;
	v1 =	vor.u32 $0x200, v6  }
0x3fa: {  	v5 =	vand.u32 $0x7FC00, v5;
	v10 =	vld [tilespmem:s5+$0x10000];
	v6 =	vshrl.u32 v8, $0x10;
	v8 =	vshrl.u32 v8, $0xD  }
0x3fb: {  	v5 =	vor.u32 v11, v5;
	v6 =	vand.u32 $0x7F, v6;
	v8 =	vand.u32 $0x7FC00, v8;
	v4 =	vld.idx.msk [tilespmem:v4+s14+$0x0], $0xffff  }
0x3fc: {  	v5 =	vor.u32 $0x100, v5;
	[tilespmem:s26+$0x14080] =	vst v3;
	v6 =	vor.u32 v6, v8;
	v3 =	vld.idx.msk [tilespmem:v9+s14+$0x0], $0xffff  }
0x3fd: {  	v2 =	vld.idx.msk [tilespmem:v2+s14+$0x0], $0xffff;
	v6 =	vor.u32 $0x180, v6;
	[tilespmem:s17+$0x14200] =	vst v7  }
0x3fe: {  	[tilespmem:s6+$0x14010] =	vst v0;
	v1 =	vld.idx.msk [tilespmem:v1+s14+$0x0], $0xffff  }
0x3ff: {  	v0 =	vld [tilespmem:s31+$0x10080]  }
0x400: {  	[tilespmem:s29+$0x14100] =	vst v4  }
0x401: {  	v7 =	vand.u32 $0x7F, v10;
	v4 =	vld.idx.msk [tilespmem:v5+s14+$0x0], $0xffff;
	v5 =	vshll.u32 v10, $0x3;
	[tilespmem:s28+$0x14180] =	vst v3  }
0x402: {  	[tilespmem:s26+$0x14090] =	vst v2;
	v3 =	vshrl.u32 v10, $0x10;
	v5 =	vand.u32 $0x7FC00, v5;
	v2 =	vld.idx.msk [tilespmem:v6+s14+$0x0], $0xffff;
	v6 =	vshrl.u32 v10, $0xD  }
0x403: {  	v8 =	vld [tilespmem:s12+$0x10100];
	v3 =	vand.u32 $0x7F, v3;
	[tilespmem:s17+$0x14210] =	vst v1;
	v1 =	vor.u32 v7, v5;
	v5 =	vand.u32 $0x7FC00, v6  }
0x404: {  	v7 =	vshrl.u32 v0, $0xD;
	v9 =	vshll.u32 v0, $0x3;
	v3 =	vor.u32 v3, v5  }
0x405: {  	v5 =	vshrl.u32 v0, $0x10;
	v0 =	vand.u32 $0x7F, v0;
	v9 =	vand.u32 $0x7FC00, v9  }
0x406: {  	v6 =	vld [tilespmem:s1+$0x10280];
	v7 =	vand.u32 $0x7FC00, v7;
	v5 =	vand.u32 $0x7F, v5;
	[tilespmem:s29+$0x14110] =	vst v4;
	v0 =	vor.u32 v9, v0  }
0x407: {  	v5 =	vor.u32 v5, v7;
	v7 =	vld [tilespmem:s13+$0x10180];
	v0 =	vor.u32 $0x80, v0;
	[tilespmem:s28+$0x14190] =	vst v2  }
0x408: {  	v4 =	vshrl.u32 v8, $0x10;
	v2 =	vor.u32 $0x80, v5;
	v5 =	vld [tilespmem:s8+$0x10200]  }
0x409: {  	s20 =	simm.s32 $0x60;
	v9 =	vshrl.u32 v8, $0xD;
	v11 =	vshll.u32 v8, $0x3;
	v8 =	vand.u32 $0x7F, v8;
	v1 =	vld.idx.msk [tilespmem:v1+s14+$0x0], $0xffff  }
0x40a: {  	s23 =	simm.s32 $0x500;
	v11 =	vand.u32 $0x7FC00, v11;
	v4 =	vand.u32 $0x7F, v4;
	v9 =	vand.u32 $0x7FC00, v9;
	[dreg:$0x1f] =	wrdreg s20  }
0x40b: {  	s3 =	simm.s32 $0xA0;
	s7 =	simm.s32 $0x500;
	v8 =	vor.u32 v11, v8;
	[smem:$0x7D8] =	sst s23;
	v4 =	vor.u32 v4, v9;
	v10 =	vshll.u32 v6, $0x3  }
0x40c: {  	s0 =	sand.u32 $0x60, s3;
	s11 =	sand.u32 $0x3C00, s7;
	v12 =	vand.u32 $0x7F, v6;
	v8 =	vor.u32 $0x100, v8;
	v10 =	vand.u32 $0x7FC00, v10;
	v0 =	vld.idx.msk [tilespmem:v0+s14+$0x0], $0xffff  }
0x40d: {  	s4 =	simm.s32 $0x60;
	s25 =	simm.s32 $0x300;
	s23 =	sor.u32 s0, s11;
	v10 =	vor.u32 v10, v12;
	v12 =	vshll.u32 v7, $0x3;
	v11 =	vshll.u32 v5, $0x3  }
0x40e: {  	s21 =	sand.u32 $0x70, s4;
	s22 =	sand.u32 $0x1C00, s25;
	v10 =	vor.u32 $0x280, v10;
	v13 =	vand.u32 $0x7F, v5;
	[tilespmem:s23+$0x14000] =	vst v1;
	v11 =	vand.u32 $0x7FC00, v11  }
0x40f: {  	s7 =	simm.s32 $0x70;
	s21 =	sor.u32 s21, s22;
	v4 =	vor.u32 $0x100, v4;
	v12 =	vand.u32 $0x7FC00, v12;
	v3 =	vld.idx.msk [tilespmem:v3+s14+$0x0], $0xffff;
	v1 =	vor.u32 v11, v13  }
0x410: {  	v14 =	vld [tilespmem:s21+$0x10000];
	[smem:$0x7D9] =	sst s7;
	v11 =	vshrl.u32 v6, $0x10;
	v6 =	vshrl.u32 v6, $0xD;
	v13 =	vor.u32 $0x200, v1  }
0x411: {  	v8 =	vld.idx.msk [tilespmem:v8+s14+$0x0], $0xffff;
	v1 =	vand.u32 $0x7F, v11;
	v6 =	vand.u32 $0x7FC00, v6;
	v11 =	vand.u32 $0x7F, v7;
	[tilespmem:s6+$0x14080] =	vst v0  }
0x412: {  	v0 =	vshrl.u32 v5, $0x10;
	v5 =	vshrl.u32 v5, $0xD;
	v9 =	vor.u32 v12, v11;
	v2 =	vld.idx.msk [tilespmem:v2+s14+$0x0], $0xffff  }
0x413: {  	v10 =	vld.idx.msk [tilespmem:v10+s14+$0x0], $0xffff;
	v6 =	vor.u32 v1, v6;
	v0 =	vand.u32 $0x7F, v0;
	v9 =	vor.u32 $0x180, v9  }
0x414: {  	v5 =	vand.u32 $0x7FC00, v5;
	v11 =	vshrl.u32 v7, $0x10;
	v6 =	vor.u32 $0x280, v6;
	[tilespmem:s23+$0x14010] =	vst v3  }
0x415: {  	v7 =	vshrl.u32 v7, $0xD;
	v0 =	vor.u32 v0, v5;
	v5 =	vand.u32 $0x7F, v11;
	v11 =	vld [tilespmem:s5+$0x10080]  }
0x416: {  	v7 =	vand.u32 $0x7FC00, v7;
	[tilespmem:s26+$0x14100] =	vst v8;
	v8 =	vshll.u32 v14, $0x3;
	v3 =	vld.idx.msk [tilespmem:v13+s14+$0x0], $0xffff  }
0x417: {  	v0 =	vor.u32 $0x200, v0;
	v4 =	vld.idx.msk [tilespmem:v4+s14+$0x0], $0xffff;
	v8 =	vand.u32 $0x7FC00, v8;
	[tilespmem:s6+$0x14090] =	vst v2;
	v2 =	vand.u32 $0x7F, v14  }
0x418: {  	v5 =	vor.u32 v5, v7;
	[tilespmem:s17+$0x14280] =	vst v10;
	v9 =	vld.idx.msk [tilespmem:v9+s14+$0x0], $0xffff;
	v2 =	vor.u32 v2, v8  }
0x419: {  	v5 =	vor.u32 $0x180, v5;
	v6 =	vld.idx.msk [tilespmem:v6+s14+$0x0], $0xffff  }
0x41a: {  	v12 =	vld [tilespmem:s31+$0x10100]  }
0x41b: {  	v7 =	vshrl.u32 v14, $0x10;
	v10 =	vshrl.u32 v14, $0xD;
	[tilespmem:s28+$0x14200] =	vst v3  }
0x41c: {  	v7 =	vand.u32 $0x7F, v7;
	v10 =	vand.u32 $0x7FC00, v10;
	v8 =	vshll.u32 v11, $0x3;
	v0 =	vld.idx.msk [tilespmem:v0+s14+$0x0], $0xffff  }
0x41d: {  	v3 =	vor.u32 v7, v10;
	v7 =	vshrl.u32 v11, $0x10;
	v10 =	vshrl.u32 v11, $0xD;
	[tilespmem:s29+$0x14180] =	vst v9;
	v2 =	vld.idx.msk [tilespmem:v2+s14+$0x0], $0xffff  }
0x41e: {  	s30 =	simm.s32 $0x380;
	s2 =	simm.s32 $0x70;
	v8 =	vand.u32 $0x7FC00, v8;
	v7 =	vand.u32 $0x7F, v7;
	[tilespmem:s17+$0x14290] =	vst v6;
	v6 =	vand.u32 $0x7F, v11;
	v5 =	vld.idx.msk [tilespmem:v5+s14+$0x0], $0xffff  }
0x41f: {  	s9 =	sand.u32 $0x70, s2;
	s11 =	sand.u32 $0x1C00, s30;
	[tilespmem:s26+$0x14110] =	vst v4;
	v9 =	vand.u32 $0x7FC00, v10;
	v10 =	vshrl.u32 v12, $0xD;
	v13 =	vshll.u32 v12, $0x3;
	v11 =	vld [tilespmem:s1+$0x10300]  }
0x420: {  	s22 =	simm.s32 $0xC0;
	s3 =	sor.u32 s9, s11;
	v6 =	vor.u32 v8, v6;
	v7 =	vor.u32 v7, v9;
	v8 =	vld [tilespmem:s12+$0x10180];
	v9 =	vshrl.u32 v12, $0x10  }
0x421: {  	s0 =	simm.s32 $0x600;
	v1 =	vld [tilespmem:s3+$0x10000];
	s17 =	simm.s32 $0x600;
	v10 =	vand.u32 $0x7FC00, v10;
	v9 =	vand.u32 $0x7F, v9;
	v6 =	vor.u32 $0x80, v6;
	[tilespmem:s28+$0x14210] =	vst v0  }
0x422: {  	s1 =	sand.u32 $0x60, s22;
	s2 =	sand.u32 $0x3C00, s17;
	v9 =	vor.u32 v9, v10;
	v0 =	vand.u32 $0x7F, v12;
	v12 =	vand.u32 $0x7FC00, v13;
	v10 =	vld [tilespmem:s8+$0x10280];
	[smem:$0x7DA] =	sst s0  }
0x423: {  	v7 =	vor.u32 $0x80, v7;
	s7 =	sor.u32 s1, s2;
	v9 =	vor.u32 $0x100, v9;
	v0 =	vor.u32 v12, v0;
	[tilespmem:s29+$0x14190] =	vst v5  }
0x424: {  	v12 =	vshll.u32 v11, $0x3;
	v13 =	vand.u32 $0x7F, v11;
	v5 =	vor.u32 $0x100, v0;
	[tilespmem:s7+$0x14000] =	vst v2  }
0x425: {  	s4 =	smov.u32 s13;
	v14 =	vshrl.u32 v8, $0x10;
	v15 =	vshll.u32 v8, $0x3;
	v12 =	vand.u32 $0x7FC00, v12;
	v3 =	vld.idx.msk [tilespmem:v3+s14+$0x0], $0xffff  }
0x426: {  	v17 =	vshrl.u32 v11, $0x10;
	v11 =	vshrl.u32 v11, $0xD;
	v0 =	vor.u32 v12, v13;
	v12 =	vld [tilespmem:s4+$0x10200]  }
0x427: {  	v6 =	vld.idx.msk [tilespmem:v6+s14+$0x0], $0xffff;
	v11 =	vand.u32 $0x7FC00, v11;
	v13 =	vshrl.u32 v8, $0xD;
	v2 =	vor.u32 $0x300, v0  }
0x428: {  	s9 =	simm.s32 $0x400;
	s20 =	smov.u32 s3;
	s3 =	simm.s32 $0x80;
	v0 =	vand.u32 $0x7F, v8;
	v8 =	vand.u32 $0x7FC00, v15;
	v15 =	vshll.u32 v10, $0x3  }
0x429: {  	s17 =	sand.u32 $0x70, s3;
	s22 =	sand.u32 $0x1C00, s9;
	v0 =	vor.u32 v8, v0;
	v8 =	vand.u32 $0x7F, v10;
	v15 =	vand.u32 $0x7FC00, v15  }
0x42a: {  	s1 =	sor.u32 s17, s22;
	v13 =	vand.u32 $0x7FC00, v13;
	v16 =	vor.u32 $0x180, v0;
	v8 =	vor.u32 v15, v8;
	[tilespmem:s7+$0x14010] =	vst v3;
	v3 =	vld.idx.msk [tilespmem:v5+s14+$0x0], $0xffff  }
0x42b: {  	v0 =	vld [tilespmem:s1+$0x10000];
	v15 =	vand.u32 $0x7F, v17;
	v17 =	vshll.u32 v12, $0x3;
	v8 =	vor.u32 $0x280, v8  }
0x42c: {  	[tilespmem:s23+$0x14080] =	vst v6;
	v11 =	vor.u32 v15, v11;
	v15 =	vand.u32 $0x7F, v12;
	v2 =	vld.idx.msk [tilespmem:v2+s14+$0x0], $0xffff;
	v17 =	vand.u32 $0x7FC00, v17  }
0x42d: {  	s0 =	sand.u32 $0x3, s15;
	v7 =	vld.idx.msk [tilespmem:v7+s14+$0x0], $0xffff;
	v5 =	vor.u32 $0x300, v11;
	v11 =	vand.u32 $0x7F, v14;
	v14 =	vor.u32 v17, v15  }
0x42e: {  	s11 =	sshll.u32 s0, $0x5;
	v15 =	vld [tilespmem:s21+$0x10080];
	v6 =	vor.u32 v11, v13;
	v11 =	vor.u32 $0x200, v14  }
0x42f: {  	s22 =	smov.u32 s1;
	s1 =	sadd.s32 $0x0, s11;
	v14 =	vld.idx.msk [tilespmem:v16+s14+$0x0], $0xffff;
	[tilespmem:s6+$0x14100] =	vst v3  }
0x430: {  	s11 =	sor.u32 $0x300, s1;
	v13 =	vshrl.u32 v10, $0x10;
	v9 =	vld.idx.msk [tilespmem:v9+s14+$0x0], $0xffff  }
0x431: {  	v10 =	vshrl.u32 v10, $0xD;
	v13 =	vand.u32 $0x7F, v13;
	[tilespmem:s11+$0x14000] =	vst v2;
	v2 =	vld.idx.msk [tilespmem:v8+s14+$0x0], $0xffff  }
0x432: {  	v8 =	vand.u32 $0x7FC00, v10;
	v10 =	vshrl.u32 v12, $0x10;
	v12 =	vshrl.u32 v12, $0xD;
	v5 =	vld.idx.msk [tilespmem:v5+s14+$0x0], $0xffff  }
0x433: {  	[tilespmem:s23+$0x14090] =	vst v7;
	v3 =	vor.u32 v13, v8;
	v8 =	vand.u32 $0x7F, v10;
	v10 =	vand.u32 $0x7FC00, v12;
	v11 =	vld.idx.msk [tilespmem:v11+s14+$0x0], $0xffff  }
0x434: {  	v4 =	vshrl.u32 v1, $0x10;
	v6 =	vor.u32 $0x180, v6;
	v7 =	vor.u32 v8, v10;
	v10 =	vld [tilespmem:s5+$0x10100];
	[smem:$0x7DB] =	sst s1  }
0x435: {  	v4 =	vand.u32 $0x7F, v4;
	s17 =	smov.u32 s21;
	s21 =	simm.s32 $0x0;
	v12 =	vshll.u32 v1, $0x3;
	[tilespmem:s26+$0x14180] =	vst v14  }
0x436: {  	s13 =	sadd.s32 $0x10, s1;
	v13 =	vshrl.u32 v1, $0xD;
	v1 =	vand.u32 $0x7F, v1;
	v3 =	vor.u32 $0x280, v3;
	[smem:$0x7DC] =	sst s21  }
0x437: {  	s2 =	smov.u32 s7;
	s7 =	smov.u32 s23;
	v8 =	vand.u32 $0x7FC00, v12;
	v12 =	vor.u32 $0x200, v7;
	v7 =	vand.u32 $0x7FC00, v13;
	[smem:$0x7DD] =	sst s13  }
0x438: {  	s23 =	sor.u32 $0x300, s13;
	s14 =	smov.u32 s5;
	s5 =	simm.s32 $0x0;
	v8 =	vor.u32 v1, v8;
	v14 =	vshrl.u32 v15, $0xD;
	v13 =	vor.u32 v4, v7;
	[tilespmem:s6+$0x14110] =	vst v9  }
0x439: {  	v4 =	vshrl.u32 v15, $0x10;
	v7 =	vand.u32 $0x7F, v15;
	v6 =	vld.idx.msk [tilespmem:v6+s5+$0x0], $0xffff;
	[tilespmem:s23+$0x14000] =	vst v5;
	v5 =	vshll.u32 v15, $0x3  }
0x43a: {  	v14 =	vand.u32 $0x7FC00, v14;
	v4 =	vand.u32 $0x7F, v4;
	[tilespmem:s28+$0x14280] =	vst v2;
	v15 =	vld [tilespmem:s31+$0x10180];
	v9 =	vand.u32 $0x7FC00, v5  }
0x43b: {  	v4 =	vor.u32 v4, v14;
	v5 =	vshrl.u32 v0, $0x10;
	v3 =	vld.idx.msk [tilespmem:v3+s5+$0x0], $0xffff;
	[tilespmem:s29+$0x14200] =	vst v11;
	v2 =	vor.u32 v9, v7  }
0x43c: {  	s10 =	sor.u32 s15, s10;
	v7 =	vor.u32 $0x80, v4;
	v4 =	vshrl.u32 v10, $0x10;
	v9 =	vshrl.u32 v10, $0xD;
	v11 =	vld.idx.msk [tilespmem:v12+s5+$0x0], $0xffff  }
0x43d: {  	s10 =	sor.u32 $0x380, s10;
	v12 =	vshll.u32 v10, $0x3;
	v8 =	vld.idx.msk [tilespmem:v8+s5+$0x0], $0xffff;
	v4 =	vand.u32 $0x7F, v4;
	v9 =	vand.u32 $0x7FC00, v9  }
0x43e: {  	v1 =	vld [tilespmem:s10+$0x10000];
	v10 =	vand.u32 $0x7F, v10;
	v12 =	vand.u32 $0x7FC00, v12;
	v4 =	vor.u32 v4, v9;
	[tilespmem:s26+$0x14190] =	vst v6  }
0x43f: {  	s11 =	simm.s32 $0xE0;
	s10 =	simm.s32 $0x700;
	v14 =	vor.u32 $0x80, v2;
	v2 =	vor.u32 v12, v10;
	v6 =	vor.u32 $0x100, v4;
	v4 =	vld [tilespmem:s12+$0x10200]  }
0x440: {  	s0 =	sand.u32 $0x60, s11;
	s1 =	sand.u32 $0x3C00, s10;
	v10 =	vor.u32 $0x100, v2;
	v2 =	vshrl.u32 v15, $0x10;
	v9 =	vshrl.u32 v15, $0xD;
	[tilespmem:s28+$0x14290] =	vst v3  }
0x441: {  	s15 =	smov.u32 s6;
	v3 =	vshll.u32 v15, $0x3;
	v12 =	vand.u32 $0x7F, v2;
	v9 =	vand.u32 $0x7FC00, v9;
	s28 =	sor.u32 s0, s1;
	v2 =	vld [tilespmem:s8+$0x10300];
	[tilespmem:s29+$0x14210] =	vst v11  }
0x442: {  	s21 =	smov.u32 s26;
	s6 =	smov.u32 s29;
	s26 =	simm.s32 $0x80;
	v11 =	vand.u32 $0x7F, v15;
	v3 =	vand.u32 $0x7FC00, v3;
	v12 =	vor.u32 v12, v9;
	[tilespmem:s28+$0x14000] =	vst v8;
	v8 =	vld [tilespmem:s4+$0x10280]  }
0x443: {  	s23 =	smov.u32 s31;
	v16 =	vshll.u32 v1, $0x3;
	s29 =	simm.s32 $0x400;
	v9 =	vor.u32 v3, v11;
	v3 =	vor.u32 $0x180, v12;
	v15 =	vld.idx.msk [tilespmem:v13+s5+$0x0], $0xffff;
	[smem:$0x7DE] =	sst s26  }
0x444: {  	s31 =	smov.u32 s12;
	s8 =	simm.s32 $0x0;
	v12 =	vand.u32 $0x7F, v1;
	v13 =	vand.u32 $0x7FC00, v16;
	[smem:$0x7DF] =	sst s29;
	v11 =	vand.u32 $0x7F, v4  }
.LBB2_7:
0x445: {  	s3 =	sadd.s32 $0x10, s3;
	s9 =	sadd.s32 $0x80, s9;
	s12 =	smov.u32 s23  }
0x446: {  	s26 =	simm.s32 $0x0;
	s5 =	smov.u32 s30;
	s30 =	smov.u32 s25  }
0x447: {  	s25 =	smov.u32 s24;
	s24 =	smov.u32 s16;
	s16 =	smov.u32 s18  }
0x448: {  	s29 =	smov.u32 s14;
	s23 =	smov.u32 s17;
	s1 =	smov.u32 s20  }
0x449: {  	v14 =	vld.idx.msk [tilespmem:v14+s8+$0x0], $0xffff;
	v16 =	vshll.u32 v4, $0x3;
	v17 =	vshll.u32 v2, $0x3;
	s18 =	sld [smem:$0x7DC];
	s13 =	sand.u32 $0x70, s3;
	s8 =	sand.u32 $0x1C00, s9  }
0x44a: {  	v12 =	vor.u32 v13, v12;
	v13 =	vand.u32 $0x7F, v2;
	s20 =	smov.u32 s22;
	s0 =	smov.u32 s21;
	v17 =	vand.u32 $0x7FC00, v17;
	s13 =	sor.u32 s13, s8  }
0x44b: {  	s21 =	smov.u32 s7;
	v12 =	vor.u32 $0x380, v12;
	v16 =	vand.u32 $0x7FC00, v16;
	s17 =	smov.u32 s1;
	v13 =	vor.u32 v17, v13;
	s8 =	sld [smem:$0x7DB];
	v17 =	vld [tilespmem:s13+$0x10000];
	[tilespmem:s28+$0x14010] =	vst v15  }
0x44c: {  	v11 =	vor.u32 v16, v11;
	s22 =	smov.u32 s13;
	s13 =	smov.u32 s6;
	v16 =	vld [tilespmem:s1+$0x10080];
	s1 =	sadd.s32 $0x1, s18  }
0x44d: {  	v9 =	vor.u32 $0x180, v9;
	s6 =	smov.u32 s15;
	s15 =	sld [smem:$0x7D5];
	s7 =	sand.u32 $0x3, s1  }
0x44e: {  	s14 =	smov.u32 s2;
	v13 =	vor.u32 $0x300, v13;
	v18 =	vshll.u32 v8, $0x3;
	v10 =	vld.idx.msk [tilespmem:v10+s26+$0x0], $0xffff;
	s18 =	sshll.u32 s7, $0x5;
	s7 =	sld [smem:$0x7D6]  }
0x44f: {  	s2 =	smov.u32 s28;
	v19 =	vand.u32 $0x7F, v8;
	v18 =	vand.u32 $0x7FC00, v18;
	[tilespmem:s14+$0x14080] =	vst v14;
	[smem:$0x7DC] =	sst s1  }
0x450: {  	v11 =	vor.u32 $0x200, v11;
	s28 =	sor.u32 $0x380, s8;
	s1 =	smov.u32 s4;
	s8 =	smov.u32 s19;
	v15 =	vor.u32 v18, v19;
	v12 =	vld.idx.msk [tilespmem:v12+s26+$0x0], $0xffff  }
0x451: {  	v61 =	vshrl.u32 v1, $0x10;
	v1 =	vshrl.u32 v1, $0xD;
	s4 =	rddreg [dreg:$0x15];
	v7 =	vld.idx.msk [tilespmem:v7+s26+$0x0], $0xffff;
	v15 =	vor.u32 $0x280, v15;
	s19 =	sadd.s32 s18, s15;
	s15 =	smov.u32 s7  }
0x452: {  	v1 =	vand.u32 $0x7FC00, v1;
	v14 =	vand.u32 $0x7F, v61;
	v9 =	vld.idx.msk [tilespmem:v9+s26+$0x0], $0xffff;
	[smem:$0x7D5] =	sst s15  }
0x453: {  	v1 =	vor.u32 v14, v1;
	v13 =	vld.idx.msk [tilespmem:v13+s26+$0x0], $0xffff;
	[tilespmem:s21+$0x14100] =	vst v10;
	s15 =	sld [smem:$0x7D7]  }
0x454: {  	v62 =	vshrl.u32 v2, $0x10;
	v2 =	vshrl.u32 v2, $0xD;
	v1 =	vor.u32 $0x380, v1;
	[smem:$0x7DB] =	sst s19;
	v6 =	vld.idx.msk [tilespmem:v6+s26+$0x0], $0xffff  }
0x455: {  	v2 =	vand.u32 $0x7FC00, v2;
	v14 =	vand.u32 $0x7F, v62;
	s7 =	smov.u32 s4;
	s4 =	rddreg [dreg:$0x10];
	v11 =	vld.idx.msk [tilespmem:v11+s26+$0x0], $0xffff  }
0x456: {  	v63 =	vshrl.u32 v8, $0x10;
	v8 =	vshrl.u32 v8, $0xD;
	v2 =	vor.u32 v14, v2;
	[smem:$0x7D6] =	sst s7;
	v10 =	vld.idx.msk [tilespmem:v15+s26+$0x0], $0xffff;
	[tilespmem:s28+$0x14000] =	vst v12;
	s28 =	smov.u32 s15  }
0x457: {  	v8 =	vand.u32 $0x7FC00, v8;
	v2 =	vor.u32 $0x300, v2;
	[dreg:$0x15] =	wrdreg s28  }
0x458: {  	v14 =	vand.u32 $0x7F, v63;
	v15 =	vshrl.u32 v4, $0x10;
	v4 =	vshrl.u32 v4, $0xD;
	[tilespmem:s14+$0x14090] =	vst v7;
	s28 =	sld [smem:$0x7D8]  }
0x459: {  	v8 =	vor.u32 v14, v8;
	s18 =	sor.u32 $0x300, s19;
	v14 =	vand.u32 $0x7F, v15;
	v4 =	vand.u32 $0x7FC00, v4;
	s15 =	sld [smem:$0x7DA];
	v1 =	vld.idx.msk [tilespmem:v1+s26+$0x0], $0xffff  }
0x45a: {  	v4 =	vor.u32 v14, v4;
	v14 =	vld [tilespmem:s23+$0x10100];
	[tilespmem:s18+$0x14000] =	vst v13;
	s18 =	sld [smem:$0x7DD]  }
0x45b: {  	v8 =	vor.u32 $0x280, v8;
	s7 =	smov.u32 s14;
	v12 =	vshll.u32 v0, $0x3;
	[tilespmem:s6+$0x14180] =	vst v9;
	s14 =	smov.u32 s28;
	s28 =	rddreg [dreg:$0x18]  }
0x45c: {  	v7 =	vand.u32 $0x7F, v0;
	v12 =	vand.u32 $0x7FC00, v12;
	v4 =	vor.u32 $0x200, v4;
	v2 =	vld.idx.msk [tilespmem:v2+s26+$0x0], $0xffff;
	[smem:$0x7D7] =	sst s14;
	s14 =	smov.u32 s23;
	s23 =	smov.u32 s15  }
0x45d: {  	v15 =	vshrl.u32 v0, $0xD;
	v7 =	vor.u32 v7, v12;
	v3 =	vld.idx.msk [tilespmem:v3+s26+$0x0], $0xffff;
	[tilespmem:s21+$0x14110] =	vst v6;
	s15 =	smov.u32 s10;
	[smem:$0x7D8] =	sst s23  }
0x45e: {  	v5 =	vand.u32 $0x7F, v5;
	v12 =	vand.u32 $0x7FC00, v15;
	[tilespmem:s13+$0x14280] =	vst v10;
	[smem:$0x7DA] =	sst s15;
	s15 =	smov.u32 s21;
	s23 =	smov.u32 s29  }
0x45f: {  	v13 =	vshrl.u32 v16, $0xD;
	v9 =	vor.u32 v5, v12;
	v12 =	vshll.u32 v16, $0x3;
	v15 =	vld [tilespmem:s29+$0x10180];
	s21 =	sor.u32 $0x380, s18;
	s29 =	sadd.s32 $0x10, s19;
	s19 =	sld [smem:$0x7D4]  }
0x460: {  	v5 =	vshrl.u32 v16, $0x10;
	v6 =	vand.u32 $0x7FC00, v12;
	v10 =	vand.u32 $0x7F, v16;
	v8 =	vld.idx.msk [tilespmem:v8+s26+$0x0], $0xffff;
	[tilespmem:s0+$0x14200] =	vst v11;
	[smem:$0x7DD] =	sst s29;
	s18 =	sor.u32 $0x300, s29;
	s29 =	smov.u32 s28  }
0x461: {  	v13 =	vand.u32 $0x7FC00, v13;
	v12 =	vand.u32 $0x7F, v5;
	v6 =	vor.u32 v6, v10;
	v11 =	vld.idx.msk [tilespmem:v4+s26+$0x0], $0xffff;
	[tilespmem:s21+$0x14000] =	vst v1;
	[smem:$0x7D4] =	sst s29  }
0x462: {  	v10 =	vor.u32 v12, v13;
	v1 =	vshrl.u32 v14, $0x10;
	v4 =	vshrl.u32 v14, $0xD;
	v12 =	vld.idx.msk [tilespmem:v7+s26+$0x0], $0xffff;
	[tilespmem:s18+$0x14000] =	vst v2;
	s18 =	rddreg [dreg:$0x1f];
	s21 =	sor.u32 s8, s19  }
0x463: {  	v1 =	vand.u32 $0x7F, v1;
	v4 =	vand.u32 $0x7FC00, v4;
	s8 =	sor.u32 $0x380, s21;
	s21 =	rddreg [dreg:$0x6]  }
0x464: {  	v7 =	vor.u32 $0x80, v10;
	v10 =	vshll.u32 v14, $0x3;
	v4 =	vor.u32 v1, v4;
	[tilespmem:s6+$0x14190] =	vst v3;
	s19 =	sld [smem:$0x7DE];
	s28 =	smov.u32 s21  }
0x465: {  	v2 =	vand.u32 $0x7F, v14;
	v14 =	vor.u32 $0x80, v6;
	v6 =	vor.u32 $0x100, v4;
	v4 =	vld [tilespmem:s12+$0x10200];
	s21 =	smov.u32 s6;
	s6 =	smov.u32 s0;
	s0 =	sld [smem:$0x7D9]  }
0x466: {  	v1 =	vld [tilespmem:s8+$0x10000];
	[tilespmem:s13+$0x14290] =	vst v8;
	s13 =	rddreg [dreg:$0x1a]  }
0x467: {  	s11 =	sadd.s32 $0x20, s11;
	[dreg:$0x18] =	wrdreg s28  }
0x468: {  	p0 =	slt.u32 s3, $0x3F0;
	s8 =	smov.u32 s4;
	s28 =	rddreg [dreg:$0xc]  }
0x469: {  	s10 =	sadd.s32 $0x100, s10;
	[dreg:$0xc] =	wrdreg s8;
	s29 =	smov.u32 s28  }
0x46a: {  	s4 =	sand.u32 $0x3C00, s10;
	[dreg:$0x6] =	wrdreg s29;
	s29 =	smov.u32 s18  }
0x46b: {  	v10 =	vand.u32 $0x7FC00, v10;
	s8 =	smov.u32 s0;
	s0 =	sand.u32 $0x60, s11;
	s18 =	smov.u32 s16  }
0x46c: {  	v2 =	vor.u32 v10, v2;
	s16 =	smov.u32 s25;
	s25 =	smov.u32 s5;
	[dreg:$0x10] =	wrdreg s29  }
0x46d: {  	v10 =	vor.u32 $0x100, v2;
	v2 =	vld [tilespmem:s1+$0x10300];
	[tilespmem:s6+$0x14210] =	vst v11;
	[dreg:$0x1f] =	wrdreg s8;
	s29 =	smov.u32 s19;
	s28 =	sor.u32 s0, s4  }
.Ltmp4:
0x46e: {  	v3 =	vshrl.u32 v15, $0x10;
	v13 =	vshll.u32 v15, $0x3;
	v8 =	vshrl.u32 v15, $0xD;
	s8 =	smov.u32 s3;
	[dreg:$0x1a] =	wrdreg s18;
	[tilespmem:s28+$0x14000] =	vst v12;
	(pc) =	sbr.rel @p0 .LBB2_7-.Ltmp4, $4  }
0x46f: {  	v0 =	vmovc v17;
	v3 =	vand.u32 $0x7F, v3;
	v8 =	vand.u32 $0x7FC00, v8;
	v11 =	vand.u32 $0x7F, v15;
	s19 =	smov.u32 s13;
	s18 =	smov.u32 s24;
	v15 =	vld.idx.msk [tilespmem:v9+s26+$0x0], $0xffff;
	s26 =	sld [smem:$0x7DF]  }
0x470: {  	v5 =	vshrl.u32 v0, $0x10;
	v3 =	vor.u32 v3, v8;
	s24 =	smov.u32 s30;
	s4 =	smov.u32 s31;
	[smem:$0x7D9] =	sst s29;
	v12 =	vand.u32 $0x7FC00, v13  }
0x471: {  	v3 =	vor.u32 $0x180, v3;
	[smem:$0x7DE] =	sst s8;
	v13 =	vshll.u32 v1, $0x3;
	s8 =	simm.s32 $0x0;
	s29 =	smov.u32 s9;
	v9 =	vor.u32 v12, v11  }
0x472: {  	v8 =	vld [tilespmem:s31+$0x10280];
	v11 =	vand.u32 $0x7F, v4;
	v12 =	vand.u32 $0x7F, v1;
	v13 =	vand.u32 $0x7FC00, v13;
	[smem:$0x7DF] =	sst s29;
	s31 =	smov.u32 s12;
	s30 =	smov.u32 s26  }
0x473: {  	v16 =	vshll.u32 v0, $0x3  }
0x474: {  	v17 =	vand.u32 $0x7F, v0;
	v16 =	vand.u32 $0x7FC00, v16  }
0x475: {  	v16 =	vor.u32 v17, v16;
	_ =	sdelay $0x3  }
0x476: {  	v0 =	vshrl.u32 v0, $0xD;
	s26 =	simm.s32 $0x0  }
0x477: {  	v5 =	vand.u32 $0x7F, v5;
	v0 =	vand.u32 $0x7FC00, v0;
	v16 =	vld.idx.msk [tilespmem:v16+s26+$0x0], $0xffff  }
0x478: {  	v0 =	vor.u32 v5, v0  }
0x479: {  	s3 =	sadd.s32 $0x20, s11;
	s5 =	sadd.s32 $0x100, s10  }
0x47a: {  	s3 =	sand.u32 $0x60, s3;
	s9 =	sand.u32 $0x3C00, s5  }
0x47b: {  	s1 =	sor.u32 s3, s9  }
0x47c: {  	[tilespmem:s1+$0x14000] =	vst v16  }
0x47d: {  	v0 =	vld.idx.msk [tilespmem:v0+s26+$0x0], $0xffff;
	_ =	sdelay $0x1  }
0x47e: {  	[tilespmem:s28+$0x14010] =	vst v15  }
0x47f: {  	v5 =	vld [tilespmem:s20+$0x10080];
	_ =	sdelay $0x1  }
0x480: {  	[tilespmem:s1+$0x14010] =	vst v0  }
0x481: {  	v0 =	vld [tilespmem:s22+$0x10080];
	_ =	sdelay $0x1  }
0x482: {  	v15 =	vshll.u32 v5, $0x3  }
0x483: {  	v15 =	vand.u32 $0x7FC00, v15;
	v16 =	vand.u32 $0x7F, v5  }
0x484: {  	v15 =	vor.u32 v15, v16  }
0x485: {  	v15 =	vor.u32 $0x80, v15;
	v17 =	vshll.u32 v0, $0x3  }
0x486: {  	v16 =	vand.u32 $0x7F, v0;
	v17 =	vand.u32 $0x7FC00, v17  }
0x487: {  	v16 =	vor.u32 v17, v16  }
0x488: {  	v14 =	vld.idx.msk [tilespmem:v14+s26+$0x0], $0xffff;
	v17 =	vshrl.u32 v5, $0x10;
	v5 =	vshrl.u32 v5, $0xD;
	v16 =	vor.u32 $0x80, v16  }
0x489: {  	v17 =	vand.u32 $0x7F, v17;
	v5 =	vand.u32 $0x7FC00, v5  }
0x48a: {  	v15 =	vld.idx.msk [tilespmem:v15+s26+$0x0], $0xffff;
	v5 =	vor.u32 v17, v5  }
0x48b: {  	v18 =	vshrl.u32 v0, $0x10;
	v0 =	vshrl.u32 v0, $0xD;
	v5 =	vor.u32 $0x80, v5  }
0x48c: {  	v0 =	vand.u32 $0x7FC00, v0;
	v17 =	vand.u32 $0x7F, v18  }
0x48d: {  	[tilespmem:s2+$0x14080] =	vst v14;
	v0 =	vor.u32 v17, v0;
	v16 =	vld.idx.msk [tilespmem:v16+s26+$0x0], $0xffff  }
0x48e: {  	v7 =	vld.idx.msk [tilespmem:v7+s26+$0x0], $0xffff;
	v0 =	vor.u32 $0x80, v0  }
0x48f: {  	[tilespmem:s28+$0x14080] =	vst v15  }
0x490: {  	v5 =	vld.idx.msk [tilespmem:v5+s26+$0x0], $0xffff;
	_ =	sdelay $0x1  }
0x491: {  	[tilespmem:s1+$0x14080] =	vst v16  }
0x492: {  	[tilespmem:s2+$0x14090] =	vst v7;
	v0 =	vld.idx.msk [tilespmem:v0+s26+$0x0], $0xffff  }
0x493: {  	v7 =	vld [tilespmem:s17+$0x10100]  }
0x494: {  	[tilespmem:s28+$0x14090] =	vst v5  }
0x495: {  	v5 =	vld [tilespmem:s20+$0x10100];
	_ =	sdelay $0x1  }
0x496: {  	[tilespmem:s1+$0x14090] =	vst v0  }
0x497: {  	v14 =	vshll.u32 v7, $0x3;
	v0 =	vld [tilespmem:s22+$0x10100]  }
0x498: {  	v14 =	vand.u32 $0x7FC00, v14;
	v15 =	vand.u32 $0x7F, v7  }
0x499: {  	v14 =	vor.u32 v14, v15;
	v16 =	vshll.u32 v5, $0x3  }
0x49a: {  	v10 =	vld.idx.msk [tilespmem:v10+s26+$0x0], $0xffff;
	v14 =	vor.u32 $0x100, v14;
	v17 =	vand.u32 $0x7F, v5;
	v16 =	vand.u32 $0x7FC00, v16  }
0x49b: {  	v15 =	vshrl.u32 v7, $0x10;
	v7 =	vshrl.u32 v7, $0xD;
	v16 =	vor.u32 v16, v17  }
0x49c: {  	v15 =	vand.u32 $0x7F, v15;
	v16 =	vor.u32 $0x100, v16;
	v56 =	vshll.u32 v0, $0x3  }
0x49d: {  	v7 =	vand.u32 $0x7FC00, v7;
	v17 =	vand.u32 $0x7F, v0;
	v18 =	vand.u32 $0x7FC00, v56  }
0x49e: {  	v7 =	vor.u32 v15, v7;
	v17 =	vor.u32 v18, v17  }
0x49f: {  	[tilespmem:s7+$0x14100] =	vst v10;
	v14 =	vld.idx.msk [tilespmem:v14+s26+$0x0], $0xffff;
	v15 =	vshrl.u32 v5, $0x10;
	v5 =	vshrl.u32 v5, $0xD;
	v17 =	vor.u32 $0x100, v17  }
0x4a0: {  	v6 =	vld.idx.msk [tilespmem:v6+s26+$0x0], $0xffff;
	v7 =	vor.u32 $0x100, v7;
	v10 =	vand.u32 $0x7F, v15;
	v5 =	vand.u32 $0x7FC00, v5  }
0x4a1: {  	v5 =	vor.u32 v10, v5;
	v10 =	vld.idx.msk [tilespmem:v16+s26+$0x0], $0xffff  }
0x4a2: {  	v5 =	vor.u32 $0x100, v5;
	v15 =	vshrl.u32 v0, $0x10;
	v0 =	vshrl.u32 v0, $0xD  }
0x4a3: {  	v15 =	vand.u32 $0x7F, v15;
	v0 =	vand.u32 $0x7FC00, v0  }
0x4a4: {  	[tilespmem:s2+$0x14100] =	vst v14;
	v0 =	vor.u32 v15, v0;
	v15 =	vld.idx.msk [tilespmem:v17+s26+$0x0], $0xffff  }
0x4a5: {  	v9 =	vor.u32 $0x180, v9;
	[tilespmem:s7+$0x14110] =	vst v6;
	v7 =	vld.idx.msk [tilespmem:v7+s26+$0x0], $0xffff;
	v0 =	vor.u32 $0x100, v0;
	v16 =	vshll.u32 v2, $0x3  }
0x4a6: {  	v57 =	vld [tilespmem:s14+$0x10180];
	v14 =	vshll.u32 v4, $0x3;
	v6 =	vand.u32 $0x7FC00, v16;
	v17 =	vshll.u32 v8, $0x3;
	[tilespmem:s28+$0x14100] =	vst v10  }
0x4a7: {  	v16 =	vand.u32 $0x7F, v8;
	v17 =	vand.u32 $0x7FC00, v17;
	v10 =	vand.u32 $0x7FC00, v14;
	v5 =	vld.idx.msk [tilespmem:v5+s26+$0x0], $0xffff  }
0x4a8: {  	v14 =	vor.u32 v17, v16;
	v10 =	vor.u32 v10, v11  }
0x4a9: {  	v11 =	vor.u32 $0x280, v14;
	v14 =	vshrl.u32 v8, $0x10;
	v8 =	vshrl.u32 v8, $0xD;
	[tilespmem:s1+$0x14100] =	vst v15  }
0x4aa: {  	[tilespmem:s2+$0x14110] =	vst v7;
	v10 =	vor.u32 $0x200, v10;
	v14 =	vand.u32 $0x7F, v14;
	v7 =	vand.u32 $0x7FC00, v8;
	v0 =	vld.idx.msk [tilespmem:v0+s26+$0x0], $0xffff  }
0x4ab: {  	v8 =	vshrl.u32 v4, $0x10;
	v4 =	vshrl.u32 v4, $0xD;
	v15 =	vld [tilespmem:s17+$0x10180];
	v7 =	vor.u32 v14, v7  }
0x4ac: {  	v9 =	vld.idx.msk [tilespmem:v9+s26+$0x0], $0xffff;
	v8 =	vand.u32 $0x7F, v8;
	v14 =	vshll.u32 v57, $0x3;
	v4 =	vand.u32 $0x7FC00, v4;
	[tilespmem:s28+$0x14110] =	vst v5  }
0x4ad: {  	v16 =	vand.u32 $0x7F, v57;
	v14 =	vand.u32 $0x7FC00, v14;
	v4 =	vor.u32 v8, v4;
	v8 =	vld [tilespmem:s20+$0x10180]  }
0x4ae: {  	v5 =	vor.u32 $0x280, v7;
	v7 =	vor.u32 v14, v16;
	v11 =	vld.idx.msk [tilespmem:v11+s26+$0x0], $0xffff  }
0x4af: {  	v14 =	vshrl.u32 v57, $0xD;
	v7 =	vor.u32 $0x180, v7;
	v10 =	vld.idx.msk [tilespmem:v10+s26+$0x0], $0xffff;
	[tilespmem:s1+$0x14110] =	vst v0;
	v0 =	vshrl.u32 v57, $0x10  }
0x4b0: {  	v14 =	vand.u32 $0x7FC00, v14;
	v17 =	vshll.u32 v15, $0x3;
	v16 =	vld [tilespmem:s22+$0x10180];
	v0 =	vand.u32 $0x7F, v0  }
0x4b1: {  	v17 =	vand.u32 $0x7FC00, v17;
	v0 =	vor.u32 v0, v14;
	v14 =	vand.u32 $0x7F, v15  }
0x4b2: {  	[tilespmem:s15+$0x14180] =	vst v9;
	v4 =	vor.u32 $0x200, v4;
	v9 =	vor.u32 $0x180, v0;
	v0 =	vor.u32 v17, v14  }
0x4b3: {  	v3 =	vld.idx.msk [tilespmem:v3+s26+$0x0], $0xffff;
	v58 =	vand.u32 $0x7F, v8;
	v17 =	vor.u32 $0x180, v0  }
0x4b4: {  	v7 =	vld.idx.msk [tilespmem:v7+s26+$0x0], $0xffff;
	[tilespmem:s21+$0x14200] =	vst v10;
	v10 =	vshrl.u32 v15, $0xD;
	v14 =	vshrl.u32 v15, $0x10;
	v0 =	vshll.u32 v8, $0x3  }
0x4b5: {  	[tilespmem:s6+$0x14280] =	vst v11;
	v10 =	vand.u32 $0x7FC00, v10;
	v0 =	vand.u32 $0x7FC00, v0;
	v19 =	vshll.u32 v16, $0x3  }
0x4b6: {  	v5 =	vld.idx.msk [tilespmem:v5+s26+$0x0], $0xffff;
	v0 =	vor.u32 v0, v58;
	v11 =	vand.u32 $0x7F, v16;
	v59 =	vand.u32 $0x7FC00, v19  }
0x4b7: {  	v4 =	vld.idx.msk [tilespmem:v4+s26+$0x0], $0xffff;
	v15 =	vor.u32 $0x180, v0;
	v0 =	vor.u32 v59, v11;
	v11 =	vand.u32 $0x7F, v14  }
0x4b8: {  	v12 =	vor.u32 v13, v12;
	[tilespmem:s15+$0x14190] =	vst v3;
	v14 =	vor.u32 $0x180, v0;
	v3 =	vor.u32 v11, v10;
	v10 =	vld.idx.msk [tilespmem:v17+s26+$0x0], $0xffff  }
0x4b9: {  	v13 =	vand.u32 $0x7F, v2;
	[tilespmem:s7+$0x14180] =	vst v7;
	v7 =	vshrl.u32 v8, $0xD;
	v0 =	vor.u32 $0x380, v12;
	v12 =	vld [tilespmem:s23+$0x10200]  }
0x4ba: {  	v7 =	vand.u32 $0x7FC00, v7;
	v11 =	vshrl.u32 v8, $0x10;
	v3 =	vor.u32 $0x180, v3  }
0x4bb: {  	v9 =	vld.idx.msk [tilespmem:v9+s26+$0x0], $0xffff;
	v8 =	vand.u32 $0x7F, v11;
	v11 =	vshrl.u32 v16, $0x10;
	v16 =	vshrl.u32 v16, $0xD  }
0x4bc: {  	[tilespmem:s6+$0x14290] =	vst v5;
	v7 =	vor.u32 v8, v7;
	v11 =	vand.u32 $0x7F, v11;
	v8 =	vld.idx.msk [tilespmem:v15+s26+$0x0], $0xffff;
	v15 =	vand.u32 $0x7FC00, v16  }
0x4bd: {  	v5 =	vor.u32 v6, v13;
	[tilespmem:s21+$0x14210] =	vst v4;
	v6 =	vor.u32 $0x180, v7;
	v7 =	vor.u32 v11, v15;
	v11 =	vld.idx.msk [tilespmem:v14+s26+$0x0], $0xffff  }
0x4be: {  	v13 =	vld [tilespmem:s4+$0x10300];
	[tilespmem:s2+$0x14180] =	vst v10;
	v7 =	vor.u32 $0x180, v7;
	v4 =	vshll.u32 v12, $0x3  }
0x4bf: {  	v15 =	vand.u32 $0x7F, v12;
	v3 =	vld.idx.msk [tilespmem:v3+s26+$0x0], $0xffff;
	v4 =	vand.u32 $0x7FC00, v4  }
0x4c0: {  	v5 =	vor.u32 $0x300, v5;
	[tilespmem:s7+$0x14190] =	vst v9;
	v9 =	vshrl.u32 v2, $0x10;
	v4 =	vor.u32 v4, v15  }
0x4c1: {  	v14 =	vshrl.u32 v1, $0x10;
	v1 =	vshrl.u32 v1, $0xD;
	v15 =	vld [tilespmem:s14+$0x10200];
	[tilespmem:s28+$0x14180] =	vst v8;
	v4 =	vor.u32 $0x200, v4  }
0x4c2: {  	v2 =	vshrl.u32 v2, $0xD;
	v10 =	vand.u32 $0x7F, v14;
	v1 =	vand.u32 $0x7FC00, v1;
	v6 =	vld.idx.msk [tilespmem:v6+s26+$0x0], $0xffff;
	[tilespmem:s1+$0x14180] =	vst v11  }
0x4c3: {  	v2 =	vand.u32 $0x7FC00, v2;
	v1 =	vor.u32 v10, v1;
	v10 =	vshrl.u32 v12, $0x10;
	v7 =	vld.idx.msk [tilespmem:v7+s26+$0x0], $0xffff  }
0x4c4: {  	v8 =	vand.u32 $0x7F, v9;
	v9 =	vand.u32 $0x7F, v13;
	v10 =	vand.u32 $0x7F, v10;
	[tilespmem:s2+$0x14190] =	vst v3  }
0x4c5: {  	v2 =	vor.u32 v8, v2;
	v8 =	vshll.u32 v13, $0x3;
	v11 =	vshrl.u32 v12, $0xD;
	v12 =	vld [tilespmem:s17+$0x10200]  }
0x4c6: {  	v8 =	vand.u32 $0x7FC00, v8;
	v11 =	vand.u32 $0x7FC00, v11;
	v16 =	vshll.u32 v15, $0x3;
	v4 =	vld.idx.msk [tilespmem:v4+s26+$0x0], $0xffff  }
0x4c7: {  	v10 =	vor.u32 v10, v11;
	v11 =	vand.u32 $0x7F, v15;
	v16 =	vand.u32 $0x7FC00, v16;
	[tilespmem:s28+$0x14190] =	vst v6  }
0x4c8: {  	v6 =	vor.u32 v8, v9;
	v8 =	vor.u32 $0x200, v10;
	v9 =	vor.u32 v16, v11;
	[tilespmem:s1+$0x14190] =	vst v7  }
0x4c9: {  	v11 =	vshrl.u32 v15, $0xD;
	v10 =	vld [tilespmem:s20+$0x10200];
	v7 =	vor.u32 $0x200, v9;
	v9 =	vshrl.u32 v15, $0x10;
	s0 =	sld [smem:$0x7DC]  }
0x4ca: {  	v11 =	vand.u32 $0x7FC00, v11;
	v9 =	vand.u32 $0x7F, v9;
	v16 =	vshll.u32 v12, $0x3  }
0x4cb: {  	v15 =	vld [tilespmem:s22+$0x10200];
	v9 =	vor.u32 v9, v11;
	v11 =	vand.u32 $0x7F, v12;
	v16 =	vand.u32 $0x7FC00, v16;
	[tilespmem:s15+$0x14200] =	vst v4  }
0x4cc: {  	s8 =	smov.u32 s7;
	v5 =	vld.idx.msk [tilespmem:v5+s26+$0x0], $0xffff;
	v4 =	vor.u32 $0x200, v9;
	v9 =	vor.u32 v16, v11;
	s7 =	sld [smem:$0x7D5];
	s6 =	sadd.s32 $0x1, s0  }
0x4cd: {  	v8 =	vld.idx.msk [tilespmem:v8+s26+$0x0], $0xffff;
	v9 =	vor.u32 $0x200, v9;
	s11 =	sand.u32 $0x3, s6  }
0x4ce: {  	v14 =	vld [tilespmem:s31+$0x10280];
	v2 =	vor.u32 $0x300, v2;
	v16 =	vshll.u32 v10, $0x3;
	s4 =	sshll.u32 s11, $0x5  }
0x4cf: {  	v11 =	vshrl.u32 v12, $0x10;
	v60 =	vand.u32 $0x7F, v10;
	v7 =	vld.idx.msk [tilespmem:v7+s26+$0x0], $0xffff;
	v16 =	vand.u32 $0x7FC00, v16;
	s4 =	sadd.s32 s4, s7  }
0x4d0: {  	v11 =	vand.u32 $0x7F, v11;
	v61 =	vshll.u32 v15, $0x3;
	v16 =	vor.u32 v16, v60;
	s7 =	sor.u32 $0x300, s4  }
0x4d1: {  	v62 =	vand.u32 $0x7F, v15;
	v19 =	vand.u32 $0x7FC00, v61;
	[tilespmem:s7+$0x14000] =	vst v5;
	v5 =	vshrl.u32 v12, $0xD  }
0x4d2: {  	[tilespmem:s15+$0x14210] =	vst v8;
	v12 =	vor.u32 $0x200, v16;
	v16 =	vor.u32 v19, v62;
	v8 =	vld.idx.msk [tilespmem:v9+s26+$0x0], $0xffff;
	v5 =	vand.u32 $0x7FC00, v5  }
0x4d3: {  	v3 =	vshll.u32 v14, $0x3;
	v2 =	vld.idx.msk [tilespmem:v2+s26+$0x0], $0xffff;
	v16 =	vor.u32 $0x200, v16;
	v5 =	vor.u32 v11, v5  }
0x4d4: {  	v17 =	vand.u32 $0x7F, v14;
	v9 =	vshrl.u32 v10, $0x10;
	[tilespmem:s8+$0x14200] =	vst v7;
	v5 =	vor.u32 $0x200, v5  }
0x4d5: {  	v6 =	vor.u32 $0x300, v6;
	v7 =	vshrl.u32 v10, $0xD;
	v9 =	vand.u32 $0x7F, v9;
	v11 =	vld [tilespmem:s23+$0x10280];
	s12 =	sld [smem:$0x7D4]  }
0x4d6: {  	s7 =	sadd.s32 $0x10, s4;
	v10 =	vshrl.u32 v15, $0x10;
	v15 =	vshrl.u32 v15, $0xD;
	v4 =	vld.idx.msk [tilespmem:v4+s26+$0x0], $0xffff;
	v7 =	vand.u32 $0x7FC00, v7  }
0x4d7: {  	s13 =	sor.u32 $0x300, s7;
	v7 =	vor.u32 v9, v7;
	v9 =	vand.u32 $0x7F, v10;
	v10 =	vand.u32 $0x7FC00, v15;
	v12 =	vld.idx.msk [tilespmem:v12+s26+$0x0], $0xffff;
	[tilespmem:s2+$0x14200] =	vst v8  }
0x4d8: {  	v9 =	vor.u32 v9, v10;
	s9 =	sor.u32 s19, s12;
	[tilespmem:s13+$0x14000] =	vst v2;
	v2 =	vand.u32 $0x7FC00, v3;
	v3 =	vor.u32 $0x200, v7;
	v7 =	vld.idx.msk [tilespmem:v16+s26+$0x0], $0xffff  }
0x4d9: {  	v8 =	vor.u32 $0x200, v9;
	s9 =	sor.u32 $0x380, s9;
	v2 =	vor.u32 v2, v17;
	v5 =	vld.idx.msk [tilespmem:v5+s26+$0x0], $0xffff  }
0x4da: {  	v9 =	vshrl.u32 v13, $0x10;
	v10 =	vld [tilespmem:s9+$0x10000];
	v15 =	vshll.u32 v11, $0x3;
	v2 =	vor.u32 $0x280, v2  }
0x4db: {  	v6 =	vld.idx.msk [tilespmem:v6+s26+$0x0], $0xffff;
	v13 =	vshrl.u32 v13, $0xD;
	v16 =	vand.u32 $0x7F, v11;
	[tilespmem:s8+$0x14210] =	vst v4;
	v15 =	vand.u32 $0x7FC00, v15  }
0x4dc: {  	v4 =	vand.u32 $0x7F, v9;
	v9 =	vand.u32 $0x7FC00, v13;
	v13 =	vor.u32 v15, v16;
	v15 =	vld [tilespmem:s14+$0x10280];
	[tilespmem:s28+$0x14200] =	vst v12  }
0x4dd: {  	v12 =	vshrl.u32 v14, $0x10;
	v14 =	vshrl.u32 v14, $0xD;
	v13 =	vor.u32 $0x280, v13;
	v3 =	vld.idx.msk [tilespmem:v3+s26+$0x0], $0xffff;
	[tilespmem:s1+$0x14200] =	vst v7  }
0x4de: {  	v4 =	vor.u32 v4, v9;
	v7 =	vand.u32 $0x7F, v12;
	v9 =	vand.u32 $0x7FC00, v14;
	v8 =	vld.idx.msk [tilespmem:v8+s26+$0x0], $0xffff;
	[tilespmem:s2+$0x14210] =	vst v5  }
0x4df: {  	s19 =	sadd.s32 $0x1, s6;
	v4 =	vor.u32 $0x300, v4;
	v12 =	vshll.u32 v10, $0x3;
	v7 =	vor.u32 v7, v9;
	v2 =	vld.idx.msk [tilespmem:v2+s26+$0x0], $0xffff;
	s0 =	sld [smem:$0x7D6]  }
0x4e0: {  	s3 =	sand.u32 $0x3, s19;
	v9 =	vshrl.u32 v11, $0xD;
	v5 =	vor.u32 $0x280, v7;
	v7 =	vshrl.u32 v11, $0x10;
	v11 =	vld [tilespmem:s17+$0x10280]  }
0x4e1: {  	s3 =	sshll.u32 s3, $0x5;
	v9 =	vand.u32 $0x7FC00, v9;
	v7 =	vand.u32 $0x7F, v7;
	v14 =	vshll.u32 v15, $0x3  }
0x4e2: {  	v13 =	vld.idx.msk [tilespmem:v13+s26+$0x0], $0xffff;
	v7 =	vor.u32 v7, v9;
	v9 =	vand.u32 $0x7F, v15;
	v14 =	vand.u32 $0x7FC00, v14;
	[tilespmem:s28+$0x14210] =	vst v3;
	s3 =	sadd.s32 s3, s0  }
0x4e3: {  	v12 =	vand.u32 $0x7FC00, v12;
	v7 =	vor.u32 $0x280, v7;
	v9 =	vor.u32 v14, v9;
	v14 =	vld [tilespmem:s20+$0x10280];
	[tilespmem:s1+$0x14210] =	vst v8;
	s9 =	sor.u32 $0x300, s3  }
0x4e4: {  	v8 =	vshrl.u32 v15, $0x10;
	[tilespmem:s9+$0x14000] =	vst v6;
	v6 =	vor.u32 $0x280, v9;
	v9 =	vshrl.u32 v15, $0xD;
	v15 =	vld [tilespmem:s22+$0x10280]  }
0x4e5: {  	[tilespmem:s21+$0x14280] =	vst v2;
	v2 =	vand.u32 $0x7F, v8;
	v8 =	vand.u32 $0x7FC00, v9;
	v9 =	vshll.u32 v11, $0x3  }
0x4e6: {  	v5 =	vld.idx.msk [tilespmem:v5+s26+$0x0], $0xffff;
	v2 =	vor.u32 v2, v8;
	v8 =	vand.u32 $0x7F, v11;
	v9 =	vand.u32 $0x7FC00, v9  }
0x4e7: {  	v3 =	vand.u32 $0x7F, v10;
	[tilespmem:s15+$0x14280] =	vst v13;
	v2 =	vor.u32 $0x280, v2;
	v8 =	vor.u32 v9, v8  }
0x4e8: {  	v7 =	vld.idx.msk [tilespmem:v7+s26+$0x0], $0xffff;
	v9 =	vshrl.u32 v11, $0x10;
	v13 =	vshll.u32 v14, $0x3;
	v8 =	vor.u32 $0x280, v8  }
0x4e9: {  	v16 =	vand.u32 $0x7F, v14;
	v13 =	vand.u32 $0x7FC00, v13;
	v6 =	vld.idx.msk [tilespmem:v6+s26+$0x0], $0xffff;
	v17 =	vshll.u32 v15, $0x3  }
0x4ea: {  	s12 =	rddreg [dreg:$0x18];
	v13 =	vor.u32 v13, v16;
	v16 =	vand.u32 $0x7F, v15;
	v17 =	vand.u32 $0x7FC00, v17  }
0x4eb: {  	s13 =	rddreg [dreg:$0x1a];
	[tilespmem:s21+$0x14290] =	vst v5;
	v5 =	vshrl.u32 v11, $0xD;
	v11 =	vor.u32 $0x280, v13;
	v13 =	vor.u32 v17, v16  }
0x4ec: {  	v9 =	vand.u32 $0x7F, v9;
	v5 =	vand.u32 $0x7FC00, v5;
	v13 =	vor.u32 $0x280, v13  }
0x4ed: {  	v3 =	vor.u32 v12, v3;
	v12 =	vshrl.u32 v15, $0x10;
	[tilespmem:s15+$0x14290] =	vst v7;
	v5 =	vor.u32 v9, v5;
	v7 =	vld.idx.msk [tilespmem:v8+s26+$0x0], $0xffff  }
0x4ee: {  	v16 =	vld [tilespmem:s31+$0x10300];
	v5 =	vor.u32 $0x280, v5;
	v8 =	vshrl.u32 v14, $0x10;
	[tilespmem:s8+$0x14280] =	vst v6;
	v6 =	vshrl.u32 v14, $0xD  }
0x4ef: {  	v8 =	vand.u32 $0x7F, v8;
	v14 =	vshrl.u32 v15, $0xD;
	v2 =	vld.idx.msk [tilespmem:v2+s26+$0x0], $0xffff;
	v6 =	vand.u32 $0x7FC00, v6  }
0x4f0: {  	v11 =	vld.idx.msk [tilespmem:v11+s26+$0x0], $0xffff;
	v6 =	vor.u32 v8, v6;
	v8 =	vand.u32 $0x7F, v12;
	v12 =	vand.u32 $0x7FC00, v14  }
0x4f1: {  	v6 =	vor.u32 $0x280, v6;
	v13 =	vld.idx.msk [tilespmem:v13+s26+$0x0], $0xffff;
	v8 =	vor.u32 v8, v12  }
0x4f2: {  	v12 =	vshrl.u32 v10, $0x10;
	v10 =	vshrl.u32 v10, $0xD;
	[tilespmem:s2+$0x14280] =	vst v7;
	v7 =	vor.u32 $0x280, v8  }
0x4f3: {  	v4 =	vld.idx.msk [tilespmem:v4+s26+$0x0], $0xffff;
	v8 =	vand.u32 $0x7F, v12;
	v10 =	vand.u32 $0x7FC00, v10;
	v12 =	vshll.u32 v16, $0x3  }
0x4f4: {  	v9 =	vld [tilespmem:s23+$0x10300];
	[tilespmem:s8+$0x14290] =	vst v2;
	v2 =	vor.u32 v8, v10;
	v8 =	vand.u32 $0x7F, v16;
	v10 =	vand.u32 $0x7FC00, v12  }
0x4f5: {  	v5 =	vld.idx.msk [tilespmem:v5+s26+$0x0], $0xffff;
	[tilespmem:s28+$0x14280] =	vst v11;
	v8 =	vor.u32 v10, v8  }
0x4f6: {  	v8 =	vor.u32 $0x300, v8;
	v6 =	vld.idx.msk [tilespmem:v6+s26+$0x0], $0xffff;
	[tilespmem:s1+$0x14280] =	vst v13  }
0x4f7: {  	s9 =	sadd.s32 $0x10, s3;
	v7 =	vld.idx.msk [tilespmem:v7+s26+$0x0], $0xffff  }
0x4f8: {  	s6 =	sor.u32 $0x300, s9  }
0x4f9: {  	[tilespmem:s6+$0x14000] =	vst v4;
	v15 =	vand.u32 $0x7F, v9;
	v11 =	vshll.u32 v9, $0x3  }
0x4fa: {  	v12 =	vld [tilespmem:s14+$0x10300];
	v10 =	vshrl.u32 v16, $0x10;
	v11 =	vand.u32 $0x7FC00, v11;
	v13 =	vshrl.u32 v16, $0xD;
	[tilespmem:s2+$0x14290] =	vst v5  }
0x4fb: {  	s8 =	sadd.s32 $0x1, s19;
	v11 =	vor.u32 v11, v15;
	v5 =	vand.u32 $0x7F, v10;
	v10 =	vand.u32 $0x7FC00, v13;
	[tilespmem:s28+$0x14290] =	vst v6;
	v6 =	vld.idx.msk [tilespmem:v8+s26+$0x0], $0xffff  }
0x4fc: {  	s12 =	sor.u32 s13, s12;
	s11 =	sand.u32 $0x3, s8;
	v5 =	vor.u32 v5, v10;
	v10 =	vor.u32 $0x300, v11;
	[tilespmem:s1+$0x14290] =	vst v7  }
0x4fd: {  	s12 =	sor.u32 $0x380, s12;
	s0 =	sshll.u32 s11, $0x5;
	s1 =	rddreg [dreg:$0x15]  }
0x4fe: {  	v4 =	vld [tilespmem:s12+$0x10000];
	v11 =	vshrl.u32 v9, $0x10;
	s0 =	sadd.s32 s0, s1  }
0x4ff: {  	v13 =	vld [tilespmem:s17+$0x10300];
	v9 =	vshrl.u32 v9, $0xD;
	v11 =	vand.u32 $0x7F, v11;
	v15 =	vshll.u32 v12, $0x3;
	s1 =	sor.u32 $0x300, s0  }
0x500: {  	v8 =	vand.u32 $0x7FC00, v9;
	v9 =	vand.u32 $0x7F, v12;
	v15 =	vand.u32 $0x7FC00, v15;
	v16 =	vld [tilespmem:s20+$0x10300];
	[tilespmem:s1+$0x14000] =	vst v6  }
0x501: {  	s12 =	sadd.s32 $0x1, s8;
	v5 =	vor.u32 $0x300, v5;
	v7 =	vor.u32 v11, v8;
	v8 =	vor.u32 v15, v9;
	v10 =	vld.idx.msk [tilespmem:v10+s26+$0x0], $0xffff;
	s14 =	sld [smem:$0x7D7]  }
0x502: {  	s13 =	sand.u32 $0x3, s12;
	v11 =	vshrl.u32 v12, $0x10;
	v12 =	vshrl.u32 v12, $0xD;
	v8 =	vor.u32 $0x300, v8  }
0x503: {  	v11 =	vand.u32 $0x7F, v11;
	v12 =	vand.u32 $0x7FC00, v12;
	s1 =	sshll.u32 s13, $0x5  }
0x504: {  	v9 =	vld [tilespmem:s22+$0x10300];
	v15 =	vshll.u32 v13, $0x3;
	v11 =	vor.u32 v11, v12;
	v12 =	vand.u32 $0x7F, v13;
	s2 =	sadd.s32 s1, s14  }
0x505: {  	v15 =	vand.u32 $0x7FC00, v15;
	v6 =	vor.u32 $0x300, v7;
	v7 =	vor.u32 $0x300, v11;
	s1 =	sor.u32 $0x300, s2  }
0x506: {  	v11 =	vor.u32 v15, v12;
	v12 =	vshrl.u32 v13, $0x10;
	v5 =	vld.idx.msk [tilespmem:v5+s26+$0x0], $0xffff;
	v15 =	vshll.u32 v16, $0x3;
	[tilespmem:s1+$0x14000] =	vst v10  }
0x507: {  	s15 =	sadd.s32 $0x1, s12;
	v11 =	vor.u32 $0x300, v11;
	v17 =	vand.u32 $0x7F, v16;
	v8 =	vld.idx.msk [tilespmem:v8+s26+$0x0], $0xffff;
	v15 =	vand.u32 $0x7FC00, v15;
	s13 =	sld [smem:$0x7D8]  }
0x508: {  	s6 =	sand.u32 $0x3, s15;
	v12 =	vand.u32 $0x7F, v12;
	v15 =	vor.u32 v15, v17  }
0x509: {  	s6 =	sshll.u32 s6, $0x5;
	v63 =	vshll.u32 v9, $0x3;
	v10 =	vshrl.u32 v13, $0xD;
	v13 =	vor.u32 $0x300, v15;
	s1 =	sadd.s32 $0x10, s0;
	s17 =	rddreg [dreg:$0x6]  }
0x50a: {  	v17 =	vand.u32 $0x7F, v9;
	v18 =	vand.u32 $0x7FC00, v63;
	v6 =	vld.idx.msk [tilespmem:v6+s26+$0x0], $0xffff;
	v10 =	vand.u32 $0x7FC00, v10;
	s12 =	sor.u32 s18, s17;
	s18 =	sor.u32 $0x300, s1;
	s6 =	sadd.s32 s6, s13  }
0x50b: {  	v15 =	vor.u32 v18, v17;
	v10 =	vor.u32 v12, v10;
	[tilespmem:s18+$0x14000] =	vst v5;
	s19 =	sor.u32 $0x300, s6  }
0x50c: {  	v5 =	vld.idx.msk [tilespmem:v11+s26+$0x0], $0xffff;
	v11 =	vshrl.u32 v16, $0x10;
	s21 =	rddreg [dreg:$0xc];
	[tilespmem:s19+$0x14000] =	vst v8;
	v8 =	vor.u32 $0x300, v10;
	v10 =	vshrl.u32 v16, $0xD  }
0x50d: {  	s20 =	sadd.s32 $0x1, s15;
	s11 =	sadd.s32 $0x10, s2;
	v15 =	vor.u32 $0x300, v15;
	v11 =	vand.u32 $0x7F, v11;
	v10 =	vand.u32 $0x7FC00, v10;
	s14 =	sld [smem:$0x7DA]  }
0x50e: {  	s22 =	sand.u32 $0x3, s20;
	s23 =	sor.u32 $0x300, s11;
	s18 =	sadd.s32 $0x1, s20;
	v13 =	vld.idx.msk [tilespmem:v13+s26+$0x0], $0xffff;
	v10 =	vor.u32 v11, v10  }
0x50f: {  	s12 =	sor.u32 $0x380, s12;
	s13 =	sshll.u32 s22, $0x5;
	s15 =	sand.u32 $0x3, s18;
	[tilespmem:s23+$0x14000] =	vst v6;
	v6 =	vor.u32 $0x300, v10  }
0x510: {  	v12 =	vld [tilespmem:s12+$0x10000];
	s15 =	sshll.u32 s15, $0x5;
	v16 =	vshrl.u32 v9, $0x10;
	v9 =	vshrl.u32 v9, $0xD;
	s14 =	sadd.s32 s13, s14  }
0x511: {  	s10 =	sadd.s32 s15, s10;
	v7 =	vld.idx.msk [tilespmem:v7+s26+$0x0], $0xffff;
	v9 =	vand.u32 $0x7FC00, v9;
	v11 =	vand.u32 $0x7F, v16;
	s19 =	sor.u32 $0x300, s14  }
0x512: {  	s23 =	sor.u32 $0x300, s10;
	v10 =	vld.idx.msk [tilespmem:v15+s26+$0x0], $0xffff;
	v9 =	vor.u32 v11, v9;
	s13 =	sadd.s32 $0x1, s18;
	[tilespmem:s19+$0x14000] =	vst v5  }
0x513: {  	v1 =	vor.u32 $0x380, v1;
	v14 =	vshll.u32 v4, $0x3;
	s12 =	sor.u32 s16, s21;
	s13 =	sand.u32 $0x3, s13;
	v5 =	vor.u32 $0x300, v9;
	s21 =	rddreg [dreg:$0x10];
	v8 =	vld.idx.msk [tilespmem:v8+s26+$0x0], $0xffff;
	[tilespmem:s23+$0x14000] =	vst v13  }
0x514: {  	v3 =	vor.u32 $0x380, v3;
	v14 =	vand.u32 $0x7FC00, v14;
	v2 =	vor.u32 $0x380, v2;
	s8 =	sor.u32 $0x380, s12;
	s12 =	sadd.s32 $0x10, s6;
	s13 =	sshll.u32 s13, $0x5;
	v6 =	vld.idx.msk [tilespmem:v6+s26+$0x0], $0xffff  }
0x515: {  	v17 =	vand.u32 $0x7F, v4;
	s20 =	sor.u32 $0x300, s12;
	v11 =	vld [tilespmem:s8+$0x10000];
	v15 =	vshrl.u32 v4, $0x10;
	v4 =	vshrl.u32 v4, $0xD;
	s13 =	sadd.s32 s13, s5  }
0x516: {  	v4 =	vand.u32 $0x7FC00, v4;
	s15 =	sadd.s32 $0x10, s14;
	v9 =	vor.u32 v14, v17;
	v14 =	vand.u32 $0x7F, v15;
	[tilespmem:s20+$0x14000] =	vst v7;
	s17 =	sor.u32 s24, s21;
	s24 =	sor.u32 $0x300, s13  }
0x517: {  	s16 =	sadd.s32 $0x10, s10;
	v9 =	vor.u32 $0x380, v9;
	v4 =	vor.u32 v14, v4;
	v14 =	vshll.u32 v12, $0x3;
	s5 =	sor.u32 $0x300, s15;
	[tilespmem:s24+$0x14000] =	vst v10  }
0x518: {  	s19 =	sor.u32 $0x300, s16;
	v7 =	vand.u32 $0x7F, v12;
	v13 =	vshrl.u32 v12, $0x10;
	v12 =	vshrl.u32 v12, $0xD;
	s22 =	sor.u32 $0x380, s17;
	s8 =	rddreg [dreg:$0x1f];
	v5 =	vld.idx.msk [tilespmem:v5+s26+$0x0], $0xffff;
	[tilespmem:s5+$0x14000] =	vst v8  }
0x519: {  	v4 =	vor.u32 $0x380, v4;
	v14 =	vand.u32 $0x7FC00, v14;
	v12 =	vand.u32 $0x7FC00, v12;
	v15 =	vld [tilespmem:s22+$0x10000];
	s20 =	sld [smem:$0x7D9];
	[tilespmem:s19+$0x14000] =	vst v6  }
0x51a: {  	v7 =	vor.u32 v14, v7;
	v10 =	vand.u32 $0x7F, v13;
	v13 =	vshll.u32 v11, $0x3;
	s17 =	sor.u32 s25, s8;
	s24 =	sld [smem:$0x7DF]  }
0x51b: {  	v3 =	vld.idx.msk [tilespmem:v3+s26+$0x0], $0xffff;
	v10 =	vor.u32 v10, v12;
	v12 =	vand.u32 $0x7F, v11;
	v13 =	vand.u32 $0x7FC00, v13;
	s18 =	sor.u32 $0x380, s17;
	s17 =	sadd.s32 $0x10, s13;
	s8 =	sld [smem:$0x7DE]  }
0x51c: {  	v7 =	vor.u32 $0x380, v7;
	v8 =	vor.u32 $0x380, v10;
	v10 =	vor.u32 v13, v12;
	v12 =	vld [tilespmem:s18+$0x10000];
	s23 =	sor.u32 $0x300, s17  }
0x51d: {  	v0 =	vld.idx.msk [tilespmem:v0+s26+$0x0], $0xffff;
	v13 =	vshrl.u32 v11, $0x10;
	v11 =	vshrl.u32 v11, $0xD;
	v10 =	vor.u32 $0x380, v10;
	s21 =	sor.u32 s30, s20;
	[tilespmem:s23+$0x14000] =	vst v5  }
0x51e: {  	v9 =	vld.idx.msk [tilespmem:v9+s26+$0x0], $0xffff;
	v13 =	vand.u32 $0x7F, v13;
	v11 =	vand.u32 $0x7FC00, v11;
	v14 =	vshll.u32 v15, $0x3;
	s22 =	sor.u32 $0x380, s21;
	s8 =	sor.u32 s24, s8;
	s25 =	sld [smem:$0x7DB]  }
0x51f: {  	v6 =	vor.u32 v13, v11;
	v11 =	vand.u32 $0x7F, v15;
	v13 =	vand.u32 $0x7FC00, v14;
	v14 =	vld [tilespmem:s22+$0x10000];
	s8 =	sor.u32 $0x380, s8  }
0x520: {  	s4 =	sor.u32 $0x380, s4;
	v5 =	vor.u32 $0x380, v6;
	v6 =	vor.u32 v13, v11;
	v11 =	vshrl.u32 v15, $0x10;
	v13 =	vld [tilespmem:s8+$0x10000]  }
0x521: {  	v15 =	vshrl.u32 v15, $0xD;
	[tilespmem:s4+$0x14000] =	vst v3;
	v11 =	vand.u32 $0x7F, v11;
	v16 =	vshll.u32 v12, $0x3;
	s8 =	sor.u32 $0x380, s25  }
0x522: {  	s3 =	sor.u32 $0x380, s3;
	v15 =	vand.u32 $0x7FC00, v15;
	v17 =	vand.u32 $0x7F, v12;
	v16 =	vand.u32 $0x7FC00, v16;
	[tilespmem:s8+$0x14000] =	vst v0  }
0x523: {  	[tilespmem:s3+$0x14000] =	vst v9;
	v6 =	vor.u32 $0x380, v6;
	v11 =	vor.u32 v11, v15;
	v15 =	vor.u32 v16, v17;
	v1 =	vld.idx.msk [tilespmem:v1+s26+$0x0], $0xffff  }
0x524: {  	v7 =	vld.idx.msk [tilespmem:v7+s26+$0x0], $0xffff;
	v0 =	vor.u32 $0x380, v15;
	v15 =	vshrl.u32 v12, $0x10;
	s3 =	sld [smem:$0x7DD];
	v16 =	vshll.u32 v14, $0x3  }
0x525: {  	v10 =	vld.idx.msk [tilespmem:v10+s26+$0x0], $0xffff;
	v3 =	vand.u32 $0x7F, v14;
	v16 =	vand.u32 $0x7FC00, v16;
	v17 =	vshll.u32 v13, $0x3  }
0x526: {  	v2 =	vld.idx.msk [tilespmem:v2+s26+$0x0], $0xffff;
	v9 =	vand.u32 $0x7F, v13;
	v3 =	vor.u32 v16, v3;
	v16 =	vand.u32 $0x7FC00, v17  }
0x527: {  	v4 =	vld.idx.msk [tilespmem:v4+s26+$0x0], $0xffff;
	v12 =	vshrl.u32 v12, $0xD;
	s3 =	sor.u32 $0x380, s3;
	v3 =	vor.u32 $0x380, v3;
	v9 =	vor.u32 v16, v9  }
0x528: {  	s0 =	sor.u32 $0x380, s0;
	v15 =	vand.u32 $0x7F, v15;
	v12 =	vand.u32 $0x7FC00, v12;
	v9 =	vor.u32 $0x380, v9;
	[tilespmem:s3+$0x14000] =	vst v1;
	v1 =	vld.idx.msk [tilespmem:v6+s26+$0x0], $0xffff  }
0x529: {  	v11 =	vor.u32 $0x380, v11;
	s8 =	sor.u32 $0x380, s2;
	[tilespmem:s0+$0x14000] =	vst v7;
	v12 =	vor.u32 v15, v12;
	v0 =	vld.idx.msk [tilespmem:v0+s26+$0x0], $0xffff  }
0x52a: {  	s5 =	sor.u32 $0x380, s7;
	v8 =	vld.idx.msk [tilespmem:v8+s26+$0x0], $0xffff;
	[tilespmem:s8+$0x14000] =	vst v10;
	v6 =	vor.u32 $0x380, v12  }
0x52b: {  	s7 =	sor.u32 $0x380, s9;
	v15 =	vshrl.u32 v14, $0x10;
	[tilespmem:s5+$0x14000] =	vst v2;
	v5 =	vld.idx.msk [tilespmem:v5+s26+$0x0], $0xffff  }
0x52c: {  	s9 =	sor.u32 $0x380, s6;
	[tilespmem:s7+$0x14000] =	vst v4;
	v12 =	vshrl.u32 v14, $0xD;
	v14 =	vand.u32 $0x7F, v15;
	v3 =	vld.idx.msk [tilespmem:v3+s26+$0x0], $0xffff  }
0x52d: {  	s18 =	sor.u32 $0x380, s14;
	v2 =	vand.u32 $0x7FC00, v12;
	v12 =	vshrl.u32 v13, $0x10;
	v13 =	vshrl.u32 v13, $0xD;
	v7 =	vld.idx.msk [tilespmem:v9+s26+$0x0], $0xffff;
	[tilespmem:s9+$0x14000] =	vst v1  }
0x52e: {  	s1 =	sor.u32 $0x380, s1;
	v2 =	vor.u32 v14, v2;
	v4 =	vand.u32 $0x7F, v12;
	v12 =	vand.u32 $0x7FC00, v13;
	[tilespmem:s18+$0x14000] =	vst v0;
	v1 =	vld.idx.msk [tilespmem:v11+s26+$0x0], $0xffff  }
0x52f: {  	s21 =	sor.u32 $0x380, s11;
	[tilespmem:s1+$0x14000] =	vst v8;
	v2 =	vor.u32 $0x380, v2;
	v4 =	vor.u32 v4, v12;
	v0 =	vld.idx.msk [tilespmem:v6+s26+$0x0], $0xffff  }
0x530: {  	s19 =	sor.u32 $0x380, s10;
	[tilespmem:s21+$0x14000] =	vst v5;
	v4 =	vor.u32 $0x380, v4  }
0x531: {  	s20 =	sor.u32 $0x380, s13;
	[tilespmem:s19+$0x14000] =	vst v3  }
0x532: {  	s22 =	sor.u32 $0x380, s12;
	[tilespmem:s20+$0x14000] =	vst v7  }
0x533: {  	s23 =	sor.u32 $0x380, s15;
	[tilespmem:s22+$0x14000] =	vst v1  }
0x534: {  	v2 =	vld.idx.msk [tilespmem:v2+s26+$0x0], $0xffff;
	s2 =	sld [smem:$0x7EA];
	[tilespmem:s23+$0x14000] =	vst v0  }
0x535: {  	v3 =	vld.idx.msk [tilespmem:v4+s26+$0x0], $0xffff;
	s1 =	sld [smem:$0x7FA];
	_ =	sdelay $0x1  }
0x536: {  	p0 =	seq.s32 s2, $0xF  }
0x537: {  	s24 =	sor.u32 $0x380, s16;
	s1 =	sadd.s32 @!p0 s2, s1  }
0x538: {  	s25 =	sor.u32 $0x380, s17;
	s0 =	rddreg [dreg:$0x1];
	[tilespmem:s24+$0x14000] =	vst v2;
	s1 =	sshll.u32 @!p0 s1, $0xC  }
0x539: {  	[tilespmem:s25+$0x14000] =	vst v3;
	s2 =	simm.s32 @!p0 $0x10000;
	s0 =	sadd.s32 @!p0 s0, s1;
	s1 =	simm.s32 @!p0 $0x0  }
0x53a: {  	[tilespmem:s2], [sflag:$0x2] =	stream.linear.gather @!p0 [hbm4b:s0+s1], $0x2000, $0x38;
	[tilespmem:$0x1C000] =	vst v63  }
0x53b: {  	s1 =	sld [smem:$0x7FB]  }
0x53c: {  	s2 =	sld [smem:$0x7E1];
	_ =	sdelay $0x1  }
0x53d: {  	s4 =	simm.s32 $0x3  }
0x53e: {  	s3 =	simm.s32 $0x14000;
	s18 =	simm.s32 $0x0;
	s0 =	sadd.s32 s2, s1  }
0x53f: {  	[hbm4b:s0+s18] =	stream.linear.scatter [tilespmem:s3], [sflag:$0x4], $0x4000, $0x38;
	[tilespmem:$0x1C000] =	vst v63  }
0x540: {  	_ =	swait.ge [sflag:s4], $0x2000  }
0x541: {  	[sflag:s4] =	ssyncset.done $0x0  }
0x542: {  	s5 =	simm.s32 $0x5;
	[sflag:s4] =	ssyncadd.s32 $0xFFFFE000  }
0x543: {  	s7 =	simm.s32 $0x0;
	_ =	swait.ge [sflag:s5], $0x4000  }
0x544: {  	s6 =	sand.u32 $0x70, s7;
	s8 =	sand.u32 $0x1C00, s18;
	[sflag:s5] =	ssyncset.done $0x0  }
0x545: {  	s10 =	sor.u32 s6, s8;
	[sflag:s5] =	ssyncadd.s32 $0xFFFFC000  }
0x546: {  	v0 =	vld [tilespmem:s10+$0x12000];
	_ =	sdelay $0x4  }
0x547: {  	v1 =	vshll.u32 v0, $0x3  }
0x548: {  	v2 =	vand.u32 $0x7F, v0;
	v1 =	vand.u32 $0x7FC00, v1  }
0x549: {  	v1 =	vor.u32 v2, v1;
	_ =	sdelay $0x3  }
0x54a: {  	v2 =	vshrl.u32 v0, $0x10;
	v0 =	vshrl.u32 v0, $0xD  }
0x54b: {  	v2 =	vand.u32 $0x7F, v2;
	v0 =	vand.u32 $0x7FC00, v0;
	v1 =	vld.idx.msk [tilespmem:v1+s26+$0x0], $0xffff  }
0x54c: {  	v0 =	vor.u32 v2, v0;
	_ =	sdelay $0x1  }
0x54d: {  	s9 =	sand.u32 $0x60, s18;
	s11 =	sand.u32 $0x3C00, s18  }
0x54e: {  	s17 =	sor.u32 s9, s11  }
0x54f: {  	[tilespmem:s17+$0x18000] =	vst v1  }
0x550: {  	v0 =	vld.idx.msk [tilespmem:v0+s26+$0x0], $0xffff;
	_ =	sdelay $0x4  }
0x551: {  	[tilespmem:s17+$0x18010] =	vst v0  }
0x552: {  	v0 =	vld [tilespmem:s10+$0x12080]  }
0x553: {  	s14 =	simm.s32 $0x10  }
0x554: {  	s13 =	simm.s32 $0x80;
	s16 =	simm.s32 $0x80;
	s12 =	simm.s32 $0x10  }
0x555: {  	s15 =	sand.u32 $0x70, s12;
	s19 =	sand.u32 $0x1C00, s13;
	[smem:$0x7C4] =	sst s14  }
0x556: {  	s19 =	sor.u32 s15, s19;
	[smem:$0x7C5] =	sst s16  }
0x557: {  	v1 =	vld [tilespmem:s19+$0x12000];
	v2 =	vshll.u32 v0, $0x3  }
0x558: {  	v3 =	vand.u32 $0x7F, v0;
	v2 =	vand.u32 $0x7FC00, v2  }
0x559: {  	v2 =	vor.u32 v2, v3  }
0x55a: {  	v2 =	vor.u32 $0x80, v2;
	_ =	sdelay $0x1  }
0x55b: {  	v5 =	vshrl.u32 v0, $0x10;
	v3 =	vshll.u32 v1, $0x3  }
0x55c: {  	v0 =	vshrl.u32 v0, $0xD;
	v4 =	vand.u32 $0x7F, v1;
	v3 =	vand.u32 $0x7FC00, v3  }
0x55d: {  	v0 =	vand.u32 $0x7FC00, v0;
	v3 =	vor.u32 v4, v3;
	v4 =	vand.u32 $0x7F, v5  }
0x55e: {  	v0 =	vor.u32 v4, v0;
	v2 =	vld.idx.msk [tilespmem:v2+s26+$0x0], $0xffff  }
0x55f: {  	v0 =	vor.u32 $0x80, v0;
	_ =	sdelay $0x1  }
0x560: {  	v4 =	vshrl.u32 v1, $0x10;
	v1 =	vshrl.u32 v1, $0xD  }
0x561: {  	v4 =	vand.u32 $0x7F, v4;
	v1 =	vand.u32 $0x7FC00, v1;
	v3 =	vld.idx.msk [tilespmem:v3+s26+$0x0], $0xffff  }
0x562: {  	v1 =	vor.u32 v4, v1;
	[tilespmem:s17+$0x18080] =	vst v2  }
0x563: {  	s21 =	simm.s32 $0x20;
	s20 =	simm.s32 $0x100;
	v0 =	vld.idx.msk [tilespmem:v0+s26+$0x0], $0xffff  }
0x564: {  	s22 =	simm.s32 $0x100;
	s23 =	sand.u32 $0x3C00, s20;
	s0 =	sand.u32 $0x60, s21  }
0x565: {  	s8 =	sor.u32 s0, s23;
	[smem:$0x7C6] =	sst s22  }
0x566: {  	[tilespmem:s8+$0x18000] =	vst v3  }
0x567: {  	v1 =	vld.idx.msk [tilespmem:v1+s26+$0x0], $0xffff  }
0x568: {  	s12 =	simm.s32 $0x100;
	s15 =	simm.s32 $0x20;
	[tilespmem:s17+$0x18090] =	vst v0  }
0x569: {  	s24 =	sand.u32 $0x70, s15;
	s25 =	sand.u32 $0x1C00, s12;
	v0 =	vld [tilespmem:s10+$0x12100]  }
0x56a: {  	s11 =	sor.u32 s24, s25  }
0x56b: {  	v2 =	vld [tilespmem:s11+$0x12000]  }
0x56c: {  	[tilespmem:s8+$0x18010] =	vst v1  }
0x56d: {  	v1 =	vld [tilespmem:s19+$0x12080]  }
0x56e: {  	v3 =	vshll.u32 v0, $0x3  }
0x56f: {  	v4 =	vand.u32 $0x7F, v0;
	v3 =	vand.u32 $0x7FC00, v3  }
0x570: {  	v3 =	vor.u32 v3, v4;
	v4 =	vshll.u32 v2, $0x3  }
0x571: {  	v5 =	vand.u32 $0x7F, v2;
	v3 =	vor.u32 $0x100, v3;
	v4 =	vand.u32 $0x7FC00, v4  }
0x572: {  	v6 =	vshll.u32 v1, $0x3;
	v4 =	vor.u32 v5, v4  }
0x573: {  	v6 =	vand.u32 $0x7FC00, v6;
	v5 =	vand.u32 $0x7F, v1  }
0x574: {  	v5 =	vor.u32 v6, v5;
	v6 =	vshrl.u32 v0, $0x10;
	v0 =	vshrl.u32 v0, $0xD  }
0x575: {  	v6 =	vand.u32 $0x7F, v6;
	v0 =	vand.u32 $0x7FC00, v0;
	v5 =	vor.u32 $0x80, v5  }
0x576: {  	v7 =	vshrl.u32 v2, $0x10;
	v2 =	vshrl.u32 v2, $0xD;
	v0 =	vor.u32 v6, v0;
	v3 =	vld.idx.msk [tilespmem:v3+s26+$0x0], $0xffff  }
0x577: {  	v2 =	vand.u32 $0x7FC00, v2;
	v6 =	vand.u32 $0x7F, v7;
	v0 =	vor.u32 $0x100, v0;
	v4 =	vld.idx.msk [tilespmem:v4+s26+$0x0], $0xffff  }
0x578: {  	v7 =	vshrl.u32 v1, $0x10;
	v1 =	vshrl.u32 v1, $0xD;
	v2 =	vor.u32 v6, v2  }
0x579: {  	s1 =	simm.s32 $0x200;
	s4 =	simm.s32 $0x40;
	s5 =	simm.s32 $0x200;
	v6 =	vand.u32 $0x7F, v7;
	v1 =	vand.u32 $0x7FC00, v1  }
0x57a: {  	s6 =	sand.u32 $0x3C00, s1;
	s0 =	sand.u32 $0x60, s4;
	v1 =	vor.u32 v6, v1;
	v5 =	vld.idx.msk [tilespmem:v5+s26+$0x0], $0xffff;
	[dreg:$0xe] =	wrdreg s5  }
0x57b: {  	s31 =	sor.u32 s0, s6;
	v1 =	vor.u32 $0x80, v1;
	[tilespmem:s17+$0x18100] =	vst v3  }
0x57c: {  	s16 =	simm.s32 $0x30;
	s22 =	simm.s32 $0x180;
	v0 =	vld.idx.msk [tilespmem:v0+s26+$0x0], $0xffff;
	[tilespmem:s31+$0x18000] =	vst v4  }
0x57d: {  	s9 =	sand.u32 $0x70, s16;
	s13 =	sand.u32 $0x1C00, s22;
	v2 =	vld.idx.msk [tilespmem:v2+s26+$0x0], $0xffff  }
0x57e: {  	s13 =	sor.u32 s9, s13  }
0x57f: {  	v3 =	vld [tilespmem:s13+$0x12000];
	[tilespmem:s8+$0x18080] =	vst v5  }
0x580: {  	v1 =	vld.idx.msk [tilespmem:v1+s26+$0x0], $0xffff  }
0x581: {  	[tilespmem:s17+$0x18110] =	vst v0  }
0x582: {  	v0 =	vld [tilespmem:s10+$0x12180];
	[tilespmem:s31+$0x18010] =	vst v2  }
0x583: {  	v2 =	vld [tilespmem:s11+$0x12080]  }
0x584: {  	v4 =	vshll.u32 v3, $0x3  }
0x585: {  	v5 =	vand.u32 $0x7F, v3;
	v4 =	vand.u32 $0x7FC00, v4;
	[tilespmem:s8+$0x18090] =	vst v1  }
0x586: {  	v4 =	vor.u32 v5, v4;
	v1 =	vshrl.u32 v3, $0x10;
	v3 =	vshrl.u32 v3, $0xD;
	v6 =	vld [tilespmem:s19+$0x12100]  }
0x587: {  	v1 =	vand.u32 $0x7F, v1;
	v3 =	vand.u32 $0x7FC00, v3;
	v5 =	vshll.u32 v0, $0x3  }
0x588: {  	v7 =	vand.u32 $0x7F, v0;
	v5 =	vand.u32 $0x7FC00, v5;
	v8 =	vshll.u32 v2, $0x3  }
0x589: {  	v5 =	vor.u32 v5, v7;
	v7 =	vand.u32 $0x7F, v2;
	v8 =	vand.u32 $0x7FC00, v8  }
0x58a: {  	v1 =	vor.u32 v1, v3;
	v5 =	vor.u32 $0x180, v5;
	v3 =	vor.u32 v8, v7  }
0x58b: {  	v4 =	vld.idx.msk [tilespmem:v4+s26+$0x0], $0xffff;
	v9 =	vshrl.u32 v2, $0x10;
	v7 =	vshll.u32 v6, $0x3;
	v3 =	vor.u32 $0x80, v3  }
0x58c: {  	v2 =	vshrl.u32 v2, $0xD;
	v8 =	vand.u32 $0x7F, v6;
	v7 =	vand.u32 $0x7FC00, v7  }
0x58d: {  	s20 =	simm.s32 $0x60;
	s21 =	simm.s32 $0x300;
	s14 =	simm.s32 $0x300;
	v7 =	vor.u32 v7, v8;
	v8 =	vshrl.u32 v0, $0x10;
	v0 =	vshrl.u32 v0, $0xD  }
0x58e: {  	s0 =	sand.u32 $0x60, s20;
	s23 =	sand.u32 $0x3C00, s14;
	[dreg:$0x1c] =	wrdreg s21;
	v7 =	vor.u32 $0x100, v7;
	v8 =	vand.u32 $0x7F, v8;
	v0 =	vand.u32 $0x7FC00, v0  }
0x58f: {  	s1 =	sor.u32 s0, s23;
	v2 =	vand.u32 $0x7FC00, v2;
	v0 =	vor.u32 v8, v0;
	v8 =	vand.u32 $0x7F, v9;
	v5 =	vld.idx.msk [tilespmem:v5+s26+$0x0], $0xffff  }
0x590: {  	[tilespmem:s1+$0x18000] =	vst v4;
	v0 =	vor.u32 $0x180, v0;
	v2 =	vor.u32 v8, v2;
	v3 =	vld.idx.msk [tilespmem:v3+s26+$0x0], $0xffff  }
0x591: {  	s24 =	simm.s32 $0x40;
	s14 =	simm.s32 $0x200;
	v1 =	vld.idx.msk [tilespmem:v1+s26+$0x0], $0xffff;
	v8 =	vshrl.u32 v6, $0x10;
	v6 =	vshrl.u32 v6, $0xD;
	v2 =	vor.u32 $0x80, v2  }
0x592: {  	s25 =	simm.s32 $0x40;
	s3 =	sand.u32 $0x70, s24;
	s4 =	sand.u32 $0x1C00, s14;
	v4 =	vand.u32 $0x7F, v8;
	v6 =	vand.u32 $0x7FC00, v6  }
0x593: {  	v4 =	vor.u32 v4, v6;
	v6 =	vld.idx.msk [tilespmem:v7+s26+$0x0], $0xffff;
	[dreg:$0x11] =	wrdreg s25;
	s25 =	sor.u32 s3, s4  }
0x594: {  	v4 =	vor.u32 $0x100, v4;
	[tilespmem:s17+$0x18180] =	vst v5;
	v5 =	vld [tilespmem:s25+$0x12000]  }
0x595: {  	v0 =	vld.idx.msk [tilespmem:v0+s26+$0x0], $0xffff;
	[tilespmem:s31+$0x18080] =	vst v3  }
0x596: {  	[tilespmem:s1+$0x18010] =	vst v1;
	v1 =	vld.idx.msk [tilespmem:v2+s26+$0x0], $0xffff;
	_ =	sdelay $0x1  }
0x597: {  	v2 =	vld [tilespmem:s13+$0x12080];
	[tilespmem:s8+$0x18100] =	vst v6  }
0x598: {  	v3 =	vld.idx.msk [tilespmem:v4+s26+$0x0], $0xffff  }
0x599: {  	v4 =	vshll.u32 v5, $0x3;
	[tilespmem:s17+$0x18190] =	vst v0  }
0x59a: {  	v4 =	vand.u32 $0x7FC00, v4;
	v6 =	vld [tilespmem:s10+$0x12200];
	[tilespmem:s31+$0x18090] =	vst v1;
	v1 =	vand.u32 $0x7F, v5  }
0x59b: {  	v7 =	vshrl.u32 v5, $0xD;
	v0 =	vshrl.u32 v5, $0x10;
	v1 =	vor.u32 v1, v4  }
0x59c: {  	v0 =	vand.u32 $0x7F, v0;
	v5 =	vld [tilespmem:s11+$0x12100];
	v4 =	vand.u32 $0x7FC00, v7;
	v7 =	vshll.u32 v2, $0x3  }
0x59d: {  	v0 =	vor.u32 v0, v4;
	[tilespmem:s8+$0x18110] =	vst v3;
	v3 =	vand.u32 $0x7F, v2;
	v7 =	vand.u32 $0x7FC00, v7  }
0x59e: {  	v4 =	vshrl.u32 v2, $0x10;
	v2 =	vshrl.u32 v2, $0xD;
	v8 =	vld [tilespmem:s19+$0x12180];
	v3 =	vor.u32 v7, v3  }
0x59f: {  	v4 =	vand.u32 $0x7F, v4;
	v3 =	vor.u32 $0x80, v3;
	v9 =	vshll.u32 v6, $0x3  }
0x5a0: {  	v2 =	vand.u32 $0x7FC00, v2;
	v7 =	vand.u32 $0x7F, v6;
	v9 =	vand.u32 $0x7FC00, v9;
	v1 =	vld.idx.msk [tilespmem:v1+s26+$0x0], $0xffff  }
0x5a1: {  	v2 =	vor.u32 v4, v2;
	v10 =	vshll.u32 v5, $0x3;
	v7 =	vor.u32 v9, v7  }
0x5a2: {  	s6 =	simm.s32 $0x400;
	s5 =	simm.s32 $0x80;
	v9 =	vand.u32 $0x7F, v5;
	v10 =	vand.u32 $0x7FC00, v10;
	v7 =	vor.u32 $0x200, v7  }
0x5a3: {  	s23 =	simm.s32 $0x400;
	s0 =	sand.u32 $0x60, s5;
	s5 =	sand.u32 $0x3C00, s6;
	v2 =	vor.u32 $0x80, v2;
	v4 =	vor.u32 v10, v9;
	v9 =	vshll.u32 v8, $0x3  }
0x5a4: {  	v10 =	vand.u32 $0x7F, v8;
	v4 =	vor.u32 $0x100, v4;
	v9 =	vand.u32 $0x7FC00, v9;
	v3 =	vld.idx.msk [tilespmem:v3+s26+$0x0], $0xffff;
	[smem:$0x7C7] =	sst s23;
	s23 =	sor.u32 s0, s5  }
0x5a5: {  	s29 =	simm.s32 $0x280;
	s24 =	simm.s32 $0x50;
	v9 =	vor.u32 v9, v10;
	v10 =	vshrl.u32 v6, $0x10;
	v6 =	vshrl.u32 v6, $0xD;
	[tilespmem:s23+$0x18000] =	vst v1  }
0x5a6: {  	s20 =	sand.u32 $0x70, s24;
	s21 =	sand.u32 $0x1C00, s29;
	v9 =	vor.u32 $0x180, v9;
	v10 =	vand.u32 $0x7F, v10;
	v6 =	vand.u32 $0x7FC00, v6;
	v0 =	vld.idx.msk [tilespmem:v0+s26+$0x0], $0xffff  }
0x5a7: {  	s6 =	sor.u32 s20, s21;
	v11 =	vshrl.u32 v5, $0x10;
	v6 =	vor.u32 v10, v6;
	v7 =	vld.idx.msk [tilespmem:v7+s26+$0x0], $0xffff  }
0x5a8: {  	v5 =	vshrl.u32 v5, $0xD;
	v11 =	vand.u32 $0x7F, v11;
	v10 =	vld [tilespmem:s6+$0x12000];
	v1 =	vor.u32 $0x200, v6  }
0x5a9: {  	v5 =	vand.u32 $0x7FC00, v5;
	v6 =	vshrl.u32 v8, $0x10;
	v8 =	vshrl.u32 v8, $0xD;
	v4 =	vld.idx.msk [tilespmem:v4+s26+$0x0], $0xffff;
	[tilespmem:s1+$0x18080] =	vst v3  }
0x5aa: {  	v5 =	vor.u32 v11, v5;
	v6 =	vand.u32 $0x7F, v6;
	v8 =	vand.u32 $0x7FC00, v8;
	v2 =	vld.idx.msk [tilespmem:v2+s26+$0x0], $0xffff  }
0x5ab: {  	v5 =	vor.u32 $0x100, v5;
	v6 =	vor.u32 v6, v8;
	v3 =	vld.idx.msk [tilespmem:v9+s26+$0x0], $0xffff;
	[tilespmem:s23+$0x18010] =	vst v0  }
0x5ac: {  	v6 =	vor.u32 $0x180, v6;
	[tilespmem:s17+$0x18200] =	vst v7;
	v0 =	vld [tilespmem:s25+$0x12080]  }
0x5ad: {  	v1 =	vld.idx.msk [tilespmem:v1+s26+$0x0], $0xffff;
	_ =	sdelay $0x1  }
0x5ae: {  	[tilespmem:s31+$0x18100] =	vst v4  }
0x5af: {  	v4 =	vld.idx.msk [tilespmem:v5+s26+$0x0], $0xffff;
	v5 =	vshll.u32 v10, $0x3;
	[tilespmem:s8+$0x18180] =	vst v3  }
0x5b0: {  	v7 =	vand.u32 $0x7F, v10;
	[tilespmem:s1+$0x18090] =	vst v2;
	v3 =	vshrl.u32 v10, $0x10;
	v5 =	vand.u32 $0x7FC00, v5;
	v2 =	vld.idx.msk [tilespmem:v6+s26+$0x0], $0xffff  }
0x5b1: {  	v8 =	vld [tilespmem:s13+$0x12100];
	v6 =	vshrl.u32 v10, $0xD;
	v3 =	vand.u32 $0x7F, v3;
	v9 =	vshll.u32 v0, $0x3;
	[tilespmem:s17+$0x18210] =	vst v1  }
0x5b2: {  	v1 =	vor.u32 v7, v5;
	v5 =	vand.u32 $0x7FC00, v6;
	v7 =	vshrl.u32 v0, $0xD;
	v6 =	vld [tilespmem:s10+$0x12280]  }
0x5b3: {  	v9 =	vand.u32 $0x7FC00, v9;
	v3 =	vor.u32 v3, v5;
	v5 =	vshrl.u32 v0, $0x10  }
0x5b4: {  	v7 =	vand.u32 $0x7FC00, v7;
	v0 =	vand.u32 $0x7F, v0;
	[tilespmem:s31+$0x18110] =	vst v4;
	v5 =	vand.u32 $0x7F, v5  }
0x5b5: {  	v0 =	vor.u32 v9, v0;
	v5 =	vor.u32 v5, v7;
	[tilespmem:s8+$0x18190] =	vst v2;
	v7 =	vld [tilespmem:s11+$0x12180]  }
0x5b6: {  	s9 =	simm.s32 $0xA0;
	s20 =	simm.s32 $0x60;
	v0 =	vor.u32 $0x80, v0;
	v2 =	vor.u32 $0x80, v5;
	v5 =	vld [tilespmem:s19+$0x12200]  }
0x5b7: {  	s21 =	simm.s32 $0x300;
	s2 =	sand.u32 $0x70, s20;
	s5 =	simm.s32 $0x60;
	v4 =	vshrl.u32 v8, $0x10;
	v9 =	vshrl.u32 v8, $0xD;
	v1 =	vld.idx.msk [tilespmem:v1+s26+$0x0], $0xffff;
	v10 =	vshll.u32 v6, $0x3  }
0x5b8: {  	s20 =	simm.s32 $0x300;
	s0 =	sand.u32 $0x60, s9;
	v11 =	vshll.u32 v8, $0x3;
	[smem:$0x7C8] =	sst s5;
	v12 =	vand.u32 $0x7F, v6;
	v10 =	vand.u32 $0x7FC00, v10  }
0x5b9: {  	s9 =	simm.s32 $0x500;
	v8 =	vand.u32 $0x7F, v8;
	v11 =	vand.u32 $0x7FC00, v11;
	[smem:$0x7C9] =	sst s20;
	s5 =	simm.s32 $0x500;
	v10 =	vor.u32 v10, v12  }
0x5ba: {  	s21 =	sand.u32 $0x1C00, s21;
	v4 =	vand.u32 $0x7F, v4;
	v8 =	vor.u32 v11, v8;
	s20 =	sand.u32 $0x3C00, s9;
	[smem:$0x7CA] =	sst s5;
	v10 =	vor.u32 $0x280, v10  }
0x5bb: {  	s21 =	sor.u32 s2, s21;
	v9 =	vand.u32 $0x7FC00, v9;
	v8 =	vor.u32 $0x100, v8;
	s4 =	sor.u32 s0, s20;
	s5 =	simm.s32 $0x70;
	v0 =	vld.idx.msk [tilespmem:v0+s26+$0x0], $0xffff;
	v11 =	vshll.u32 v5, $0x3  }
0x5bc: {  	s3 =	simm.s32 $0x380;
	s9 =	simm.s32 $0x70;
	v14 =	vld [tilespmem:s21+$0x12000];
	s20 =	sand.u32 $0x70, s5;
	v12 =	vshll.u32 v7, $0x3;
	v13 =	vand.u32 $0x7F, v5;
	v11 =	vand.u32 $0x7FC00, v11;
	[tilespmem:s4+$0x18000] =	vst v1  }
0x5bd: {  	s5 =	simm.s32 $0x380;
	v1 =	vor.u32 v11, v13;
	v11 =	vshrl.u32 v6, $0x10;
	v6 =	vshrl.u32 v6, $0xD;
	v3 =	vld.idx.msk [tilespmem:v3+s26+$0x0], $0xffff;
	[smem:$0x7CB] =	sst s9;
	s9 =	sand.u32 $0x1C00, s3  }
0x5be: {  	[smem:$0x7CC] =	sst s5;
	v13 =	vor.u32 $0x200, v1;
	v1 =	vand.u32 $0x7F, v11;
	v6 =	vand.u32 $0x7FC00, v6;
	s0 =	sor.u32 s20, s9  }
0x5bf: {  	v12 =	vand.u32 $0x7FC00, v12;
	v11 =	vand.u32 $0x7F, v7;
	v6 =	vor.u32 v1, v6;
	v10 =	vld.idx.msk [tilespmem:v10+s26+$0x0], $0xffff;
	[smem:$0x7CD] =	sst s0  }
0x5c0: {  	v4 =	vor.u32 v4, v9;
	v9 =	vor.u32 v12, v11;
	v6 =	vor.u32 $0x280, v6;
	v8 =	vld.idx.msk [tilespmem:v8+s26+$0x0], $0xffff;
	[tilespmem:s23+$0x18080] =	vst v0  }
0x5c1: {  	v9 =	vor.u32 $0x180, v9;
	v2 =	vld.idx.msk [tilespmem:v2+s26+$0x0], $0xffff  }
0x5c2: {  	v4 =	vor.u32 $0x100, v4;
	v0 =	vshrl.u32 v5, $0x10;
	v5 =	vshrl.u32 v5, $0xD  }
0x5c3: {  	v11 =	vshrl.u32 v7, $0x10;
	v0 =	vand.u32 $0x7F, v0;
	v5 =	vand.u32 $0x7FC00, v5;
	[tilespmem:s4+$0x18010] =	vst v3;
	v3 =	vld.idx.msk [tilespmem:v13+s26+$0x0], $0xffff  }
0x5c4: {  	v7 =	vshrl.u32 v7, $0xD;
	v0 =	vor.u32 v0, v5;
	v5 =	vand.u32 $0x7F, v11;
	v11 =	vld [tilespmem:s6+$0x12080];
	[tilespmem:s17+$0x18280] =	vst v10  }
0x5c5: {  	v7 =	vand.u32 $0x7FC00, v7;
	v0 =	vor.u32 $0x200, v0;
	v6 =	vld.idx.msk [tilespmem:v6+s26+$0x0], $0xffff;
	[tilespmem:s1+$0x18100] =	vst v8;
	v8 =	vshll.u32 v14, $0x3  }
0x5c6: {  	v5 =	vor.u32 v5, v7;
	v9 =	vld.idx.msk [tilespmem:v9+s26+$0x0], $0xffff;
	[tilespmem:s23+$0x18090] =	vst v2;
	v2 =	vand.u32 $0x7F, v14;
	v8 =	vand.u32 $0x7FC00, v8  }
0x5c7: {  	v7 =	vshrl.u32 v14, $0x10;
	v10 =	vshrl.u32 v14, $0xD;
	v4 =	vld.idx.msk [tilespmem:v4+s26+$0x0], $0xffff;
	v2 =	vor.u32 v2, v8  }
0x5c8: {  	v5 =	vor.u32 $0x180, v5;
	v7 =	vand.u32 $0x7F, v7;
	v10 =	vand.u32 $0x7FC00, v10;
	v12 =	vld [tilespmem:s25+$0x12100]  }
0x5c9: {  	[tilespmem:s8+$0x18200] =	vst v3;
	v3 =	vor.u32 v7, v10;
	v8 =	vshll.u32 v11, $0x3  }
0x5ca: {  	v7 =	vshrl.u32 v11, $0x10;
	v10 =	vshrl.u32 v11, $0xD;
	v0 =	vld.idx.msk [tilespmem:v0+s26+$0x0], $0xffff;
	v8 =	vand.u32 $0x7FC00, v8;
	[tilespmem:s17+$0x18290] =	vst v6  }
0x5cb: {  	v7 =	vand.u32 $0x7F, v7;
	[tilespmem:s31+$0x18180] =	vst v9;
	v9 =	vand.u32 $0x7FC00, v10;
	v6 =	vand.u32 $0x7F, v11;
	v11 =	vld [tilespmem:s10+$0x12300]  }
0x5cc: {  	v7 =	vor.u32 v7, v9;
	v6 =	vor.u32 v8, v6;
	v2 =	vld.idx.msk [tilespmem:v2+s26+$0x0], $0xffff  }
0x5cd: {  	v5 =	vld.idx.msk [tilespmem:v5+s26+$0x0], $0xffff;
	[tilespmem:s1+$0x18110] =	vst v4;
	v7 =	vor.u32 $0x80, v7;
	v9 =	vshrl.u32 v12, $0x10;
	v10 =	vshrl.u32 v12, $0xD  }
0x5ce: {  	s17 =	simm.s32 $0xC0;
	s10 =	simm.s32 $0x600;
	v8 =	vld [tilespmem:s13+$0x12180];
	v13 =	vshll.u32 v12, $0x3;
	v6 =	vor.u32 $0x80, v6;
	v9 =	vand.u32 $0x7F, v9  }
0x5cf: {  	s20 =	simm.s32 $0x600;
	v1 =	vld [tilespmem:s0+$0x12000];
	s2 =	sand.u32 $0x60, s17;
	s3 =	sand.u32 $0x3C00, s10;
	v10 =	vand.u32 $0x7FC00, v10;
	[tilespmem:s8+$0x18210] =	vst v0;
	v0 =	vand.u32 $0x7F, v12;
	v12 =	vand.u32 $0x7FC00, v13  }
0x5d0: {  	s17 =	sor.u32 s2, s3;
	v9 =	vor.u32 v9, v10;
	v10 =	vld [tilespmem:s19+$0x12280];
	v0 =	vor.u32 v12, v0;
	[smem:$0x7CE] =	sst s20;
	v12 =	vshll.u32 v11, $0x3  }
0x5d1: {  	v9 =	vor.u32 $0x100, v9;
	v13 =	vand.u32 $0x7F, v11;
	v12 =	vand.u32 $0x7FC00, v12;
	[tilespmem:s17+$0x18000] =	vst v2  }
0x5d2: {  	[tilespmem:s31+$0x18190] =	vst v5;
	v5 =	vor.u32 $0x100, v0;
	v17 =	vshrl.u32 v11, $0x10;
	v0 =	vor.u32 v12, v13;
	v3 =	vld.idx.msk [tilespmem:v3+s26+$0x0], $0xffff  }
0x5d3: {  	v11 =	vshrl.u32 v11, $0xD;
	v14 =	vshrl.u32 v8, $0x10;
	v12 =	vld [tilespmem:s11+$0x12200];
	v2 =	vor.u32 $0x300, v0  }
0x5d4: {  	v15 =	vshll.u32 v8, $0x3;
	v6 =	vld.idx.msk [tilespmem:v6+s26+$0x0], $0xffff;
	v11 =	vand.u32 $0x7FC00, v11;
	v13 =	vshrl.u32 v8, $0xD  }
0x5d5: {  	v0 =	vand.u32 $0x7F, v8;
	v8 =	vand.u32 $0x7FC00, v15;
	v15 =	vshll.u32 v10, $0x3  }
0x5d6: {  	s3 =	simm.s32 $0x80;
	s2 =	simm.s32 $0x400;
	v0 =	vor.u32 v8, v0;
	v8 =	vand.u32 $0x7F, v10;
	v15 =	vand.u32 $0x7FC00, v15  }
0x5d7: {  	s0 =	sand.u32 $0x70, s3;
	s5 =	sand.u32 $0x1C00, s2;
	v13 =	vand.u32 $0x7FC00, v13;
	v16 =	vor.u32 $0x180, v0;
	v8 =	vor.u32 v15, v8;
	[tilespmem:s17+$0x18010] =	vst v3;
	v3 =	vld.idx.msk [tilespmem:v5+s26+$0x0], $0xffff  }
0x5d8: {  	s20 =	sor.u32 s0, s5;
	v15 =	vand.u32 $0x7F, v17;
	v8 =	vor.u32 $0x280, v8;
	v17 =	vshll.u32 v12, $0x3;
	v2 =	vld.idx.msk [tilespmem:v2+s26+$0x0], $0xffff  }
0x5d9: {  	s0 =	sand.u32 $0x3, s18;
	v0 =	vld [tilespmem:s20+$0x12000];
	v11 =	vor.u32 v15, v11;
	[tilespmem:s4+$0x18080] =	vst v6;
	v15 =	vand.u32 $0x7F, v12;
	v17 =	vand.u32 $0x7FC00, v17  }
0x5da: {  	s9 =	sshll.u32 s0, $0x5;
	v5 =	vor.u32 $0x300, v11;
	v11 =	vand.u32 $0x7F, v14;
	v7 =	vld.idx.msk [tilespmem:v7+s26+$0x0], $0xffff;
	v14 =	vor.u32 v17, v15  }
0x5db: {  	s5 =	smov.u32 s17;
	s17 =	sadd.s32 $0x0, s9;
	v6 =	vor.u32 v11, v13;
	v15 =	vld [tilespmem:s21+$0x12080];
	v11 =	vor.u32 $0x200, v14  }
0x5dc: {  	s9 =	sor.u32 $0x300, s17;
	v14 =	vld.idx.msk [tilespmem:v16+s26+$0x0], $0xffff;
	[tilespmem:s23+$0x18100] =	vst v3  }
0x5dd: {  	v13 =	vshrl.u32 v10, $0x10;
	[tilespmem:s9+$0x18000] =	vst v2;
	v2 =	vld.idx.msk [tilespmem:v8+s26+$0x0], $0xffff  }
0x5de: {  	v10 =	vshrl.u32 v10, $0xD;
	v13 =	vand.u32 $0x7F, v13;
	v9 =	vld.idx.msk [tilespmem:v9+s26+$0x0], $0xffff  }
0x5df: {  	v8 =	vand.u32 $0x7FC00, v10;
	v10 =	vshrl.u32 v12, $0x10;
	v12 =	vshrl.u32 v12, $0xD;
	v5 =	vld.idx.msk [tilespmem:v5+s26+$0x0], $0xffff  }
0x5e0: {  	[tilespmem:s4+$0x18090] =	vst v7;
	v3 =	vor.u32 v13, v8;
	v8 =	vand.u32 $0x7F, v10;
	v10 =	vand.u32 $0x7FC00, v12;
	v11 =	vld.idx.msk [tilespmem:v11+s26+$0x0], $0xffff  }
0x5e1: {  	v6 =	vor.u32 $0x180, v6;
	v7 =	vor.u32 v8, v10;
	v10 =	vld [tilespmem:s6+$0x12100];
	[smem:$0x7CF] =	sst s17  }
0x5e2: {  	s30 =	smov.u32 s21;
	v4 =	vshrl.u32 v1, $0x10;
	s21 =	simm.s32 $0x0;
	[tilespmem:s1+$0x18180] =	vst v14  }
0x5e3: {  	s0 =	sadd.s32 $0x10, s17;
	v12 =	vshll.u32 v1, $0x3;
	v13 =	vshrl.u32 v1, $0xD;
	v3 =	vor.u32 $0x280, v3;
	[smem:$0x7D0] =	sst s21  }
0x5e4: {  	v1 =	vand.u32 $0x7F, v1;
	v8 =	vand.u32 $0x7FC00, v12;
	v7 =	vor.u32 $0x200, v7;
	[smem:$0x7D1] =	sst s0  }
0x5e5: {  	s28 =	smov.u32 s6;
	v4 =	vand.u32 $0x7F, v4;
	v12 =	vand.u32 $0x7FC00, v13;
	s6 =	sor.u32 $0x300, s0;
	v13 =	vor.u32 v1, v8;
	[tilespmem:s23+$0x18110] =	vst v9  }
0x5e6: {  	v12 =	vor.u32 v4, v12;
	v4 =	vshrl.u32 v15, $0x10;
	[tilespmem:s6+$0x18000] =	vst v5;
	v5 =	vld.idx.msk [tilespmem:v6+s26+$0x0], $0xffff  }
0x5e7: {  	v8 =	vand.u32 $0x7F, v15;
	v14 =	vshrl.u32 v15, $0xD;
	[tilespmem:s8+$0x18280] =	vst v2;
	v6 =	vshll.u32 v15, $0x3;
	v15 =	vld [tilespmem:s25+$0x12180]  }
0x5e8: {  	v4 =	vand.u32 $0x7F, v4;
	v14 =	vand.u32 $0x7FC00, v14;
	v9 =	vand.u32 $0x7FC00, v6;
	v3 =	vld.idx.msk [tilespmem:v3+s26+$0x0], $0xffff;
	[tilespmem:s31+$0x18200] =	vst v11  }
0x5e9: {  	v4 =	vor.u32 v4, v14;
	v6 =	vshrl.u32 v0, $0x10;
	v2 =	vor.u32 v9, v8;
	v11 =	vld.idx.msk [tilespmem:v7+s26+$0x0], $0xffff  }
0x5ea: {  	s7 =	sor.u32 s18, s7;
	v8 =	vor.u32 $0x80, v4;
	v4 =	vshrl.u32 v10, $0x10;
	v9 =	vshrl.u32 v10, $0xD;
	v13 =	vld.idx.msk [tilespmem:v13+s26+$0x0], $0xffff  }
0x5eb: {  	s7 =	sor.u32 $0x380, s7;
	v7 =	vshll.u32 v10, $0x3;
	v4 =	vand.u32 $0x7F, v4;
	v9 =	vand.u32 $0x7FC00, v9  }
0x5ec: {  	s9 =	simm.s32 $0xE0;
	s17 =	simm.s32 $0x700;
	v1 =	vld [tilespmem:s7+$0x12000];
	v10 =	vand.u32 $0x7F, v10;
	v7 =	vand.u32 $0x7FC00, v7;
	v4 =	vor.u32 v4, v9;
	[tilespmem:s1+$0x18190] =	vst v5  }
0x5ed: {  	s18 =	smov.u32 s23;
	s23 =	sand.u32 $0x3C00, s17;
	v14 =	vor.u32 $0x80, v2;
	v2 =	vor.u32 v7, v10;
	v7 =	vor.u32 $0x100, v4;
	v5 =	vld [tilespmem:s13+$0x12200];
	[tilespmem:s8+$0x18290] =	vst v3;
	s8 =	sand.u32 $0x60, s9  }
0x5ee: {  	s21 =	smov.u32 s1;
	v10 =	vor.u32 $0x100, v2;
	v2 =	vshrl.u32 v15, $0x10;
	v4 =	vshrl.u32 v15, $0xD;
	s1 =	sor.u32 s8, s23;
	[tilespmem:s31+$0x18210] =	vst v11  }
0x5ef: {  	v3 =	vshll.u32 v15, $0x3;
	v9 =	vand.u32 $0x7F, v2;
	v4 =	vand.u32 $0x7FC00, v4;
	[tilespmem:s1+$0x18000] =	vst v13  }
0x5f0: {  	v2 =	vld [tilespmem:s19+$0x12300];
	v11 =	vand.u32 $0x7F, v15;
	v15 =	vand.u32 $0x7FC00, v3;
	v4 =	vor.u32 v9, v4;
	[smem:$0x7D2] =	sst s11  }
0x5f1: {  	s10 =	smov.u32 s20;
	v11 =	vor.u32 v15, v11;
	v4 =	vor.u32 $0x180, v4;
	v13 =	vshll.u32 v1, $0x3;
	v15 =	vld.idx.msk [tilespmem:v12+s26+$0x0], $0xffff;
	s26 =	simm.s32 $0x80  }
0x5f2: {  	s20 =	smov.u32 s4;
	s8 =	simm.s32 $0x400;
	v13 =	vand.u32 $0x7FC00, v13;
	v3 =	vld [tilespmem:s11+$0x12280];
	v12 =	vand.u32 $0x7F, v1;
	v9 =	vand.u32 $0x7F, v5;
	[smem:$0x7D3] =	sst s26  }
.LBB2_9:
0x5f3: {  	s3 =	sadd.s32 $0x10, s3  }
0x5f4: {  	s2 =	sadd.s32 $0x80, s2;
	s19 =	simm.s32 $0x0;
	s0 =	smov.u32 s29  }
0x5f5: {  	s29 =	smov.u32 s14;
	s14 =	smov.u32 s22;
	s22 =	smov.u32 s12  }
0x5f6: {  	v12 =	vor.u32 v13, v12;
	s6 =	smov.u32 s8;
	v14 =	vld.idx.msk [tilespmem:v14+s19+$0x0], $0xffff;
	s4 =	sand.u32 $0x70, s3;
	s7 =	sand.u32 $0x1C00, s2  }
0x5f7: {  	s8 =	smov.u32 s24;
	v12 =	vor.u32 $0x380, v12;
	v17 =	vshll.u32 v2, $0x3;
	s12 =	sor.u32 s4, s7;
	s4 =	sld [smem:$0x7CD]  }
0x5f8: {  	s24 =	smov.u32 s16;
	s16 =	smov.u32 s15;
	s23 =	smov.u32 s10;
	v13 =	vand.u32 $0x7F, v2;
	v17 =	vand.u32 $0x7FC00, v17  }
0x5f9: {  	v16 =	vshll.u32 v5, $0x3;
	v11 =	vor.u32 $0x180, v11;
	s15 =	sld [smem:$0x7CF];
	s10 =	smov.u32 s12;
	v13 =	vor.u32 v17, v13;
	v17 =	vld [tilespmem:s12+$0x12000];
	s12 =	smov.u32 s31;
	[tilespmem:s1+$0x18010] =	vst v15  }
0x5fa: {  	v16 =	vand.u32 $0x7FC00, v16;
	v18 =	vshll.u32 v3, $0x3;
	s31 =	smov.u32 s18;
	s18 =	smov.u32 s5;
	s7 =	smov.u32 s4;
	v13 =	vor.u32 $0x300, v13;
	v10 =	vld.idx.msk [tilespmem:v10+s19+$0x0], $0xffff  }
0x5fb: {  	s26 =	smov.u32 s30;
	v9 =	vor.u32 v16, v9;
	v19 =	vand.u32 $0x7F, v3;
	v18 =	vand.u32 $0x7FC00, v18;
	s30 =	smov.u32 s7;
	v16 =	vld [tilespmem:s7+$0x12080];
	[tilespmem:s18+$0x18080] =	vst v14;
	s7 =	sld [smem:$0x7D0]  }
0x5fc: {  	[smem:$0x7CD] =	sst s23;
	v9 =	vor.u32 $0x200, v9;
	v15 =	vor.u32 v18, v19;
	v12 =	vld.idx.msk [tilespmem:v12+s19+$0x0], $0xffff  }
0x5fd: {  	s23 =	smov.u32 s21;
	s21 =	sld [smem:$0x7C6];
	v15 =	vor.u32 $0x280, v15;
	v8 =	vld.idx.msk [tilespmem:v8+s19+$0x0], $0xffff  }
0x5fe: {  	s5 =	smov.u32 s1;
	s4 =	smov.u32 s20;
	v11 =	vld.idx.msk [tilespmem:v11+s19+$0x0], $0xffff;
	s1 =	sadd.s32 $0x1, s7  }
0x5ff: {  	v13 =	vld.idx.msk [tilespmem:v13+s19+$0x0], $0xffff;
	[tilespmem:s4+$0x18100] =	vst v10;
	[smem:$0x7D0] =	sst s1;
	s1 =	sand.u32 $0x3, s1  }
0x600: {  	s20 =	sor.u32 $0x380, s15;
	s15 =	rddreg [dreg:$0xe];
	v7 =	vld.idx.msk [tilespmem:v7+s19+$0x0], $0xffff;
	s1 =	sshll.u32 s1, $0x5  }
0x601: {  	v61 =	vshrl.u32 v1, $0x10;
	v1 =	vshrl.u32 v1, $0xD;
	v9 =	vld.idx.msk [tilespmem:v9+s19+$0x0], $0xffff;
	s21 =	sadd.s32 s1, s21;
	s1 =	rddreg [dreg:$0x1c]  }
0x602: {  	v1 =	vand.u32 $0x7FC00, v1;
	v10 =	vld.idx.msk [tilespmem:v15+s19+$0x0], $0xffff;
	[tilespmem:s20+$0x18000] =	vst v12;
	s20 =	smov.u32 s15;
	s15 =	sld [smem:$0x7C7]  }
0x603: {  	v62 =	vshrl.u32 v2, $0x10;
	v2 =	vshrl.u32 v2, $0xD;
	v14 =	vand.u32 $0x7F, v61;
	[smem:$0x7C6] =	sst s20  }
0x604: {  	v2 =	vand.u32 $0x7FC00, v2;
	v63 =	vshrl.u32 v3, $0x10;
	v1 =	vor.u32 v14, v1;
	s7 =	smov.u32 s1;
	[smem:$0x7CF] =	sst s21  }
0x605: {  	s11 =	smov.u32 s25;
	v3 =	vshrl.u32 v3, $0xD;
	v14 =	vand.u32 $0x7F, v62;
	v1 =	vor.u32 $0x380, v1;
	[dreg:$0xe] =	wrdreg s7  }
0x606: {  	v3 =	vand.u32 $0x7FC00, v3;
	v2 =	vor.u32 v14, v2;
	v14 =	vand.u32 $0x7F, v63;
	s20 =	smov.u32 s18;
	[tilespmem:s18+$0x18090] =	vst v8;
	s18 =	smov.u32 s15;
	s15 =	sld [smem:$0x7CA]  }
0x607: {  	s25 =	smov.u32 s28;
	v2 =	vor.u32 $0x300, v2;
	v15 =	vshrl.u32 v5, $0x10;
	v5 =	vshrl.u32 v5, $0xD;
	s7 =	smov.u32 s13;
	s13 =	sld [smem:$0x7D1]  }
0x608: {  	s28 =	smov.u32 s26;
	v3 =	vor.u32 v14, v3;
	v14 =	vand.u32 $0x7F, v15;
	v5 =	vand.u32 $0x7FC00, v5;
	s1 =	sor.u32 $0x300, s21;
	[dreg:$0x1c] =	wrdreg s18  }
0x609: {  	v5 =	vor.u32 v14, v5;
	v14 =	vld [tilespmem:s26+$0x12100];
	s26 =	smov.u32 s17;
	s18 =	smov.u32 s15;
	s15 =	sld [smem:$0x7CE]  }
0x60a: {  	v3 =	vor.u32 $0x280, v3;
	v1 =	vld.idx.msk [tilespmem:v1+s19+$0x0], $0xffff;
	[tilespmem:s1+$0x18000] =	vst v13;
	[smem:$0x7CE] =	sst s26  }
0x60b: {  	v12 =	vshll.u32 v0, $0x3;
	[tilespmem:s31+$0x18180] =	vst v11;
	s26 =	sld [smem:$0x7C5]  }
0x60c: {  	v8 =	vand.u32 $0x7F, v0;
	v12 =	vand.u32 $0x7FC00, v12;
	v5 =	vor.u32 $0x200, v5;
	v2 =	vld.idx.msk [tilespmem:v2+s19+$0x0], $0xffff;
	[smem:$0x7C7] =	sst s18  }
0x60d: {  	v15 =	vshrl.u32 v0, $0xD;
	v8 =	vor.u32 v8, v12;
	v4 =	vld.idx.msk [tilespmem:v4+s19+$0x0], $0xffff;
	[tilespmem:s12+$0x18280] =	vst v10;
	s18 =	smov.u32 s15;
	s15 =	sadd.s32 $0x10, s21;
	s21 =	sld [smem:$0x7C4]  }
0x60e: {  	v6 =	vand.u32 $0x7F, v6;
	v12 =	vand.u32 $0x7FC00, v15;
	v13 =	vshrl.u32 v16, $0xD;
	[tilespmem:s4+$0x18110] =	vst v7;
	[smem:$0x7CA] =	sst s18  }
0x60f: {  	v11 =	vor.u32 v6, v12;
	v6 =	vshrl.u32 v16, $0x10;
	v12 =	vshll.u32 v16, $0x3;
	v3 =	vld.idx.msk [tilespmem:v3+s19+$0x0], $0xffff;
	s18 =	smov.u32 s4;
	[smem:$0x7D1] =	sst s15;
	s4 =	smov.u32 s16  }
0x610: {  	v13 =	vand.u32 $0x7FC00, v13;
	v7 =	vand.u32 $0x7FC00, v12;
	v12 =	vand.u32 $0x7F, v6;
	s1 =	sor.u32 $0x380, s13;
	v15 =	vld [tilespmem:s25+$0x12180];
	[tilespmem:s23+$0x18200] =	vst v9;
	[smem:$0x7C4] =	sst s4  }
0x611: {  	v9 =	vor.u32 v12, v13;
	v12 =	vld.idx.msk [tilespmem:v5+s19+$0x0], $0xffff;
	[tilespmem:s1+$0x18000] =	vst v1;
	s1 =	sor.u32 $0x300, s15;
	s4 =	sld [smem:$0x7C8]  }
0x612: {  	s9 =	sadd.s32 $0x20, s9;
	p1 =	slt.u32 s3, $0x3F0;
	v13 =	vld.idx.msk [tilespmem:v8+s19+$0x0], $0xffff;
	[tilespmem:s1+$0x18000] =	vst v2;
	s1 =	sld [smem:$0x7D3]  }
0x613: {  	s17 =	sadd.s32 $0x100, s17;
	s15 =	sor.u32 s26, s21;
	s21 =	rddreg [dreg:$0x11]  }
0x614: {  	v10 =	vand.u32 $0x7F, v16;
	v1 =	vshrl.u32 v14, $0x10;
	v5 =	vshrl.u32 v14, $0xD;
	s26 =	smov.u32 s8;
	s8 =	sld [smem:$0x7CB];
	s13 =	sor.u32 $0x380, s15  }
0x615: {  	v7 =	vor.u32 v7, v10;
	v1 =	vand.u32 $0x7F, v1;
	v5 =	vand.u32 $0x7FC00, v5;
	[tilespmem:s31+$0x18190] =	vst v4;
	s15 =	smov.u32 s24;
	s16 =	smov.u32 s21;
	[dreg:$0x11] =	wrdreg s26  }
0x616: {  	v8 =	vor.u32 $0x80, v9;
	v5 =	vor.u32 v1, v5;
	v2 =	vand.u32 $0x7F, v14;
	v1 =	vld [tilespmem:s13+$0x12000];
	s24 =	smov.u32 s4;
	s4 =	smov.u32 s1;
	s13 =	sld [smem:$0x7D2]  }
0x617: {  	v9 =	vshll.u32 v14, $0x3;
	v14 =	vor.u32 $0x80, v7;
	v7 =	vor.u32 $0x100, v5;
	s21 =	smov.u32 s31;
	v5 =	vld [tilespmem:s11+$0x12200];
	[tilespmem:s12+$0x18290] =	vst v3;
	s12 =	sand.u32 $0x3C00, s17;
	[smem:$0x7CB] =	sst s4  }
0x618: {  	s26 =	smov.u32 s8;
	s8 =	sand.u32 $0x60, s9;
	s4 =	sld [smem:$0x7C9]  }
0x619: {  	v9 =	vand.u32 $0x7FC00, v9;
	s31 =	smov.u32 s23;
	[smem:$0x7C8] =	sst s26;
	s1 =	sor.u32 s8, s12  }
0x61a: {  	v0 =	vmov v17;
	v2 =	vor.u32 v9, v2;
	v4 =	vshrl.u32 v15, $0xD;
	s26 =	smov.u32 s22;
	s12 =	smov.u32 s14;
	s8 =	sld [smem:$0x7CC]  }
.Ltmp5:
0x61b: {  	v6 =	vshrl.u32 v0, $0x10;
	v10 =	vor.u32 $0x100, v2;
	v3 =	vshrl.u32 v15, $0x10;
	v2 =	vld [tilespmem:s13+$0x12300];
	[tilespmem:s23+$0x18210] =	vst v12;
	s23 =	smov.u32 s3;
	[smem:$0x7C5] =	sst s26;
	(pc) =	sbr.rel @p1 .LBB2_9-.Ltmp5, $4  }
0x61c: {  	v9 =	vshll.u32 v15, $0x3;
	v4 =	vand.u32 $0x7FC00, v4;
	v3 =	vand.u32 $0x7F, v3;
	s22 =	smov.u32 s29;
	s26 =	smov.u32 s7;
	[smem:$0x7D3] =	sst s23  }
0x61d: {  	v9 =	vand.u32 $0x7FC00, v9;
	v4 =	vor.u32 v3, v4;
	s14 =	smov.u32 s0;
	[tilespmem:s1+$0x18000] =	vst v13;
	v12 =	vand.u32 $0x7F, v15;
	s23 =	smov.u32 s6;
	[smem:$0x7D2] =	sst s26  }
0x61e: {  	v4 =	vor.u32 $0x180, v4;
	s13 =	smov.u32 s11;
	v15 =	vld.idx.msk [tilespmem:v11+s19+$0x0], $0xffff;
	v11 =	vor.u32 v9, v12;
	v13 =	vshll.u32 v1, $0x3;
	s19 =	smov.u32 s8;
	[smem:$0x7CC] =	sst s23  }
0x61f: {  	v3 =	vld [tilespmem:s7+$0x12280];
	s29 =	smov.u32 s4;
	v9 =	vand.u32 $0x7F, v5;
	v12 =	vand.u32 $0x7F, v1;
	s8 =	smov.u32 s2;
	[smem:$0x7C9] =	sst s19;
	v13 =	vand.u32 $0x7FC00, v13  }
0x620: {  	v16 =	vshll.u32 v0, $0x3  }
0x621: {  	v17 =	vand.u32 $0x7F, v0;
	v16 =	vand.u32 $0x7FC00, v16  }
0x622: {  	v16 =	vor.u32 v17, v16;
	_ =	sdelay $0x3  }
0x623: {  	v37 =	vshrl.u32 v0, $0xD;
	s23 =	simm.s32 $0x0  }
0x624: {  	v6 =	vand.u32 $0x7F, v6;
	v0 =	vand.u32 $0x7FC00, v37;
	v16 =	vld.idx.msk [tilespmem:v16+s23+$0x0], $0xffff  }
0x625: {  	v0 =	vor.u32 v6, v0  }
0x626: {  	s2 =	sadd.s32 $0x20, s9;
	s0 =	sadd.s32 $0x100, s17  }
0x627: {  	s2 =	sand.u32 $0x60, s2;
	s3 =	sand.u32 $0x3C00, s0  }
0x628: {  	s26 =	sor.u32 s2, s3;
	[smem:$0x7C3] =	sst s0  }
0x629: {  	[tilespmem:s26+$0x18000] =	vst v16  }
0x62a: {  	v0 =	vld.idx.msk [tilespmem:v0+s23+$0x0], $0xffff  }
0x62b: {  	[tilespmem:s1+$0x18010] =	vst v15  }
0x62c: {  	s19 =	sld [smem:$0x7CD];
	_ =	sdelay $0x2  }
0x62d: {  	v38 =	vld [tilespmem:s19+$0x12080];
	[tilespmem:s26+$0x18010] =	vst v0  }
0x62e: {  	v0 =	vld [tilespmem:s10+$0x12080];
	_ =	sdelay $0x3  }
0x62f: {  	v39 =	vshll.u32 v38, $0x3  }
0x630: {  	v40 =	vand.u32 $0x7F, v38;
	v15 =	vand.u32 $0x7FC00, v39;
	v41 =	vshll.u32 v0, $0x3  }
0x631: {  	v15 =	vor.u32 v15, v40;
	v42 =	vand.u32 $0x7F, v0;
	v17 =	vand.u32 $0x7FC00, v41  }
0x632: {  	v15 =	vor.u32 $0x80, v15;
	v16 =	vor.u32 v17, v42  }
0x633: {  	v16 =	vor.u32 $0x80, v16  }
0x634: {  	v14 =	vld.idx.msk [tilespmem:v14+s23+$0x0], $0xffff;
	v6 =	vshrl.u32 v38, $0xD  }
0x635: {  	v43 =	vshrl.u32 v38, $0x10;
	v6 =	vand.u32 $0x7FC00, v6  }
0x636: {  	v18 =	vshrl.u32 v0, $0x10;
	v0 =	vshrl.u32 v0, $0xD;
	v17 =	vand.u32 $0x7F, v43  }
0x637: {  	v44 =	vand.u32 $0x7F, v18;
	v0 =	vand.u32 $0x7FC00, v0;
	v6 =	vor.u32 v17, v6;
	v15 =	vld.idx.msk [tilespmem:v15+s23+$0x0], $0xffff  }
0x638: {  	v0 =	vor.u32 v44, v0;
	v6 =	vor.u32 $0x80, v6;
	v16 =	vld.idx.msk [tilespmem:v16+s23+$0x0], $0xffff  }
0x639: {  	[tilespmem:s5+$0x18080] =	vst v14;
	v0 =	vor.u32 $0x80, v0  }
0x63a: {  	v8 =	vld.idx.msk [tilespmem:v8+s23+$0x0], $0xffff;
	_ =	sdelay $0x1  }
0x63b: {  	[tilespmem:s1+$0x18080] =	vst v15  }
0x63c: {  	v6 =	vld.idx.msk [tilespmem:v6+s23+$0x0], $0xffff;
	[tilespmem:s26+$0x18080] =	vst v16  }
0x63d: {  	v0 =	vld.idx.msk [tilespmem:v0+s23+$0x0], $0xffff  }
0x63e: {  	[tilespmem:s5+$0x18090] =	vst v8  }
0x63f: {  	v8 =	vld [tilespmem:s30+$0x12100];
	_ =	sdelay $0x1  }
0x640: {  	[tilespmem:s1+$0x18090] =	vst v6  }
0x641: {  	v6 =	vld [tilespmem:s19+$0x12100];
	[tilespmem:s26+$0x18090] =	vst v0  }
0x642: {  	v0 =	vld [tilespmem:s10+$0x12100]  }
0x643: {  	v45 =	vshll.u32 v8, $0x3  }
0x644: {  	v46 =	vand.u32 $0x7F, v8;
	v14 =	vand.u32 $0x7FC00, v45  }
0x645: {  	v14 =	vor.u32 v14, v46  }
0x646: {  	v47 =	vshrl.u32 v8, $0x10;
	v14 =	vor.u32 $0x100, v14;
	v48 =	vshll.u32 v6, $0x3  }
0x647: {  	v10 =	vld.idx.msk [tilespmem:v10+s23+$0x0], $0xffff;
	v49 =	vand.u32 $0x7F, v6;
	v16 =	vand.u32 $0x7FC00, v48;
	v50 =	vshll.u32 v0, $0x3  }
0x648: {  	v16 =	vor.u32 v16, v49;
	v51 =	vand.u32 $0x7F, v0;
	v18 =	vand.u32 $0x7FC00, v50  }
0x649: {  	v8 =	vshrl.u32 v8, $0xD;
	v16 =	vor.u32 $0x100, v16;
	v17 =	vor.u32 v18, v51  }
0x64a: {  	v8 =	vand.u32 $0x7FC00, v8;
	v15 =	vand.u32 $0x7F, v47;
	v17 =	vor.u32 $0x100, v17  }
0x64b: {  	v14 =	vld.idx.msk [tilespmem:v14+s23+$0x0], $0xffff;
	v8 =	vor.u32 v15, v8;
	v52 =	vshrl.u32 v6, $0x10  }
0x64c: {  	[tilespmem:s20+$0x18100] =	vst v10;
	v8 =	vor.u32 $0x100, v8;
	v6 =	vshrl.u32 v6, $0xD;
	v53 =	vand.u32 $0x7F, v52  }
0x64d: {  	v7 =	vld.idx.msk [tilespmem:v7+s23+$0x0], $0xffff;
	v6 =	vand.u32 $0x7FC00, v6;
	v54 =	vshrl.u32 v0, $0x10;
	v0 =	vshrl.u32 v0, $0xD  }
0x64e: {  	v6 =	vor.u32 v53, v6;
	v15 =	vand.u32 $0x7F, v54;
	v0 =	vand.u32 $0x7FC00, v0;
	v55 =	vld.idx.msk [tilespmem:v16+s23+$0x0], $0xffff  }
0x64f: {  	v6 =	vor.u32 $0x100, v6;
	v0 =	vor.u32 v15, v0;
	v56 =	vld.idx.msk [tilespmem:v17+s23+$0x0], $0xffff  }
0x650: {  	[tilespmem:s5+$0x18100] =	vst v14;
	v0 =	vor.u32 $0x100, v0  }
0x651: {  	v8 =	vld.idx.msk [tilespmem:v8+s23+$0x0], $0xffff  }
0x652: {  	[tilespmem:s20+$0x18110] =	vst v7  }
0x653: {  	v57 =	vshll.u32 v5, $0x3;
	v11 =	vor.u32 $0x180, v11;
	v7 =	vld [tilespmem:s28+$0x12180];
	[tilespmem:s1+$0x18100] =	vst v55  }
0x654: {  	v58 =	vshll.u32 v2, $0x3;
	v12 =	vor.u32 v13, v12;
	v59 =	vand.u32 $0x7F, v2;
	v6 =	vld.idx.msk [tilespmem:v6+s23+$0x0], $0xffff;
	[tilespmem:s26+$0x18100] =	vst v56  }
0x655: {  	v21 =	vshrl.u32 v5, $0x10;
	v22 =	vshrl.u32 v5, $0xD;
	v10 =	vand.u32 $0x7FC00, v57;
	v15 =	vld.idx.msk [tilespmem:v0+s23+$0x0], $0xffff  }
0x656: {  	v5 =	vand.u32 $0x7FC00, v22;
	v60 =	vshll.u32 v3, $0x3;
	v9 =	vor.u32 v10, v9;
	[tilespmem:s5+$0x18110] =	vst v8  }
0x657: {  	v62 =	vand.u32 $0x7F, v3;
	v10 =	vand.u32 $0x7F, v21;
	v9 =	vor.u32 $0x200, v9;
	v63 =	vld [tilespmem:s30+$0x12180]  }
0x658: {  	v5 =	vor.u32 v10, v5;
	v23 =	vshll.u32 v7, $0x3;
	v24 =	vand.u32 $0x7F, v7  }
0x659: {  	v11 =	vld.idx.msk [tilespmem:v11+s23+$0x0], $0xffff;
	v27 =	vshrl.u32 v7, $0x10;
	v7 =	vshrl.u32 v7, $0xD;
	v16 =	vand.u32 $0x7FC00, v23;
	[tilespmem:s1+$0x18110] =	vst v6  }
0x65a: {  	v5 =	vor.u32 $0x200, v5;
	v7 =	vand.u32 $0x7FC00, v7;
	v6 =	vor.u32 v16, v24;
	v25 =	vld [tilespmem:s19+$0x12180];
	[tilespmem:s26+$0x18110] =	vst v15  }
0x65b: {  	v14 =	vand.u32 $0x7FC00, v58;
	v8 =	vand.u32 $0x7FC00, v60;
	v6 =	vor.u32 $0x180, v6;
	v26 =	vld [tilespmem:s10+$0x12180]  }
0x65c: {  	v61 =	vor.u32 v14, v59;
	v8 =	vor.u32 v8, v62;
	v28 =	vshll.u32 v63, $0x3  }
0x65d: {  	v29 =	vand.u32 $0x7F, v63;
	v16 =	vand.u32 $0x7FC00, v28;
	v15 =	vand.u32 $0x7F, v27  }
0x65e: {  	[tilespmem:s18+$0x18180] =	vst v11;
	v35 =	vshrl.u32 v63, $0x10;
	v16 =	vor.u32 v16, v29;
	v7 =	vor.u32 v15, v7  }
0x65f: {  	v4 =	vld.idx.msk [tilespmem:v4+s23+$0x0], $0xffff;
	v30 =	vor.u32 $0x180, v16;
	v7 =	vor.u32 $0x180, v7;
	v31 =	vshll.u32 v25, $0x3  }
0x660: {  	v32 =	vand.u32 $0x7F, v25;
	v6 =	vld.idx.msk [tilespmem:v6+s23+$0x0], $0xffff;
	v15 =	vand.u32 $0x7FC00, v31;
	v33 =	vshll.u32 v26, $0x3  }
0x661: {  	v15 =	vor.u32 v15, v32;
	v34 =	vand.u32 $0x7F, v26;
	v18 =	vand.u32 $0x7FC00, v33  }
0x662: {  	v14 =	vshrl.u32 v63, $0xD;
	v15 =	vor.u32 $0x180, v15;
	v16 =	vor.u32 v18, v34  }
0x663: {  	v9 =	vld.idx.msk [tilespmem:v9+s23+$0x0], $0xffff;
	v14 =	vand.u32 $0x7FC00, v14;
	v18 =	vand.u32 $0x7F, v35;
	v16 =	vor.u32 $0x180, v16  }
0x664: {  	[tilespmem:s18+$0x18190] =	vst v4;
	v44 =	vshrl.u32 v1, $0x10;
	v8 =	vor.u32 $0x280, v8;
	v11 =	vld.idx.msk [tilespmem:v30+s23+$0x0], $0xffff;
	v36 =	vor.u32 v18, v14  }
0x665: {  	v38 =	vld [tilespmem:s25+$0x12200];
	v0 =	vor.u32 $0x380, v12;
	v12 =	vor.u32 $0x300, v61;
	[tilespmem:s20+$0x18180] =	vst v6;
	v4 =	vor.u32 $0x180, v36  }
0x666: {  	v37 =	vshrl.u32 v25, $0x10;
	v39 =	vshrl.u32 v25, $0xD;
	v40 =	vshrl.u32 v26, $0x10;
	v7 =	vld.idx.msk [tilespmem:v7+s23+$0x0], $0xffff  }
0x667: {  	v10 =	vshrl.u32 v26, $0xD;
	v6 =	vand.u32 $0x7FC00, v39;
	v14 =	vand.u32 $0x7F, v37;
	v41 =	vld.idx.msk [tilespmem:v15+s23+$0x0], $0xffff  }
0x668: {  	[tilespmem:s21+$0x18200] =	vst v9;
	v42 =	vand.u32 $0x7F, v40;
	v10 =	vand.u32 $0x7FC00, v10;
	v6 =	vor.u32 v14, v6;
	v43 =	vld.idx.msk [tilespmem:v16+s23+$0x0], $0xffff  }
0x669: {  	v45 =	vshrl.u32 v1, $0xD;
	v5 =	vld.idx.msk [tilespmem:v5+s23+$0x0], $0xffff;
	v10 =	vor.u32 v42, v10;
	[tilespmem:s5+$0x18180] =	vst v11;
	v6 =	vor.u32 $0x180, v6  }
0x66a: {  	v57 =	vshrl.u32 v38, $0xD;
	v47 =	vshll.u32 v38, $0x3;
	v10 =	vor.u32 $0x180, v10;
	v4 =	vld.idx.msk [tilespmem:v4+s23+$0x0], $0xffff  }
0x66b: {  	v46 =	vshrl.u32 v2, $0x10;
	v9 =	vand.u32 $0x7FC00, v47;
	v49 =	vand.u32 $0x7F, v38;
	v8 =	vld.idx.msk [tilespmem:v8+s23+$0x0], $0xffff;
	[tilespmem:s20+$0x18190] =	vst v7  }
0x66c: {  	v48 =	vshrl.u32 v2, $0xD;
	v52 =	vshrl.u32 v3, $0x10;
	v9 =	vor.u32 v9, v49;
	v51 =	vld [tilespmem:s28+$0x12200];
	[tilespmem:s1+$0x18180] =	vst v41  }
0x66d: {  	v2 =	vand.u32 $0x7FC00, v48;
	v53 =	vshrl.u32 v3, $0xD;
	v9 =	vor.u32 $0x200, v9;
	v12 =	vld.idx.msk [tilespmem:v12+s23+$0x0], $0xffff;
	[tilespmem:s26+$0x18180] =	vst v43  }
0x66e: {  	v3 =	vand.u32 $0x7FC00, v53;
	v50 =	vand.u32 $0x7F, v46;
	v54 =	vand.u32 $0x7F, v52;
	v6 =	vld.idx.msk [tilespmem:v6+s23+$0x0], $0xffff;
	s3 =	sld [smem:$0x7D0]  }
0x66f: {  	v2 =	vor.u32 v50, v2;
	v3 =	vor.u32 v54, v3;
	v56 =	vshrl.u32 v38, $0x10;
	v10 =	vld.idx.msk [tilespmem:v10+s23+$0x0], $0xffff;
	[tilespmem:s5+$0x18190] =	vst v4  }
0x670: {  	v2 =	vor.u32 $0x300, v2;
	v3 =	vor.u32 $0x280, v3;
	[tilespmem:s21+$0x18210] =	vst v5;
	v4 =	vand.u32 $0x7F, v56;
	v58 =	vld [tilespmem:s30+$0x12200]  }
0x671: {  	v5 =	vand.u32 $0x7FC00, v57;
	v60 =	vshll.u32 v51, $0x3;
	v61 =	vand.u32 $0x7F, v51;
	v59 =	vld [tilespmem:s13+$0x12280];
	s9 =	sld [smem:$0x7C6];
	s6 =	sadd.s32 $0x1, s3  }
0x672: {  	v9 =	vld.idx.msk [tilespmem:v9+s23+$0x0], $0xffff;
	v62 =	vshrl.u32 v51, $0x10;
	v11 =	vshrl.u32 v51, $0xD;
	v4 =	vor.u32 v4, v5;
	s7 =	sand.u32 $0x3, s6  }
0x673: {  	v15 =	vand.u32 $0x7FC00, v60;
	v19 =	vand.u32 $0x7F, v62;
	v20 =	vand.u32 $0x7FC00, v11;
	[tilespmem:s1+$0x18190] =	vst v6;
	s3 =	sshll.u32 s7, $0x5  }
0x674: {  	s4 =	smov.u32 s18;
	v4 =	vor.u32 $0x200, v4;
	v5 =	vor.u32 v15, v61;
	v23 =	vor.u32 v19, v20;
	v6 =	vld [tilespmem:s19+$0x12200];
	[tilespmem:s26+$0x18190] =	vst v10;
	s18 =	sadd.s32 s3, s9  }
0x675: {  	[tilespmem:s31+$0x18280] =	vst v8;
	v5 =	vor.u32 $0x200, v5;
	v27 =	vor.u32 $0x200, v23;
	v63 =	vld [tilespmem:s10+$0x12200];
	v21 =	vshll.u32 v58, $0x3;
	s3 =	sor.u32 $0x300, s18  }
0x676: {  	v24 =	vand.u32 $0x7F, v58;
	v26 =	vshll.u32 v59, $0x3;
	v25 =	vand.u32 $0x7FC00, v21;
	[tilespmem:s3+$0x18000] =	vst v12  }
0x677: {  	[tilespmem:s4+$0x18200] =	vst v9;
	v30 =	vshrl.u32 v58, $0x10;
	v7 =	vshrl.u32 v58, $0xD;
	v28 =	vor.u32 v25, v24;
	v2 =	vld.idx.msk [tilespmem:v2+s23+$0x0], $0xffff  }
0x678: {  	v22 =	vld.idx.msk [tilespmem:v3+s23+$0x0], $0xffff;
	v37 =	vand.u32 $0x7F, v59;
	v16 =	vand.u32 $0x7F, v30;
	v10 =	vor.u32 $0x200, v28;
	s11 =	sld [smem:$0x7C4]  }
0x679: {  	v29 =	vld.idx.msk [tilespmem:v4+s23+$0x0], $0xffff;
	v7 =	vand.u32 $0x7FC00, v7;
	v48 =	vand.u32 $0x7FC00, v26;
	v31 =	vshll.u32 v6, $0x3;
	s3 =	sld [smem:$0x7C5]  }
0x67a: {  	s7 =	smov.u32 s25;
	s25 =	sadd.s32 $0x10, s18;
	v5 =	vld.idx.msk [tilespmem:v5+s23+$0x0], $0xffff;
	v32 =	vand.u32 $0x7F, v6;
	v3 =	vand.u32 $0x7FC00, v31;
	v33 =	vshll.u32 v63, $0x3  }
0x67b: {  	s0 =	sor.u32 $0x300, s25;
	v34 =	vor.u32 v3, v32;
	v35 =	vand.u32 $0x7F, v63;
	v17 =	vand.u32 $0x7FC00, v33  }
0x67c: {  	v7 =	vor.u32 v16, v7;
	s3 =	sor.u32 s3, s11;
	v36 =	vor.u32 v17, v35;
	[tilespmem:s0+$0x18000] =	vst v2;
	v2 =	vor.u32 $0x200, v34  }
0x67d: {  	v39 =	vshrl.u32 v6, $0x10;
	v6 =	vshrl.u32 v6, $0xD;
	[tilespmem:s31+$0x18290] =	vst v22;
	s3 =	sor.u32 $0x380, s3;
	v15 =	vor.u32 $0x200, v36;
	v38 =	vld.idx.msk [tilespmem:v10+s23+$0x0], $0xffff  }
0x67e: {  	v41 =	vor.u32 $0x200, v7;
	v42 =	vand.u32 $0x7F, v39;
	v6 =	vand.u32 $0x7FC00, v6;
	v3 =	vld [tilespmem:s3+$0x12000];
	s3 =	sld [smem:$0x7D2];
	[tilespmem:s4+$0x18210] =	vst v29  }
0x67f: {  	v1 =	vand.u32 $0x7FC00, v45;
	v52 =	vor.u32 v48, v37;
	v45 =	vor.u32 v42, v6;
	[tilespmem:s20+$0x18200] =	vst v5;
	v40 =	vld [tilespmem:s7+$0x12280]  }
0x680: {  	v6 =	vor.u32 $0x280, v52;
	v43 =	vshrl.u32 v63, $0x10;
	v12 =	vshrl.u32 v63, $0xD;
	v9 =	vld.idx.msk [tilespmem:v27+s23+$0x0], $0xffff  }
0x681: {  	v55 =	vand.u32 $0x7F, v44;
	v46 =	vand.u32 $0x7F, v43;
	v47 =	vand.u32 $0x7FC00, v12;
	v44 =	vld.idx.msk [tilespmem:v2+s23+$0x0], $0xffff  }
0x682: {  	v49 =	vor.u32 $0x200, v45;
	v51 =	vor.u32 v46, v47;
	v50 =	vld.idx.msk [tilespmem:v15+s23+$0x0], $0xffff;
	[tilespmem:s5+$0x18200] =	vst v38  }
0x683: {  	v7 =	vor.u32 $0x200, v51;
	v5 =	vld.idx.msk [tilespmem:v41+s23+$0x0], $0xffff  }
0x684: {  	v4 =	vld [tilespmem:s3+$0x12300]  }
0x685: {  	v1 =	vor.u32 v55, v1;
	v57 =	vshrl.u32 v59, $0x10;
	v14 =	vshrl.u32 v59, $0xD;
	v6 =	vld.idx.msk [tilespmem:v6+s23+$0x0], $0xffff;
	[tilespmem:s20+$0x18210] =	vst v9  }
0x686: {  	v60 =	vand.u32 $0x7FC00, v14;
	v9 =	vand.u32 $0x7F, v57;
	v59 =	vshll.u32 v40, $0x3;
	v58 =	vld [tilespmem:s28+$0x12280];
	[tilespmem:s1+$0x18200] =	vst v44  }
0x687: {  	v61 =	vand.u32 $0x7F, v40;
	v21 =	vshrl.u32 v40, $0x10;
	v23 =	vshrl.u32 v40, $0xD;
	[tilespmem:s26+$0x18200] =	vst v50;
	v11 =	vld.idx.msk [tilespmem:v49+s23+$0x0], $0xffff  }
0x688: {  	v15 =	vand.u32 $0x7FC00, v59;
	v9 =	vor.u32 v9, v60;
	v12 =	vand.u32 $0x7F, v21;
	v7 =	vld.idx.msk [tilespmem:v7+s23+$0x0], $0xffff;
	[tilespmem:s5+$0x18210] =	vst v5  }
0x689: {  	v55 =	vshll.u32 v4, $0x3;
	v56 =	vand.u32 $0x7F, v4;
	v62 =	vor.u32 v15, v61;
	v22 =	vld [tilespmem:s30+$0x12280]  }
0x68a: {  	v63 =	vor.u32 $0x280, v9;
	v15 =	vand.u32 $0x7FC00, v23;
	v10 =	vand.u32 $0x7FC00, v55  }
0x68b: {  	v20 =	vor.u32 $0x280, v62;
	v26 =	vor.u32 v12, v15;
	v24 =	vshll.u32 v58, $0x3  }
0x68c: {  	v8 =	vor.u32 v10, v56;
	v25 =	vand.u32 $0x7F, v58;
	v16 =	vand.u32 $0x7FC00, v24;
	[tilespmem:s1+$0x18210] =	vst v11  }
0x68d: {  	v30 =	vshrl.u32 v58, $0x10;
	v31 =	vshrl.u32 v58, $0xD;
	v27 =	vor.u32 v16, v25;
	[tilespmem:s26+$0x18210] =	vst v7;
	v28 =	vld [tilespmem:s19+$0x12280]  }
0x68e: {  	[tilespmem:s21+$0x18280] =	vst v6;
	v29 =	vor.u32 $0x280, v27;
	v7 =	vand.u32 $0x7F, v30;
	v32 =	vld [tilespmem:s10+$0x12280];
	v33 =	vshll.u32 v22, $0x3  }
0x68f: {  	v5 =	vld.idx.msk [tilespmem:v63+s23+$0x0], $0xffff;
	v11 =	vand.u32 $0x7FC00, v31;
	v34 =	vand.u32 $0x7F, v22;
	v15 =	vand.u32 $0x7FC00, v33  }
0x690: {  	v10 =	vor.u32 $0x280, v26;
	v9 =	vld.idx.msk [tilespmem:v20+s23+$0x0], $0xffff;
	v7 =	vor.u32 v7, v11;
	v11 =	vor.u32 v15, v34  }
0x691: {  	v35 =	vshrl.u32 v22, $0x10;
	v43 =	vshrl.u32 v22, $0xD;
	v11 =	vor.u32 $0x280, v11  }
0x692: {  	v7 =	vor.u32 $0x280, v7;
	v15 =	vand.u32 $0x7F, v35;
	v36 =	vshll.u32 v28, $0x3  }
0x693: {  	v6 =	vld.idx.msk [tilespmem:v29+s23+$0x0], $0xffff;
	v37 =	vand.u32 $0x7F, v28;
	v38 =	vshll.u32 v32, $0x3;
	v16 =	vand.u32 $0x7FC00, v36  }
0x694: {  	[tilespmem:s21+$0x18290] =	vst v5;
	v40 =	vand.u32 $0x7F, v32;
	v41 =	vand.u32 $0x7FC00, v38;
	v39 =	vor.u32 v16, v37  }
0x695: {  	[tilespmem:s4+$0x18280] =	vst v9;
	v9 =	vand.u32 $0x7FC00, v43;
	v44 =	vor.u32 v41, v40;
	v5 =	vor.u32 $0x280, v39  }
0x696: {  	v9 =	vor.u32 v15, v9;
	v14 =	vor.u32 $0x280, v44;
	v11 =	vld.idx.msk [tilespmem:v11+s23+$0x0], $0xffff  }
0x697: {  	v53 =	vshll.u32 v3, $0x3;
	v42 =	vld [tilespmem:s13+$0x12300];
	v46 =	vor.u32 $0x280, v9  }
0x698: {  	v2 =	vand.u32 $0x7FC00, v53;
	v8 =	vor.u32 $0x300, v8;
	v10 =	vld.idx.msk [tilespmem:v10+s23+$0x0], $0xffff;
	[tilespmem:s20+$0x18280] =	vst v6  }
0x699: {  	v45 =	vshrl.u32 v28, $0x10;
	v47 =	vshrl.u32 v28, $0xD;
	v49 =	vshrl.u32 v32, $0x10;
	v7 =	vld.idx.msk [tilespmem:v7+s23+$0x0], $0xffff  }
0x69a: {  	v13 =	vshrl.u32 v32, $0xD;
	v48 =	vand.u32 $0x7F, v45;
	v9 =	vand.u32 $0x7FC00, v47;
	v50 =	vld.idx.msk [tilespmem:v5+s23+$0x0], $0xffff  }
0x69b: {  	v52 =	vand.u32 $0x7F, v49;
	v53 =	vand.u32 $0x7FC00, v13;
	v51 =	vor.u32 v48, v9;
	v14 =	vld.idx.msk [tilespmem:v14+s23+$0x0], $0xffff;
	[tilespmem:s5+$0x18280] =	vst v11  }
0x69c: {  	v9 =	vor.u32 v52, v53;
	v55 =	vor.u32 $0x280, v51;
	v6 =	vld.idx.msk [tilespmem:v46+s23+$0x0], $0xffff  }
0x69d: {  	v9 =	vor.u32 $0x280, v9;
	[tilespmem:s4+$0x18290] =	vst v10  }
0x69e: {  	v62 =	vshrl.u32 v4, $0x10;
	v58 =	vshll.u32 v42, $0x3;
	[tilespmem:s20+$0x18290] =	vst v7  }
0x69f: {  	v4 =	vshrl.u32 v4, $0xD;
	v23 =	vld.idx.msk [tilespmem:v8+s23+$0x0], $0xffff;
	v60 =	vand.u32 $0x7F, v42;
	v61 =	vand.u32 $0x7FC00, v58;
	[tilespmem:s1+$0x18280] =	vst v50  }
0x6a0: {  	s2 =	sadd.s32 $0x1, s6;
	v4 =	vand.u32 $0x7FC00, v4;
	v56 =	vld [tilespmem:s7+$0x12300];
	v10 =	vor.u32 v61, v60;
	v7 =	vand.u32 $0x7F, v62;
	[tilespmem:s26+$0x18280] =	vst v14  }
0x6a1: {  	s4 =	sand.u32 $0x3, s2;
	v10 =	vor.u32 $0x300, v10;
	v4 =	vor.u32 v7, v4;
	v13 =	vld.idx.msk [tilespmem:v55+s23+$0x0], $0xffff;
	[tilespmem:s5+$0x18290] =	vst v6  }
0x6a2: {  	s3 =	sshll.u32 s4, $0x5;
	v4 =	vor.u32 $0x300, v4;
	v9 =	vld.idx.msk [tilespmem:v9+s23+$0x0], $0xffff;
	s6 =	rddreg [dreg:$0xe]  }
0x6a3: {  	s5 =	sadd.s32 $0x1, s2;
	s2 =	sadd.s32 s3, s6  }
0x6a4: {  	v19 =	vshrl.u32 v42, $0x10;
	v20 =	vshrl.u32 v42, $0xD;
	s11 =	sor.u32 $0x300, s2  }
0x6a5: {  	v21 =	vand.u32 $0x7FC00, v20;
	v22 =	vshll.u32 v56, $0x3;
	v63 =	vld [tilespmem:s28+$0x12300];
	v7 =	vand.u32 $0x7F, v19;
	[tilespmem:s11+$0x18000] =	vst v23  }
0x6a6: {  	v24 =	vand.u32 $0x7F, v56;
	v25 =	vand.u32 $0x7FC00, v22;
	v10 =	vld.idx.msk [tilespmem:v10+s23+$0x0], $0xffff;
	v7 =	vor.u32 v7, v21;
	[tilespmem:s1+$0x18290] =	vst v13  }
0x6a7: {  	v8 =	vor.u32 v25, v24;
	v7 =	vor.u32 $0x300, v7;
	s7 =	sand.u32 $0x3, s5;
	[tilespmem:s26+$0x18290] =	vst v9;
	v4 =	vld.idx.msk [tilespmem:v4+s23+$0x0], $0xffff  }
0x6a8: {  	v8 =	vor.u32 $0x300, v8;
	s9 =	sshll.u32 s7, $0x5;
	s1 =	rddreg [dreg:$0x1c]  }
0x6a9: {  	s0 =	sadd.s32 s9, s1  }
0x6aa: {  	v27 =	vshrl.u32 v56, $0x10;
	s4 =	sadd.s32 $0x10, s2;
	s1 =	sor.u32 $0x300, s0  }
0x6ab: {  	v12 =	vshrl.u32 v56, $0xD;
	v28 =	vand.u32 $0x7F, v27;
	v26 =	vld [tilespmem:s30+$0x12300];
	v29 =	vshll.u32 v63, $0x3;
	s6 =	sor.u32 $0x300, s4;
	[tilespmem:s1+$0x18000] =	vst v10  }
0x6ac: {  	v12 =	vand.u32 $0x7FC00, v12;
	v31 =	vand.u32 $0x7F, v63;
	v32 =	vand.u32 $0x7FC00, v29;
	v7 =	vld.idx.msk [tilespmem:v7+s23+$0x0], $0xffff;
	[tilespmem:s6+$0x18000] =	vst v4  }
0x6ad: {  	s21 =	sor.u32 s22, s16;
	v30 =	vor.u32 v28, v12;
	s13 =	sadd.s32 $0x1, s5;
	v12 =	vor.u32 v32, v31;
	v8 =	vld.idx.msk [tilespmem:v8+s23+$0x0], $0xffff;
	s22 =	sld [smem:$0x7C7]  }
0x6ae: {  	v12 =	vor.u32 $0x300, v12;
	v16 =	vld [tilespmem:s19+$0x12300];
	s19 =	sand.u32 $0x3, s13  }
0x6af: {  	s9 =	sshll.u32 s19, $0x5;
	s1 =	sadd.s32 $0x10, s0  }
0x6b0: {  	s26 =	sor.u32 $0x300, s1;
	s6 =	sadd.s32 s9, s22  }
0x6b1: {  	v35 =	vshll.u32 v26, $0x3;
	[tilespmem:s26+$0x18000] =	vst v7;
	s30 =	sor.u32 $0x300, s6  }
0x6b2: {  	v11 =	vshrl.u32 v63, $0xD;
	v33 =	vld [tilespmem:s10+$0x12300];
	v37 =	vand.u32 $0x7F, v26;
	v14 =	vand.u32 $0x7FC00, v35;
	[tilespmem:s30+$0x18000] =	vst v8  }
0x6b3: {  	v36 =	vand.u32 $0x7FC00, v11;
	s11 =	sadd.s32 $0x1, s13;
	v9 =	vor.u32 $0x300, v30;
	v11 =	vor.u32 v14, v37;
	v46 =	vld.idx.msk [tilespmem:v12+s23+$0x0], $0xffff;
	s19 =	sld [smem:$0x7CA]  }
0x6b4: {  	v1 =	vor.u32 $0x380, v1;
	v34 =	vshrl.u32 v63, $0x10;
	s31 =	sand.u32 $0x3, s11;
	v11 =	vor.u32 $0x300, v11  }
0x6b5: {  	v54 =	vand.u32 $0x7F, v3;
	v13 =	vand.u32 $0x7F, v34;
	v39 =	vshll.u32 v16, $0x3;
	s9 =	sshll.u32 s31, $0x5  }
0x6b6: {  	v38 =	vshrl.u32 v26, $0x10;
	v40 =	vand.u32 $0x7F, v16;
	v14 =	vand.u32 $0x7FC00, v39;
	s9 =	sadd.s32 s9, s19  }
0x6b7: {  	v10 =	vor.u32 v13, v36;
	v41 =	vshll.u32 v33, $0x3;
	v42 =	vor.u32 v14, v40;
	s22 =	sor.u32 $0x300, s9  }
0x6b8: {  	s15 =	sor.u32 s12, s15;
	v43 =	vand.u32 $0x7F, v33;
	v44 =	vand.u32 $0x7FC00, v41;
	v4 =	vor.u32 $0x300, v42;
	v9 =	vld.idx.msk [tilespmem:v9+s23+$0x0], $0xffff;
	s10 =	rddreg [dreg:$0x11];
	[tilespmem:s22+$0x18000] =	vst v46  }
0x6b9: {  	s20 =	sor.u32 $0x380, s15;
	s15 =	sadd.s32 $0x1, s11;
	v15 =	vshrl.u32 v26, $0xD;
	v50 =	vor.u32 $0x300, v10;
	v14 =	vor.u32 v44, v43;
	v11 =	vld.idx.msk [tilespmem:v11+s23+$0x0], $0xffff;
	s26 =	sld [smem:$0x7CE]  }
0x6ba: {  	v47 =	vand.u32 $0x7F, v38;
	v48 =	vand.u32 $0x7FC00, v15;
	v45 =	vld [tilespmem:s20+$0x12000];
	s20 =	sand.u32 $0x3, s15;
	v14 =	vor.u32 $0x300, v14  }
0x6bb: {  	s28 =	sor.u32 $0x380, s21;
	v51 =	vor.u32 v47, v48;
	v52 =	vshrl.u32 v16, $0x10;
	v53 =	vshrl.u32 v16, $0xD;
	s13 =	sshll.u32 s20, $0x5;
	s3 =	sadd.s32 $0x10, s6  }
0x6bc: {  	v10 =	vor.u32 $0x300, v51;
	v12 =	vand.u32 $0x7F, v52;
	v13 =	vand.u32 $0x7FC00, v53;
	v49 =	vld [tilespmem:s28+$0x12000];
	s16 =	sor.u32 $0x300, s3;
	s5 =	sor.u32 s14, s10;
	s10 =	sadd.s32 s13, s26  }
0x6bd: {  	v2 =	vor.u32 v2, v54;
	v54 =	vshrl.u32 v3, $0x10;
	s21 =	sadd.s32 $0x1, s15;
	v12 =	vor.u32 v12, v13;
	v4 =	vld.idx.msk [tilespmem:v4+s23+$0x0], $0xffff;
	[tilespmem:s16+$0x18000] =	vst v9;
	s30 =	sor.u32 $0x300, s10  }
0x6be: {  	v57 =	vshrl.u32 v3, $0xD;
	v59 =	vand.u32 $0x7F, v54;
	v56 =	vor.u32 $0x300, v12;
	s28 =	sand.u32 $0x3, s21;
	s14 =	sadd.s32 $0x1, s21;
	v58 =	vld.idx.msk [tilespmem:v50+s23+$0x0], $0xffff;
	[tilespmem:s30+$0x18000] =	vst v11  }
0x6bf: {  	v5 =	vand.u32 $0x7FC00, v57;
	v54 =	vshrl.u32 v33, $0x10;
	v6 =	vshrl.u32 v33, $0xD;
	v57 =	vld.idx.msk [tilespmem:v14+s23+$0x0], $0xffff;
	s12 =	sor.u32 $0x380, s5;
	s13 =	sshll.u32 s28, $0x5;
	s5 =	sld [smem:$0x7C3]  }
0x6c0: {  	v3 =	vor.u32 v59, v5;
	v55 =	vand.u32 $0x7F, v54;
	v6 =	vand.u32 $0x7FC00, v6;
	s14 =	sand.u32 $0x3, s14;
	s11 =	sadd.s32 s13, s17  }
0x6c1: {  	v2 =	vor.u32 $0x380, v2;
	v3 =	vor.u32 $0x380, v3;
	v6 =	vor.u32 v55, v6;
	s14 =	sshll.u32 s14, $0x5;
	s13 =	sadd.s32 $0x10, s9;
	s31 =	sor.u32 $0x300, s11;
	v10 =	vld.idx.msk [tilespmem:v10+s23+$0x0], $0xffff  }
0x6c2: {  	v6 =	vor.u32 $0x300, v6;
	v59 =	vshll.u32 v45, $0x3;
	v60 =	vand.u32 $0x7F, v45;
	v61 =	vld [tilespmem:s12+$0x12000];
	s7 =	sor.u32 $0x300, s13;
	[tilespmem:s31+$0x18000] =	vst v4;
	s12 =	sadd.s32 s14, s5  }
0x6c3: {  	v62 =	vshrl.u32 v45, $0x10;
	v63 =	vshrl.u32 v45, $0xD;
	v8 =	vand.u32 $0x7FC00, v59;
	[tilespmem:s7+$0x18000] =	vst v58;
	v7 =	vld.idx.msk [tilespmem:v56+s23+$0x0], $0xffff;
	s14 =	sor.u32 $0x300, s12  }
0x6c4: {  	v20 =	vand.u32 $0x7F, v62;
	v21 =	vand.u32 $0x7FC00, v63;
	v8 =	vor.u32 v8, v60;
	s5 =	sor.u32 s29, s24;
	[tilespmem:s14+$0x18000] =	vst v57;
	s14 =	sadd.s32 $0x10, s10  }
0x6c5: {  	v23 =	vor.u32 v20, v21;
	v24 =	vshll.u32 v49, $0x3;
	v25 =	vand.u32 $0x7F, v49;
	s16 =	sor.u32 $0x380, s5;
	s17 =	sld [smem:$0x7C8];
	s20 =	sor.u32 $0x300, s14  }
0x6c6: {  	v28 =	vshrl.u32 v49, $0x10;
	v29 =	vshrl.u32 v49, $0xD;
	v9 =	vand.u32 $0x7FC00, v24;
	v30 =	vld [tilespmem:s16+$0x12000];
	s16 =	sadd.s32 $0x10, s11;
	s19 =	sld [smem:$0x7C9];
	[tilespmem:s20+$0x18000] =	vst v10  }
0x6c7: {  	v27 =	vor.u32 v9, v25;
	v9 =	vand.u32 $0x7F, v28;
	v11 =	vand.u32 $0x7FC00, v29;
	s22 =	sor.u32 $0x300, s16;
	s24 =	sld [smem:$0x7CC]  }
0x6c8: {  	v31 =	vshll.u32 v61, $0x3;
	v9 =	vor.u32 v9, v11;
	v32 =	vand.u32 $0x7F, v61;
	v26 =	vld.idx.msk [tilespmem:v6+s23+$0x0], $0xffff;
	s26 =	sld [smem:$0x7CB];
	[tilespmem:s22+$0x18000] =	vst v7  }
0x6c9: {  	v37 =	vshrl.u32 v61, $0x10;
	v13 =	vshrl.u32 v61, $0xD;
	v14 =	vand.u32 $0x7FC00, v31;
	s15 =	sor.u32 s19, s17;
	s30 =	sld [smem:$0x7D3]  }
0x6ca: {  	v33 =	vor.u32 $0x380, v9;
	v9 =	vand.u32 $0x7F, v37;
	v13 =	vand.u32 $0x7FC00, v13;
	s21 =	sor.u32 $0x380, s15  }
0x6cb: {  	v22 =	vor.u32 $0x380, v8;
	v34 =	vor.u32 v14, v32;
	v9 =	vor.u32 v9, v13;
	s15 =	sadd.s32 $0x10, s12;
	s28 =	sor.u32 s24, s26;
	v10 =	vld [tilespmem:s21+$0x12000]  }
0x6cc: {  	v8 =	vor.u32 $0x380, v23;
	v36 =	vor.u32 $0x380, v34;
	v9 =	vor.u32 $0x380, v9;
	s31 =	sor.u32 $0x300, s15;
	s29 =	sor.u32 $0x380, s28;
	s7 =	sor.u32 s8, s30  }
0x6cd: {  	v6 =	vor.u32 $0x380, v27;
	v39 =	vshll.u32 v30, $0x3;
	v40 =	vand.u32 $0x7F, v30;
	[tilespmem:s31+$0x18000] =	vst v26;
	v35 =	vld [tilespmem:s29+$0x12000];
	s7 =	sor.u32 $0x380, s7  }
0x6ce: {  	v41 =	vshrl.u32 v30, $0x10;
	v12 =	vshrl.u32 v30, $0xD;
	v15 =	vand.u32 $0x7FC00, v39;
	v38 =	vld [tilespmem:s7+$0x12000]  }
0x6cf: {  	v2 =	vld.idx.msk [tilespmem:v2+s23+$0x0], $0xffff;
	v12 =	vand.u32 $0x7FC00, v12;
	v13 =	vor.u32 v15, v40;
	v15 =	vand.u32 $0x7F, v41  }
0x6d0: {  	v4 =	vld.idx.msk [tilespmem:v22+s23+$0x0], $0xffff;
	v13 =	vor.u32 $0x380, v13;
	v12 =	vor.u32 v15, v12;
	v42 =	vshll.u32 v10, $0x3  }
0x6d1: {  	v0 =	vld.idx.msk [tilespmem:v0+s23+$0x0], $0xffff;
	v43 =	vand.u32 $0x7F, v10;
	v46 =	vshrl.u32 v10, $0x10;
	v16 =	vand.u32 $0x7FC00, v42  }
0x6d2: {  	s5 =	sld [smem:$0x7CF];
	v44 =	vor.u32 v16, v43;
	v47 =	vshll.u32 v35, $0x3;
	v48 =	vand.u32 $0x7F, v35  }
0x6d3: {  	v6 =	vld.idx.msk [tilespmem:v6+s23+$0x0], $0xffff;
	s8 =	sor.u32 $0x380, s18;
	v45 =	vor.u32 $0x380, v44;
	v16 =	vand.u32 $0x7FC00, v47;
	v49 =	vshll.u32 v38, $0x3  }
0x6d4: {  	s2 =	sor.u32 $0x380, s2;
	v5 =	vld.idx.msk [tilespmem:v36+s23+$0x0], $0xffff;
	[tilespmem:s8+$0x18000] =	vst v2;
	v50 =	vand.u32 $0x7F, v38;
	v2 =	vor.u32 v16, v48;
	v51 =	vand.u32 $0x7FC00, v49  }
0x6d5: {  	[tilespmem:s2+$0x18000] =	vst v4;
	v3 =	vld.idx.msk [tilespmem:v3+s23+$0x0], $0xffff;
	s7 =	sor.u32 $0x380, s5;
	v10 =	vshrl.u32 v10, $0xD;
	v2 =	vor.u32 $0x380, v2;
	v4 =	vor.u32 v51, v50  }
0x6d6: {  	v8 =	vld.idx.msk [tilespmem:v8+s23+$0x0], $0xffff;
	[tilespmem:s7+$0x18000] =	vst v0;
	v15 =	vand.u32 $0x7F, v46;
	v10 =	vand.u32 $0x7FC00, v10;
	v4 =	vor.u32 $0x380, v4  }
0x6d7: {  	s0 =	sor.u32 $0x380, s0;
	v12 =	vor.u32 $0x380, v12;
	v1 =	vld.idx.msk [tilespmem:v1+s23+$0x0], $0xffff;
	v10 =	vor.u32 v15, v10;
	v52 =	vshrl.u32 v35, $0x10  }
0x6d8: {  	s19 =	sor.u32 $0x380, s6;
	s2 =	sld [smem:$0x7D1];
	v53 =	vld.idx.msk [tilespmem:v13+s23+$0x0], $0xffff;
	v11 =	vshrl.u32 v35, $0xD;
	[tilespmem:s0+$0x18000] =	vst v6;
	v10 =	vor.u32 $0x380, v10;
	v54 =	vand.u32 $0x7F, v52  }
0x6d9: {  	s17 =	sor.u32 $0x380, s25;
	[tilespmem:s19+$0x18000] =	vst v5;
	v55 =	vand.u32 $0x7FC00, v11;
	v56 =	vshrl.u32 v38, $0x10;
	v14 =	vshrl.u32 v38, $0xD;
	v0 =	vld.idx.msk [tilespmem:v45+s23+$0x0], $0xffff  }
0x6da: {  	s18 =	sor.u32 $0x380, s4;
	[tilespmem:s17+$0x18000] =	vst v3;
	v3 =	vor.u32 v54, v55;
	v57 =	vand.u32 $0x7F, v56;
	v58 =	vand.u32 $0x7FC00, v14;
	v2 =	vld.idx.msk [tilespmem:v2+s23+$0x0], $0xffff  }
0x6db: {  	[tilespmem:s18+$0x18000] =	vst v8;
	s2 =	sor.u32 $0x380, s2;
	v3 =	vor.u32 $0x380, v3;
	v59 =	vor.u32 v57, v58;
	v4 =	vld.idx.msk [tilespmem:v4+s23+$0x0], $0xffff  }
0x6dc: {  	s20 =	sor.u32 $0x380, s9;
	v60 =	vld.idx.msk [tilespmem:v33+s23+$0x0], $0xffff;
	v6 =	vor.u32 $0x380, v59;
	[tilespmem:s2+$0x18000] =	vst v1  }
0x6dd: {  	s21 =	sor.u32 $0x380, s10;
	v61 =	vld.idx.msk [tilespmem:v9+s23+$0x0], $0xffff;
	[tilespmem:s20+$0x18000] =	vst v53  }
0x6de: {  	s22 =	sor.u32 $0x380, s11;
	v62 =	vld.idx.msk [tilespmem:v12+s23+$0x0], $0xffff;
	[tilespmem:s21+$0x18000] =	vst v0  }
0x6df: {  	s24 =	sor.u32 $0x380, s12;
	v63 =	vld.idx.msk [tilespmem:v10+s23+$0x0], $0xffff;
	[tilespmem:s22+$0x18000] =	vst v2  }
0x6e0: {  	s25 =	sor.u32 $0x380, s1;
	[tilespmem:s24+$0x18000] =	vst v4;
	v3 =	vld.idx.msk [tilespmem:v3+s23+$0x0], $0xffff  }
0x6e1: {  	s26 =	sor.u32 $0x380, s3;
	[tilespmem:s25+$0x18000] =	vst v60;
	v4 =	vld.idx.msk [tilespmem:v6+s23+$0x0], $0xffff  }
.Ltmp6:
0x6e2: {  	s28 =	sor.u32 $0x380, s13;
	[tilespmem:s26+$0x18000] =	vst v61;
	(pc) =	sbr.rel @p0 .LBB2_12-.Ltmp6, $4  }
0x6e3: {  	s29 =	sor.u32 $0x380, s14;
	[tilespmem:s28+$0x18000] =	vst v62  }
0x6e4: {  	s30 =	sor.u32 $0x380, s16;
	[tilespmem:s29+$0x18000] =	vst v63  }
0x6e5: {  	s31 =	sor.u32 $0x380, s15;
	[tilespmem:s30+$0x18000] =	vst v3  }
0x6e6: {  	s2 =	simm.s32 $0x0;
	[tilespmem:s31+$0x18000] =	vst v4  }
0x6e7: {  	s0 =	sld [smem:$0x7FA]  }
0x6e8: {  	s2 =	sld [smem:$0x7EA];
	_ =	sdelay $0x1  }
0x6e9: {  	s1 =	sld [smem:$0x7F4]  }
0x6ea: {  	s25 =	simm.s32 $0x12000;
	s26 =	sld [smem:$0x7FC];
	s0 =	sadd.s32 s2, s0  }
0x6eb: {  	s3 =	simm.s32 $0x0;
	s28 =	sld [smem:$0x7E1];
	s0 =	sshll.u32 s0, $0xC  }
0x6ec: {  	s29 =	simm.s32 $0x18000;
	s2 =	sadd.s32 $0x1, s2;
	s0 =	sadd.s32 s0, s1  }
0x6ed: {  	[tilespmem:s25], [sflag:$0x3] =	stream.linear.gather [hbm4b:s0+s3], $0x2000, $0x38;
	[tilespmem:$0x1C000] =	vst v63  }
0x6ee: {  	s30 =	sld [smem:$0x7F9];
	p0 =	seq.s32 s2, $0x10;
	s0 =	sadd.s32 s28, s26  }
0x6ef: {  	[hbm4b:s0+s3] =	stream.linear.scatter [tilespmem:s29], [sflag:$0x5], $0x4000, $0x38;
	[tilespmem:$0x1C000] =	vst v63  }
.Ltmp7:
0x6f0: {  	_ = 	snop;
	(pc) =	sbr.rel @!p0 .LBB2_2-.Ltmp7, $4  }
.Ltmp8:
0x6f1: {  	s0 =	sadd.s32 s30, s2;
	(pc) =	sbr.rel @p0 .LBB2_13-.Ltmp8, $4  }
0x6f2: {  	s31 =	rddreg [dreg:$0x0];
	s0 =	sshll.u32 s0, $0xD  }
0x6f3: {  	s0 =	sadd.s32 s31, s0  }
0x6f4: {  	[tilespmem:s3], [sflag:$0x1] =	stream.linear.gather [hbm4b:s0+s3], $0x10000, $0x38;
	[tilespmem:$0x1C000] =	vst v63  }
0x6f5: {  	_ = 	snop  }
.LBB2_14:
0x6f6: {  	_ =	sfence.sel $0x180000  }
0x6f7: {  	[bflag:$0x0] =	sbarrier.arrive $0xFFFF  }
0x6f8: {  	_ =	strace $0x90000047  }
0x6f9: {  	s0 =	stileid.u32;
	[bflag:$0x2] =	sbarrier.arrive $0xFFFF  }
0x6fa: {  	p0 =	sne.s32 s0, $0x0;
	s0 =	rddreg [dreg:$0x3]  }
0x6fb: {  	s0 =	sadd.s32 @!p0 $0x100000, s0  }
0x6fc: {  	[sflag:s0] =	ssyncadd.tile.s32 @!p0 $0x1;
	_ =	shalt  }
.Lfunc_end2:
_tile_overlayer_lowered:
.L_overlay_start_2:
0x6fd: {  	(tag) =	ssettag $0x2  }
0x6fe: {  	s0 =	rddreg [dreg:$0x0];
	s2 =	stileid.u32  }
0x6ff: {  	s1 =	rddreg [dreg:$0x1];
	p0 =	sne.s32 s2, $0x0  }
0x700: {  	s3 =	rddreg [dreg:$0x2];
	[bflag:$0x3] =	sbarrier.arrive $0xFFFF;
	s2 =	simm.s32 @!p0 $0x1C06  }
0x701: {  	[timem:s3], [sflag:s2] =	dma.local @!p0 [hbm:s0], s1  }
0x702: {  	s0 =	simm.s32 @!p0 $0x6  }
0x703: {  	_ =	swait.ge @!p0 [sflag:s0], s1  }
0x704: {  	s1 =	ssub.s32 @!p0 $0x0, s1;
	[sflag:s0] =	ssyncset.done @!p0 $0x0  }
0x705: {  	[sflag:s0] =	ssyncadd.s32 @!p0 s1  }
0x706: {  	[bflag:$0x3] =	sbarrier.arrive $0xFFFF  }
0x707: {  	_ =	shalt  }

</sc_bundles>
